<compile_context>
chip_gen: v7x
topology: tpu7x:2x2x1
jax: 0.10.2.dev20260603
libtpu: 0.0.44.dev20260713+nightly
codegen_flags: <defaults>
</compile_context>

<pallas_src>
import functools

import jax
import jax.numpy as jnp
from jax import lax
from jax.experimental import pallas as pl
from jax.experimental.pallas import tpu as pltpu
from jax.experimental.pallas import tpu_sc as plsc

_EMBED = 64
_BLK = 128


@functools.lru_cache(maxsize=None)
def _make_kernel(J: int, I: int, V: int):
  info = plsc.get_sparse_core_info()
  nc = info.num_cores
  nw = nc * info.num_subcores
  n_blocks = J * (I // _BLK)
  bpw = n_blocks // nw
  ib_count = I // _BLK

  mesh = plsc.VectorSubcoreMesh(core_axis_name="c", subcore_axis_name="s")

  @functools.partial(
      pl.kernel,
      mesh=mesh,
      out_type=jax.ShapeDtypeStruct((J, 8, ib_count, 8, _BLK), jnp.float32),
      scratch_types=[
          pltpu.VMEM((bpw, _BLK), jnp.int32),
          pltpu.VMEM((_BLK, _EMBED), jnp.float32),
          pltpu.VMEM((_BLK, _EMBED), jnp.float32),
          pltpu.VMEM((_BLK, _EMBED), jnp.float32),
          pltpu.VMEM((_BLK, _EMBED), jnp.float32),
          pltpu.VMEM((_EMBED, _BLK + 1), jnp.float32),
          pltpu.VMEM((_EMBED, _BLK + 1), jnp.float32),
          pltpu.SemaphoreType.DMA,
          pltpu.SemaphoreType.DMA,
      ],
      compiler_params=pltpu.CompilerParams(
          use_tc_tiling_on_sc=False, needs_layout_passes=False
      ),
  )
  def k(tok_hbm, table_hbm, out_hbm, idx_v, g0, g1, g2, g3, t0, t1,
        gsem, osem):
    wid = lax.axis_index("s") * nc + lax.axis_index("c")
    base = wid * bpw
    pltpu.sync_copy(tok_hbm.at[pl.ds(base, bpw)], idx_v)

    kv = lax.iota(jnp.int32, 16)
    cvs = [c0 * 16 + kv for c0 in range(4)]

    def fire_gather(b, g):
      pltpu.async_copy(table_hbm.at[idx_v.at[b]], g, gsem)

    def wait_gather(b, g):
      pltpu.make_async_copy(table_hbm.at[idx_v.at[b]], g, gsem).wait()

    def out_descs(b, t):
      gb = base + b
      j = lax.div(gb, ib_count)
      ib = lax.rem(gb, ib_count)
      return [
          pltpu.make_async_copy(
              t.at[pl.ds(ch * 8, 8), pl.ds(0, _BLK)],
              out_hbm.at[j, ch, ib],
              osem,
          )
          for ch in range(8)
      ]

    def transpose(g, t):
      @pl.loop(0, _BLK, step=2, init_carry=jnp.zeros((16,), jnp.int32),
               unroll=2)
      def _(il, ilv):
        xa = [g[il, pl.ds(c0 * 16, 16)] for c0 in range(4)]
        xb = [g[il + 1, pl.ds(c0 * 16, 16)] for c0 in range(4)]
        ilv1 = ilv + 1
        for c0 in range(4):
          plsc.store_scatter(t, [cvs[c0], ilv], xa[c0])
        for c0 in range(4):
          plsc.store_scatter(t, [cvs[c0], ilv1], xb[c0])
        return ilv + 2

    gs = [g0, g1, g2, g3]
    ts = [t0, t1]
    fire_gather(0, g0)
    fire_gather(1, g1)
    fire_gather(2, g2)

    @pl.loop(0, bpw // 4)
    def _(p):
      for q in range(4):
        b = p * 4 + q

        @pl.when(b + 3 < bpw)
        def _():
          fire_gather(b + 3, gs[(q + 3) % 4])

        wait_gather(b, gs[q])

        if q < 2:
          @pl.when(p > 0)
          def _():
            for d in out_descs(b - 2, ts[q % 2]):
              d.wait()
        else:
          for d in out_descs(b - 2, ts[q % 2]):
            d.wait()

        transpose(gs[q], ts[q % 2])
        for d in out_descs(b, ts[q % 2]):
          d.start()

    for d in out_descs(bpw - 2, t0):
      d.wait()
    for d in out_descs(bpw - 1, t1):
      d.wait()

  return k


def kernel(token, table):
  I, J = token.shape
  V = table.shape[0]
  tok = token.T.reshape(J * I // _BLK, _BLK)
  out5 = _make_kernel(J, I, V)(tok, table)
  return out5.transpose(2, 4, 0, 1, 3).reshape(I, J, _EMBED)

# --- scband reference (transcript-rebuilt; emitter-appended) ---
"""Pipeline reference for scband-embed-layer-60808146977052 (READ-ONLY COPY).

The authoritative reference and input builder live on the scoring server;
editing this copy changes nothing except your own understanding.
"""

import jax, jax.numpy as jnp
import numpy as np

VOCAB = 1000000
EMBED = 64

def setup_inputs(seed: int = 0) -> dict:
    key = jax.random.key(seed)
    k_tok, k_w = jax.random.split(key)
    token = jax.random.randint(k_tok, (16384, 50), 0, VOCAB, dtype=jnp.int64 if jax.config.jax_enable_x64 else jnp.int32)
    table = jax.random.normal(k_w, (VOCAB, EMBED), dtype=jnp.float32)
    return {"token": token, "table": table}

def reference(token, table):
    # nn.Embedding forward: row gather from the embedding table
    return jnp.take(table, token, axis=0)

if __name__ == "__main__":
    import jax
    _d = setup_inputs()
    print(jax.jit(kernel)(*tuple(_d.values())))

</pallas_src>

<mosaic_0001>
#map = affine_map<(d0, d1) -> (0, 0)>
#map1 = affine_map<(d0, d1) -> (0, 0, 0, 0, 0)>
module attributes {stable_mosaic.version = 14 : i64} {
  func.func @k(%arg0: i32, %arg1: i32, %arg2: memref<6400x128xi32, #tpu.memory_space<hbm>>, %arg3: memref<1000000x64xf32, #tpu.memory_space<hbm>>, %arg4: memref<50x8x128x8x128xf32, #tpu.memory_space<hbm>>, %arg5: memref<200x128xi32, #tpu.memory_space<vmem>>, %arg6: memref<128x64xf32, #tpu.memory_space<vmem>>, %arg7: memref<128x64xf32, #tpu.memory_space<vmem>>, %arg8: memref<128x64xf32, #tpu.memory_space<vmem>>, %arg9: memref<128x64xf32, #tpu.memory_space<vmem>>, %arg10: memref<64x129xf32, #tpu.memory_space<vmem>>, %arg11: memref<64x129xf32, #tpu.memory_space<vmem>>, %arg12: memref<!tpu.dma_semaphore, #tpu.memory_space<semaphore_mem>>, %arg13: memref<!tpu.dma_semaphore, #tpu.memory_space<semaphore_mem>>) attributes {dimension_semantics = [#tpu.dimension_semantics<core_parallel>, #tpu.dimension_semantics<subcore_parallel>], iteration_bounds = array<i64: 2, 16>, scalar_prefetch = 0 : i64, scratch_operands = 9 : i64, tpu.core_type = #tpu.core_type<sc_vector_subcore>, window_params = [{transform_indices = #map}, {transform_indices = #map}, {transform_indices = #map1}]} {
    %mul3A = arith.constant 2 : i32
    %mul3A_0 = arith.muli %arg1, %mul3A : i32
    %add3A = arith.addi %mul3A_0, %arg0 : i32
    %mul3A_1 = arith.constant 200 : i32
    %mul3A_2 = arith.muli %add3A, %mul3A_1 : i32
    "tpu.region"() ({
      %run_scoped3A = tpu.sem_alloc : memref<!tpu.dma_semaphore, #tpu.memory_space<semaphore_mem>>
      %dma_start3A_288 = arith.constant 0 : i32
      %dma_start3A_289 = tpu.memref_slice %arg2[%mul3A_2, %dma_start3A_288] : memref<6400x128xi32, #tpu.memory_space<hbm>> -> memref<200x128xi32, #tpu.memory_space<hbm>>
      %dma_start3A_290 = arith.constant 0 : i32
      %dma_start3A_291 = tpu.memref_slice %arg2[%mul3A_2, %dma_start3A_290] : memref<6400x128xi32, #tpu.memory_space<hbm>> -> memref<200x128xi32, #tpu.memory_space<hbm>>
      tpu.enqueue_dma source(%dma_start3A_291 : memref<200x128xi32, #tpu.memory_space<hbm>>) target(%arg5 : memref<200x128xi32, #tpu.memory_space<vmem>>) target_semaphore(%run_scoped3A : memref<!tpu.dma_semaphore, #tpu.memory_space<semaphore_mem>>)
      %dma_wait3A_292 = arith.constant 0 : i32
      %dma_wait3A_293 = tpu.memref_slice %arg2[%mul3A_2, %dma_wait3A_292] : memref<6400x128xi32, #tpu.memory_space<hbm>> -> memref<200x128xi32, #tpu.memory_space<hbm>>
      %dma_wait3A_294 = arith.constant 0 : i32
      %dma_wait3A_295 = tpu.memref_slice %arg2[%mul3A_2, %dma_wait3A_294] : memref<6400x128xi32, #tpu.memory_space<hbm>> -> memref<200x128xi32, #tpu.memory_space<hbm>>
      tpu.wait_dma2 semaphore(%run_scoped3A : memref<!tpu.dma_semaphore, #tpu.memory_space<semaphore_mem>>) src(%dma_wait3A_295 : memref<200x128xi32, #tpu.memory_space<hbm>>) dst(%arg5 : memref<200x128xi32, #tpu.memory_space<vmem>>)
      tpu.yield
    }) : () -> ()
    %iota3A = tpu.iota {dimensions = array<i32: 0>} : vector<16xi32>
    %add3A_3 = arith.constant 0 : i32
    %add3A_4 = vector.broadcast %add3A_3 : i32 to vector<16xi32>
    %add3A_5 = arith.addi %add3A_4, %iota3A : vector<16xi32>
    %add3A_6 = arith.constant 16 : i32
    %add3A_7 = vector.broadcast %add3A_6 : i32 to vector<16xi32>
    %add3A_8 = arith.addi %add3A_7, %iota3A : vector<16xi32>
    %add3A_9 = arith.constant 32 : i32
    %add3A_10 = vector.broadcast %add3A_9 : i32 to vector<16xi32>
    %add3A_11 = arith.addi %add3A_10, %iota3A : vector<16xi32>
    %add3A_12 = arith.constant 48 : i32
    %add3A_13 = vector.broadcast %add3A_12 : i32 to vector<16xi32>
    %add3A_14 = arith.addi %add3A_13, %iota3A : vector<16xi32>
    %dma_start3A = arith.constant 0 : i32
    %dma_start3A_15 = arith.constant 0 : i32
    %dma_start3A_16 = tpu.memref_slice %arg5[%dma_start3A, %dma_start3A_15] : memref<200x128xi32, #tpu.memory_space<vmem>> -> memref<1x128xi32, #tpu.memory_space<vmem>>
    %dma_start3A_17 = tpu.memref_squeeze %dma_start3A_16 : memref<1x128xi32, #tpu.memory_space<vmem>> -> memref<128xi32, #tpu.memory_space<vmem>>
    %dma_start3A_18 = arith.constant 0 : i32
    %dma_start3A_19 = arith.constant 0 : i32
    %dma_start3A_20 = tpu.memref_slice %arg3[%dma_start3A_18, %dma_start3A_19] : memref<1000000x64xf32, #tpu.memory_space<hbm>> -> memref<1000000x64xf32, #tpu.memory_space<hbm>>
    tpu.enqueue_indirect_dma source(%dma_start3A_20 : memref<1000000x64xf32, #tpu.memory_space<hbm>>) target(%arg6 : memref<128x64xf32, #tpu.memory_space<vmem>>) offsets(%dma_start3A_17 : memref<128xi32, #tpu.memory_space<vmem>>) semaphore(%arg12 : memref<!tpu.dma_semaphore, #tpu.memory_space<semaphore_mem>>)
    %dma_start3A_21 = arith.constant 1 : i32
    %dma_start3A_22 = arith.constant 0 : i32
    %dma_start3A_23 = tpu.memref_slice %arg5[%dma_start3A_21, %dma_start3A_22] : memref<200x128xi32, #tpu.memory_space<vmem>> -> memref<1x128xi32, #tpu.memory_space<vmem>>
    %dma_start3A_24 = tpu.memref_squeeze %dma_start3A_23 : memref<1x128xi32, #tpu.memory_space<vmem>> -> memref<128xi32, #tpu.memory_space<vmem>>
    %dma_start3A_25 = arith.constant 0 : i32
    %dma_start3A_26 = arith.constant 0 : i32
    %dma_start3A_27 = tpu.memref_slice %arg3[%dma_start3A_25, %dma_start3A_26] : memref<1000000x64xf32, #tpu.memory_space<hbm>> -> memref<1000000x64xf32, #tpu.memory_space<hbm>>
    tpu.enqueue_indirect_dma source(%dma_start3A_27 : memref<1000000x64xf32, #tpu.memory_space<hbm>>) target(%arg7 : memref<128x64xf32, #tpu.memory_space<vmem>>) offsets(%dma_start3A_24 : memref<128xi32, #tpu.memory_space<vmem>>) semaphore(%arg12 : memref<!tpu.dma_semaphore, #tpu.memory_space<semaphore_mem>>)
    %dma_start3A_28 = arith.constant 2 : i32
    %dma_start3A_29 = arith.constant 0 : i32
    %dma_start3A_30 = tpu.memref_slice %arg5[%dma_start3A_28, %dma_start3A_29] : memref<200x128xi32, #tpu.memory_space<vmem>> -> memref<1x128xi32, #tpu.memory_space<vmem>>
    %dma_start3A_31 = tpu.memref_squeeze %dma_start3A_30 : memref<1x128xi32, #tpu.memory_space<vmem>> -> memref<128xi32, #tpu.memory_space<vmem>>
    %dma_start3A_32 = arith.constant 0 : i32
    %dma_start3A_33 = arith.constant 0 : i32
    %dma_start3A_34 = tpu.memref_slice %arg3[%dma_start3A_32, %dma_start3A_33] : memref<1000000x64xf32, #tpu.memory_space<hbm>> -> memref<1000000x64xf32, #tpu.memory_space<hbm>>
    tpu.enqueue_indirect_dma source(%dma_start3A_34 : memref<1000000x64xf32, #tpu.memory_space<hbm>>) target(%arg8 : memref<128x64xf32, #tpu.memory_space<vmem>>) offsets(%dma_start3A_31 : memref<128xi32, #tpu.memory_space<vmem>>) semaphore(%arg12 : memref<!tpu.dma_semaphore, #tpu.memory_space<semaphore_mem>>)
    %scan3A = arith.constant 0 : i32
    %scan3A_35 = arith.constant 50 : i32
    %scan3A_36 = arith.addi %scan3A, %scan3A_35 : i32
    %scan3A_37 = arith.constant 1 : i32
    scf.for %scan3A_288 = %scan3A to %scan3A_36 step %scan3A_37  : i32 {
      %mul3A_289 = arith.constant 1 : i32
      %mul3A_290 = arith.muli %scan3A_288, %mul3A_289 : i32
      %add3A_291 = arith.constant 0 : i32
      %add3A_292 = arith.addi %add3A_291, %mul3A_290 : i32
      %mul3A_293 = arith.constant 4 : i32
      %mul3A_294 = arith.muli %add3A_292, %mul3A_293 : i32
      %add3A_295 = arith.constant 0 : i32
      %add3A_296 = arith.addi %mul3A_294, %add3A_295 : i32
      %add3A_297 = arith.constant 3 : i32
      %add3A_298 = arith.addi %add3A_296, %add3A_297 : i32
      %lt3A = arith.constant 200 : i32
      %lt3A_299 = arith.cmpi slt, %add3A_298, %lt3A : i32
      %convert_element_type3A = arith.extui %lt3A_299 : i1 to i32
      %cond3A = arith.constant 0 : i32
      %cond3A_300 = arith.cmpi ne, %convert_element_type3A, %cond3A : i32
      scf.if %cond3A_300 {
        %add3A_1151 = arith.constant 3 : i32
        %add3A_1152 = arith.addi %add3A_296, %add3A_1151 : i32
        %dma_start3A_1153 = arith.constant 0 : i32
        %dma_start3A_1154 = tpu.memref_slice %arg5[%add3A_1152, %dma_start3A_1153] : memref<200x128xi32, #tpu.memory_space<vmem>> -> memref<1x128xi32, #tpu.memory_space<vmem>>
        %dma_start3A_1155 = tpu.memref_squeeze %dma_start3A_1154 : memref<1x128xi32, #tpu.memory_space<vmem>> -> memref<128xi32, #tpu.memory_space<vmem>>
        %dma_start3A_1156 = arith.constant 0 : i32
        %dma_start3A_1157 = arith.constant 0 : i32
        %dma_start3A_1158 = tpu.memref_slice %arg3[%dma_start3A_1156, %dma_start3A_1157] : memref<1000000x64xf32, #tpu.memory_space<hbm>> -> memref<1000000x64xf32, #tpu.memory_space<hbm>>
        tpu.enqueue_indirect_dma source(%dma_start3A_1158 : memref<1000000x64xf32, #tpu.memory_space<hbm>>) target(%arg9 : memref<128x64xf32, #tpu.memory_space<vmem>>) offsets(%dma_start3A_1155 : memref<128xi32, #tpu.memory_space<vmem>>) semaphore(%arg12 : memref<!tpu.dma_semaphore, #tpu.memory_space<semaphore_mem>>)
      } else {
      }
      %dma_wait3A_301 = arith.constant 0 : i32
      %dma_wait3A_302 = tpu.memref_slice %arg5[%add3A_296, %dma_wait3A_301] : memref<200x128xi32, #tpu.memory_space<vmem>> -> memref<1x128xi32, #tpu.memory_space<vmem>>
      %dma_wait3A_303 = tpu.memref_squeeze %dma_wait3A_302 : memref<1x128xi32, #tpu.memory_space<vmem>> -> memref<128xi32, #tpu.memory_space<vmem>>
      %dma_wait3A_304 = arith.constant 0 : i32
      %dma_wait3A_305 = arith.constant 0 : i32
      %dma_wait3A_306 = tpu.memref_slice %arg3[%dma_wait3A_304, %dma_wait3A_305] : memref<1000000x64xf32, #tpu.memory_space<hbm>> -> memref<1000000x64xf32, #tpu.memory_space<hbm>>
      tpu.wait_indirect_dma semaphore(%arg12 : memref<!tpu.dma_semaphore, #tpu.memory_space<semaphore_mem>>) src(%dma_wait3A_306 : memref<1000000x64xf32, #tpu.memory_space<hbm>>) dst(%arg6 : memref<128x64xf32, #tpu.memory_space<vmem>>)
      %gt3A = arith.constant 0 : i32
      %gt3A_307 = arith.cmpi sgt, %add3A_292, %gt3A : i32
      %convert_element_type3A_308 = arith.extui %gt3A_307 : i1 to i32
      %cond3A_309 = arith.constant 0 : i32
      %cond3A_310 = arith.cmpi ne, %convert_element_type3A_308, %cond3A_309 : i32
      scf.if %cond3A_310 {
        %sub3A_1151 = arith.constant 2 : i32
        %sub3A_1152 = arith.subi %add3A_296, %sub3A_1151 : i32
        %add3A_1153 = arith.addi %mul3A_2, %sub3A_1152 : i32
        %div3A_1154 = arith.constant 128 : i32
        %div3A_1155 = arith.divsi %add3A_1153, %div3A_1154 : i32
        %rem3A_1156 = arith.constant 128 : i32
        %rem3A_1157 = arith.remsi %add3A_1153, %rem3A_1156 : i32
        %dma_wait3A_1158 = arith.constant 0 : i32
        %dma_wait3A_1159 = arith.constant 0 : i32
        %dma_wait3A_1160 = arith.constant 0 : i32
        %dma_wait3A_1161 = tpu.memref_slice %arg10[%dma_wait3A_1159, %dma_wait3A_1160] : memref<64x129xf32, #tpu.memory_space<vmem>> -> memref<8x128xf32, #tpu.memory_space<vmem>>
        %dma_wait3A_1162 = arith.constant 0 : i32
        %dma_wait3A_1163 = arith.constant 0 : i32
        %dma_wait3A_1164 = tpu.memref_slice %arg4[%div3A_1155, %dma_wait3A_1158, %rem3A_1157, %dma_wait3A_1162, %dma_wait3A_1163] : memref<50x8x128x8x128xf32, #tpu.memory_space<hbm>> -> memref<1x1x1x8x128xf32, #tpu.memory_space<hbm>>
        %dma_wait3A_1165 = tpu.memref_squeeze %dma_wait3A_1164 : memref<1x1x1x8x128xf32, #tpu.memory_space<hbm>> -> memref<8x128xf32, #tpu.memory_space<hbm>>
        %dma_wait3A_1166 = arith.constant 0 : i32
        %dma_wait3A_1167 = arith.constant 0 : i32
        %dma_wait3A_1168 = tpu.memref_slice %arg4[%div3A_1155, %dma_wait3A_1158, %rem3A_1157, %dma_wait3A_1166, %dma_wait3A_1167] : memref<50x8x128x8x128xf32, #tpu.memory_space<hbm>> -> memref<1x1x1x8x128xf32, #tpu.memory_space<hbm>>
        %dma_wait3A_1169 = tpu.memref_squeeze %dma_wait3A_1168 : memref<1x1x1x8x128xf32, #tpu.memory_space<hbm>> -> memref<8x128xf32, #tpu.memory_space<hbm>>
        %dma_wait3A_1170 = arith.constant 0 : i32
        %dma_wait3A_1171 = arith.constant 0 : i32
        %dma_wait3A_1172 = tpu.memref_slice %arg10[%dma_wait3A_1170, %dma_wait3A_1171] : memref<64x129xf32, #tpu.memory_space<vmem>> -> memref<8x128xf32, #tpu.memory_space<vmem>>
        tpu.wait_dma2 semaphore(%arg13 : memref<!tpu.dma_semaphore, #tpu.memory_space<semaphore_mem>>) src(%dma_wait3A_1172 : memref<8x128xf32, #tpu.memory_space<vmem>>) dst(%dma_wait3A_1169 : memref<8x128xf32, #tpu.memory_space<hbm>>)
        %dma_wait3A_1173 = arith.constant 1 : i32
        %dma_wait3A_1174 = arith.constant 8 : i32
        %dma_wait3A_1175 = arith.constant 0 : i32
        %dma_wait3A_1176 = tpu.memref_slice %arg10[%dma_wait3A_1174, %dma_wait3A_1175] : memref<64x129xf32, #tpu.memory_space<vmem>> -> memref<8x128xf32, #tpu.memory_space<vmem>>
        %dma_wait3A_1177 = arith.constant 0 : i32
        %dma_wait3A_1178 = arith.constant 0 : i32
        %dma_wait3A_1179 = tpu.memref_slice %arg4[%div3A_1155, %dma_wait3A_1173, %rem3A_1157, %dma_wait3A_1177, %dma_wait3A_1178] : memref<50x8x128x8x128xf32, #tpu.memory_space<hbm>> -> memref<1x1x1x8x128xf32, #tpu.memory_space<hbm>>
        %dma_wait3A_1180 = tpu.memref_squeeze %dma_wait3A_1179 : memref<1x1x1x8x128xf32, #tpu.memory_space<hbm>> -> memref<8x128xf32, #tpu.memory_space<hbm>>
        %dma_wait3A_1181 = arith.constant 0 : i32
        %dma_wait3A_1182 = arith.constant 0 : i32
        %dma_wait3A_1183 = tpu.memref_slice %arg4[%div3A_1155, %dma_wait3A_1173, %rem3A_1157, %dma_wait3A_1181, %dma_wait3A_1182] : memref<50x8x128x8x128xf32, #tpu.memory_space<hbm>> -> memref<1x1x1x8x128xf32, #tpu.memory_space<hbm>>
        %dma_wait3A_1184 = tpu.memref_squeeze %dma_wait3A_1183 : memref<1x1x1x8x128xf32, #tpu.memory_space<hbm>> -> memref<8x128xf32, #tpu.memory_space<hbm>>
        %dma_wait3A_1185 = arith.constant 8 : i32
        %dma_wait3A_1186 = arith.constant 0 : i32
        %dma_wait3A_1187 = tpu.memref_slice %arg10[%dma_wait3A_1185, %dma_wait3A_1186] : memref<64x129xf32, #tpu.memory_space<vmem>> -> memref<8x128xf32, #tpu.memory_space<vmem>>
        tpu.wait_dma2 semaphore(%arg13 : memref<!tpu.dma_semaphore, #tpu.memory_space<semaphore_mem>>) src(%dma_wait3A_1187 : memref<8x128xf32, #tpu.memory_space<vmem>>) dst(%dma_wait3A_1184 : memref<8x128xf32, #tpu.memory_space<hbm>>)
        %dma_wait3A_1188 = arith.constant 2 : i32
        %dma_wait3A_1189 = arith.constant 16 : i32
        %dma_wait3A_1190 = arith.constant 0 : i32
        %dma_wait3A_1191 = tpu.memref_slice %arg10[%dma_wait3A_1189, %dma_wait3A_1190] : memref<64x129xf32, #tpu.memory_space<vmem>> -> memref<8x128xf32, #tpu.memory_space<vmem>>
        %dma_wait3A_1192 = arith.constant 0 : i32
        %dma_wait3A_1193 = arith.constant 0 : i32
        %dma_wait3A_1194 = tpu.memref_slice %arg4[%div3A_1155, %dma_wait3A_1188, %rem3A_1157, %dma_wait3A_1192, %dma_wait3A_1193] : memref<50x8x128x8x128xf32, #tpu.memory_space<hbm>> -> memref<1x1x1x8x128xf32, #tpu.memory_space<hbm>>
        %dma_wait3A_1195 = tpu.memref_squeeze %dma_wait3A_1194 : memref<1x1x1x8x128xf32, #tpu.memory_space<hbm>> -> memref<8x128xf32, #tpu.memory_space<hbm>>
        %dma_wait3A_1196 = arith.constant 0 : i32
        %dma_wait3A_1197 = arith.constant 0 : i32
        %dma_wait3A_1198 = tpu.memref_slice %arg4[%div3A_1155, %dma_wait3A_1188, %rem3A_1157, %dma_wait3A_1196, %dma_wait3A_1197] : memref<50x8x128x8x128xf32, #tpu.memory_space<hbm>> -> memref<1x1x1x8x128xf32, #tpu.memory_space<hbm>>
        %dma_wait3A_1199 = tpu.memref_squeeze %dma_wait3A_1198 : memref<1x1x1x8x128xf32, #tpu.memory_space<hbm>> -> memref<8x128xf32, #tpu.memory_space<hbm>>
        %dma_wait3A_1200 = arith.constant 16 : i32
        %dma_wait3A_1201 = arith.constant 0 : i32
        %dma_wait3A_1202 = tpu.memref_slice %arg10[%dma_wait3A_1200, %dma_wait3A_1201] : memref<64x129xf32, #tpu.memory_space<vmem>> -> memref<8x128xf32, #tpu.memory_space<vmem>>
        tpu.wait_dma2 semaphore(%arg13 : memref<!tpu.dma_semaphore, #tpu.memory_space<semaphore_mem>>) src(%dma_wait3A_1202 : memref<8x128xf32, #tpu.memory_space<vmem>>) dst(%dma_wait3A_1199 : memref<8x128xf32, #tpu.memory_space<hbm>>)
        %dma_wait3A_1203 = arith.constant 3 : i32
        %dma_wait3A_1204 = arith.constant 24 : i32
        %dma_wait3A_1205 = arith.constant 0 : i32
        %dma_wait3A_1206 = tpu.memref_slice %arg10[%dma_wait3A_1204, %dma_wait3A_1205] : memref<64x129xf32, #tpu.memory_space<vmem>> -> memref<8x128xf32, #tpu.memory_space<vmem>>
        %dma_wait3A_1207 = arith.constant 0 : i32
        %dma_wait3A_1208 = arith.constant 0 : i32
        %dma_wait3A_1209 = tpu.memref_slice %arg4[%div3A_1155, %dma_wait3A_1203, %rem3A_1157, %dma_wait3A_1207, %dma_wait3A_1208] : memref<50x8x128x8x128xf32, #tpu.memory_space<hbm>> -> memref<1x1x1x8x128xf32, #tpu.memory_space<hbm>>
        %dma_wait3A_1210 = tpu.memref_squeeze %dma_wait3A_1209 : memref<1x1x1x8x128xf32, #tpu.memory_space<hbm>> -> memref<8x128xf32, #tpu.memory_space<hbm>>
        %dma_wait3A_1211 = arith.constant 0 : i32
        %dma_wait3A_1212 = arith.constant 0 : i32
        %dma_wait3A_1213 = tpu.memref_slice %arg4[%div3A_1155, %dma_wait3A_1203, %rem3A_1157, %dma_wait3A_1211, %dma_wait3A_1212] : memref<50x8x128x8x128xf32, #tpu.memory_space<hbm>> -> memref<1x1x1x8x128xf32, #tpu.memory_space<hbm>>
        %dma_wait3A_1214 = tpu.memref_squeeze %dma_wait3A_1213 : memref<1x1x1x8x128xf32, #tpu.memory_space<hbm>> -> memref<8x128xf32, #tpu.memory_space<hbm>>
        %dma_wait3A_1215 = arith.constant 24 : i32
        %dma_wait3A_1216 = arith.constant 0 : i32
        %dma_wait3A_1217 = tpu.memref_slice %arg10[%dma_wait3A_1215, %dma_wait3A_1216] : memref<64x129xf32, #tpu.memory_space<vmem>> -> memref<8x128xf32, #tpu.memory_space<vmem>>
        tpu.wait_dma2 semaphore(%arg13 : memref<!tpu.dma_semaphore, #tpu.memory_space<semaphore_mem>>) src(%dma_wait3A_1217 : memref<8x128xf32, #tpu.memory_space<vmem>>) dst(%dma_wait3A_1214 : memref<8x128xf32, #tpu.memory_space<hbm>>)
        %dma_wait3A_1218 = arith.constant 4 : i32
        %dma_wait3A_1219 = arith.constant 32 : i32
        %dma_wait3A_1220 = arith.constant 0 : i32
        %dma_wait3A_1221 = tpu.memref_slice %arg10[%dma_wait3A_1219, %dma_wait3A_1220] : memref<64x129xf32, #tpu.memory_space<vmem>> -> memref<8x128xf32, #tpu.memory_space<vmem>>
        %dma_wait3A_1222 = arith.constant 0 : i32
        %dma_wait3A_1223 = arith.constant 0 : i32
        %dma_wait3A_1224 = tpu.memref_slice %arg4[%div3A_1155, %dma_wait3A_1218, %rem3A_1157, %dma_wait3A_1222, %dma_wait3A_1223] : memref<50x8x128x8x128xf32, #tpu.memory_space<hbm>> -> memref<1x1x1x8x128xf32, #tpu.memory_space<hbm>>
        %dma_wait3A_1225 = tpu.memref_squeeze %dma_wait3A_1224 : memref<1x1x1x8x128xf32, #tpu.memory_space<hbm>> -> memref<8x128xf32, #tpu.memory_space<hbm>>
        %dma_wait3A_1226 = arith.constant 0 : i32
        %dma_wait3A_1227 = arith.constant 0 : i32
        %dma_wait3A_1228 = tpu.memref_slice %arg4[%div3A_1155, %dma_wait3A_1218, %rem3A_1157, %dma_wait3A_1226, %dma_wait3A_1227] : memref<50x8x128x8x128xf32, #tpu.memory_space<hbm>> -> memref<1x1x1x8x128xf32, #tpu.memory_space<hbm>>
        %dma_wait3A_1229 = tpu.memref_squeeze %dma_wait3A_1228 : memref<1x1x1x8x128xf32, #tpu.memory_space<hbm>> -> memref<8x128xf32, #tpu.memory_space<hbm>>
        %dma_wait3A_1230 = arith.constant 32 : i32
        %dma_wait3A_1231 = arith.constant 0 : i32
        %dma_wait3A_1232 = tpu.memref_slice %arg10[%dma_wait3A_1230, %dma_wait3A_1231] : memref<64x129xf32, #tpu.memory_space<vmem>> -> memref<8x128xf32, #tpu.memory_space<vmem>>
        tpu.wait_dma2 semaphore(%arg13 : memref<!tpu.dma_semaphore, #tpu.memory_space<semaphore_mem>>) src(%dma_wait3A_1232 : memref<8x128xf32, #tpu.memory_space<vmem>>) dst(%dma_wait3A_1229 : memref<8x128xf32, #tpu.memory_space<hbm>>)
        %dma_wait3A_1233 = arith.constant 5 : i32
        %dma_wait3A_1234 = arith.constant 40 : i32
        %dma_wait3A_1235 = arith.constant 0 : i32
        %dma_wait3A_1236 = tpu.memref_slice %arg10[%dma_wait3A_1234, %dma_wait3A_1235] : memref<64x129xf32, #tpu.memory_space<vmem>> -> memref<8x128xf32, #tpu.memory_space<vmem>>
        %dma_wait3A_1237 = arith.constant 0 : i32
        %dma_wait3A_1238 = arith.constant 0 : i32
        %dma_wait3A_1239 = tpu.memref_slice %arg4[%div3A_1155, %dma_wait3A_1233, %rem3A_1157, %dma_wait3A_1237, %dma_wait3A_1238] : memref<50x8x128x8x128xf32, #tpu.memory_space<hbm>> -> memref<1x1x1x8x128xf32, #tpu.memory_space<hbm>>
        %dma_wait3A_1240 = tpu.memref_squeeze %dma_wait3A_1239 : memref<1x1x1x8x128xf32, #tpu.memory_space<hbm>> -> memref<8x128xf32, #tpu.memory_space<hbm>>
        %dma_wait3A_1241 = arith.constant 0 : i32
        %dma_wait3A_1242 = arith.constant 0 : i32
        %dma_wait3A_1243 = tpu.memref_slice %arg4[%div3A_1155, %dma_wait3A_1233, %rem3A_1157, %dma_wait3A_1241, %dma_wait3A_1242] : memref<50x8x128x8x128xf32, #tpu.memory_space<hbm>> -> memref<1x1x1x8x128xf32, #tpu.memory_space<hbm>>
        %dma_wait3A_1244 = tpu.memref_squeeze %dma_wait3A_1243 : memref<1x1x1x8x128xf32, #tpu.memory_space<hbm>> -> memref<8x128xf32, #tpu.memory_space<hbm>>
        %dma_wait3A_1245 = arith.constant 40 : i32
        %dma_wait3A_1246 = arith.constant 0 : i32
        %dma_wait3A_1247 = tpu.memref_slice %arg10[%dma_wait3A_1245, %dma_wait3A_1246] : memref<64x129xf32, #tpu.memory_space<vmem>> -> memref<8x128xf32, #tpu.memory_space<vmem>>
        tpu.wait_dma2 semaphore(%arg13 : memref<!tpu.dma_semaphore, #tpu.memory_space<semaphore_mem>>) src(%dma_wait3A_1247 : memref<8x128xf32, #tpu.memory_space<vmem>>) dst(%dma_wait3A_1244 : memref<8x128xf32, #tpu.memory_space<hbm>>)
        %dma_wait3A_1248 = arith.constant 6 : i32
        %dma_wait3A_1249 = arith.constant 48 : i32
        %dma_wait3A_1250 = arith.constant 0 : i32
        %dma_wait3A_1251 = tpu.memref_slice %arg10[%dma_wait3A_1249, %dma_wait3A_1250] : memref<64x129xf32, #tpu.memory_space<vmem>> -> memref<8x128xf32, #tpu.memory_space<vmem>>
        %dma_wait3A_1252 = arith.constant 0 : i32
        %dma_wait3A_1253 = arith.constant 0 : i32
        %dma_wait3A_1254 = tpu.memref_slice %arg4[%div3A_1155, %dma_wait3A_1248, %rem3A_1157, %dma_wait3A_1252, %dma_wait3A_1253] : memref<50x8x128x8x128xf32, #tpu.memory_space<hbm>> -> memref<1x1x1x8x128xf32, #tpu.memory_space<hbm>>
        %dma_wait3A_1255 = tpu.memref_squeeze %dma_wait3A_1254 : memref<1x1x1x8x128xf32, #tpu.memory_space<hbm>> -> memref<8x128xf32, #tpu.memory_space<hbm>>
        %dma_wait3A_1256 = arith.constant 0 : i32
        %dma_wait3A_1257 = arith.constant 0 : i32
        %dma_wait3A_1258 = tpu.memref_slice %arg4[%div3A_1155, %dma_wait3A_1248, %rem3A_1157, %dma_wait3A_1256, %dma_wait3A_1257] : memref<50x8x128x8x128xf32, #tpu.memory_space<hbm>> -> memref<1x1x1x8x128xf32, #tpu.memory_space<hbm>>
        %dma_wait3A_1259 = tpu.memref_squeeze %dma_wait3A_1258 : memref<1x1x1x8x128xf32, #tpu.memory_space<hbm>> -> memref<8x128xf32, #tpu.memory_space<hbm>>
        %dma_wait3A_1260 = arith.constant 48 : i32
        %dma_wait3A_1261 = arith.constant 0 : i32
        %dma_wait3A_1262 = tpu.memref_slice %arg10[%dma_wait3A_1260, %dma_wait3A_1261] : memref<64x129xf32, #tpu.memory_space<vmem>> -> memref<8x128xf32, #tpu.memory_space<vmem>>
        tpu.wait_dma2 semaphore(%arg13 : memref<!tpu.dma_semaphore, #tpu.memory_space<semaphore_mem>>) src(%dma_wait3A_1262 : memref<8x128xf32, #tpu.memory_space<vmem>>) dst(%dma_wait3A_1259 : memref<8x128xf32, #tpu.memory_space<hbm>>)
        %dma_wait3A_1263 = arith.constant 7 : i32
        %dma_wait3A_1264 = arith.constant 56 : i32
        %dma_wait3A_1265 = arith.constant 0 : i32
        %dma_wait3A_1266 = tpu.memref_slice %arg10[%dma_wait3A_1264, %dma_wait3A_1265] : memref<64x129xf32, #tpu.memory_space<vmem>> -> memref<8x128xf32, #tpu.memory_space<vmem>>
        %dma_wait3A_1267 = arith.constant 0 : i32
        %dma_wait3A_1268 = arith.constant 0 : i32
        %dma_wait3A_1269 = tpu.memref_slice %arg4[%div3A_1155, %dma_wait3A_1263, %rem3A_1157, %dma_wait3A_1267, %dma_wait3A_1268] : memref<50x8x128x8x128xf32, #tpu.memory_space<hbm>> -> memref<1x1x1x8x128xf32, #tpu.memory_space<hbm>>
        %dma_wait3A_1270 = tpu.memref_squeeze %dma_wait3A_1269 : memref<1x1x1x8x128xf32, #tpu.memory_space<hbm>> -> memref<8x128xf32, #tpu.memory_space<hbm>>
        %dma_wait3A_1271 = arith.constant 0 : i32
        %dma_wait3A_1272 = arith.constant 0 : i32
        %dma_wait3A_1273 = tpu.memref_slice %arg4[%div3A_1155, %dma_wait3A_1263, %rem3A_1157, %dma_wait3A_1271, %dma_wait3A_1272] : memref<50x8x128x8x128xf32, #tpu.memory_space<hbm>> -> memref<1x1x1x8x128xf32, #tpu.memory_space<hbm>>
        %dma_wait3A_1274 = tpu.memref_squeeze %dma_wait3A_1273 : memref<1x1x1x8x128xf32, #tpu.memory_space<hbm>> -> memref<8x128xf32, #tpu.memory_space<hbm>>
        %dma_wait3A_1275 = arith.constant 56 : i32
        %dma_wait3A_1276 = arith.constant 0 : i32
        %dma_wait3A_1277 = tpu.memref_slice %arg10[%dma_wait3A_1275, %dma_wait3A_1276] : memref<64x129xf32, #tpu.memory_space<vmem>> -> memref<8x128xf32, #tpu.memory_space<vmem>>
        tpu.wait_dma2 semaphore(%arg13 : memref<!tpu.dma_semaphore, #tpu.memory_space<semaphore_mem>>) src(%dma_wait3A_1277 : memref<8x128xf32, #tpu.memory_space<vmem>>) dst(%dma_wait3A_1274 : memref<8x128xf32, #tpu.memory_space<hbm>>)
      } else {
      }
      %broadcast_in_dim3A = arith.constant 0 : i32
      %broadcast_in_dim3A_311 = vector.broadcast %broadcast_in_dim3A : i32 to vector<16xi32>
      %scan3A_312 = arith.constant 0 : i32
      %scan3A_313 = arith.constant 64 : i32
      %scan3A_314 = arith.addi %scan3A_312, %scan3A_313 : i32
      %scan3A_315 = arith.constant 2 : i32
      %scan3A_316 = scf.for %scan3A_1151 = %scan3A_312 to %scan3A_314 step %scan3A_315 iter_args(%scan3A_1152 = %broadcast_in_dim3A_311) -> (vector<16xi32>)  : i32 {
        %mul3A_1153 = arith.constant 2 : i32
        %mul3A_1154 = arith.muli %scan3A_1151, %mul3A_1153 : i32
        %add3A_1155 = arith.constant 0 : i32
        %add3A_1156 = arith.addi %add3A_1155, %mul3A_1154 : i32
        %get3A = arith.index_cast %add3A_1156 : i32 to index
        %get3A_1157 = arith.constant 0 : index
        %get3A_1158 = tpu.vector_load %arg6[%get3A, %get3A_1157] {strides = array<i32>} : memref<128x64xf32, #tpu.memory_space<vmem>>, vector<16xf32>,
        %get3A_1159 = arith.index_cast %add3A_1156 : i32 to index
        %get3A_1160 = arith.constant 16 : index
        %get3A_1161 = tpu.vector_load %arg6[%get3A_1159, %get3A_1160] {strides = array<i32>} : memref<128x64xf32, #tpu.memory_space<vmem>>, vector<16xf32>,
        %get3A_1162 = arith.index_cast %add3A_1156 : i32 to index
        %get3A_1163 = arith.constant 32 : index
        %get3A_1164 = tpu.vector_load %arg6[%get3A_1162, %get3A_1163] {strides = array<i32>} : memref<128x64xf32, #tpu.memory_space<vmem>>, vector<16xf32>,
        %get3A_1165 = arith.index_cast %add3A_1156 : i32 to index
        %get3A_1166 = arith.constant 48 : index
        %get3A_1167 = tpu.vector_load %arg6[%get3A_1165, %get3A_1166] {strides = array<i32>} : memref<128x64xf32, #tpu.memory_space<vmem>>, vector<16xf32>,
        %add3A_1168 = arith.constant 1 : i32
        %add3A_1169 = arith.addi %add3A_1156, %add3A_1168 : i32
        %get3A_1170 = arith.index_cast %add3A_1169 : i32 to index
        %get3A_1171 = arith.constant 0 : index
        %get3A_1172 = tpu.vector_load %arg6[%get3A_1170, %get3A_1171] {strides = array<i32>} : memref<128x64xf32, #tpu.memory_space<vmem>>, vector<16xf32>,
        %add3A_1173 = arith.constant 1 : i32
        %add3A_1174 = arith.addi %add3A_1156, %add3A_1173 : i32
        %get3A_1175 = arith.index_cast %add3A_1174 : i32 to index
        %get3A_1176 = arith.constant 16 : index
        %get3A_1177 = tpu.vector_load %arg6[%get3A_1175, %get3A_1176] {strides = array<i32>} : memref<128x64xf32, #tpu.memory_space<vmem>>, vector<16xf32>,
        %add3A_1178 = arith.constant 1 : i32
        %add3A_1179 = arith.addi %add3A_1156, %add3A_1178 : i32
        %get3A_1180 = arith.index_cast %add3A_1179 : i32 to index
        %get3A_1181 = arith.constant 32 : index
        %get3A_1182 = tpu.vector_load %arg6[%get3A_1180, %get3A_1181] {strides = array<i32>} : memref<128x64xf32, #tpu.memory_space<vmem>>, vector<16xf32>,
        %add3A_1183 = arith.constant 1 : i32
        %add3A_1184 = arith.addi %add3A_1156, %add3A_1183 : i32
        %get3A_1185 = arith.index_cast %add3A_1184 : i32 to index
        %get3A_1186 = arith.constant 48 : index
        %get3A_1187 = tpu.vector_load %arg6[%get3A_1185, %get3A_1186] {strides = array<i32>} : memref<128x64xf32, #tpu.memory_space<vmem>>, vector<16xf32>,
        %add3A_1188 = arith.constant 1 : i32
        %add3A_1189 = vector.broadcast %add3A_1188 : i32 to vector<16xi32>
        %add3A_1190 = arith.addi %scan3A_1152, %add3A_1189 : vector<16xi32>
        tpu.vector_store_idx %arg10[%add3A_5, %scan3A_1152], %get3A_1158 : memref<64x129xf32, #tpu.memory_space<vmem>>[vector<16xi32>, vector<16xi32>], vector<16xf32>,
        tpu.vector_store_idx %arg10[%add3A_8, %scan3A_1152], %get3A_1161 : memref<64x129xf32, #tpu.memory_space<vmem>>[vector<16xi32>, vector<16xi32>], vector<16xf32>,
        tpu.vector_store_idx %arg10[%add3A_11, %scan3A_1152], %get3A_1164 : memref<64x129xf32, #tpu.memory_space<vmem>>[vector<16xi32>, vector<16xi32>], vector<16xf32>,
        tpu.vector_store_idx %arg10[%add3A_14, %scan3A_1152], %get3A_1167 : memref<64x129xf32, #tpu.memory_space<vmem>>[vector<16xi32>, vector<16xi32>], vector<16xf32>,
        tpu.vector_store_idx %arg10[%add3A_5, %add3A_1190], %get3A_1172 : memref<64x129xf32, #tpu.memory_space<vmem>>[vector<16xi32>, vector<16xi32>], vector<16xf32>,
        tpu.vector_store_idx %arg10[%add3A_8, %add3A_1190], %get3A_1177 : memref<64x129xf32, #tpu.memory_space<vmem>>[vector<16xi32>, vector<16xi32>], vector<16xf32>,
        tpu.vector_store_idx %arg10[%add3A_11, %add3A_1190], %get3A_1182 : memref<64x129xf32, #tpu.memory_space<vmem>>[vector<16xi32>, vector<16xi32>], vector<16xf32>,
        tpu.vector_store_idx %arg10[%add3A_14, %add3A_1190], %get3A_1187 : memref<64x129xf32, #tpu.memory_space<vmem>>[vector<16xi32>, vector<16xi32>], vector<16xf32>,
        %add3A_1191 = arith.constant 2 : i32
        %add3A_1192 = vector.broadcast %add3A_1191 : i32 to vector<16xi32>
        %add3A_1193 = arith.addi %scan3A_1152, %add3A_1192 : vector<16xi32>
        %scan3A_1194 = arith.constant 1 : i32
        %scan3A_1195 = arith.addi %scan3A_1151, %scan3A_1194 : i32
        %mul3A_1196 = arith.constant 2 : i32
        %mul3A_1197 = arith.muli %scan3A_1195, %mul3A_1196 : i32
        %add3A_1198 = arith.constant 0 : i32
        %add3A_1199 = arith.addi %add3A_1198, %mul3A_1197 : i32
        %get3A_1200 = arith.index_cast %add3A_1199 : i32 to index
        %get3A_1201 = arith.constant 0 : index
        %get3A_1202 = tpu.vector_load %arg6[%get3A_1200, %get3A_1201] {strides = array<i32>} : memref<128x64xf32, #tpu.memory_space<vmem>>, vector<16xf32>,
        %get3A_1203 = arith.index_cast %add3A_1199 : i32 to index
        %get3A_1204 = arith.constant 16 : index
        %get3A_1205 = tpu.vector_load %arg6[%get3A_1203, %get3A_1204] {strides = array<i32>} : memref<128x64xf32, #tpu.memory_space<vmem>>, vector<16xf32>,
        %get3A_1206 = arith.index_cast %add3A_1199 : i32 to index
        %get3A_1207 = arith.constant 32 : index
        %get3A_1208 = tpu.vector_load %arg6[%get3A_1206, %get3A_1207] {strides = array<i32>} : memref<128x64xf32, #tpu.memory_space<vmem>>, vector<16xf32>,
        %get3A_1209 = arith.index_cast %add3A_1199 : i32 to index
        %get3A_1210 = arith.constant 48 : index
        %get3A_1211 = tpu.vector_load %arg6[%get3A_1209, %get3A_1210] {strides = array<i32>} : memref<128x64xf32, #tpu.memory_space<vmem>>, vector<16xf32>,
        %add3A_1212 = arith.constant 1 : i32
        %add3A_1213 = arith.addi %add3A_1199, %add3A_1212 : i32
        %get3A_1214 = arith.index_cast %add3A_1213 : i32 to index
        %get3A_1215 = arith.constant 0 : index
        %get3A_1216 = tpu.vector_load %arg6[%get3A_1214, %get3A_1215] {strides = array<i32>} : memref<128x64xf32, #tpu.memory_space<vmem>>, vector<16xf32>,
        %add3A_1217 = arith.constant 1 : i32
        %add3A_1218 = arith.addi %add3A_1199, %add3A_1217 : i32
        %get3A_1219 = arith.index_cast %add3A_1218 : i32 to index
        %get3A_1220 = arith.constant 16 : index
        %get3A_1221 = tpu.vector_load %arg6[%get3A_1219, %get3A_1220] {strides = array<i32>} : memref<128x64xf32, #tpu.memory_space<vmem>>, vector<16xf32>,
        %add3A_1222 = arith.constant 1 : i32
        %add3A_1223 = arith.addi %add3A_1199, %add3A_1222 : i32
        %get3A_1224 = arith.index_cast %add3A_1223 : i32 to index
        %get3A_1225 = arith.constant 32 : index
        %get3A_1226 = tpu.vector_load %arg6[%get3A_1224, %get3A_1225] {strides = array<i32>} : memref<128x64xf32, #tpu.memory_space<vmem>>, vector<16xf32>,
        %add3A_1227 = arith.constant 1 : i32
        %add3A_1228 = arith.addi %add3A_1199, %add3A_1227 : i32
        %get3A_1229 = arith.index_cast %add3A_1228 : i32 to index
        %get3A_1230 = arith.constant 48 : index
        %get3A_1231 = tpu.vector_load %arg6[%get3A_1229, %get3A_1230] {strides = array<i32>} : memref<128x64xf32, #tpu.memory_space<vmem>>, vector<16xf32>,
        %add3A_1232 = arith.constant 1 : i32
        %add3A_1233 = vector.broadcast %add3A_1232 : i32 to vector<16xi32>
        %add3A_1234 = arith.addi %add3A_1193, %add3A_1233 : vector<16xi32>
        tpu.vector_store_idx %arg10[%add3A_5, %add3A_1193], %get3A_1202 : memref<64x129xf32, #tpu.memory_space<vmem>>[vector<16xi32>, vector<16xi32>], vector<16xf32>,
        tpu.vector_store_idx %arg10[%add3A_8, %add3A_1193], %get3A_1205 : memref<64x129xf32, #tpu.memory_space<vmem>>[vector<16xi32>, vector<16xi32>], vector<16xf32>,
        tpu.vector_store_idx %arg10[%add3A_11, %add3A_1193], %get3A_1208 : memref<64x129xf32, #tpu.memory_space<vmem>>[vector<16xi32>, vector<16xi32>], vector<16xf32>,
        tpu.vector_store_idx %arg10[%add3A_14, %add3A_1193], %get3A_1211 : memref<64x129xf32, #tpu.memory_space<vmem>>[vector<16xi32>, vector<16xi32>], vector<16xf32>,
        tpu.vector_store_idx %arg10[%add3A_5, %add3A_1234], %get3A_1216 : memref<64x129xf32, #tpu.memory_space<vmem>>[vector<16xi32>, vector<16xi32>], vector<16xf32>,
        tpu.vector_store_idx %arg10[%add3A_8, %add3A_1234], %get3A_1221 : memref<64x129xf32, #tpu.memory_space<vmem>>[vector<16xi32>, vector<16xi32>], vector<16xf32>,
        tpu.vector_store_idx %arg10[%add3A_11, %add3A_1234], %get3A_1226 : memref<64x129xf32, #tpu.memory_space<vmem>>[vector<16xi32>, vector<16xi32>], vector<16xf32>,
        tpu.vector_store_idx %arg10[%add3A_14, %add3A_1234], %get3A_1231 : memref<64x129xf32, #tpu.memory_space<vmem>>[vector<16xi32>, vector<16xi32>], vector<16xf32>,
        %add3A_1235 = arith.constant 2 : i32
        %add3A_1236 = vector.broadcast %add3A_1235 : i32 to vector<16xi32>
        %add3A_1237 = arith.addi %add3A_1193, %add3A_1236 : vector<16xi32>
        scf.yield %add3A_1237 : vector<16xi32>
      }
      %scan3A_317 = arith.constant 64 : i32
      %add3A_318 = arith.addi %mul3A_2, %add3A_296 : i32
      %div3A_319 = arith.constant 128 : i32
      %div3A_320 = arith.divsi %add3A_318, %div3A_319 : i32
      %rem3A_321 = arith.constant 128 : i32
      %rem3A_322 = arith.remsi %add3A_318, %rem3A_321 : i32
      %dma_start3A_323 = arith.constant 0 : i32
      %dma_start3A_324 = arith.constant 0 : i32
      %dma_start3A_325 = arith.constant 0 : i32
      %dma_start3A_326 = tpu.memref_slice %arg10[%dma_start3A_324, %dma_start3A_325] : memref<64x129xf32, #tpu.memory_space<vmem>> -> memref<8x128xf32, #tpu.memory_space<vmem>>
      %dma_start3A_327 = arith.constant 0 : i32
      %dma_start3A_328 = arith.constant 0 : i32
      %dma_start3A_329 = tpu.memref_slice %arg4[%div3A_320, %dma_start3A_323, %rem3A_322, %dma_start3A_327, %dma_start3A_328] : memref<50x8x128x8x128xf32, #tpu.memory_space<hbm>> -> memref<1x1x1x8x128xf32, #tpu.memory_space<hbm>>
      %dma_start3A_330 = tpu.memref_squeeze %dma_start3A_329 : memref<1x1x1x8x128xf32, #tpu.memory_space<hbm>> -> memref<8x128xf32, #tpu.memory_space<hbm>>
      %dma_start3A_331 = arith.constant 0 : i32
      %dma_start3A_332 = arith.constant 0 : i32
      %dma_start3A_333 = tpu.memref_slice %arg4[%div3A_320, %dma_start3A_323, %rem3A_322, %dma_start3A_331, %dma_start3A_332] : memref<50x8x128x8x128xf32, #tpu.memory_space<hbm>> -> memref<1x1x1x8x128xf32, #tpu.memory_space<hbm>>
      %dma_start3A_334 = tpu.memref_squeeze %dma_start3A_333 : memref<1x1x1x8x128xf32, #tpu.memory_space<hbm>> -> memref<8x128xf32, #tpu.memory_space<hbm>>
      %dma_start3A_335 = arith.constant 0 : i32
      %dma_start3A_336 = arith.constant 0 : i32
      %dma_start3A_337 = tpu.memref_slice %arg10[%dma_start3A_335, %dma_start3A_336] : memref<64x129xf32, #tpu.memory_space<vmem>> -> memref<8x128xf32, #tpu.memory_space<vmem>>
      tpu.enqueue_dma source(%dma_start3A_337 : memref<8x128xf32, #tpu.memory_space<vmem>>) target(%dma_start3A_334 : memref<8x128xf32, #tpu.memory_space<hbm>>) target_semaphore(%arg13 : memref<!tpu.dma_semaphore, #tpu.memory_space<semaphore_mem>>)
      %dma_start3A_338 = arith.constant 1 : i32
      %dma_start3A_339 = arith.constant 8 : i32
      %dma_start3A_340 = arith.constant 0 : i32
      %dma_start3A_341 = tpu.memref_slice %arg10[%dma_start3A_339, %dma_start3A_340] : memref<64x129xf32, #tpu.memory_space<vmem>> -> memref<8x128xf32, #tpu.memory_space<vmem>>
      %dma_start3A_342 = arith.constant 0 : i32
      %dma_start3A_343 = arith.constant 0 : i32
      %dma_start3A_344 = tpu.memref_slice %arg4[%div3A_320, %dma_start3A_338, %rem3A_322, %dma_start3A_342, %dma_start3A_343] : memref<50x8x128x8x128xf32, #tpu.memory_space<hbm>> -> memref<1x1x1x8x128xf32, #tpu.memory_space<hbm>>
      %dma_start3A_345 = tpu.memref_squeeze %dma_start3A_344 : memref<1x1x1x8x128xf32, #tpu.memory_space<hbm>> -> memref<8x128xf32, #tpu.memory_space<hbm>>
      %dma_start3A_346 = arith.constant 0 : i32
      %dma_start3A_347 = arith.constant 0 : i32
      %dma_start3A_348 = tpu.memref_slice %arg4[%div3A_320, %dma_start3A_338, %rem3A_322, %dma_start3A_346, %dma_start3A_347] : memref<50x8x128x8x128xf32, #tpu.memory_space<hbm>> -> memref<1x1x1x8x128xf32, #tpu.memory_space<hbm>>
      %dma_start3A_349 = tpu.memref_squeeze %dma_start3A_348 : memref<1x1x1x8x128xf32, #tpu.memory_space<hbm>> -> memref<8x128xf32, #tpu.memory_space<hbm>>
      %dma_start3A_350 = arith.constant 8 : i32
      %dma_start3A_351 = arith.constant 0 : i32
      %dma_start3A_352 = tpu.memref_slice %arg10[%dma_start3A_350, %dma_start3A_351] : memref<64x129xf32, #tpu.memory_space<vmem>> -> memref<8x128xf32, #tpu.memory_space<vmem>>
      tpu.enqueue_dma source(%dma_start3A_352 : memref<8x128xf32, #tpu.memory_space<vmem>>) target(%dma_start3A_349 : memref<8x128xf32, #tpu.memory_space<hbm>>) target_semaphore(%arg13 : memref<!tpu.dma_semaphore, #tpu.memory_space<semaphore_mem>>)
      %dma_start3A_353 = arith.constant 2 : i32
      %dma_start3A_354 = arith.constant 16 : i32
      %dma_start3A_355 = arith.constant 0 : i32
      %dma_start3A_356 = tpu.memref_slice %arg10[%dma_start3A_354, %dma_start3A_355] : memref<64x129xf32, #tpu.memory_space<vmem>> -> memref<8x128xf32, #tpu.memory_space<vmem>>
      %dma_start3A_357 = arith.constant 0 : i32
      %dma_start3A_358 = arith.constant 0 : i32
      %dma_start3A_359 = tpu.memref_slice %arg4[%div3A_320, %dma_start3A_353, %rem3A_322, %dma_start3A_357, %dma_start3A_358] : memref<50x8x128x8x128xf32, #tpu.memory_space<hbm>> -> memref<1x1x1x8x128xf32, #tpu.memory_space<hbm>>
      %dma_start3A_360 = tpu.memref_squeeze %dma_start3A_359 : memref<1x1x1x8x128xf32, #tpu.memory_space<hbm>> -> memref<8x128xf32, #tpu.memory_space<hbm>>
      %dma_start3A_361 = arith.constant 0 : i32
      %dma_start3A_362 = arith.constant 0 : i32
      %dma_start3A_363 = tpu.memref_slice %arg4[%div3A_320, %dma_start3A_353, %rem3A_322, %dma_start3A_361, %dma_start3A_362] : memref<50x8x128x8x128xf32, #tpu.memory_space<hbm>> -> memref<1x1x1x8x128xf32, #tpu.memory_space<hbm>>
      %dma_start3A_364 = tpu.memref_squeeze %dma_start3A_363 : memref<1x1x1x8x128xf32, #tpu.memory_space<hbm>> -> memref<8x128xf32, #tpu.memory_space<hbm>>
      %dma_start3A_365 = arith.constant 16 : i32
      %dma_start3A_366 = arith.constant 0 : i32
      %dma_start3A_367 = tpu.memref_slice %arg10[%dma_start3A_365, %dma_start3A_366] : memref<64x129xf32, #tpu.memory_space<vmem>> -> memref<8x128xf32, #tpu.memory_space<vmem>>
      tpu.enqueue_dma source(%dma_start3A_367 : memref<8x128xf32, #tpu.memory_space<vmem>>) target(%dma_start3A_364 : memref<8x128xf32, #tpu.memory_space<hbm>>) target_semaphore(%arg13 : memref<!tpu.dma_semaphore, #tpu.memory_space<semaphore_mem>>)
      %dma_start3A_368 = arith.constant 3 : i32
      %dma_start3A_369 = arith.constant 24 : i32
      %dma_start3A_370 = arith.constant 0 : i32
      %dma_start3A_371 = tpu.memref_slice %arg10[%dma_start3A_369, %dma_start3A_370] : memref<64x129xf32, #tpu.memory_space<vmem>> -> memref<8x128xf32, #tpu.memory_space<vmem>>
      %dma_start3A_372 = arith.constant 0 : i32
      %dma_start3A_373 = arith.constant 0 : i32
      %dma_start3A_374 = tpu.memref_slice %arg4[%div3A_320, %dma_start3A_368, %rem3A_322, %dma_start3A_372, %dma_start3A_373] : memref<50x8x128x8x128xf32, #tpu.memory_space<hbm>> -> memref<1x1x1x8x128xf32, #tpu.memory_space<hbm>>
      %dma_start3A_375 = tpu.memref_squeeze %dma_start3A_374 : memref<1x1x1x8x128xf32, #tpu.memory_space<hbm>> -> memref<8x128xf32, #tpu.memory_space<hbm>>
      %dma_start3A_376 = arith.constant 0 : i32
      %dma_start3A_377 = arith.constant 0 : i32
      %dma_start3A_378 = tpu.memref_slice %arg4[%div3A_320, %dma_start3A_368, %rem3A_322, %dma_start3A_376, %dma_start3A_377] : memref<50x8x128x8x128xf32, #tpu.memory_space<hbm>> -> memref<1x1x1x8x128xf32, #tpu.memory_space<hbm>>
      %dma_start3A_379 = tpu.memref_squeeze %dma_start3A_378 : memref<1x1x1x8x128xf32, #tpu.memory_space<hbm>> -> memref<8x128xf32, #tpu.memory_space<hbm>>
      %dma_start3A_380 = arith.constant 24 : i32
      %dma_start3A_381 = arith.constant 0 : i32
      %dma_start3A_382 = tpu.memref_slice %arg10[%dma_start3A_380, %dma_start3A_381] : memref<64x129xf32, #tpu.memory_space<vmem>> -> memref<8x128xf32, #tpu.memory_space<vmem>>
      tpu.enqueue_dma source(%dma_start3A_382 : memref<8x128xf32, #tpu.memory_space<vmem>>) target(%dma_start3A_379 : memref<8x128xf32, #tpu.memory_space<hbm>>) target_semaphore(%arg13 : memref<!tpu.dma_semaphore, #tpu.memory_space<semaphore_mem>>)
      %dma_start3A_383 = arith.constant 4 : i32
      %dma_start3A_384 = arith.constant 32 : i32
      %dma_start3A_385 = arith.constant 0 : i32
      %dma_start3A_386 = tpu.memref_slice %arg10[%dma_start3A_384, %dma_start3A_385] : memref<64x129xf32, #tpu.memory_space<vmem>> -> memref<8x128xf32, #tpu.memory_space<vmem>>
      %dma_start3A_387 = arith.constant 0 : i32
      %dma_start3A_388 = arith.constant 0 : i32
      %dma_start3A_389 = tpu.memref_slice %arg4[%div3A_320, %dma_start3A_383, %rem3A_322, %dma_start3A_387, %dma_start3A_388] : memref<50x8x128x8x128xf32, #tpu.memory_space<hbm>> -> memref<1x1x1x8x128xf32, #tpu.memory_space<hbm>>
      %dma_start3A_390 = tpu.memref_squeeze %dma_start3A_389 : memref<1x1x1x8x128xf32, #tpu.memory_space<hbm>> -> memref<8x128xf32, #tpu.memory_space<hbm>>
      %dma_start3A_391 = arith.constant 0 : i32
      %dma_start3A_392 = arith.constant 0 : i32
      %dma_start3A_393 = tpu.memref_slice %arg4[%div3A_320, %dma_start3A_383, %rem3A_322, %dma_start3A_391, %dma_start3A_392] : memref<50x8x128x8x128xf32, #tpu.memory_space<hbm>> -> memref<1x1x1x8x128xf32, #tpu.memory_space<hbm>>
      %dma_start3A_394 = tpu.memref_squeeze %dma_start3A_393 : memref<1x1x1x8x128xf32, #tpu.memory_space<hbm>> -> memref<8x128xf32, #tpu.memory_space<hbm>>
      %dma_start3A_395 = arith.constant 32 : i32
      %dma_start3A_396 = arith.constant 0 : i32
      %dma_start3A_397 = tpu.memref_slice %arg10[%dma_start3A_395, %dma_start3A_396] : memref<64x129xf32, #tpu.memory_space<vmem>> -> memref<8x128xf32, #tpu.memory_space<vmem>>
      tpu.enqueue_dma source(%dma_start3A_397 : memref<8x128xf32, #tpu.memory_space<vmem>>) target(%dma_start3A_394 : memref<8x128xf32, #tpu.memory_space<hbm>>) target_semaphore(%arg13 : memref<!tpu.dma_semaphore, #tpu.memory_space<semaphore_mem>>)
      %dma_start3A_398 = arith.constant 5 : i32
      %dma_start3A_399 = arith.constant 40 : i32
      %dma_start3A_400 = arith.constant 0 : i32
      %dma_start3A_401 = tpu.memref_slice %arg10[%dma_start3A_399, %dma_start3A_400] : memref<64x129xf32, #tpu.memory_space<vmem>> -> memref<8x128xf32, #tpu.memory_space<vmem>>
      %dma_start3A_402 = arith.constant 0 : i32
      %dma_start3A_403 = arith.constant 0 : i32
      %dma_start3A_404 = tpu.memref_slice %arg4[%div3A_320, %dma_start3A_398, %rem3A_322, %dma_start3A_402, %dma_start3A_403] : memref<50x8x128x8x128xf32, #tpu.memory_space<hbm>> -> memref<1x1x1x8x128xf32, #tpu.memory_space<hbm>>
      %dma_start3A_405 = tpu.memref_squeeze %dma_start3A_404 : memref<1x1x1x8x128xf32, #tpu.memory_space<hbm>> -> memref<8x128xf32, #tpu.memory_space<hbm>>
      %dma_start3A_406 = arith.constant 0 : i32
      %dma_start3A_407 = arith.constant 0 : i32
      %dma_start3A_408 = tpu.memref_slice %arg4[%div3A_320, %dma_start3A_398, %rem3A_322, %dma_start3A_406, %dma_start3A_407] : memref<50x8x128x8x128xf32, #tpu.memory_space<hbm>> -> memref<1x1x1x8x128xf32, #tpu.memory_space<hbm>>
      %dma_start3A_409 = tpu.memref_squeeze %dma_start3A_408 : memref<1x1x1x8x128xf32, #tpu.memory_space<hbm>> -> memref<8x128xf32, #tpu.memory_space<hbm>>
      %dma_start3A_410 = arith.constant 40 : i32
      %dma_start3A_411 = arith.constant 0 : i32
      %dma_start3A_412 = tpu.memref_slice %arg10[%dma_start3A_410, %dma_start3A_411] : memref<64x129xf32, #tpu.memory_space<vmem>> -> memref<8x128xf32, #tpu.memory_space<vmem>>
      tpu.enqueue_dma source(%dma_start3A_412 : memref<8x128xf32, #tpu.memory_space<vmem>>) target(%dma_start3A_409 : memref<8x128xf32, #tpu.memory_space<hbm>>) target_semaphore(%arg13 : memref<!tpu.dma_semaphore, #tpu.memory_space<semaphore_mem>>)
      %dma_start3A_413 = arith.constant 6 : i32
      %dma_start3A_414 = arith.constant 48 : i32
      %dma_start3A_415 = arith.constant 0 : i32
      %dma_start3A_416 = tpu.memref_slice %arg10[%dma_start3A_414, %dma_start3A_415] : memref<64x129xf32, #tpu.memory_space<vmem>> -> memref<8x128xf32, #tpu.memory_space<vmem>>
      %dma_start3A_417 = arith.constant 0 : i32
      %dma_start3A_418 = arith.constant 0 : i32
      %dma_start3A_419 = tpu.memref_slice %arg4[%div3A_320, %dma_start3A_413, %rem3A_322, %dma_start3A_417, %dma_start3A_418] : memref<50x8x128x8x128xf32, #tpu.memory_space<hbm>> -> memref<1x1x1x8x128xf32, #tpu.memory_space<hbm>>
      %dma_start3A_420 = tpu.memref_squeeze %dma_start3A_419 : memref<1x1x1x8x128xf32, #tpu.memory_space<hbm>> -> memref<8x128xf32, #tpu.memory_space<hbm>>
      %dma_start3A_421 = arith.constant 0 : i32
      %dma_start3A_422 = arith.constant 0 : i32
      %dma_start3A_423 = tpu.memref_slice %arg4[%div3A_320, %dma_start3A_413, %rem3A_322, %dma_start3A_421, %dma_start3A_422] : memref<50x8x128x8x128xf32, #tpu.memory_space<hbm>> -> memref<1x1x1x8x128xf32, #tpu.memory_space<hbm>>
      %dma_start3A_424 = tpu.memref_squeeze %dma_start3A_423 : memref<1x1x1x8x128xf32, #tpu.memory_space<hbm>> -> memref<8x128xf32, #tpu.memory_space<hbm>>
      %dma_start3A_425 = arith.constant 48 : i32
      %dma_start3A_426 = arith.constant 0 : i32
      %dma_start3A_427 = tpu.memref_slice %arg10[%dma_start3A_425, %dma_start3A_426] : memref<64x129xf32, #tpu.memory_space<vmem>> -> memref<8x128xf32, #tpu.memory_space<vmem>>
      tpu.enqueue_dma source(%dma_start3A_427 : memref<8x128xf32, #tpu.memory_space<vmem>>) target(%dma_start3A_424 : memref<8x128xf32, #tpu.memory_space<hbm>>) target_semaphore(%arg13 : memref<!tpu.dma_semaphore, #tpu.memory_space<semaphore_mem>>)
      %dma_start3A_428 = arith.constant 7 : i32
      %dma_start3A_429 = arith.constant 56 : i32
      %dma_start3A_430 = arith.constant 0 : i32
      %dma_start3A_431 = tpu.memref_slice %arg10[%dma_start3A_429, %dma_start3A_430] : memref<64x129xf32, #tpu.memory_space<vmem>> -> memref<8x128xf32, #tpu.memory_space<vmem>>
      %dma_start3A_432 = arith.constant 0 : i32
      %dma_start3A_433 = arith.constant 0 : i32
      %dma_start3A_434 = tpu.memref_slice %arg4[%div3A_320, %dma_start3A_428, %rem3A_322, %dma_start3A_432, %dma_start3A_433] : memref<50x8x128x8x128xf32, #tpu.memory_space<hbm>> -> memref<1x1x1x8x128xf32, #tpu.memory_space<hbm>>
      %dma_start3A_435 = tpu.memref_squeeze %dma_start3A_434 : memref<1x1x1x8x128xf32, #tpu.memory_space<hbm>> -> memref<8x128xf32, #tpu.memory_space<hbm>>
      %dma_start3A_436 = arith.constant 0 : i32
      %dma_start3A_437 = arith.constant 0 : i32
      %dma_start3A_438 = tpu.memref_slice %arg4[%div3A_320, %dma_start3A_428, %rem3A_322, %dma_start3A_436, %dma_start3A_437] : memref<50x8x128x8x128xf32, #tpu.memory_space<hbm>> -> memref<1x1x1x8x128xf32, #tpu.memory_space<hbm>>
      %dma_start3A_439 = tpu.memref_squeeze %dma_start3A_438 : memref<1x1x1x8x128xf32, #tpu.memory_space<hbm>> -> memref<8x128xf32, #tpu.memory_space<hbm>>
      %dma_start3A_440 = arith.constant 56 : i32
      %dma_start3A_441 = arith.constant 0 : i32
      %dma_start3A_442 = tpu.memref_slice %arg10[%dma_start3A_440, %dma_start3A_441] : memref<64x129xf32, #tpu.memory_space<vmem>> -> memref<8x128xf32, #tpu.memory_space<vmem>>
      tpu.enqueue_dma source(%dma_start3A_442 : memref<8x128xf32, #tpu.memory_space<vmem>>) target(%dma_start3A_439 : memref<8x128xf32, #tpu.memory_space<hbm>>) target_semaphore(%arg13 : memref<!tpu.dma_semaphore, #tpu.memory_space<semaphore_mem>>)
      %mul3A_443 = arith.constant 4 : i32
      %mul3A_444 = arith.muli %add3A_292, %mul3A_443 : i32
      %add3A_445 = arith.constant 1 : i32
      %add3A_446 = arith.addi %mul3A_444, %add3A_445 : i32
      %add3A_447 = arith.constant 3 : i32
      %add3A_448 = arith.addi %add3A_446, %add3A_447 : i32
      %lt3A_449 = arith.constant 200 : i32
      %lt3A_450 = arith.cmpi slt, %add3A_448, %lt3A_449 : i32
      %convert_element_type3A_451 = arith.extui %lt3A_450 : i1 to i32
      %cond3A_452 = arith.constant 0 : i32
      %cond3A_453 = arith.cmpi ne, %convert_element_type3A_451, %cond3A_452 : i32
      scf.if %cond3A_453 {
        %add3A_1151 = arith.constant 3 : i32
        %add3A_1152 = arith.addi %add3A_446, %add3A_1151 : i32
        %dma_start3A_1153 = arith.constant 0 : i32
        %dma_start3A_1154 = tpu.memref_slice %arg5[%add3A_1152, %dma_start3A_1153] : memref<200x128xi32, #tpu.memory_space<vmem>> -> memref<1x128xi32, #tpu.memory_space<vmem>>
        %dma_start3A_1155 = tpu.memref_squeeze %dma_start3A_1154 : memref<1x128xi32, #tpu.memory_space<vmem>> -> memref<128xi32, #tpu.memory_space<vmem>>
        %dma_start3A_1156 = arith.constant 0 : i32
        %dma_start3A_1157 = arith.constant 0 : i32
        %dma_start3A_1158 = tpu.memref_slice %arg3[%dma_start3A_1156, %dma_start3A_1157] : memref<1000000x64xf32, #tpu.memory_space<hbm>> -> memref<1000000x64xf32, #tpu.memory_space<hbm>>
        tpu.enqueue_indirect_dma source(%dma_start3A_1158 : memref<1000000x64xf32, #tpu.memory_space<hbm>>) target(%arg6 : memref<128x64xf32, #tpu.memory_space<vmem>>) offsets(%dma_start3A_1155 : memref<128xi32, #tpu.memory_space<vmem>>) semaphore(%arg12 : memref<!tpu.dma_semaphore, #tpu.memory_space<semaphore_mem>>)
      } else {
      }
      %dma_wait3A_454 = arith.constant 0 : i32
      %dma_wait3A_455 = tpu.memref_slice %arg5[%add3A_446, %dma_wait3A_454] : memref<200x128xi32, #tpu.memory_space<vmem>> -> memref<1x128xi32, #tpu.memory_space<vmem>>
      %dma_wait3A_456 = tpu.memref_squeeze %dma_wait3A_455 : memref<1x128xi32, #tpu.memory_space<vmem>> -> memref<128xi32, #tpu.memory_space<vmem>>
      %dma_wait3A_457 = arith.constant 0 : i32
      %dma_wait3A_458 = arith.constant 0 : i32
      %dma_wait3A_459 = tpu.memref_slice %arg3[%dma_wait3A_457, %dma_wait3A_458] : memref<1000000x64xf32, #tpu.memory_space<hbm>> -> memref<1000000x64xf32, #tpu.memory_space<hbm>>
      tpu.wait_indirect_dma semaphore(%arg12 : memref<!tpu.dma_semaphore, #tpu.memory_space<semaphore_mem>>) src(%dma_wait3A_459 : memref<1000000x64xf32, #tpu.memory_space<hbm>>) dst(%arg7 : memref<128x64xf32, #tpu.memory_space<vmem>>)
      %gt3A_460 = arith.constant 0 : i32
      %gt3A_461 = arith.cmpi sgt, %add3A_292, %gt3A_460 : i32
      %convert_element_type3A_462 = arith.extui %gt3A_461 : i1 to i32
      %cond3A_463 = arith.constant 0 : i32
      %cond3A_464 = arith.cmpi ne, %convert_element_type3A_462, %cond3A_463 : i32
      scf.if %cond3A_464 {
        %sub3A_1151 = arith.constant 2 : i32
        %sub3A_1152 = arith.subi %add3A_446, %sub3A_1151 : i32
        %add3A_1153 = arith.addi %mul3A_2, %sub3A_1152 : i32
        %div3A_1154 = arith.constant 128 : i32
        %div3A_1155 = arith.divsi %add3A_1153, %div3A_1154 : i32
        %rem3A_1156 = arith.constant 128 : i32
        %rem3A_1157 = arith.remsi %add3A_1153, %rem3A_1156 : i32
        %dma_wait3A_1158 = arith.constant 0 : i32
        %dma_wait3A_1159 = arith.constant 0 : i32
        %dma_wait3A_1160 = arith.constant 0 : i32
        %dma_wait3A_1161 = tpu.memref_slice %arg11[%dma_wait3A_1159, %dma_wait3A_1160] : memref<64x129xf32, #tpu.memory_space<vmem>> -> memref<8x128xf32, #tpu.memory_space<vmem>>
        %dma_wait3A_1162 = arith.constant 0 : i32
        %dma_wait3A_1163 = arith.constant 0 : i32
        %dma_wait3A_1164 = tpu.memref_slice %arg4[%div3A_1155, %dma_wait3A_1158, %rem3A_1157, %dma_wait3A_1162, %dma_wait3A_1163] : memref<50x8x128x8x128xf32, #tpu.memory_space<hbm>> -> memref<1x1x1x8x128xf32, #tpu.memory_space<hbm>>
        %dma_wait3A_1165 = tpu.memref_squeeze %dma_wait3A_1164 : memref<1x1x1x8x128xf32, #tpu.memory_space<hbm>> -> memref<8x128xf32, #tpu.memory_space<hbm>>
        %dma_wait3A_1166 = arith.constant 0 : i32
        %dma_wait3A_1167 = arith.constant 0 : i32
        %dma_wait3A_1168 = tpu.memref_slice %arg4[%div3A_1155, %dma_wait3A_1158, %rem3A_1157, %dma_wait3A_1166, %dma_wait3A_1167] : memref<50x8x128x8x128xf32, #tpu.memory_space<hbm>> -> memref<1x1x1x8x128xf32, #tpu.memory_space<hbm>>
        %dma_wait3A_1169 = tpu.memref_squeeze %dma_wait3A_1168 : memref<1x1x1x8x128xf32, #tpu.memory_space<hbm>> -> memref<8x128xf32, #tpu.memory_space<hbm>>
        %dma_wait3A_1170 = arith.constant 0 : i32
        %dma_wait3A_1171 = arith.constant 0 : i32
        %dma_wait3A_1172 = tpu.memref_slice %arg11[%dma_wait3A_1170, %dma_wait3A_1171] : memref<64x129xf32, #tpu.memory_space<vmem>> -> memref<8x128xf32, #tpu.memory_space<vmem>>
        tpu.wait_dma2 semaphore(%arg13 : memref<!tpu.dma_semaphore, #tpu.memory_space<semaphore_mem>>) src(%dma_wait3A_1172 : memref<8x128xf32, #tpu.memory_space<vmem>>) dst(%dma_wait3A_1169 : memref<8x128xf32, #tpu.memory_space<hbm>>)
        %dma_wait3A_1173 = arith.constant 1 : i32
        %dma_wait3A_1174 = arith.constant 8 : i32
        %dma_wait3A_1175 = arith.constant 0 : i32
        %dma_wait3A_1176 = tpu.memref_slice %arg11[%dma_wait3A_1174, %dma_wait3A_1175] : memref<64x129xf32, #tpu.memory_space<vmem>> -> memref<8x128xf32, #tpu.memory_space<vmem>>
        %dma_wait3A_1177 = arith.constant 0 : i32
        %dma_wait3A_1178 = arith.constant 0 : i32
        %dma_wait3A_1179 = tpu.memref_slice %arg4[%div3A_1155, %dma_wait3A_1173, %rem3A_1157, %dma_wait3A_1177, %dma_wait3A_1178] : memref<50x8x128x8x128xf32, #tpu.memory_space<hbm>> -> memref<1x1x1x8x128xf32, #tpu.memory_space<hbm>>
        %dma_wait3A_1180 = tpu.memref_squeeze %dma_wait3A_1179 : memref<1x1x1x8x128xf32, #tpu.memory_space<hbm>> -> memref<8x128xf32, #tpu.memory_space<hbm>>
        %dma_wait3A_1181 = arith.constant 0 : i32
        %dma_wait3A_1182 = arith.constant 0 : i32
        %dma_wait3A_1183 = tpu.memref_slice %arg4[%div3A_1155, %dma_wait3A_1173, %rem3A_1157, %dma_wait3A_1181, %dma_wait3A_1182] : memref<50x8x128x8x128xf32, #tpu.memory_space<hbm>> -> memref<1x1x1x8x128xf32, #tpu.memory_space<hbm>>
        %dma_wait3A_1184 = tpu.memref_squeeze %dma_wait3A_1183 : memref<1x1x1x8x128xf32, #tpu.memory_space<hbm>> -> memref<8x128xf32, #tpu.memory_space<hbm>>
        %dma_wait3A_1185 = arith.constant 8 : i32
        %dma_wait3A_1186 = arith.constant 0 : i32
        %dma_wait3A_1187 = tpu.memref_slice %arg11[%dma_wait3A_1185, %dma_wait3A_1186] : memref<64x129xf32, #tpu.memory_space<vmem>> -> memref<8x128xf32, #tpu.memory_space<vmem>>
        tpu.wait_dma2 semaphore(%arg13 : memref<!tpu.dma_semaphore, #tpu.memory_space<semaphore_mem>>) src(%dma_wait3A_1187 : memref<8x128xf32, #tpu.memory_space<vmem>>) dst(%dma_wait3A_1184 : memref<8x128xf32, #tpu.memory_space<hbm>>)
        %dma_wait3A_1188 = arith.constant 2 : i32
        %dma_wait3A_1189 = arith.constant 16 : i32
        %dma_wait3A_1190 = arith.constant 0 : i32
        %dma_wait3A_1191 = tpu.memref_slice %arg11[%dma_wait3A_1189, %dma_wait3A_1190] : memref<64x129xf32, #tpu.memory_space<vmem>> -> memref<8x128xf32, #tpu.memory_space<vmem>>
        %dma_wait3A_1192 = arith.constant 0 : i32
        %dma_wait3A_1193 = arith.constant 0 : i32
        %dma_wait3A_1194 = tpu.memref_slice %arg4[%div3A_1155, %dma_wait3A_1188, %rem3A_1157, %dma_wait3A_1192, %dma_wait3A_1193] : memref<50x8x128x8x128xf32, #tpu.memory_space<hbm>> -> memref<1x1x1x8x128xf32, #tpu.memory_space<hbm>>
        %dma_wait3A_1195 = tpu.memref_squeeze %dma_wait3A_1194 : memref<1x1x1x8x128xf32, #tpu.memory_space<hbm>> -> memref<8x128xf32, #tpu.memory_space<hbm>>
        %dma_wait3A_1196 = arith.constant 0 : i32
        %dma_wait3A_1197 = arith.constant 0 : i32
        %dma_wait3A_1198 = tpu.memref_slice %arg4[%div3A_1155, %dma_wait3A_1188, %rem3A_1157, %dma_wait3A_1196, %dma_wait3A_1197] : memref<50x8x128x8x128xf32, #tpu.memory_space<hbm>> -> memref<1x1x1x8x128xf32, #tpu.memory_space<hbm>>
        %dma_wait3A_1199 = tpu.memref_squeeze %dma_wait3A_1198 : memref<1x1x1x8x128xf32, #tpu.memory_space<hbm>> -> memref<8x128xf32, #tpu.memory_space<hbm>>
        %dma_wait3A_1200 = arith.constant 16 : i32
        %dma_wait3A_1201 = arith.constant 0 : i32
        %dma_wait3A_1202 = tpu.memref_slice %arg11[%dma_wait3A_1200, %dma_wait3A_1201] : memref<64x129xf32, #tpu.memory_space<vmem>> -> memref<8x128xf32, #tpu.memory_space<vmem>>
        tpu.wait_dma2 semaphore(%arg13 : memref<!tpu.dma_semaphore, #tpu.memory_space<semaphore_mem>>) src(%dma_wait3A_1202 : memref<8x128xf32, #tpu.memory_space<vmem>>) dst(%dma_wait3A_1199 : memref<8x128xf32, #tpu.memory_space<hbm>>)
        %dma_wait3A_1203 = arith.constant 3 : i32
        %dma_wait3A_1204 = arith.constant 24 : i32
        %dma_wait3A_1205 = arith.constant 0 : i32
        %dma_wait3A_1206 = tpu.memref_slice %arg11[%dma_wait3A_1204, %dma_wait3A_1205] : memref<64x129xf32, #tpu.memory_space<vmem>> -> memref<8x128xf32, #tpu.memory_space<vmem>>
        %dma_wait3A_1207 = arith.constant 0 : i32
        %dma_wait3A_1208 = arith.constant 0 : i32
        %dma_wait3A_1209 = tpu.memref_slice %arg4[%div3A_1155, %dma_wait3A_1203, %rem3A_1157, %dma_wait3A_1207, %dma_wait3A_1208] : memref<50x8x128x8x128xf32, #tpu.memory_space<hbm>> -> memref<1x1x1x8x128xf32, #tpu.memory_space<hbm>>
        %dma_wait3A_1210 = tpu.memref_squeeze %dma_wait3A_1209 : memref<1x1x1x8x128xf32, #tpu.memory_space<hbm>> -> memref<8x128xf32, #tpu.memory_space<hbm>>
        %dma_wait3A_1211 = arith.constant 0 : i32
        %dma_wait3A_1212 = arith.constant 0 : i32
        %dma_wait3A_1213 = tpu.memref_slice %arg4[%div3A_1155, %dma_wait3A_1203, %rem3A_1157, %dma_wait3A_1211, %dma_wait3A_1212] : memref<50x8x128x8x128xf32, #tpu.memory_space<hbm>> -> memref<1x1x1x8x128xf32, #tpu.memory_space<hbm>>
        %dma_wait3A_1214 = tpu.memref_squeeze %dma_wait3A_1213 : memref<1x1x1x8x128xf32, #tpu.memory_space<hbm>> -> memref<8x128xf32, #tpu.memory_space<hbm>>
        %dma_wait3A_1215 = arith.constant 24 : i32
        %dma_wait3A_1216 = arith.constant 0 : i32
        %dma_wait3A_1217 = tpu.memref_slice %arg11[%dma_wait3A_1215, %dma_wait3A_1216] : memref<64x129xf32, #tpu.memory_space<vmem>> -> memref<8x128xf32, #tpu.memory_space<vmem>>
        tpu.wait_dma2 semaphore(%arg13 : memref<!tpu.dma_semaphore, #tpu.memory_space<semaphore_mem>>) src(%dma_wait3A_1217 : memref<8x128xf32, #tpu.memory_space<vmem>>) dst(%dma_wait3A_1214 : memref<8x128xf32, #tpu.memory_space<hbm>>)
        %dma_wait3A_1218 = arith.constant 4 : i32
        %dma_wait3A_1219 = arith.constant 32 : i32
        %dma_wait3A_1220 = arith.constant 0 : i32
        %dma_wait3A_1221 = tpu.memref_slice %arg11[%dma_wait3A_1219, %dma_wait3A_1220] : memref<64x129xf32, #tpu.memory_space<vmem>> -> memref<8x128xf32, #tpu.memory_space<vmem>>
        %dma_wait3A_1222 = arith.constant 0 : i32
        %dma_wait3A_1223 = arith.constant 0 : i32
        %dma_wait3A_1224 = tpu.memref_slice %arg4[%div3A_1155, %dma_wait3A_1218, %rem3A_1157, %dma_wait3A_1222, %dma_wait3A_1223] : memref<50x8x128x8x128xf32, #tpu.memory_space<hbm>> -> memref<1x1x1x8x128xf32, #tpu.memory_space<hbm>>
        %dma_wait3A_1225 = tpu.memref_squeeze %dma_wait3A_1224 : memref<1x1x1x8x128xf32, #tpu.memory_space<hbm>> -> memref<8x128xf32, #tpu.memory_space<hbm>>
        %dma_wait3A_1226 = arith.constant 0 : i32
        %dma_wait3A_1227 = arith.constant 0 : i32
        %dma_wait3A_1228 = tpu.memref_slice %arg4[%div3A_1155, %dma_wait3A_1218, %rem3A_1157, %dma_wait3A_1226, %dma_wait3A_1227] : memref<50x8x128x8x128xf32, #tpu.memory_space<hbm>> -> memref<1x1x1x8x128xf32, #tpu.memory_space<hbm>>
        %dma_wait3A_1229 = tpu.memref_squeeze %dma_wait3A_1228 : memref<1x1x1x8x128xf32, #tpu.memory_space<hbm>> -> memref<8x128xf32, #tpu.memory_space<hbm>>
        %dma_wait3A_1230 = arith.constant 32 : i32
        %dma_wait3A_1231 = arith.constant 0 : i32
        %dma_wait3A_1232 = tpu.memref_slice %arg11[%dma_wait3A_1230, %dma_wait3A_1231] : memref<64x129xf32, #tpu.memory_space<vmem>> -> memref<8x128xf32, #tpu.memory_space<vmem>>
        tpu.wait_dma2 semaphore(%arg13 : memref<!tpu.dma_semaphore, #tpu.memory_space<semaphore_mem>>) src(%dma_wait3A_1232 : memref<8x128xf32, #tpu.memory_space<vmem>>) dst(%dma_wait3A_1229 : memref<8x128xf32, #tpu.memory_space<hbm>>)
        %dma_wait3A_1233 = arith.constant 5 : i32
        %dma_wait3A_1234 = arith.constant 40 : i32
        %dma_wait3A_1235 = arith.constant 0 : i32
        %dma_wait3A_1236 = tpu.memref_slice %arg11[%dma_wait3A_1234, %dma_wait3A_1235] : memref<64x129xf32, #tpu.memory_space<vmem>> -> memref<8x128xf32, #tpu.memory_space<vmem>>
        %dma_wait3A_1237 = arith.constant 0 : i32
        %dma_wait3A_1238 = arith.constant 0 : i32
        %dma_wait3A_1239 = tpu.memref_slice %arg4[%div3A_1155, %dma_wait3A_1233, %rem3A_1157, %dma_wait3A_1237, %dma_wait3A_1238] : memref<50x8x128x8x128xf32, #tpu.memory_space<hbm>> -> memref<1x1x1x8x128xf32, #tpu.memory_space<hbm>>
        %dma_wait3A_1240 = tpu.memref_squeeze %dma_wait3A_1239 : memref<1x1x1x8x128xf32, #tpu.memory_space<hbm>> -> memref<8x128xf32, #tpu.memory_space<hbm>>
        %dma_wait3A_1241 = arith.constant 0 : i32
        %dma_wait3A_1242 = arith.constant 0 : i32
        %dma_wait3A_1243 = tpu.memref_slice %arg4[%div3A_1155, %dma_wait3A_1233, %rem3A_1157, %dma_wait3A_1241, %dma_wait3A_1242] : memref<50x8x128x8x128xf32, #tpu.memory_space<hbm>> -> memref<1x1x1x8x128xf32, #tpu.memory_space<hbm>>
        %dma_wait3A_1244 = tpu.memref_squeeze %dma_wait3A_1243 : memref<1x1x1x8x128xf32, #tpu.memory_space<hbm>> -> memref<8x128xf32, #tpu.memory_space<hbm>>
        %dma_wait3A_1245 = arith.constant 40 : i32
        %dma_wait3A_1246 = arith.constant 0 : i32
        %dma_wait3A_1247 = tpu.memref_slice %arg11[%dma_wait3A_1245, %dma_wait3A_1246] : memref<64x129xf32, #tpu.memory_space<vmem>> -> memref<8x128xf32, #tpu.memory_space<vmem>>
        tpu.wait_dma2 semaphore(%arg13 : memref<!tpu.dma_semaphore, #tpu.memory_space<semaphore_mem>>) src(%dma_wait3A_1247 : memref<8x128xf32, #tpu.memory_space<vmem>>) dst(%dma_wait3A_1244 : memref<8x128xf32, #tpu.memory_space<hbm>>)
        %dma_wait3A_1248 = arith.constant 6 : i32
        %dma_wait3A_1249 = arith.constant 48 : i32
        %dma_wait3A_1250 = arith.constant 0 : i32
        %dma_wait3A_1251 = tpu.memref_slice %arg11[%dma_wait3A_1249, %dma_wait3A_1250] : memref<64x129xf32, #tpu.memory_space<vmem>> -> memref<8x128xf32, #tpu.memory_space<vmem>>
        %dma_wait3A_1252 = arith.constant 0 : i32
        %dma_wait3A_1253 = arith.constant 0 : i32
        %dma_wait3A_1254 = tpu.memref_slice %arg4[%div3A_1155, %dma_wait3A_1248, %rem3A_1157, %dma_wait3A_1252, %dma_wait3A_1253] : memref<50x8x128x8x128xf32, #tpu.memory_space<hbm>> -> memref<1x1x1x8x128xf32, #tpu.memory_space<hbm>>
        %dma_wait3A_1255 = tpu.memref_squeeze %dma_wait3A_1254 : memref<1x1x1x8x128xf32, #tpu.memory_space<hbm>> -> memref<8x128xf32, #tpu.memory_space<hbm>>
        %dma_wait3A_1256 = arith.constant 0 : i32
        %dma_wait3A_1257 = arith.constant 0 : i32
        %dma_wait3A_1258 = tpu.memref_slice %arg4[%div3A_1155, %dma_wait3A_1248, %rem3A_1157, %dma_wait3A_1256, %dma_wait3A_1257] : memref<50x8x128x8x128xf32, #tpu.memory_space<hbm>> -> memref<1x1x1x8x128xf32, #tpu.memory_space<hbm>>
        %dma_wait3A_1259 = tpu.memref_squeeze %dma_wait3A_1258 : memref<1x1x1x8x128xf32, #tpu.memory_space<hbm>> -> memref<8x128xf32, #tpu.memory_space<hbm>>
        %dma_wait3A_1260 = arith.constant 48 : i32
        %dma_wait3A_1261 = arith.constant 0 : i32
        %dma_wait3A_1262 = tpu.memref_slice %arg11[%dma_wait3A_1260, %dma_wait3A_1261] : memref<64x129xf32, #tpu.memory_space<vmem>> -> memref<8x128xf32, #tpu.memory_space<vmem>>
        tpu.wait_dma2 semaphore(%arg13 : memref<!tpu.dma_semaphore, #tpu.memory_space<semaphore_mem>>) src(%dma_wait3A_1262 : memref<8x128xf32, #tpu.memory_space<vmem>>) dst(%dma_wait3A_1259 : memref<8x128xf32, #tpu.memory_space<hbm>>)
        %dma_wait3A_1263 = arith.constant 7 : i32
        %dma_wait3A_1264 = arith.constant 56 : i32
        %dma_wait3A_1265 = arith.constant 0 : i32
        %dma_wait3A_1266 = tpu.memref_slice %arg11[%dma_wait3A_1264, %dma_wait3A_1265] : memref<64x129xf32, #tpu.memory_space<vmem>> -> memref<8x128xf32, #tpu.memory_space<vmem>>
        %dma_wait3A_1267 = arith.constant 0 : i32
        %dma_wait3A_1268 = arith.constant 0 : i32
        %dma_wait3A_1269 = tpu.memref_slice %arg4[%div3A_1155, %dma_wait3A_1263, %rem3A_1157, %dma_wait3A_1267, %dma_wait3A_1268] : memref<50x8x128x8x128xf32, #tpu.memory_space<hbm>> -> memref<1x1x1x8x128xf32, #tpu.memory_space<hbm>>
        %dma_wait3A_1270 = tpu.memref_squeeze %dma_wait3A_1269 : memref<1x1x1x8x128xf32, #tpu.memory_space<hbm>> -> memref<8x128xf32, #tpu.memory_space<hbm>>
        %dma_wait3A_1271 = arith.constant 0 : i32
        %dma_wait3A_1272 = arith.constant 0 : i32
        %dma_wait3A_1273 = tpu.memref_slice %arg4[%div3A_1155, %dma_wait3A_1263, %rem3A_1157, %dma_wait3A_1271, %dma_wait3A_1272] : memref<50x8x128x8x128xf32, #tpu.memory_space<hbm>> -> memref<1x1x1x8x128xf32, #tpu.memory_space<hbm>>
        %dma_wait3A_1274 = tpu.memref_squeeze %dma_wait3A_1273 : memref<1x1x1x8x128xf32, #tpu.memory_space<hbm>> -> memref<8x128xf32, #tpu.memory_space<hbm>>
        %dma_wait3A_1275 = arith.constant 56 : i32
        %dma_wait3A_1276 = arith.constant 0 : i32
        %dma_wait3A_1277 = tpu.memref_slice %arg11[%dma_wait3A_1275, %dma_wait3A_1276] : memref<64x129xf32, #tpu.memory_space<vmem>> -> memref<8x128xf32, #tpu.memory_space<vmem>>
        tpu.wait_dma2 semaphore(%arg13 : memref<!tpu.dma_semaphore, #tpu.memory_space<semaphore_mem>>) src(%dma_wait3A_1277 : memref<8x128xf32, #tpu.memory_space<vmem>>) dst(%dma_wait3A_1274 : memref<8x128xf32, #tpu.memory_space<hbm>>)
      } else {
      }
      %broadcast_in_dim3A_465 = arith.constant 0 : i32
      %broadcast_in_dim3A_466 = vector.broadcast %broadcast_in_dim3A_465 : i32 to vector<16xi32>
      %scan3A_467 = arith.constant 0 : i32
      %scan3A_468 = arith.constant 64 : i32
      %scan3A_469 = arith.addi %scan3A_467, %scan3A_468 : i32
      %scan3A_470 = arith.constant 2 : i32
      %scan3A_471 = scf.for %scan3A_1151 = %scan3A_467 to %scan3A_469 step %scan3A_470 iter_args(%scan3A_1152 = %broadcast_in_dim3A_466) -> (vector<16xi32>)  : i32 {
        %mul3A_1153 = arith.constant 2 : i32
        %mul3A_1154 = arith.muli %scan3A_1151, %mul3A_1153 : i32
        %add3A_1155 = arith.constant 0 : i32
        %add3A_1156 = arith.addi %add3A_1155, %mul3A_1154 : i32
        %get3A = arith.index_cast %add3A_1156 : i32 to index
        %get3A_1157 = arith.constant 0 : index
        %get3A_1158 = tpu.vector_load %arg7[%get3A, %get3A_1157] {strides = array<i32>} : memref<128x64xf32, #tpu.memory_space<vmem>>, vector<16xf32>,
        %get3A_1159 = arith.index_cast %add3A_1156 : i32 to index
        %get3A_1160 = arith.constant 16 : index
        %get3A_1161 = tpu.vector_load %arg7[%get3A_1159, %get3A_1160] {strides = array<i32>} : memref<128x64xf32, #tpu.memory_space<vmem>>, vector<16xf32>,
        %get3A_1162 = arith.index_cast %add3A_1156 : i32 to index
        %get3A_1163 = arith.constant 32 : index
        %get3A_1164 = tpu.vector_load %arg7[%get3A_1162, %get3A_1163] {strides = array<i32>} : memref<128x64xf32, #tpu.memory_space<vmem>>, vector<16xf32>,
        %get3A_1165 = arith.index_cast %add3A_1156 : i32 to index
        %get3A_1166 = arith.constant 48 : index
        %get3A_1167 = tpu.vector_load %arg7[%get3A_1165, %get3A_1166] {strides = array<i32>} : memref<128x64xf32, #tpu.memory_space<vmem>>, vector<16xf32>,
        %add3A_1168 = arith.constant 1 : i32
        %add3A_1169 = arith.addi %add3A_1156, %add3A_1168 : i32
        %get3A_1170 = arith.index_cast %add3A_1169 : i32 to index
        %get3A_1171 = arith.constant 0 : index
        %get3A_1172 = tpu.vector_load %arg7[%get3A_1170, %get3A_1171] {strides = array<i32>} : memref<128x64xf32, #tpu.memory_space<vmem>>, vector<16xf32>,
        %add3A_1173 = arith.constant 1 : i32
        %add3A_1174 = arith.addi %add3A_1156, %add3A_1173 : i32
        %get3A_1175 = arith.index_cast %add3A_1174 : i32 to index
        %get3A_1176 = arith.constant 16 : index
        %get3A_1177 = tpu.vector_load %arg7[%get3A_1175, %get3A_1176] {strides = array<i32>} : memref<128x64xf32, #tpu.memory_space<vmem>>, vector<16xf32>,
        %add3A_1178 = arith.constant 1 : i32
        %add3A_1179 = arith.addi %add3A_1156, %add3A_1178 : i32
        %get3A_1180 = arith.index_cast %add3A_1179 : i32 to index
        %get3A_1181 = arith.constant 32 : index
        %get3A_1182 = tpu.vector_load %arg7[%get3A_1180, %get3A_1181] {strides = array<i32>} : memref<128x64xf32, #tpu.memory_space<vmem>>, vector<16xf32>,
        %add3A_1183 = arith.constant 1 : i32
        %add3A_1184 = arith.addi %add3A_1156, %add3A_1183 : i32
        %get3A_1185 = arith.index_cast %add3A_1184 : i32 to index
        %get3A_1186 = arith.constant 48 : index
        %get3A_1187 = tpu.vector_load %arg7[%get3A_1185, %get3A_1186] {strides = array<i32>} : memref<128x64xf32, #tpu.memory_space<vmem>>, vector<16xf32>,
        %add3A_1188 = arith.constant 1 : i32
        %add3A_1189 = vector.broadcast %add3A_1188 : i32 to vector<16xi32>
        %add3A_1190 = arith.addi %scan3A_1152, %add3A_1189 : vector<16xi32>
        tpu.vector_store_idx %arg11[%add3A_5, %scan3A_1152], %get3A_1158 : memref<64x129xf32, #tpu.memory_space<vmem>>[vector<16xi32>, vector<16xi32>], vector<16xf32>,
        tpu.vector_store_idx %arg11[%add3A_8, %scan3A_1152], %get3A_1161 : memref<64x129xf32, #tpu.memory_space<vmem>>[vector<16xi32>, vector<16xi32>], vector<16xf32>,
        tpu.vector_store_idx %arg11[%add3A_11, %scan3A_1152], %get3A_1164 : memref<64x129xf32, #tpu.memory_space<vmem>>[vector<16xi32>, vector<16xi32>], vector<16xf32>,
        tpu.vector_store_idx %arg11[%add3A_14, %scan3A_1152], %get3A_1167 : memref<64x129xf32, #tpu.memory_space<vmem>>[vector<16xi32>, vector<16xi32>], vector<16xf32>,
        tpu.vector_store_idx %arg11[%add3A_5, %add3A_1190], %get3A_1172 : memref<64x129xf32, #tpu.memory_space<vmem>>[vector<16xi32>, vector<16xi32>], vector<16xf32>,
        tpu.vector_store_idx %arg11[%add3A_8, %add3A_1190], %get3A_1177 : memref<64x129xf32, #tpu.memory_space<vmem>>[vector<16xi32>, vector<16xi32>], vector<16xf32>,
        tpu.vector_store_idx %arg11[%add3A_11, %add3A_1190], %get3A_1182 : memref<64x129xf32, #tpu.memory_space<vmem>>[vector<16xi32>, vector<16xi32>], vector<16xf32>,
        tpu.vector_store_idx %arg11[%add3A_14, %add3A_1190], %get3A_1187 : memref<64x129xf32, #tpu.memory_space<vmem>>[vector<16xi32>, vector<16xi32>], vector<16xf32>,
        %add3A_1191 = arith.constant 2 : i32
        %add3A_1192 = vector.broadcast %add3A_1191 : i32 to vector<16xi32>
        %add3A_1193 = arith.addi %scan3A_1152, %add3A_1192 : vector<16xi32>
        %scan3A_1194 = arith.constant 1 : i32
        %scan3A_1195 = arith.addi %scan3A_1151, %scan3A_1194 : i32
        %mul3A_1196 = arith.constant 2 : i32
        %mul3A_1197 = arith.muli %scan3A_1195, %mul3A_1196 : i32
        %add3A_1198 = arith.constant 0 : i32
        %add3A_1199 = arith.addi %add3A_1198, %mul3A_1197 : i32
        %get3A_1200 = arith.index_cast %add3A_1199 : i32 to index
        %get3A_1201 = arith.constant 0 : index
        %get3A_1202 = tpu.vector_load %arg7[%get3A_1200, %get3A_1201] {strides = array<i32>} : memref<128x64xf32, #tpu.memory_space<vmem>>, vector<16xf32>,
        %get3A_1203 = arith.index_cast %add3A_1199 : i32 to index
        %get3A_1204 = arith.constant 16 : index
        %get3A_1205 = tpu.vector_load %arg7[%get3A_1203, %get3A_1204] {strides = array<i32>} : memref<128x64xf32, #tpu.memory_space<vmem>>, vector<16xf32>,
        %get3A_1206 = arith.index_cast %add3A_1199 : i32 to index
        %get3A_1207 = arith.constant 32 : index
        %get3A_1208 = tpu.vector_load %arg7[%get3A_1206, %get3A_1207] {strides = array<i32>} : memref<128x64xf32, #tpu.memory_space<vmem>>, vector<16xf32>,
        %get3A_1209 = arith.index_cast %add3A_1199 : i32 to index
        %get3A_1210 = arith.constant 48 : index
        %get3A_1211 = tpu.vector_load %arg7[%get3A_1209, %get3A_1210] {strides = array<i32>} : memref<128x64xf32, #tpu.memory_space<vmem>>, vector<16xf32>,
        %add3A_1212 = arith.constant 1 : i32
        %add3A_1213 = arith.addi %add3A_1199, %add3A_1212 : i32
        %get3A_1214 = arith.index_cast %add3A_1213 : i32 to index
        %get3A_1215 = arith.constant 0 : index
        %get3A_1216 = tpu.vector_load %arg7[%get3A_1214, %get3A_1215] {strides = array<i32>} : memref<128x64xf32, #tpu.memory_space<vmem>>, vector<16xf32>,
        %add3A_1217 = arith.constant 1 : i32
        %add3A_1218 = arith.addi %add3A_1199, %add3A_1217 : i32
        %get3A_1219 = arith.index_cast %add3A_1218 : i32 to index
        %get3A_1220 = arith.constant 16 : index
        %get3A_1221 = tpu.vector_load %arg7[%get3A_1219, %get3A_1220] {strides = array<i32>} : memref<128x64xf32, #tpu.memory_space<vmem>>, vector<16xf32>,
        %add3A_1222 = arith.constant 1 : i32
        %add3A_1223 = arith.addi %add3A_1199, %add3A_1222 : i32
        %get3A_1224 = arith.index_cast %add3A_1223 : i32 to index
        %get3A_1225 = arith.constant 32 : index
        %get3A_1226 = tpu.vector_load %arg7[%get3A_1224, %get3A_1225] {strides = array<i32>} : memref<128x64xf32, #tpu.memory_space<vmem>>, vector<16xf32>,
        %add3A_1227 = arith.constant 1 : i32
        %add3A_1228 = arith.addi %add3A_1199, %add3A_1227 : i32
        %get3A_1229 = arith.index_cast %add3A_1228 : i32 to index
        %get3A_1230 = arith.constant 48 : index
        %get3A_1231 = tpu.vector_load %arg7[%get3A_1229, %get3A_1230] {strides = array<i32>} : memref<128x64xf32, #tpu.memory_space<vmem>>, vector<16xf32>,
        %add3A_1232 = arith.constant 1 : i32
        %add3A_1233 = vector.broadcast %add3A_1232 : i32 to vector<16xi32>
        %add3A_1234 = arith.addi %add3A_1193, %add3A_1233 : vector<16xi32>
        tpu.vector_store_idx %arg11[%add3A_5, %add3A_1193], %get3A_1202 : memref<64x129xf32, #tpu.memory_space<vmem>>[vector<16xi32>, vector<16xi32>], vector<16xf32>,
        tpu.vector_store_idx %arg11[%add3A_8, %add3A_1193], %get3A_1205 : memref<64x129xf32, #tpu.memory_space<vmem>>[vector<16xi32>, vector<16xi32>], vector<16xf32>,
        tpu.vector_store_idx %arg11[%add3A_11, %add3A_1193], %get3A_1208 : memref<64x129xf32, #tpu.memory_space<vmem>>[vector<16xi32>, vector<16xi32>], vector<16xf32>,
        tpu.vector_store_idx %arg11[%add3A_14, %add3A_1193], %get3A_1211 : memref<64x129xf32, #tpu.memory_space<vmem>>[vector<16xi32>, vector<16xi32>], vector<16xf32>,
        tpu.vector_store_idx %arg11[%add3A_5, %add3A_1234], %get3A_1216 : memref<64x129xf32, #tpu.memory_space<vmem>>[vector<16xi32>, vector<16xi32>], vector<16xf32>,
        tpu.vector_store_idx %arg11[%add3A_8, %add3A_1234], %get3A_1221 : memref<64x129xf32, #tpu.memory_space<vmem>>[vector<16xi32>, vector<16xi32>], vector<16xf32>,
        tpu.vector_store_idx %arg11[%add3A_11, %add3A_1234], %get3A_1226 : memref<64x129xf32, #tpu.memory_space<vmem>>[vector<16xi32>, vector<16xi32>], vector<16xf32>,
        tpu.vector_store_idx %arg11[%add3A_14, %add3A_1234], %get3A_1231 : memref<64x129xf32, #tpu.memory_space<vmem>>[vector<16xi32>, vector<16xi32>], vector<16xf32>,
        %add3A_1235 = arith.constant 2 : i32
        %add3A_1236 = vector.broadcast %add3A_1235 : i32 to vector<16xi32>
        %add3A_1237 = arith.addi %add3A_1193, %add3A_1236 : vector<16xi32>
        scf.yield %add3A_1237 : vector<16xi32>
      }
      %scan3A_472 = arith.constant 64 : i32
      %add3A_473 = arith.addi %mul3A_2, %add3A_446 : i32
      %div3A_474 = arith.constant 128 : i32
      %div3A_475 = arith.divsi %add3A_473, %div3A_474 : i32
      %rem3A_476 = arith.constant 128 : i32
      %rem3A_477 = arith.remsi %add3A_473, %rem3A_476 : i32
      %dma_start3A_478 = arith.constant 0 : i32
      %dma_start3A_479 = arith.constant 0 : i32
      %dma_start3A_480 = arith.constant 0 : i32
      %dma_start3A_481 = tpu.memref_slice %arg11[%dma_start3A_479, %dma_start3A_480] : memref<64x129xf32, #tpu.memory_space<vmem>> -> memref<8x128xf32, #tpu.memory_space<vmem>>
      %dma_start3A_482 = arith.constant 0 : i32
      %dma_start3A_483 = arith.constant 0 : i32
      %dma_start3A_484 = tpu.memref_slice %arg4[%div3A_475, %dma_start3A_478, %rem3A_477, %dma_start3A_482, %dma_start3A_483] : memref<50x8x128x8x128xf32, #tpu.memory_space<hbm>> -> memref<1x1x1x8x128xf32, #tpu.memory_space<hbm>>
      %dma_start3A_485 = tpu.memref_squeeze %dma_start3A_484 : memref<1x1x1x8x128xf32, #tpu.memory_space<hbm>> -> memref<8x128xf32, #tpu.memory_space<hbm>>
      %dma_start3A_486 = arith.constant 0 : i32
      %dma_start3A_487 = arith.constant 0 : i32
      %dma_start3A_488 = tpu.memref_slice %arg4[%div3A_475, %dma_start3A_478, %rem3A_477, %dma_start3A_486, %dma_start3A_487] : memref<50x8x128x8x128xf32, #tpu.memory_space<hbm>> -> memref<1x1x1x8x128xf32, #tpu.memory_space<hbm>>
      %dma_start3A_489 = tpu.memref_squeeze %dma_start3A_488 : memref<1x1x1x8x128xf32, #tpu.memory_space<hbm>> -> memref<8x128xf32, #tpu.memory_space<hbm>>
      %dma_start3A_490 = arith.constant 0 : i32
      %dma_start3A_491 = arith.constant 0 : i32
      %dma_start3A_492 = tpu.memref_slice %arg11[%dma_start3A_490, %dma_start3A_491] : memref<64x129xf32, #tpu.memory_space<vmem>> -> memref<8x128xf32, #tpu.memory_space<vmem>>
      tpu.enqueue_dma source(%dma_start3A_492 : memref<8x128xf32, #tpu.memory_space<vmem>>) target(%dma_start3A_489 : memref<8x128xf32, #tpu.memory_space<hbm>>) target_semaphore(%arg13 : memref<!tpu.dma_semaphore, #tpu.memory_space<semaphore_mem>>)
      %dma_start3A_493 = arith.constant 1 : i32
      %dma_start3A_494 = arith.constant 8 : i32
      %dma_start3A_495 = arith.constant 0 : i32
      %dma_start3A_496 = tpu.memref_slice %arg11[%dma_start3A_494, %dma_start3A_495] : memref<64x129xf32, #tpu.memory_space<vmem>> -> memref<8x128xf32, #tpu.memory_space<vmem>>
      %dma_start3A_497 = arith.constant 0 : i32
      %dma_start3A_498 = arith.constant 0 : i32
      %dma_start3A_499 = tpu.memref_slice %arg4[%div3A_475, %dma_start3A_493, %rem3A_477, %dma_start3A_497, %dma_start3A_498] : memref<50x8x128x8x128xf32, #tpu.memory_space<hbm>> -> memref<1x1x1x8x128xf32, #tpu.memory_space<hbm>>
      %dma_start3A_500 = tpu.memref_squeeze %dma_start3A_499 : memref<1x1x1x8x128xf32, #tpu.memory_space<hbm>> -> memref<8x128xf32, #tpu.memory_space<hbm>>
      %dma_start3A_501 = arith.constant 0 : i32
      %dma_start3A_502 = arith.constant 0 : i32
      %dma_start3A_503 = tpu.memref_slice %arg4[%div3A_475, %dma_start3A_493, %rem3A_477, %dma_start3A_501, %dma_start3A_502] : memref<50x8x128x8x128xf32, #tpu.memory_space<hbm>> -> memref<1x1x1x8x128xf32, #tpu.memory_space<hbm>>
      %dma_start3A_504 = tpu.memref_squeeze %dma_start3A_503 : memref<1x1x1x8x128xf32, #tpu.memory_space<hbm>> -> memref<8x128xf32, #tpu.memory_space<hbm>>
      %dma_start3A_505 = arith.constant 8 : i32
      %dma_start3A_506 = arith.constant 0 : i32
      %dma_start3A_507 = tpu.memref_slice %arg11[%dma_start3A_505, %dma_start3A_506] : memref<64x129xf32, #tpu.memory_space<vmem>> -> memref<8x128xf32, #tpu.memory_space<vmem>>
      tpu.enqueue_dma source(%dma_start3A_507 : memref<8x128xf32, #tpu.memory_space<vmem>>) target(%dma_start3A_504 : memref<8x128xf32, #tpu.memory_space<hbm>>) target_semaphore(%arg13 : memref<!tpu.dma_semaphore, #tpu.memory_space<semaphore_mem>>)
      %dma_start3A_508 = arith.constant 2 : i32
      %dma_start3A_509 = arith.constant 16 : i32
      %dma_start3A_510 = arith.constant 0 : i32
      %dma_start3A_511 = tpu.memref_slice %arg11[%dma_start3A_509, %dma_start3A_510] : memref<64x129xf32, #tpu.memory_space<vmem>> -> memref<8x128xf32, #tpu.memory_space<vmem>>
      %dma_start3A_512 = arith.constant 0 : i32
      %dma_start3A_513 = arith.constant 0 : i32
      %dma_start3A_514 = tpu.memref_slice %arg4[%div3A_475, %dma_start3A_508, %rem3A_477, %dma_start3A_512, %dma_start3A_513] : memref<50x8x128x8x128xf32, #tpu.memory_space<hbm>> -> memref<1x1x1x8x128xf32, #tpu.memory_space<hbm>>
      %dma_start3A_515 = tpu.memref_squeeze %dma_start3A_514 : memref<1x1x1x8x128xf32, #tpu.memory_space<hbm>> -> memref<8x128xf32, #tpu.memory_space<hbm>>
      %dma_start3A_516 = arith.constant 0 : i32
      %dma_start3A_517 = arith.constant 0 : i32
      %dma_start3A_518 = tpu.memref_slice %arg4[%div3A_475, %dma_start3A_508, %rem3A_477, %dma_start3A_516, %dma_start3A_517] : memref<50x8x128x8x128xf32, #tpu.memory_space<hbm>> -> memref<1x1x1x8x128xf32, #tpu.memory_space<hbm>>
      %dma_start3A_519 = tpu.memref_squeeze %dma_start3A_518 : memref<1x1x1x8x128xf32, #tpu.memory_space<hbm>> -> memref<8x128xf32, #tpu.memory_space<hbm>>
      %dma_start3A_520 = arith.constant 16 : i32
      %dma_start3A_521 = arith.constant 0 : i32
      %dma_start3A_522 = tpu.memref_slice %arg11[%dma_start3A_520, %dma_start3A_521] : memref<64x129xf32, #tpu.memory_space<vmem>> -> memref<8x128xf32, #tpu.memory_space<vmem>>
      tpu.enqueue_dma source(%dma_start3A_522 : memref<8x128xf32, #tpu.memory_space<vmem>>) target(%dma_start3A_519 : memref<8x128xf32, #tpu.memory_space<hbm>>) target_semaphore(%arg13 : memref<!tpu.dma_semaphore, #tpu.memory_space<semaphore_mem>>)
      %dma_start3A_523 = arith.constant 3 : i32
      %dma_start3A_524 = arith.constant 24 : i32
      %dma_start3A_525 = arith.constant 0 : i32
      %dma_start3A_526 = tpu.memref_slice %arg11[%dma_start3A_524, %dma_start3A_525] : memref<64x129xf32, #tpu.memory_space<vmem>> -> memref<8x128xf32, #tpu.memory_space<vmem>>
      %dma_start3A_527 = arith.constant 0 : i32
      %dma_start3A_528 = arith.constant 0 : i32
      %dma_start3A_529 = tpu.memref_slice %arg4[%div3A_475, %dma_start3A_523, %rem3A_477, %dma_start3A_527, %dma_start3A_528] : memref<50x8x128x8x128xf32, #tpu.memory_space<hbm>> -> memref<1x1x1x8x128xf32, #tpu.memory_space<hbm>>
      %dma_start3A_530 = tpu.memref_squeeze %dma_start3A_529 : memref<1x1x1x8x128xf32, #tpu.memory_space<hbm>> -> memref<8x128xf32, #tpu.memory_space<hbm>>
      %dma_start3A_531 = arith.constant 0 : i32
      %dma_start3A_532 = arith.constant 0 : i32
      %dma_start3A_533 = tpu.memref_slice %arg4[%div3A_475, %dma_start3A_523, %rem3A_477, %dma_start3A_531, %dma_start3A_532] : memref<50x8x128x8x128xf32, #tpu.memory_space<hbm>> -> memref<1x1x1x8x128xf32, #tpu.memory_space<hbm>>
      %dma_start3A_534 = tpu.memref_squeeze %dma_start3A_533 : memref<1x1x1x8x128xf32, #tpu.memory_space<hbm>> -> memref<8x128xf32, #tpu.memory_space<hbm>>
      %dma_start3A_535 = arith.constant 24 : i32
      %dma_start3A_536 = arith.constant 0 : i32
      %dma_start3A_537 = tpu.memref_slice %arg11[%dma_start3A_535, %dma_start3A_536] : memref<64x129xf32, #tpu.memory_space<vmem>> -> memref<8x128xf32, #tpu.memory_space<vmem>>
      tpu.enqueue_dma source(%dma_start3A_537 : memref<8x128xf32, #tpu.memory_space<vmem>>) target(%dma_start3A_534 : memref<8x128xf32, #tpu.memory_space<hbm>>) target_semaphore(%arg13 : memref<!tpu.dma_semaphore, #tpu.memory_space<semaphore_mem>>)
      %dma_start3A_538 = arith.constant 4 : i32
      %dma_start3A_539 = arith.constant 32 : i32
      %dma_start3A_540 = arith.constant 0 : i32
      %dma_start3A_541 = tpu.memref_slice %arg11[%dma_start3A_539, %dma_start3A_540] : memref<64x129xf32, #tpu.memory_space<vmem>> -> memref<8x128xf32, #tpu.memory_space<vmem>>
      %dma_start3A_542 = arith.constant 0 : i32
      %dma_start3A_543 = arith.constant 0 : i32
      %dma_start3A_544 = tpu.memref_slice %arg4[%div3A_475, %dma_start3A_538, %rem3A_477, %dma_start3A_542, %dma_start3A_543] : memref<50x8x128x8x128xf32, #tpu.memory_space<hbm>> -> memref<1x1x1x8x128xf32, #tpu.memory_space<hbm>>
      %dma_start3A_545 = tpu.memref_squeeze %dma_start3A_544 : memref<1x1x1x8x128xf32, #tpu.memory_space<hbm>> -> memref<8x128xf32, #tpu.memory_space<hbm>>
      %dma_start3A_546 = arith.constant 0 : i32
      %dma_start3A_547 = arith.constant 0 : i32
      %dma_start3A_548 = tpu.memref_slice %arg4[%div3A_475, %dma_start3A_538, %rem3A_477, %dma_start3A_546, %dma_start3A_547] : memref<50x8x128x8x128xf32, #tpu.memory_space<hbm>> -> memref<1x1x1x8x128xf32, #tpu.memory_space<hbm>>
      %dma_start3A_549 = tpu.memref_squeeze %dma_start3A_548 : memref<1x1x1x8x128xf32, #tpu.memory_space<hbm>> -> memref<8x128xf32, #tpu.memory_space<hbm>>
      %dma_start3A_550 = arith.constant 32 : i32
      %dma_start3A_551 = arith.constant 0 : i32
      %dma_start3A_552 = tpu.memref_slice %arg11[%dma_start3A_550, %dma_start3A_551] : memref<64x129xf32, #tpu.memory_space<vmem>> -> memref<8x128xf32, #tpu.memory_space<vmem>>
      tpu.enqueue_dma source(%dma_start3A_552 : memref<8x128xf32, #tpu.memory_space<vmem>>) target(%dma_start3A_549 : memref<8x128xf32, #tpu.memory_space<hbm>>) target_semaphore(%arg13 : memref<!tpu.dma_semaphore, #tpu.memory_space<semaphore_mem>>)
      %dma_start3A_553 = arith.constant 5 : i32
      %dma_start3A_554 = arith.constant 40 : i32
      %dma_start3A_555 = arith.constant 0 : i32
      %dma_start3A_556 = tpu.memref_slice %arg11[%dma_start3A_554, %dma_start3A_555] : memref<64x129xf32, #tpu.memory_space<vmem>> -> memref<8x128xf32, #tpu.memory_space<vmem>>
      %dma_start3A_557 = arith.constant 0 : i32
      %dma_start3A_558 = arith.constant 0 : i32
      %dma_start3A_559 = tpu.memref_slice %arg4[%div3A_475, %dma_start3A_553, %rem3A_477, %dma_start3A_557, %dma_start3A_558] : memref<50x8x128x8x128xf32, #tpu.memory_space<hbm>> -> memref<1x1x1x8x128xf32, #tpu.memory_space<hbm>>
      %dma_start3A_560 = tpu.memref_squeeze %dma_start3A_559 : memref<1x1x1x8x128xf32, #tpu.memory_space<hbm>> -> memref<8x128xf32, #tpu.memory_space<hbm>>
      %dma_start3A_561 = arith.constant 0 : i32
      %dma_start3A_562 = arith.constant 0 : i32
      %dma_start3A_563 = tpu.memref_slice %arg4[%div3A_475, %dma_start3A_553, %rem3A_477, %dma_start3A_561, %dma_start3A_562] : memref<50x8x128x8x128xf32, #tpu.memory_space<hbm>> -> memref<1x1x1x8x128xf32, #tpu.memory_space<hbm>>
      %dma_start3A_564 = tpu.memref_squeeze %dma_start3A_563 : memref<1x1x1x8x128xf32, #tpu.memory_space<hbm>> -> memref<8x128xf32, #tpu.memory_space<hbm>>
      %dma_start3A_565 = arith.constant 40 : i32
      %dma_start3A_566 = arith.constant 0 : i32
      %dma_start3A_567 = tpu.memref_slice %arg11[%dma_start3A_565, %dma_start3A_566] : memref<64x129xf32, #tpu.memory_space<vmem>> -> memref<8x128xf32, #tpu.memory_space<vmem>>
      tpu.enqueue_dma source(%dma_start3A_567 : memref<8x128xf32, #tpu.memory_space<vmem>>) target(%dma_start3A_564 : memref<8x128xf32, #tpu.memory_space<hbm>>) target_semaphore(%arg13 : memref<!tpu.dma_semaphore, #tpu.memory_space<semaphore_mem>>)
      %dma_start3A_568 = arith.constant 6 : i32
      %dma_start3A_569 = arith.constant 48 : i32
      %dma_start3A_570 = arith.constant 0 : i32
      %dma_start3A_571 = tpu.memref_slice %arg11[%dma_start3A_569, %dma_start3A_570] : memref<64x129xf32, #tpu.memory_space<vmem>> -> memref<8x128xf32, #tpu.memory_space<vmem>>
      %dma_start3A_572 = arith.constant 0 : i32
      %dma_start3A_573 = arith.constant 0 : i32
      %dma_start3A_574 = tpu.memref_slice %arg4[%div3A_475, %dma_start3A_568, %rem3A_477, %dma_start3A_572, %dma_start3A_573] : memref<50x8x128x8x128xf32, #tpu.memory_space<hbm>> -> memref<1x1x1x8x128xf32, #tpu.memory_space<hbm>>
      %dma_start3A_575 = tpu.memref_squeeze %dma_start3A_574 : memref<1x1x1x8x128xf32, #tpu.memory_space<hbm>> -> memref<8x128xf32, #tpu.memory_space<hbm>>
      %dma_start3A_576 = arith.constant 0 : i32
      %dma_start3A_577 = arith.constant 0 : i32
      %dma_start3A_578 = tpu.memref_slice %arg4[%div3A_475, %dma_start3A_568, %rem3A_477, %dma_start3A_576, %dma_start3A_577] : memref<50x8x128x8x128xf32, #tpu.memory_space<hbm>> -> memref<1x1x1x8x128xf32, #tpu.memory_space<hbm>>
      %dma_start3A_579 = tpu.memref_squeeze %dma_start3A_578 : memref<1x1x1x8x128xf32, #tpu.memory_space<hbm>> -> memref<8x128xf32, #tpu.memory_space<hbm>>
      %dma_start3A_580 = arith.constant 48 : i32
      %dma_start3A_581 = arith.constant 0 : i32
      %dma_start3A_582 = tpu.memref_slice %arg11[%dma_start3A_580, %dma_start3A_581] : memref<64x129xf32, #tpu.memory_space<vmem>> -> memref<8x128xf32, #tpu.memory_space<vmem>>
      tpu.enqueue_dma source(%dma_start3A_582 : memref<8x128xf32, #tpu.memory_space<vmem>>) target(%dma_start3A_579 : memref<8x128xf32, #tpu.memory_space<hbm>>) target_semaphore(%arg13 : memref<!tpu.dma_semaphore, #tpu.memory_space<semaphore_mem>>)
      %dma_start3A_583 = arith.constant 7 : i32
      %dma_start3A_584 = arith.constant 56 : i32
      %dma_start3A_585 = arith.constant 0 : i32
      %dma_start3A_586 = tpu.memref_slice %arg11[%dma_start3A_584, %dma_start3A_585] : memref<64x129xf32, #tpu.memory_space<vmem>> -> memref<8x128xf32, #tpu.memory_space<vmem>>
      %dma_start3A_587 = arith.constant 0 : i32
      %dma_start3A_588 = arith.constant 0 : i32
      %dma_start3A_589 = tpu.memref_slice %arg4[%div3A_475, %dma_start3A_583, %rem3A_477, %dma_start3A_587, %dma_start3A_588] : memref<50x8x128x8x128xf32, #tpu.memory_space<hbm>> -> memref<1x1x1x8x128xf32, #tpu.memory_space<hbm>>
      %dma_start3A_590 = tpu.memref_squeeze %dma_start3A_589 : memref<1x1x1x8x128xf32, #tpu.memory_space<hbm>> -> memref<8x128xf32, #tpu.memory_space<hbm>>
      %dma_start3A_591 = arith.constant 0 : i32
      %dma_start3A_592 = arith.constant 0 : i32
      %dma_start3A_593 = tpu.memref_slice %arg4[%div3A_475, %dma_start3A_583, %rem3A_477, %dma_start3A_591, %dma_start3A_592] : memref<50x8x128x8x128xf32, #tpu.memory_space<hbm>> -> memref<1x1x1x8x128xf32, #tpu.memory_space<hbm>>
      %dma_start3A_594 = tpu.memref_squeeze %dma_start3A_593 : memref<1x1x1x8x128xf32, #tpu.memory_space<hbm>> -> memref<8x128xf32, #tpu.memory_space<hbm>>
      %dma_start3A_595 = arith.constant 56 : i32
      %dma_start3A_596 = arith.constant 0 : i32
      %dma_start3A_597 = tpu.memref_slice %arg11[%dma_start3A_595, %dma_start3A_596] : memref<64x129xf32, #tpu.memory_space<vmem>> -> memref<8x128xf32, #tpu.memory_space<vmem>>
      tpu.enqueue_dma source(%dma_start3A_597 : memref<8x128xf32, #tpu.memory_space<vmem>>) target(%dma_start3A_594 : memref<8x128xf32, #tpu.memory_space<hbm>>) target_semaphore(%arg13 : memref<!tpu.dma_semaphore, #tpu.memory_space<semaphore_mem>>)
      %mul3A_598 = arith.constant 4 : i32
      %mul3A_599 = arith.muli %add3A_292, %mul3A_598 : i32
      %add3A_600 = arith.constant 2 : i32
      %add3A_601 = arith.addi %mul3A_599, %add3A_600 : i32
      %add3A_602 = arith.constant 3 : i32
      %add3A_603 = arith.addi %add3A_601, %add3A_602 : i32
      %lt3A_604 = arith.constant 200 : i32
      %lt3A_605 = arith.cmpi slt, %add3A_603, %lt3A_604 : i32
      %convert_element_type3A_606 = arith.extui %lt3A_605 : i1 to i32
      %cond3A_607 = arith.constant 0 : i32
      %cond3A_608 = arith.cmpi ne, %convert_element_type3A_606, %cond3A_607 : i32
      scf.if %cond3A_608 {
        %add3A_1151 = arith.constant 3 : i32
        %add3A_1152 = arith.addi %add3A_601, %add3A_1151 : i32
        %dma_start3A_1153 = arith.constant 0 : i32
        %dma_start3A_1154 = tpu.memref_slice %arg5[%add3A_1152, %dma_start3A_1153] : memref<200x128xi32, #tpu.memory_space<vmem>> -> memref<1x128xi32, #tpu.memory_space<vmem>>
        %dma_start3A_1155 = tpu.memref_squeeze %dma_start3A_1154 : memref<1x128xi32, #tpu.memory_space<vmem>> -> memref<128xi32, #tpu.memory_space<vmem>>
        %dma_start3A_1156 = arith.constant 0 : i32
        %dma_start3A_1157 = arith.constant 0 : i32
        %dma_start3A_1158 = tpu.memref_slice %arg3[%dma_start3A_1156, %dma_start3A_1157] : memref<1000000x64xf32, #tpu.memory_space<hbm>> -> memref<1000000x64xf32, #tpu.memory_space<hbm>>
        tpu.enqueue_indirect_dma source(%dma_start3A_1158 : memref<1000000x64xf32, #tpu.memory_space<hbm>>) target(%arg7 : memref<128x64xf32, #tpu.memory_space<vmem>>) offsets(%dma_start3A_1155 : memref<128xi32, #tpu.memory_space<vmem>>) semaphore(%arg12 : memref<!tpu.dma_semaphore, #tpu.memory_space<semaphore_mem>>)
      } else {
      }
      %dma_wait3A_609 = arith.constant 0 : i32
      %dma_wait3A_610 = tpu.memref_slice %arg5[%add3A_601, %dma_wait3A_609] : memref<200x128xi32, #tpu.memory_space<vmem>> -> memref<1x128xi32, #tpu.memory_space<vmem>>
      %dma_wait3A_611 = tpu.memref_squeeze %dma_wait3A_610 : memref<1x128xi32, #tpu.memory_space<vmem>> -> memref<128xi32, #tpu.memory_space<vmem>>
      %dma_wait3A_612 = arith.constant 0 : i32
      %dma_wait3A_613 = arith.constant 0 : i32
      %dma_wait3A_614 = tpu.memref_slice %arg3[%dma_wait3A_612, %dma_wait3A_613] : memref<1000000x64xf32, #tpu.memory_space<hbm>> -> memref<1000000x64xf32, #tpu.memory_space<hbm>>
      tpu.wait_indirect_dma semaphore(%arg12 : memref<!tpu.dma_semaphore, #tpu.memory_space<semaphore_mem>>) src(%dma_wait3A_614 : memref<1000000x64xf32, #tpu.memory_space<hbm>>) dst(%arg8 : memref<128x64xf32, #tpu.memory_space<vmem>>)
      %sub3A = arith.constant 2 : i32
      %sub3A_615 = arith.subi %add3A_601, %sub3A : i32
      %add3A_616 = arith.addi %mul3A_2, %sub3A_615 : i32
      %div3A_617 = arith.constant 128 : i32
      %div3A_618 = arith.divsi %add3A_616, %div3A_617 : i32
      %rem3A_619 = arith.constant 128 : i32
      %rem3A_620 = arith.remsi %add3A_616, %rem3A_619 : i32
      %dma_wait3A_621 = arith.constant 0 : i32
      %dma_wait3A_622 = arith.constant 0 : i32
      %dma_wait3A_623 = arith.constant 0 : i32
      %dma_wait3A_624 = tpu.memref_slice %arg10[%dma_wait3A_622, %dma_wait3A_623] : memref<64x129xf32, #tpu.memory_space<vmem>> -> memref<8x128xf32, #tpu.memory_space<vmem>>
      %dma_wait3A_625 = arith.constant 0 : i32
      %dma_wait3A_626 = arith.constant 0 : i32
      %dma_wait3A_627 = tpu.memref_slice %arg4[%div3A_618, %dma_wait3A_621, %rem3A_620, %dma_wait3A_625, %dma_wait3A_626] : memref<50x8x128x8x128xf32, #tpu.memory_space<hbm>> -> memref<1x1x1x8x128xf32, #tpu.memory_space<hbm>>
      %dma_wait3A_628 = tpu.memref_squeeze %dma_wait3A_627 : memref<1x1x1x8x128xf32, #tpu.memory_space<hbm>> -> memref<8x128xf32, #tpu.memory_space<hbm>>
      %dma_wait3A_629 = arith.constant 0 : i32
      %dma_wait3A_630 = arith.constant 0 : i32
      %dma_wait3A_631 = tpu.memref_slice %arg4[%div3A_618, %dma_wait3A_621, %rem3A_620, %dma_wait3A_629, %dma_wait3A_630] : memref<50x8x128x8x128xf32, #tpu.memory_space<hbm>> -> memref<1x1x1x8x128xf32, #tpu.memory_space<hbm>>
      %dma_wait3A_632 = tpu.memref_squeeze %dma_wait3A_631 : memref<1x1x1x8x128xf32, #tpu.memory_space<hbm>> -> memref<8x128xf32, #tpu.memory_space<hbm>>
      %dma_wait3A_633 = arith.constant 0 : i32
      %dma_wait3A_634 = arith.constant 0 : i32
      %dma_wait3A_635 = tpu.memref_slice %arg10[%dma_wait3A_633, %dma_wait3A_634] : memref<64x129xf32, #tpu.memory_space<vmem>> -> memref<8x128xf32, #tpu.memory_space<vmem>>
      tpu.wait_dma2 semaphore(%arg13 : memref<!tpu.dma_semaphore, #tpu.memory_space<semaphore_mem>>) src(%dma_wait3A_635 : memref<8x128xf32, #tpu.memory_space<vmem>>) dst(%dma_wait3A_632 : memref<8x128xf32, #tpu.memory_space<hbm>>)
      %dma_wait3A_636 = arith.constant 1 : i32
      %dma_wait3A_637 = arith.constant 8 : i32
      %dma_wait3A_638 = arith.constant 0 : i32
      %dma_wait3A_639 = tpu.memref_slice %arg10[%dma_wait3A_637, %dma_wait3A_638] : memref<64x129xf32, #tpu.memory_space<vmem>> -> memref<8x128xf32, #tpu.memory_space<vmem>>
      %dma_wait3A_640 = arith.constant 0 : i32
      %dma_wait3A_641 = arith.constant 0 : i32
      %dma_wait3A_642 = tpu.memref_slice %arg4[%div3A_618, %dma_wait3A_636, %rem3A_620, %dma_wait3A_640, %dma_wait3A_641] : memref<50x8x128x8x128xf32, #tpu.memory_space<hbm>> -> memref<1x1x1x8x128xf32, #tpu.memory_space<hbm>>
      %dma_wait3A_643 = tpu.memref_squeeze %dma_wait3A_642 : memref<1x1x1x8x128xf32, #tpu.memory_space<hbm>> -> memref<8x128xf32, #tpu.memory_space<hbm>>
      %dma_wait3A_644 = arith.constant 0 : i32
      %dma_wait3A_645 = arith.constant 0 : i32
      %dma_wait3A_646 = tpu.memref_slice %arg4[%div3A_618, %dma_wait3A_636, %rem3A_620, %dma_wait3A_644, %dma_wait3A_645] : memref<50x8x128x8x128xf32, #tpu.memory_space<hbm>> -> memref<1x1x1x8x128xf32, #tpu.memory_space<hbm>>
      %dma_wait3A_647 = tpu.memref_squeeze %dma_wait3A_646 : memref<1x1x1x8x128xf32, #tpu.memory_space<hbm>> -> memref<8x128xf32, #tpu.memory_space<hbm>>
      %dma_wait3A_648 = arith.constant 8 : i32
      %dma_wait3A_649 = arith.constant 0 : i32
      %dma_wait3A_650 = tpu.memref_slice %arg10[%dma_wait3A_648, %dma_wait3A_649] : memref<64x129xf32, #tpu.memory_space<vmem>> -> memref<8x128xf32, #tpu.memory_space<vmem>>
      tpu.wait_dma2 semaphore(%arg13 : memref<!tpu.dma_semaphore, #tpu.memory_space<semaphore_mem>>) src(%dma_wait3A_650 : memref<8x128xf32, #tpu.memory_space<vmem>>) dst(%dma_wait3A_647 : memref<8x128xf32, #tpu.memory_space<hbm>>)
      %dma_wait3A_651 = arith.constant 2 : i32
      %dma_wait3A_652 = arith.constant 16 : i32
      %dma_wait3A_653 = arith.constant 0 : i32
      %dma_wait3A_654 = tpu.memref_slice %arg10[%dma_wait3A_652, %dma_wait3A_653] : memref<64x129xf32, #tpu.memory_space<vmem>> -> memref<8x128xf32, #tpu.memory_space<vmem>>
      %dma_wait3A_655 = arith.constant 0 : i32
      %dma_wait3A_656 = arith.constant 0 : i32
      %dma_wait3A_657 = tpu.memref_slice %arg4[%div3A_618, %dma_wait3A_651, %rem3A_620, %dma_wait3A_655, %dma_wait3A_656] : memref<50x8x128x8x128xf32, #tpu.memory_space<hbm>> -> memref<1x1x1x8x128xf32, #tpu.memory_space<hbm>>
      %dma_wait3A_658 = tpu.memref_squeeze %dma_wait3A_657 : memref<1x1x1x8x128xf32, #tpu.memory_space<hbm>> -> memref<8x128xf32, #tpu.memory_space<hbm>>
      %dma_wait3A_659 = arith.constant 0 : i32
      %dma_wait3A_660 = arith.constant 0 : i32
      %dma_wait3A_661 = tpu.memref_slice %arg4[%div3A_618, %dma_wait3A_651, %rem3A_620, %dma_wait3A_659, %dma_wait3A_660] : memref<50x8x128x8x128xf32, #tpu.memory_space<hbm>> -> memref<1x1x1x8x128xf32, #tpu.memory_space<hbm>>
      %dma_wait3A_662 = tpu.memref_squeeze %dma_wait3A_661 : memref<1x1x1x8x128xf32, #tpu.memory_space<hbm>> -> memref<8x128xf32, #tpu.memory_space<hbm>>
      %dma_wait3A_663 = arith.constant 16 : i32
      %dma_wait3A_664 = arith.constant 0 : i32
      %dma_wait3A_665 = tpu.memref_slice %arg10[%dma_wait3A_663, %dma_wait3A_664] : memref<64x129xf32, #tpu.memory_space<vmem>> -> memref<8x128xf32, #tpu.memory_space<vmem>>
      tpu.wait_dma2 semaphore(%arg13 : memref<!tpu.dma_semaphore, #tpu.memory_space<semaphore_mem>>) src(%dma_wait3A_665 : memref<8x128xf32, #tpu.memory_space<vmem>>) dst(%dma_wait3A_662 : memref<8x128xf32, #tpu.memory_space<hbm>>)
      %dma_wait3A_666 = arith.constant 3 : i32
      %dma_wait3A_667 = arith.constant 24 : i32
      %dma_wait3A_668 = arith.constant 0 : i32
      %dma_wait3A_669 = tpu.memref_slice %arg10[%dma_wait3A_667, %dma_wait3A_668] : memref<64x129xf32, #tpu.memory_space<vmem>> -> memref<8x128xf32, #tpu.memory_space<vmem>>
      %dma_wait3A_670 = arith.constant 0 : i32
      %dma_wait3A_671 = arith.constant 0 : i32
      %dma_wait3A_672 = tpu.memref_slice %arg4[%div3A_618, %dma_wait3A_666, %rem3A_620, %dma_wait3A_670, %dma_wait3A_671] : memref<50x8x128x8x128xf32, #tpu.memory_space<hbm>> -> memref<1x1x1x8x128xf32, #tpu.memory_space<hbm>>
      %dma_wait3A_673 = tpu.memref_squeeze %dma_wait3A_672 : memref<1x1x1x8x128xf32, #tpu.memory_space<hbm>> -> memref<8x128xf32, #tpu.memory_space<hbm>>
      %dma_wait3A_674 = arith.constant 0 : i32
      %dma_wait3A_675 = arith.constant 0 : i32
      %dma_wait3A_676 = tpu.memref_slice %arg4[%div3A_618, %dma_wait3A_666, %rem3A_620, %dma_wait3A_674, %dma_wait3A_675] : memref<50x8x128x8x128xf32, #tpu.memory_space<hbm>> -> memref<1x1x1x8x128xf32, #tpu.memory_space<hbm>>
      %dma_wait3A_677 = tpu.memref_squeeze %dma_wait3A_676 : memref<1x1x1x8x128xf32, #tpu.memory_space<hbm>> -> memref<8x128xf32, #tpu.memory_space<hbm>>
      %dma_wait3A_678 = arith.constant 24 : i32
      %dma_wait3A_679 = arith.constant 0 : i32
      %dma_wait3A_680 = tpu.memref_slice %arg10[%dma_wait3A_678, %dma_wait3A_679] : memref<64x129xf32, #tpu.memory_space<vmem>> -> memref<8x128xf32, #tpu.memory_space<vmem>>
      tpu.wait_dma2 semaphore(%arg13 : memref<!tpu.dma_semaphore, #tpu.memory_space<semaphore_mem>>) src(%dma_wait3A_680 : memref<8x128xf32, #tpu.memory_space<vmem>>) dst(%dma_wait3A_677 : memref<8x128xf32, #tpu.memory_space<hbm>>)
      %dma_wait3A_681 = arith.constant 4 : i32
      %dma_wait3A_682 = arith.constant 32 : i32
      %dma_wait3A_683 = arith.constant 0 : i32
      %dma_wait3A_684 = tpu.memref_slice %arg10[%dma_wait3A_682, %dma_wait3A_683] : memref<64x129xf32, #tpu.memory_space<vmem>> -> memref<8x128xf32, #tpu.memory_space<vmem>>
      %dma_wait3A_685 = arith.constant 0 : i32
      %dma_wait3A_686 = arith.constant 0 : i32
      %dma_wait3A_687 = tpu.memref_slice %arg4[%div3A_618, %dma_wait3A_681, %rem3A_620, %dma_wait3A_685, %dma_wait3A_686] : memref<50x8x128x8x128xf32, #tpu.memory_space<hbm>> -> memref<1x1x1x8x128xf32, #tpu.memory_space<hbm>>
      %dma_wait3A_688 = tpu.memref_squeeze %dma_wait3A_687 : memref<1x1x1x8x128xf32, #tpu.memory_space<hbm>> -> memref<8x128xf32, #tpu.memory_space<hbm>>
      %dma_wait3A_689 = arith.constant 0 : i32
      %dma_wait3A_690 = arith.constant 0 : i32
      %dma_wait3A_691 = tpu.memref_slice %arg4[%div3A_618, %dma_wait3A_681, %rem3A_620, %dma_wait3A_689, %dma_wait3A_690] : memref<50x8x128x8x128xf32, #tpu.memory_space<hbm>> -> memref<1x1x1x8x128xf32, #tpu.memory_space<hbm>>
      %dma_wait3A_692 = tpu.memref_squeeze %dma_wait3A_691 : memref<1x1x1x8x128xf32, #tpu.memory_space<hbm>> -> memref<8x128xf32, #tpu.memory_space<hbm>>
      %dma_wait3A_693 = arith.constant 32 : i32
      %dma_wait3A_694 = arith.constant 0 : i32
      %dma_wait3A_695 = tpu.memref_slice %arg10[%dma_wait3A_693, %dma_wait3A_694] : memref<64x129xf32, #tpu.memory_space<vmem>> -> memref<8x128xf32, #tpu.memory_space<vmem>>
      tpu.wait_dma2 semaphore(%arg13 : memref<!tpu.dma_semaphore, #tpu.memory_space<semaphore_mem>>) src(%dma_wait3A_695 : memref<8x128xf32, #tpu.memory_space<vmem>>) dst(%dma_wait3A_692 : memref<8x128xf32, #tpu.memory_space<hbm>>)
      %dma_wait3A_696 = arith.constant 5 : i32
      %dma_wait3A_697 = arith.constant 40 : i32
      %dma_wait3A_698 = arith.constant 0 : i32
      %dma_wait3A_699 = tpu.memref_slice %arg10[%dma_wait3A_697, %dma_wait3A_698] : memref<64x129xf32, #tpu.memory_space<vmem>> -> memref<8x128xf32, #tpu.memory_space<vmem>>
      %dma_wait3A_700 = arith.constant 0 : i32
      %dma_wait3A_701 = arith.constant 0 : i32
      %dma_wait3A_702 = tpu.memref_slice %arg4[%div3A_618, %dma_wait3A_696, %rem3A_620, %dma_wait3A_700, %dma_wait3A_701] : memref<50x8x128x8x128xf32, #tpu.memory_space<hbm>> -> memref<1x1x1x8x128xf32, #tpu.memory_space<hbm>>
      %dma_wait3A_703 = tpu.memref_squeeze %dma_wait3A_702 : memref<1x1x1x8x128xf32, #tpu.memory_space<hbm>> -> memref<8x128xf32, #tpu.memory_space<hbm>>
      %dma_wait3A_704 = arith.constant 0 : i32
      %dma_wait3A_705 = arith.constant 0 : i32
      %dma_wait3A_706 = tpu.memref_slice %arg4[%div3A_618, %dma_wait3A_696, %rem3A_620, %dma_wait3A_704, %dma_wait3A_705] : memref<50x8x128x8x128xf32, #tpu.memory_space<hbm>> -> memref<1x1x1x8x128xf32, #tpu.memory_space<hbm>>
      %dma_wait3A_707 = tpu.memref_squeeze %dma_wait3A_706 : memref<1x1x1x8x128xf32, #tpu.memory_space<hbm>> -> memref<8x128xf32, #tpu.memory_space<hbm>>
      %dma_wait3A_708 = arith.constant 40 : i32
      %dma_wait3A_709 = arith.constant 0 : i32
      %dma_wait3A_710 = tpu.memref_slice %arg10[%dma_wait3A_708, %dma_wait3A_709] : memref<64x129xf32, #tpu.memory_space<vmem>> -> memref<8x128xf32, #tpu.memory_space<vmem>>
      tpu.wait_dma2 semaphore(%arg13 : memref<!tpu.dma_semaphore, #tpu.memory_space<semaphore_mem>>) src(%dma_wait3A_710 : memref<8x128xf32, #tpu.memory_space<vmem>>) dst(%dma_wait3A_707 : memref<8x128xf32, #tpu.memory_space<hbm>>)
      %dma_wait3A_711 = arith.constant 6 : i32
      %dma_wait3A_712 = arith.constant 48 : i32
      %dma_wait3A_713 = arith.constant 0 : i32
      %dma_wait3A_714 = tpu.memref_slice %arg10[%dma_wait3A_712, %dma_wait3A_713] : memref<64x129xf32, #tpu.memory_space<vmem>> -> memref<8x128xf32, #tpu.memory_space<vmem>>
      %dma_wait3A_715 = arith.constant 0 : i32
      %dma_wait3A_716 = arith.constant 0 : i32
      %dma_wait3A_717 = tpu.memref_slice %arg4[%div3A_618, %dma_wait3A_711, %rem3A_620, %dma_wait3A_715, %dma_wait3A_716] : memref<50x8x128x8x128xf32, #tpu.memory_space<hbm>> -> memref<1x1x1x8x128xf32, #tpu.memory_space<hbm>>
      %dma_wait3A_718 = tpu.memref_squeeze %dma_wait3A_717 : memref<1x1x1x8x128xf32, #tpu.memory_space<hbm>> -> memref<8x128xf32, #tpu.memory_space<hbm>>
      %dma_wait3A_719 = arith.constant 0 : i32
      %dma_wait3A_720 = arith.constant 0 : i32
      %dma_wait3A_721 = tpu.memref_slice %arg4[%div3A_618, %dma_wait3A_711, %rem3A_620, %dma_wait3A_719, %dma_wait3A_720] : memref<50x8x128x8x128xf32, #tpu.memory_space<hbm>> -> memref<1x1x1x8x128xf32, #tpu.memory_space<hbm>>
      %dma_wait3A_722 = tpu.memref_squeeze %dma_wait3A_721 : memref<1x1x1x8x128xf32, #tpu.memory_space<hbm>> -> memref<8x128xf32, #tpu.memory_space<hbm>>
      %dma_wait3A_723 = arith.constant 48 : i32
      %dma_wait3A_724 = arith.constant 0 : i32
      %dma_wait3A_725 = tpu.memref_slice %arg10[%dma_wait3A_723, %dma_wait3A_724] : memref<64x129xf32, #tpu.memory_space<vmem>> -> memref<8x128xf32, #tpu.memory_space<vmem>>
      tpu.wait_dma2 semaphore(%arg13 : memref<!tpu.dma_semaphore, #tpu.memory_space<semaphore_mem>>) src(%dma_wait3A_725 : memref<8x128xf32, #tpu.memory_space<vmem>>) dst(%dma_wait3A_722 : memref<8x128xf32, #tpu.memory_space<hbm>>)
      %dma_wait3A_726 = arith.constant 7 : i32
      %dma_wait3A_727 = arith.constant 56 : i32
      %dma_wait3A_728 = arith.constant 0 : i32
      %dma_wait3A_729 = tpu.memref_slice %arg10[%dma_wait3A_727, %dma_wait3A_728] : memref<64x129xf32, #tpu.memory_space<vmem>> -> memref<8x128xf32, #tpu.memory_space<vmem>>
      %dma_wait3A_730 = arith.constant 0 : i32
      %dma_wait3A_731 = arith.constant 0 : i32
      %dma_wait3A_732 = tpu.memref_slice %arg4[%div3A_618, %dma_wait3A_726, %rem3A_620, %dma_wait3A_730, %dma_wait3A_731] : memref<50x8x128x8x128xf32, #tpu.memory_space<hbm>> -> memref<1x1x1x8x128xf32, #tpu.memory_space<hbm>>
      %dma_wait3A_733 = tpu.memref_squeeze %dma_wait3A_732 : memref<1x1x1x8x128xf32, #tpu.memory_space<hbm>> -> memref<8x128xf32, #tpu.memory_space<hbm>>
      %dma_wait3A_734 = arith.constant 0 : i32
      %dma_wait3A_735 = arith.constant 0 : i32
      %dma_wait3A_736 = tpu.memref_slice %arg4[%div3A_618, %dma_wait3A_726, %rem3A_620, %dma_wait3A_734, %dma_wait3A_735] : memref<50x8x128x8x128xf32, #tpu.memory_space<hbm>> -> memref<1x1x1x8x128xf32, #tpu.memory_space<hbm>>
      %dma_wait3A_737 = tpu.memref_squeeze %dma_wait3A_736 : memref<1x1x1x8x128xf32, #tpu.memory_space<hbm>> -> memref<8x128xf32, #tpu.memory_space<hbm>>
      %dma_wait3A_738 = arith.constant 56 : i32
      %dma_wait3A_739 = arith.constant 0 : i32
      %dma_wait3A_740 = tpu.memref_slice %arg10[%dma_wait3A_738, %dma_wait3A_739] : memref<64x129xf32, #tpu.memory_space<vmem>> -> memref<8x128xf32, #tpu.memory_space<vmem>>
      tpu.wait_dma2 semaphore(%arg13 : memref<!tpu.dma_semaphore, #tpu.memory_space<semaphore_mem>>) src(%dma_wait3A_740 : memref<8x128xf32, #tpu.memory_space<vmem>>) dst(%dma_wait3A_737 : memref<8x128xf32, #tpu.memory_space<hbm>>)
      %broadcast_in_dim3A_741 = arith.constant 0 : i32
      %broadcast_in_dim3A_742 = vector.broadcast %broadcast_in_dim3A_741 : i32 to vector<16xi32>
      %scan3A_743 = arith.constant 0 : i32
      %scan3A_744 = arith.constant 64 : i32
      %scan3A_745 = arith.addi %scan3A_743, %scan3A_744 : i32
      %scan3A_746 = arith.constant 2 : i32
      %scan3A_747 = scf.for %scan3A_1151 = %scan3A_743 to %scan3A_745 step %scan3A_746 iter_args(%scan3A_1152 = %broadcast_in_dim3A_742) -> (vector<16xi32>)  : i32 {
        %mul3A_1153 = arith.constant 2 : i32
        %mul3A_1154 = arith.muli %scan3A_1151, %mul3A_1153 : i32
        %add3A_1155 = arith.constant 0 : i32
        %add3A_1156 = arith.addi %add3A_1155, %mul3A_1154 : i32
        %get3A = arith.index_cast %add3A_1156 : i32 to index
        %get3A_1157 = arith.constant 0 : index
        %get3A_1158 = tpu.vector_load %arg8[%get3A, %get3A_1157] {strides = array<i32>} : memref<128x64xf32, #tpu.memory_space<vmem>>, vector<16xf32>,
        %get3A_1159 = arith.index_cast %add3A_1156 : i32 to index
        %get3A_1160 = arith.constant 16 : index
        %get3A_1161 = tpu.vector_load %arg8[%get3A_1159, %get3A_1160] {strides = array<i32>} : memref<128x64xf32, #tpu.memory_space<vmem>>, vector<16xf32>,
        %get3A_1162 = arith.index_cast %add3A_1156 : i32 to index
        %get3A_1163 = arith.constant 32 : index
        %get3A_1164 = tpu.vector_load %arg8[%get3A_1162, %get3A_1163] {strides = array<i32>} : memref<128x64xf32, #tpu.memory_space<vmem>>, vector<16xf32>,
        %get3A_1165 = arith.index_cast %add3A_1156 : i32 to index
        %get3A_1166 = arith.constant 48 : index
        %get3A_1167 = tpu.vector_load %arg8[%get3A_1165, %get3A_1166] {strides = array<i32>} : memref<128x64xf32, #tpu.memory_space<vmem>>, vector<16xf32>,
        %add3A_1168 = arith.constant 1 : i32
        %add3A_1169 = arith.addi %add3A_1156, %add3A_1168 : i32
        %get3A_1170 = arith.index_cast %add3A_1169 : i32 to index
        %get3A_1171 = arith.constant 0 : index
        %get3A_1172 = tpu.vector_load %arg8[%get3A_1170, %get3A_1171] {strides = array<i32>} : memref<128x64xf32, #tpu.memory_space<vmem>>, vector<16xf32>,
        %add3A_1173 = arith.constant 1 : i32
        %add3A_1174 = arith.addi %add3A_1156, %add3A_1173 : i32
        %get3A_1175 = arith.index_cast %add3A_1174 : i32 to index
        %get3A_1176 = arith.constant 16 : index
        %get3A_1177 = tpu.vector_load %arg8[%get3A_1175, %get3A_1176] {strides = array<i32>} : memref<128x64xf32, #tpu.memory_space<vmem>>, vector<16xf32>,
        %add3A_1178 = arith.constant 1 : i32
        %add3A_1179 = arith.addi %add3A_1156, %add3A_1178 : i32
        %get3A_1180 = arith.index_cast %add3A_1179 : i32 to index
        %get3A_1181 = arith.constant 32 : index
        %get3A_1182 = tpu.vector_load %arg8[%get3A_1180, %get3A_1181] {strides = array<i32>} : memref<128x64xf32, #tpu.memory_space<vmem>>, vector<16xf32>,
        %add3A_1183 = arith.constant 1 : i32
        %add3A_1184 = arith.addi %add3A_1156, %add3A_1183 : i32
        %get3A_1185 = arith.index_cast %add3A_1184 : i32 to index
        %get3A_1186 = arith.constant 48 : index
        %get3A_1187 = tpu.vector_load %arg8[%get3A_1185, %get3A_1186] {strides = array<i32>} : memref<128x64xf32, #tpu.memory_space<vmem>>, vector<16xf32>,
        %add3A_1188 = arith.constant 1 : i32
        %add3A_1189 = vector.broadcast %add3A_1188 : i32 to vector<16xi32>
        %add3A_1190 = arith.addi %scan3A_1152, %add3A_1189 : vector<16xi32>
        tpu.vector_store_idx %arg10[%add3A_5, %scan3A_1152], %get3A_1158 : memref<64x129xf32, #tpu.memory_space<vmem>>[vector<16xi32>, vector<16xi32>], vector<16xf32>,
        tpu.vector_store_idx %arg10[%add3A_8, %scan3A_1152], %get3A_1161 : memref<64x129xf32, #tpu.memory_space<vmem>>[vector<16xi32>, vector<16xi32>], vector<16xf32>,
        tpu.vector_store_idx %arg10[%add3A_11, %scan3A_1152], %get3A_1164 : memref<64x129xf32, #tpu.memory_space<vmem>>[vector<16xi32>, vector<16xi32>], vector<16xf32>,
        tpu.vector_store_idx %arg10[%add3A_14, %scan3A_1152], %get3A_1167 : memref<64x129xf32, #tpu.memory_space<vmem>>[vector<16xi32>, vector<16xi32>], vector<16xf32>,
        tpu.vector_store_idx %arg10[%add3A_5, %add3A_1190], %get3A_1172 : memref<64x129xf32, #tpu.memory_space<vmem>>[vector<16xi32>, vector<16xi32>], vector<16xf32>,
        tpu.vector_store_idx %arg10[%add3A_8, %add3A_1190], %get3A_1177 : memref<64x129xf32, #tpu.memory_space<vmem>>[vector<16xi32>, vector<16xi32>], vector<16xf32>,
        tpu.vector_store_idx %arg10[%add3A_11, %add3A_1190], %get3A_1182 : memref<64x129xf32, #tpu.memory_space<vmem>>[vector<16xi32>, vector<16xi32>], vector<16xf32>,
        tpu.vector_store_idx %arg10[%add3A_14, %add3A_1190], %get3A_1187 : memref<64x129xf32, #tpu.memory_space<vmem>>[vector<16xi32>, vector<16xi32>], vector<16xf32>,
        %add3A_1191 = arith.constant 2 : i32
        %add3A_1192 = vector.broadcast %add3A_1191 : i32 to vector<16xi32>
        %add3A_1193 = arith.addi %scan3A_1152, %add3A_1192 : vector<16xi32>
        %scan3A_1194 = arith.constant 1 : i32
        %scan3A_1195 = arith.addi %scan3A_1151, %scan3A_1194 : i32
        %mul3A_1196 = arith.constant 2 : i32
        %mul3A_1197 = arith.muli %scan3A_1195, %mul3A_1196 : i32
        %add3A_1198 = arith.constant 0 : i32
        %add3A_1199 = arith.addi %add3A_1198, %mul3A_1197 : i32
        %get3A_1200 = arith.index_cast %add3A_1199 : i32 to index
        %get3A_1201 = arith.constant 0 : index
        %get3A_1202 = tpu.vector_load %arg8[%get3A_1200, %get3A_1201] {strides = array<i32>} : memref<128x64xf32, #tpu.memory_space<vmem>>, vector<16xf32>,
        %get3A_1203 = arith.index_cast %add3A_1199 : i32 to index
        %get3A_1204 = arith.constant 16 : index
        %get3A_1205 = tpu.vector_load %arg8[%get3A_1203, %get3A_1204] {strides = array<i32>} : memref<128x64xf32, #tpu.memory_space<vmem>>, vector<16xf32>,
        %get3A_1206 = arith.index_cast %add3A_1199 : i32 to index
        %get3A_1207 = arith.constant 32 : index
        %get3A_1208 = tpu.vector_load %arg8[%get3A_1206, %get3A_1207] {strides = array<i32>} : memref<128x64xf32, #tpu.memory_space<vmem>>, vector<16xf32>,
        %get3A_1209 = arith.index_cast %add3A_1199 : i32 to index
        %get3A_1210 = arith.constant 48 : index
        %get3A_1211 = tpu.vector_load %arg8[%get3A_1209, %get3A_1210] {strides = array<i32>} : memref<128x64xf32, #tpu.memory_space<vmem>>, vector<16xf32>,
        %add3A_1212 = arith.constant 1 : i32
        %add3A_1213 = arith.addi %add3A_1199, %add3A_1212 : i32
        %get3A_1214 = arith.index_cast %add3A_1213 : i32 to index
        %get3A_1215 = arith.constant 0 : index
        %get3A_1216 = tpu.vector_load %arg8[%get3A_1214, %get3A_1215] {strides = array<i32>} : memref<128x64xf32, #tpu.memory_space<vmem>>, vector<16xf32>,
        %add3A_1217 = arith.constant 1 : i32
        %add3A_1218 = arith.addi %add3A_1199, %add3A_1217 : i32
        %get3A_1219 = arith.index_cast %add3A_1218 : i32 to index
        %get3A_1220 = arith.constant 16 : index
        %get3A_1221 = tpu.vector_load %arg8[%get3A_1219, %get3A_1220] {strides = array<i32>} : memref<128x64xf32, #tpu.memory_space<vmem>>, vector<16xf32>,
        %add3A_1222 = arith.constant 1 : i32
        %add3A_1223 = arith.addi %add3A_1199, %add3A_1222 : i32
        %get3A_1224 = arith.index_cast %add3A_1223 : i32 to index
        %get3A_1225 = arith.constant 32 : index
        %get3A_1226 = tpu.vector_load %arg8[%get3A_1224, %get3A_1225] {strides = array<i32>} : memref<128x64xf32, #tpu.memory_space<vmem>>, vector<16xf32>,
        %add3A_1227 = arith.constant 1 : i32
        %add3A_1228 = arith.addi %add3A_1199, %add3A_1227 : i32
        %get3A_1229 = arith.index_cast %add3A_1228 : i32 to index
        %get3A_1230 = arith.constant 48 : index
        %get3A_1231 = tpu.vector_load %arg8[%get3A_1229, %get3A_1230] {strides = array<i32>} : memref<128x64xf32, #tpu.memory_space<vmem>>, vector<16xf32>,
        %add3A_1232 = arith.constant 1 : i32
        %add3A_1233 = vector.broadcast %add3A_1232 : i32 to vector<16xi32>
        %add3A_1234 = arith.addi %add3A_1193, %add3A_1233 : vector<16xi32>
        tpu.vector_store_idx %arg10[%add3A_5, %add3A_1193], %get3A_1202 : memref<64x129xf32, #tpu.memory_space<vmem>>[vector<16xi32>, vector<16xi32>], vector<16xf32>,
        tpu.vector_store_idx %arg10[%add3A_8, %add3A_1193], %get3A_1205 : memref<64x129xf32, #tpu.memory_space<vmem>>[vector<16xi32>, vector<16xi32>], vector<16xf32>,
        tpu.vector_store_idx %arg10[%add3A_11, %add3A_1193], %get3A_1208 : memref<64x129xf32, #tpu.memory_space<vmem>>[vector<16xi32>, vector<16xi32>], vector<16xf32>,
        tpu.vector_store_idx %arg10[%add3A_14, %add3A_1193], %get3A_1211 : memref<64x129xf32, #tpu.memory_space<vmem>>[vector<16xi32>, vector<16xi32>], vector<16xf32>,
        tpu.vector_store_idx %arg10[%add3A_5, %add3A_1234], %get3A_1216 : memref<64x129xf32, #tpu.memory_space<vmem>>[vector<16xi32>, vector<16xi32>], vector<16xf32>,
        tpu.vector_store_idx %arg10[%add3A_8, %add3A_1234], %get3A_1221 : memref<64x129xf32, #tpu.memory_space<vmem>>[vector<16xi32>, vector<16xi32>], vector<16xf32>,
        tpu.vector_store_idx %arg10[%add3A_11, %add3A_1234], %get3A_1226 : memref<64x129xf32, #tpu.memory_space<vmem>>[vector<16xi32>, vector<16xi32>], vector<16xf32>,
        tpu.vector_store_idx %arg10[%add3A_14, %add3A_1234], %get3A_1231 : memref<64x129xf32, #tpu.memory_space<vmem>>[vector<16xi32>, vector<16xi32>], vector<16xf32>,
        %add3A_1235 = arith.constant 2 : i32
        %add3A_1236 = vector.broadcast %add3A_1235 : i32 to vector<16xi32>
        %add3A_1237 = arith.addi %add3A_1193, %add3A_1236 : vector<16xi32>
        scf.yield %add3A_1237 : vector<16xi32>
      }
      %scan3A_748 = arith.constant 64 : i32
      %add3A_749 = arith.addi %mul3A_2, %add3A_601 : i32
      %div3A_750 = arith.constant 128 : i32
      %div3A_751 = arith.divsi %add3A_749, %div3A_750 : i32
      %rem3A_752 = arith.constant 128 : i32
      %rem3A_753 = arith.remsi %add3A_749, %rem3A_752 : i32
      %dma_start3A_754 = arith.constant 0 : i32
      %dma_start3A_755 = arith.constant 0 : i32
      %dma_start3A_756 = arith.constant 0 : i32
      %dma_start3A_757 = tpu.memref_slice %arg10[%dma_start3A_755, %dma_start3A_756] : memref<64x129xf32, #tpu.memory_space<vmem>> -> memref<8x128xf32, #tpu.memory_space<vmem>>
      %dma_start3A_758 = arith.constant 0 : i32
      %dma_start3A_759 = arith.constant 0 : i32
      %dma_start3A_760 = tpu.memref_slice %arg4[%div3A_751, %dma_start3A_754, %rem3A_753, %dma_start3A_758, %dma_start3A_759] : memref<50x8x128x8x128xf32, #tpu.memory_space<hbm>> -> memref<1x1x1x8x128xf32, #tpu.memory_space<hbm>>
      %dma_start3A_761 = tpu.memref_squeeze %dma_start3A_760 : memref<1x1x1x8x128xf32, #tpu.memory_space<hbm>> -> memref<8x128xf32, #tpu.memory_space<hbm>>
      %dma_start3A_762 = arith.constant 0 : i32
      %dma_start3A_763 = arith.constant 0 : i32
      %dma_start3A_764 = tpu.memref_slice %arg4[%div3A_751, %dma_start3A_754, %rem3A_753, %dma_start3A_762, %dma_start3A_763] : memref<50x8x128x8x128xf32, #tpu.memory_space<hbm>> -> memref<1x1x1x8x128xf32, #tpu.memory_space<hbm>>
      %dma_start3A_765 = tpu.memref_squeeze %dma_start3A_764 : memref<1x1x1x8x128xf32, #tpu.memory_space<hbm>> -> memref<8x128xf32, #tpu.memory_space<hbm>>
      %dma_start3A_766 = arith.constant 0 : i32
      %dma_start3A_767 = arith.constant 0 : i32
      %dma_start3A_768 = tpu.memref_slice %arg10[%dma_start3A_766, %dma_start3A_767] : memref<64x129xf32, #tpu.memory_space<vmem>> -> memref<8x128xf32, #tpu.memory_space<vmem>>
      tpu.enqueue_dma source(%dma_start3A_768 : memref<8x128xf32, #tpu.memory_space<vmem>>) target(%dma_start3A_765 : memref<8x128xf32, #tpu.memory_space<hbm>>) target_semaphore(%arg13 : memref<!tpu.dma_semaphore, #tpu.memory_space<semaphore_mem>>)
      %dma_start3A_769 = arith.constant 1 : i32
      %dma_start3A_770 = arith.constant 8 : i32
      %dma_start3A_771 = arith.constant 0 : i32
      %dma_start3A_772 = tpu.memref_slice %arg10[%dma_start3A_770, %dma_start3A_771] : memref<64x129xf32, #tpu.memory_space<vmem>> -> memref<8x128xf32, #tpu.memory_space<vmem>>
      %dma_start3A_773 = arith.constant 0 : i32
      %dma_start3A_774 = arith.constant 0 : i32
      %dma_start3A_775 = tpu.memref_slice %arg4[%div3A_751, %dma_start3A_769, %rem3A_753, %dma_start3A_773, %dma_start3A_774] : memref<50x8x128x8x128xf32, #tpu.memory_space<hbm>> -> memref<1x1x1x8x128xf32, #tpu.memory_space<hbm>>
      %dma_start3A_776 = tpu.memref_squeeze %dma_start3A_775 : memref<1x1x1x8x128xf32, #tpu.memory_space<hbm>> -> memref<8x128xf32, #tpu.memory_space<hbm>>
      %dma_start3A_777 = arith.constant 0 : i32
      %dma_start3A_778 = arith.constant 0 : i32
      %dma_start3A_779 = tpu.memref_slice %arg4[%div3A_751, %dma_start3A_769, %rem3A_753, %dma_start3A_777, %dma_start3A_778] : memref<50x8x128x8x128xf32, #tpu.memory_space<hbm>> -> memref<1x1x1x8x128xf32, #tpu.memory_space<hbm>>
      %dma_start3A_780 = tpu.memref_squeeze %dma_start3A_779 : memref<1x1x1x8x128xf32, #tpu.memory_space<hbm>> -> memref<8x128xf32, #tpu.memory_space<hbm>>
      %dma_start3A_781 = arith.constant 8 : i32
      %dma_start3A_782 = arith.constant 0 : i32
      %dma_start3A_783 = tpu.memref_slice %arg10[%dma_start3A_781, %dma_start3A_782] : memref<64x129xf32, #tpu.memory_space<vmem>> -> memref<8x128xf32, #tpu.memory_space<vmem>>
      tpu.enqueue_dma source(%dma_start3A_783 : memref<8x128xf32, #tpu.memory_space<vmem>>) target(%dma_start3A_780 : memref<8x128xf32, #tpu.memory_space<hbm>>) target_semaphore(%arg13 : memref<!tpu.dma_semaphore, #tpu.memory_space<semaphore_mem>>)
      %dma_start3A_784 = arith.constant 2 : i32
      %dma_start3A_785 = arith.constant 16 : i32
      %dma_start3A_786 = arith.constant 0 : i32
      %dma_start3A_787 = tpu.memref_slice %arg10[%dma_start3A_785, %dma_start3A_786] : memref<64x129xf32, #tpu.memory_space<vmem>> -> memref<8x128xf32, #tpu.memory_space<vmem>>
      %dma_start3A_788 = arith.constant 0 : i32
      %dma_start3A_789 = arith.constant 0 : i32
      %dma_start3A_790 = tpu.memref_slice %arg4[%div3A_751, %dma_start3A_784, %rem3A_753, %dma_start3A_788, %dma_start3A_789] : memref<50x8x128x8x128xf32, #tpu.memory_space<hbm>> -> memref<1x1x1x8x128xf32, #tpu.memory_space<hbm>>
      %dma_start3A_791 = tpu.memref_squeeze %dma_start3A_790 : memref<1x1x1x8x128xf32, #tpu.memory_space<hbm>> -> memref<8x128xf32, #tpu.memory_space<hbm>>
      %dma_start3A_792 = arith.constant 0 : i32
      %dma_start3A_793 = arith.constant 0 : i32
      %dma_start3A_794 = tpu.memref_slice %arg4[%div3A_751, %dma_start3A_784, %rem3A_753, %dma_start3A_792, %dma_start3A_793] : memref<50x8x128x8x128xf32, #tpu.memory_space<hbm>> -> memref<1x1x1x8x128xf32, #tpu.memory_space<hbm>>
      %dma_start3A_795 = tpu.memref_squeeze %dma_start3A_794 : memref<1x1x1x8x128xf32, #tpu.memory_space<hbm>> -> memref<8x128xf32, #tpu.memory_space<hbm>>
      %dma_start3A_796 = arith.constant 16 : i32
      %dma_start3A_797 = arith.constant 0 : i32
      %dma_start3A_798 = tpu.memref_slice %arg10[%dma_start3A_796, %dma_start3A_797] : memref<64x129xf32, #tpu.memory_space<vmem>> -> memref<8x128xf32, #tpu.memory_space<vmem>>
      tpu.enqueue_dma source(%dma_start3A_798 : memref<8x128xf32, #tpu.memory_space<vmem>>) target(%dma_start3A_795 : memref<8x128xf32, #tpu.memory_space<hbm>>) target_semaphore(%arg13 : memref<!tpu.dma_semaphore, #tpu.memory_space<semaphore_mem>>)
      %dma_start3A_799 = arith.constant 3 : i32
      %dma_start3A_800 = arith.constant 24 : i32
      %dma_start3A_801 = arith.constant 0 : i32
      %dma_start3A_802 = tpu.memref_slice %arg10[%dma_start3A_800, %dma_start3A_801] : memref<64x129xf32, #tpu.memory_space<vmem>> -> memref<8x128xf32, #tpu.memory_space<vmem>>
      %dma_start3A_803 = arith.constant 0 : i32
      %dma_start3A_804 = arith.constant 0 : i32
      %dma_start3A_805 = tpu.memref_slice %arg4[%div3A_751, %dma_start3A_799, %rem3A_753, %dma_start3A_803, %dma_start3A_804] : memref<50x8x128x8x128xf32, #tpu.memory_space<hbm>> -> memref<1x1x1x8x128xf32, #tpu.memory_space<hbm>>
      %dma_start3A_806 = tpu.memref_squeeze %dma_start3A_805 : memref<1x1x1x8x128xf32, #tpu.memory_space<hbm>> -> memref<8x128xf32, #tpu.memory_space<hbm>>
      %dma_start3A_807 = arith.constant 0 : i32
      %dma_start3A_808 = arith.constant 0 : i32
      %dma_start3A_809 = tpu.memref_slice %arg4[%div3A_751, %dma_start3A_799, %rem3A_753, %dma_start3A_807, %dma_start3A_808] : memref<50x8x128x8x128xf32, #tpu.memory_space<hbm>> -> memref<1x1x1x8x128xf32, #tpu.memory_space<hbm>>
      %dma_start3A_810 = tpu.memref_squeeze %dma_start3A_809 : memref<1x1x1x8x128xf32, #tpu.memory_space<hbm>> -> memref<8x128xf32, #tpu.memory_space<hbm>>
      %dma_start3A_811 = arith.constant 24 : i32
      %dma_start3A_812 = arith.constant 0 : i32
      %dma_start3A_813 = tpu.memref_slice %arg10[%dma_start3A_811, %dma_start3A_812] : memref<64x129xf32, #tpu.memory_space<vmem>> -> memref<8x128xf32, #tpu.memory_space<vmem>>
      tpu.enqueue_dma source(%dma_start3A_813 : memref<8x128xf32, #tpu.memory_space<vmem>>) target(%dma_start3A_810 : memref<8x128xf32, #tpu.memory_space<hbm>>) target_semaphore(%arg13 : memref<!tpu.dma_semaphore, #tpu.memory_space<semaphore_mem>>)
      %dma_start3A_814 = arith.constant 4 : i32
      %dma_start3A_815 = arith.constant 32 : i32
      %dma_start3A_816 = arith.constant 0 : i32
      %dma_start3A_817 = tpu.memref_slice %arg10[%dma_start3A_815, %dma_start3A_816] : memref<64x129xf32, #tpu.memory_space<vmem>> -> memref<8x128xf32, #tpu.memory_space<vmem>>
      %dma_start3A_818 = arith.constant 0 : i32
      %dma_start3A_819 = arith.constant 0 : i32
      %dma_start3A_820 = tpu.memref_slice %arg4[%div3A_751, %dma_start3A_814, %rem3A_753, %dma_start3A_818, %dma_start3A_819] : memref<50x8x128x8x128xf32, #tpu.memory_space<hbm>> -> memref<1x1x1x8x128xf32, #tpu.memory_space<hbm>>
      %dma_start3A_821 = tpu.memref_squeeze %dma_start3A_820 : memref<1x1x1x8x128xf32, #tpu.memory_space<hbm>> -> memref<8x128xf32, #tpu.memory_space<hbm>>
      %dma_start3A_822 = arith.constant 0 : i32
      %dma_start3A_823 = arith.constant 0 : i32
      %dma_start3A_824 = tpu.memref_slice %arg4[%div3A_751, %dma_start3A_814, %rem3A_753, %dma_start3A_822, %dma_start3A_823] : memref<50x8x128x8x128xf32, #tpu.memory_space<hbm>> -> memref<1x1x1x8x128xf32, #tpu.memory_space<hbm>>
      %dma_start3A_825 = tpu.memref_squeeze %dma_start3A_824 : memref<1x1x1x8x128xf32, #tpu.memory_space<hbm>> -> memref<8x128xf32, #tpu.memory_space<hbm>>
      %dma_start3A_826 = arith.constant 32 : i32
      %dma_start3A_827 = arith.constant 0 : i32
      %dma_start3A_828 = tpu.memref_slice %arg10[%dma_start3A_826, %dma_start3A_827] : memref<64x129xf32, #tpu.memory_space<vmem>> -> memref<8x128xf32, #tpu.memory_space<vmem>>
      tpu.enqueue_dma source(%dma_start3A_828 : memref<8x128xf32, #tpu.memory_space<vmem>>) target(%dma_start3A_825 : memref<8x128xf32, #tpu.memory_space<hbm>>) target_semaphore(%arg13 : memref<!tpu.dma_semaphore, #tpu.memory_space<semaphore_mem>>)
      %dma_start3A_829 = arith.constant 5 : i32
      %dma_start3A_830 = arith.constant 40 : i32
      %dma_start3A_831 = arith.constant 0 : i32
      %dma_start3A_832 = tpu.memref_slice %arg10[%dma_start3A_830, %dma_start3A_831] : memref<64x129xf32, #tpu.memory_space<vmem>> -> memref<8x128xf32, #tpu.memory_space<vmem>>
      %dma_start3A_833 = arith.constant 0 : i32
      %dma_start3A_834 = arith.constant 0 : i32
      %dma_start3A_835 = tpu.memref_slice %arg4[%div3A_751, %dma_start3A_829, %rem3A_753, %dma_start3A_833, %dma_start3A_834] : memref<50x8x128x8x128xf32, #tpu.memory_space<hbm>> -> memref<1x1x1x8x128xf32, #tpu.memory_space<hbm>>
      %dma_start3A_836 = tpu.memref_squeeze %dma_start3A_835 : memref<1x1x1x8x128xf32, #tpu.memory_space<hbm>> -> memref<8x128xf32, #tpu.memory_space<hbm>>
      %dma_start3A_837 = arith.constant 0 : i32
      %dma_start3A_838 = arith.constant 0 : i32
      %dma_start3A_839 = tpu.memref_slice %arg4[%div3A_751, %dma_start3A_829, %rem3A_753, %dma_start3A_837, %dma_start3A_838] : memref<50x8x128x8x128xf32, #tpu.memory_space<hbm>> -> memref<1x1x1x8x128xf32, #tpu.memory_space<hbm>>
      %dma_start3A_840 = tpu.memref_squeeze %dma_start3A_839 : memref<1x1x1x8x128xf32, #tpu.memory_space<hbm>> -> memref<8x128xf32, #tpu.memory_space<hbm>>
      %dma_start3A_841 = arith.constant 40 : i32
      %dma_start3A_842 = arith.constant 0 : i32
      %dma_start3A_843 = tpu.memref_slice %arg10[%dma_start3A_841, %dma_start3A_842] : memref<64x129xf32, #tpu.memory_space<vmem>> -> memref<8x128xf32, #tpu.memory_space<vmem>>
      tpu.enqueue_dma source(%dma_start3A_843 : memref<8x128xf32, #tpu.memory_space<vmem>>) target(%dma_start3A_840 : memref<8x128xf32, #tpu.memory_space<hbm>>) target_semaphore(%arg13 : memref<!tpu.dma_semaphore, #tpu.memory_space<semaphore_mem>>)
      %dma_start3A_844 = arith.constant 6 : i32
      %dma_start3A_845 = arith.constant 48 : i32
      %dma_start3A_846 = arith.constant 0 : i32
      %dma_start3A_847 = tpu.memref_slice %arg10[%dma_start3A_845, %dma_start3A_846] : memref<64x129xf32, #tpu.memory_space<vmem>> -> memref<8x128xf32, #tpu.memory_space<vmem>>
      %dma_start3A_848 = arith.constant 0 : i32
      %dma_start3A_849 = arith.constant 0 : i32
      %dma_start3A_850 = tpu.memref_slice %arg4[%div3A_751, %dma_start3A_844, %rem3A_753, %dma_start3A_848, %dma_start3A_849] : memref<50x8x128x8x128xf32, #tpu.memory_space<hbm>> -> memref<1x1x1x8x128xf32, #tpu.memory_space<hbm>>
      %dma_start3A_851 = tpu.memref_squeeze %dma_start3A_850 : memref<1x1x1x8x128xf32, #tpu.memory_space<hbm>> -> memref<8x128xf32, #tpu.memory_space<hbm>>
      %dma_start3A_852 = arith.constant 0 : i32
      %dma_start3A_853 = arith.constant 0 : i32
      %dma_start3A_854 = tpu.memref_slice %arg4[%div3A_751, %dma_start3A_844, %rem3A_753, %dma_start3A_852, %dma_start3A_853] : memref<50x8x128x8x128xf32, #tpu.memory_space<hbm>> -> memref<1x1x1x8x128xf32, #tpu.memory_space<hbm>>
      %dma_start3A_855 = tpu.memref_squeeze %dma_start3A_854 : memref<1x1x1x8x128xf32, #tpu.memory_space<hbm>> -> memref<8x128xf32, #tpu.memory_space<hbm>>
      %dma_start3A_856 = arith.constant 48 : i32
      %dma_start3A_857 = arith.constant 0 : i32
      %dma_start3A_858 = tpu.memref_slice %arg10[%dma_start3A_856, %dma_start3A_857] : memref<64x129xf32, #tpu.memory_space<vmem>> -> memref<8x128xf32, #tpu.memory_space<vmem>>
      tpu.enqueue_dma source(%dma_start3A_858 : memref<8x128xf32, #tpu.memory_space<vmem>>) target(%dma_start3A_855 : memref<8x128xf32, #tpu.memory_space<hbm>>) target_semaphore(%arg13 : memref<!tpu.dma_semaphore, #tpu.memory_space<semaphore_mem>>)
      %dma_start3A_859 = arith.constant 7 : i32
      %dma_start3A_860 = arith.constant 56 : i32
      %dma_start3A_861 = arith.constant 0 : i32
      %dma_start3A_862 = tpu.memref_slice %arg10[%dma_start3A_860, %dma_start3A_861] : memref<64x129xf32, #tpu.memory_space<vmem>> -> memref<8x128xf32, #tpu.memory_space<vmem>>
      %dma_start3A_863 = arith.constant 0 : i32
      %dma_start3A_864 = arith.constant 0 : i32
      %dma_start3A_865 = tpu.memref_slice %arg4[%div3A_751, %dma_start3A_859, %rem3A_753, %dma_start3A_863, %dma_start3A_864] : memref<50x8x128x8x128xf32, #tpu.memory_space<hbm>> -> memref<1x1x1x8x128xf32, #tpu.memory_space<hbm>>
      %dma_start3A_866 = tpu.memref_squeeze %dma_start3A_865 : memref<1x1x1x8x128xf32, #tpu.memory_space<hbm>> -> memref<8x128xf32, #tpu.memory_space<hbm>>
      %dma_start3A_867 = arith.constant 0 : i32
      %dma_start3A_868 = arith.constant 0 : i32
      %dma_start3A_869 = tpu.memref_slice %arg4[%div3A_751, %dma_start3A_859, %rem3A_753, %dma_start3A_867, %dma_start3A_868] : memref<50x8x128x8x128xf32, #tpu.memory_space<hbm>> -> memref<1x1x1x8x128xf32, #tpu.memory_space<hbm>>
      %dma_start3A_870 = tpu.memref_squeeze %dma_start3A_869 : memref<1x1x1x8x128xf32, #tpu.memory_space<hbm>> -> memref<8x128xf32, #tpu.memory_space<hbm>>
      %dma_start3A_871 = arith.constant 56 : i32
      %dma_start3A_872 = arith.constant 0 : i32
      %dma_start3A_873 = tpu.memref_slice %arg10[%dma_start3A_871, %dma_start3A_872] : memref<64x129xf32, #tpu.memory_space<vmem>> -> memref<8x128xf32, #tpu.memory_space<vmem>>
      tpu.enqueue_dma source(%dma_start3A_873 : memref<8x128xf32, #tpu.memory_space<vmem>>) target(%dma_start3A_870 : memref<8x128xf32, #tpu.memory_space<hbm>>) target_semaphore(%arg13 : memref<!tpu.dma_semaphore, #tpu.memory_space<semaphore_mem>>)
      %mul3A_874 = arith.constant 4 : i32
      %mul3A_875 = arith.muli %add3A_292, %mul3A_874 : i32
      %add3A_876 = arith.constant 3 : i32
      %add3A_877 = arith.addi %mul3A_875, %add3A_876 : i32
      %add3A_878 = arith.constant 3 : i32
      %add3A_879 = arith.addi %add3A_877, %add3A_878 : i32
      %lt3A_880 = arith.constant 200 : i32
      %lt3A_881 = arith.cmpi slt, %add3A_879, %lt3A_880 : i32
      %convert_element_type3A_882 = arith.extui %lt3A_881 : i1 to i32
      %cond3A_883 = arith.constant 0 : i32
      %cond3A_884 = arith.cmpi ne, %convert_element_type3A_882, %cond3A_883 : i32
      scf.if %cond3A_884 {
        %add3A_1151 = arith.constant 3 : i32
        %add3A_1152 = arith.addi %add3A_877, %add3A_1151 : i32
        %dma_start3A_1153 = arith.constant 0 : i32
        %dma_start3A_1154 = tpu.memref_slice %arg5[%add3A_1152, %dma_start3A_1153] : memref<200x128xi32, #tpu.memory_space<vmem>> -> memref<1x128xi32, #tpu.memory_space<vmem>>
        %dma_start3A_1155 = tpu.memref_squeeze %dma_start3A_1154 : memref<1x128xi32, #tpu.memory_space<vmem>> -> memref<128xi32, #tpu.memory_space<vmem>>
        %dma_start3A_1156 = arith.constant 0 : i32
        %dma_start3A_1157 = arith.constant 0 : i32
        %dma_start3A_1158 = tpu.memref_slice %arg3[%dma_start3A_1156, %dma_start3A_1157] : memref<1000000x64xf32, #tpu.memory_space<hbm>> -> memref<1000000x64xf32, #tpu.memory_space<hbm>>
        tpu.enqueue_indirect_dma source(%dma_start3A_1158 : memref<1000000x64xf32, #tpu.memory_space<hbm>>) target(%arg8 : memref<128x64xf32, #tpu.memory_space<vmem>>) offsets(%dma_start3A_1155 : memref<128xi32, #tpu.memory_space<vmem>>) semaphore(%arg12 : memref<!tpu.dma_semaphore, #tpu.memory_space<semaphore_mem>>)
      } else {
      }
      %dma_wait3A_885 = arith.constant 0 : i32
      %dma_wait3A_886 = tpu.memref_slice %arg5[%add3A_877, %dma_wait3A_885] : memref<200x128xi32, #tpu.memory_space<vmem>> -> memref<1x128xi32, #tpu.memory_space<vmem>>
      %dma_wait3A_887 = tpu.memref_squeeze %dma_wait3A_886 : memref<1x128xi32, #tpu.memory_space<vmem>> -> memref<128xi32, #tpu.memory_space<vmem>>
      %dma_wait3A_888 = arith.constant 0 : i32
      %dma_wait3A_889 = arith.constant 0 : i32
      %dma_wait3A_890 = tpu.memref_slice %arg3[%dma_wait3A_888, %dma_wait3A_889] : memref<1000000x64xf32, #tpu.memory_space<hbm>> -> memref<1000000x64xf32, #tpu.memory_space<hbm>>
      tpu.wait_indirect_dma semaphore(%arg12 : memref<!tpu.dma_semaphore, #tpu.memory_space<semaphore_mem>>) src(%dma_wait3A_890 : memref<1000000x64xf32, #tpu.memory_space<hbm>>) dst(%arg9 : memref<128x64xf32, #tpu.memory_space<vmem>>)
      %sub3A_891 = arith.constant 2 : i32
      %sub3A_892 = arith.subi %add3A_877, %sub3A_891 : i32
      %add3A_893 = arith.addi %mul3A_2, %sub3A_892 : i32
      %div3A_894 = arith.constant 128 : i32
      %div3A_895 = arith.divsi %add3A_893, %div3A_894 : i32
      %rem3A_896 = arith.constant 128 : i32
      %rem3A_897 = arith.remsi %add3A_893, %rem3A_896 : i32
      %dma_wait3A_898 = arith.constant 0 : i32
      %dma_wait3A_899 = arith.constant 0 : i32
      %dma_wait3A_900 = arith.constant 0 : i32
      %dma_wait3A_901 = tpu.memref_slice %arg11[%dma_wait3A_899, %dma_wait3A_900] : memref<64x129xf32, #tpu.memory_space<vmem>> -> memref<8x128xf32, #tpu.memory_space<vmem>>
      %dma_wait3A_902 = arith.constant 0 : i32
      %dma_wait3A_903 = arith.constant 0 : i32
      %dma_wait3A_904 = tpu.memref_slice %arg4[%div3A_895, %dma_wait3A_898, %rem3A_897, %dma_wait3A_902, %dma_wait3A_903] : memref<50x8x128x8x128xf32, #tpu.memory_space<hbm>> -> memref<1x1x1x8x128xf32, #tpu.memory_space<hbm>>
      %dma_wait3A_905 = tpu.memref_squeeze %dma_wait3A_904 : memref<1x1x1x8x128xf32, #tpu.memory_space<hbm>> -> memref<8x128xf32, #tpu.memory_space<hbm>>
      %dma_wait3A_906 = arith.constant 0 : i32
      %dma_wait3A_907 = arith.constant 0 : i32
      %dma_wait3A_908 = tpu.memref_slice %arg4[%div3A_895, %dma_wait3A_898, %rem3A_897, %dma_wait3A_906, %dma_wait3A_907] : memref<50x8x128x8x128xf32, #tpu.memory_space<hbm>> -> memref<1x1x1x8x128xf32, #tpu.memory_space<hbm>>
      %dma_wait3A_909 = tpu.memref_squeeze %dma_wait3A_908 : memref<1x1x1x8x128xf32, #tpu.memory_space<hbm>> -> memref<8x128xf32, #tpu.memory_space<hbm>>
      %dma_wait3A_910 = arith.constant 0 : i32
      %dma_wait3A_911 = arith.constant 0 : i32
      %dma_wait3A_912 = tpu.memref_slice %arg11[%dma_wait3A_910, %dma_wait3A_911] : memref<64x129xf32, #tpu.memory_space<vmem>> -> memref<8x128xf32, #tpu.memory_space<vmem>>
      tpu.wait_dma2 semaphore(%arg13 : memref<!tpu.dma_semaphore, #tpu.memory_space<semaphore_mem>>) src(%dma_wait3A_912 : memref<8x128xf32, #tpu.memory_space<vmem>>) dst(%dma_wait3A_909 : memref<8x128xf32, #tpu.memory_space<hbm>>)
      %dma_wait3A_913 = arith.constant 1 : i32
      %dma_wait3A_914 = arith.constant 8 : i32
      %dma_wait3A_915 = arith.constant 0 : i32
      %dma_wait3A_916 = tpu.memref_slice %arg11[%dma_wait3A_914, %dma_wait3A_915] : memref<64x129xf32, #tpu.memory_space<vmem>> -> memref<8x128xf32, #tpu.memory_space<vmem>>
      %dma_wait3A_917 = arith.constant 0 : i32
      %dma_wait3A_918 = arith.constant 0 : i32
      %dma_wait3A_919 = tpu.memref_slice %arg4[%div3A_895, %dma_wait3A_913, %rem3A_897, %dma_wait3A_917, %dma_wait3A_918] : memref<50x8x128x8x128xf32, #tpu.memory_space<hbm>> -> memref<1x1x1x8x128xf32, #tpu.memory_space<hbm>>
      %dma_wait3A_920 = tpu.memref_squeeze %dma_wait3A_919 : memref<1x1x1x8x128xf32, #tpu.memory_space<hbm>> -> memref<8x128xf32, #tpu.memory_space<hbm>>
      %dma_wait3A_921 = arith.constant 0 : i32
      %dma_wait3A_922 = arith.constant 0 : i32
      %dma_wait3A_923 = tpu.memref_slice %arg4[%div3A_895, %dma_wait3A_913, %rem3A_897, %dma_wait3A_921, %dma_wait3A_922] : memref<50x8x128x8x128xf32, #tpu.memory_space<hbm>> -> memref<1x1x1x8x128xf32, #tpu.memory_space<hbm>>
      %dma_wait3A_924 = tpu.memref_squeeze %dma_wait3A_923 : memref<1x1x1x8x128xf32, #tpu.memory_space<hbm>> -> memref<8x128xf32, #tpu.memory_space<hbm>>
      %dma_wait3A_925 = arith.constant 8 : i32
      %dma_wait3A_926 = arith.constant 0 : i32
      %dma_wait3A_927 = tpu.memref_slice %arg11[%dma_wait3A_925, %dma_wait3A_926] : memref<64x129xf32, #tpu.memory_space<vmem>> -> memref<8x128xf32, #tpu.memory_space<vmem>>
      tpu.wait_dma2 semaphore(%arg13 : memref<!tpu.dma_semaphore, #tpu.memory_space<semaphore_mem>>) src(%dma_wait3A_927 : memref<8x128xf32, #tpu.memory_space<vmem>>) dst(%dma_wait3A_924 : memref<8x128xf32, #tpu.memory_space<hbm>>)
      %dma_wait3A_928 = arith.constant 2 : i32
      %dma_wait3A_929 = arith.constant 16 : i32
      %dma_wait3A_930 = arith.constant 0 : i32
      %dma_wait3A_931 = tpu.memref_slice %arg11[%dma_wait3A_929, %dma_wait3A_930] : memref<64x129xf32, #tpu.memory_space<vmem>> -> memref<8x128xf32, #tpu.memory_space<vmem>>
      %dma_wait3A_932 = arith.constant 0 : i32
      %dma_wait3A_933 = arith.constant 0 : i32
      %dma_wait3A_934 = tpu.memref_slice %arg4[%div3A_895, %dma_wait3A_928, %rem3A_897, %dma_wait3A_932, %dma_wait3A_933] : memref<50x8x128x8x128xf32, #tpu.memory_space<hbm>> -> memref<1x1x1x8x128xf32, #tpu.memory_space<hbm>>
      %dma_wait3A_935 = tpu.memref_squeeze %dma_wait3A_934 : memref<1x1x1x8x128xf32, #tpu.memory_space<hbm>> -> memref<8x128xf32, #tpu.memory_space<hbm>>
      %dma_wait3A_936 = arith.constant 0 : i32
      %dma_wait3A_937 = arith.constant 0 : i32
      %dma_wait3A_938 = tpu.memref_slice %arg4[%div3A_895, %dma_wait3A_928, %rem3A_897, %dma_wait3A_936, %dma_wait3A_937] : memref<50x8x128x8x128xf32, #tpu.memory_space<hbm>> -> memref<1x1x1x8x128xf32, #tpu.memory_space<hbm>>
      %dma_wait3A_939 = tpu.memref_squeeze %dma_wait3A_938 : memref<1x1x1x8x128xf32, #tpu.memory_space<hbm>> -> memref<8x128xf32, #tpu.memory_space<hbm>>
      %dma_wait3A_940 = arith.constant 16 : i32
      %dma_wait3A_941 = arith.constant 0 : i32
      %dma_wait3A_942 = tpu.memref_slice %arg11[%dma_wait3A_940, %dma_wait3A_941] : memref<64x129xf32, #tpu.memory_space<vmem>> -> memref<8x128xf32, #tpu.memory_space<vmem>>
      tpu.wait_dma2 semaphore(%arg13 : memref<!tpu.dma_semaphore, #tpu.memory_space<semaphore_mem>>) src(%dma_wait3A_942 : memref<8x128xf32, #tpu.memory_space<vmem>>) dst(%dma_wait3A_939 : memref<8x128xf32, #tpu.memory_space<hbm>>)
      %dma_wait3A_943 = arith.constant 3 : i32
      %dma_wait3A_944 = arith.constant 24 : i32
      %dma_wait3A_945 = arith.constant 0 : i32
      %dma_wait3A_946 = tpu.memref_slice %arg11[%dma_wait3A_944, %dma_wait3A_945] : memref<64x129xf32, #tpu.memory_space<vmem>> -> memref<8x128xf32, #tpu.memory_space<vmem>>
      %dma_wait3A_947 = arith.constant 0 : i32
      %dma_wait3A_948 = arith.constant 0 : i32
      %dma_wait3A_949 = tpu.memref_slice %arg4[%div3A_895, %dma_wait3A_943, %rem3A_897, %dma_wait3A_947, %dma_wait3A_948] : memref<50x8x128x8x128xf32, #tpu.memory_space<hbm>> -> memref<1x1x1x8x128xf32, #tpu.memory_space<hbm>>
      %dma_wait3A_950 = tpu.memref_squeeze %dma_wait3A_949 : memref<1x1x1x8x128xf32, #tpu.memory_space<hbm>> -> memref<8x128xf32, #tpu.memory_space<hbm>>
      %dma_wait3A_951 = arith.constant 0 : i32
      %dma_wait3A_952 = arith.constant 0 : i32
      %dma_wait3A_953 = tpu.memref_slice %arg4[%div3A_895, %dma_wait3A_943, %rem3A_897, %dma_wait3A_951, %dma_wait3A_952] : memref<50x8x128x8x128xf32, #tpu.memory_space<hbm>> -> memref<1x1x1x8x128xf32, #tpu.memory_space<hbm>>
      %dma_wait3A_954 = tpu.memref_squeeze %dma_wait3A_953 : memref<1x1x1x8x128xf32, #tpu.memory_space<hbm>> -> memref<8x128xf32, #tpu.memory_space<hbm>>
      %dma_wait3A_955 = arith.constant 24 : i32
      %dma_wait3A_956 = arith.constant 0 : i32
      %dma_wait3A_957 = tpu.memref_slice %arg11[%dma_wait3A_955, %dma_wait3A_956] : memref<64x129xf32, #tpu.memory_space<vmem>> -> memref<8x128xf32, #tpu.memory_space<vmem>>
      tpu.wait_dma2 semaphore(%arg13 : memref<!tpu.dma_semaphore, #tpu.memory_space<semaphore_mem>>) src(%dma_wait3A_957 : memref<8x128xf32, #tpu.memory_space<vmem>>) dst(%dma_wait3A_954 : memref<8x128xf32, #tpu.memory_space<hbm>>)
      %dma_wait3A_958 = arith.constant 4 : i32
      %dma_wait3A_959 = arith.constant 32 : i32
      %dma_wait3A_960 = arith.constant 0 : i32
      %dma_wait3A_961 = tpu.memref_slice %arg11[%dma_wait3A_959, %dma_wait3A_960] : memref<64x129xf32, #tpu.memory_space<vmem>> -> memref<8x128xf32, #tpu.memory_space<vmem>>
      %dma_wait3A_962 = arith.constant 0 : i32
      %dma_wait3A_963 = arith.constant 0 : i32
      %dma_wait3A_964 = tpu.memref_slice %arg4[%div3A_895, %dma_wait3A_958, %rem3A_897, %dma_wait3A_962, %dma_wait3A_963] : memref<50x8x128x8x128xf32, #tpu.memory_space<hbm>> -> memref<1x1x1x8x128xf32, #tpu.memory_space<hbm>>
      %dma_wait3A_965 = tpu.memref_squeeze %dma_wait3A_964 : memref<1x1x1x8x128xf32, #tpu.memory_space<hbm>> -> memref<8x128xf32, #tpu.memory_space<hbm>>
      %dma_wait3A_966 = arith.constant 0 : i32
      %dma_wait3A_967 = arith.constant 0 : i32
      %dma_wait3A_968 = tpu.memref_slice %arg4[%div3A_895, %dma_wait3A_958, %rem3A_897, %dma_wait3A_966, %dma_wait3A_967] : memref<50x8x128x8x128xf32, #tpu.memory_space<hbm>> -> memref<1x1x1x8x128xf32, #tpu.memory_space<hbm>>
      %dma_wait3A_969 = tpu.memref_squeeze %dma_wait3A_968 : memref<1x1x1x8x128xf32, #tpu.memory_space<hbm>> -> memref<8x128xf32, #tpu.memory_space<hbm>>
      %dma_wait3A_970 = arith.constant 32 : i32
      %dma_wait3A_971 = arith.constant 0 : i32
      %dma_wait3A_972 = tpu.memref_slice %arg11[%dma_wait3A_970, %dma_wait3A_971] : memref<64x129xf32, #tpu.memory_space<vmem>> -> memref<8x128xf32, #tpu.memory_space<vmem>>
      tpu.wait_dma2 semaphore(%arg13 : memref<!tpu.dma_semaphore, #tpu.memory_space<semaphore_mem>>) src(%dma_wait3A_972 : memref<8x128xf32, #tpu.memory_space<vmem>>) dst(%dma_wait3A_969 : memref<8x128xf32, #tpu.memory_space<hbm>>)
      %dma_wait3A_973 = arith.constant 5 : i32
      %dma_wait3A_974 = arith.constant 40 : i32
      %dma_wait3A_975 = arith.constant 0 : i32
      %dma_wait3A_976 = tpu.memref_slice %arg11[%dma_wait3A_974, %dma_wait3A_975] : memref<64x129xf32, #tpu.memory_space<vmem>> -> memref<8x128xf32, #tpu.memory_space<vmem>>
      %dma_wait3A_977 = arith.constant 0 : i32
      %dma_wait3A_978 = arith.constant 0 : i32
      %dma_wait3A_979 = tpu.memref_slice %arg4[%div3A_895, %dma_wait3A_973, %rem3A_897, %dma_wait3A_977, %dma_wait3A_978] : memref<50x8x128x8x128xf32, #tpu.memory_space<hbm>> -> memref<1x1x1x8x128xf32, #tpu.memory_space<hbm>>
      %dma_wait3A_980 = tpu.memref_squeeze %dma_wait3A_979 : memref<1x1x1x8x128xf32, #tpu.memory_space<hbm>> -> memref<8x128xf32, #tpu.memory_space<hbm>>
      %dma_wait3A_981 = arith.constant 0 : i32
      %dma_wait3A_982 = arith.constant 0 : i32
      %dma_wait3A_983 = tpu.memref_slice %arg4[%div3A_895, %dma_wait3A_973, %rem3A_897, %dma_wait3A_981, %dma_wait3A_982] : memref<50x8x128x8x128xf32, #tpu.memory_space<hbm>> -> memref<1x1x1x8x128xf32, #tpu.memory_space<hbm>>
      %dma_wait3A_984 = tpu.memref_squeeze %dma_wait3A_983 : memref<1x1x1x8x128xf32, #tpu.memory_space<hbm>> -> memref<8x128xf32, #tpu.memory_space<hbm>>
      %dma_wait3A_985 = arith.constant 40 : i32
      %dma_wait3A_986 = arith.constant 0 : i32
      %dma_wait3A_987 = tpu.memref_slice %arg11[%dma_wait3A_985, %dma_wait3A_986] : memref<64x129xf32, #tpu.memory_space<vmem>> -> memref<8x128xf32, #tpu.memory_space<vmem>>
      tpu.wait_dma2 semaphore(%arg13 : memref<!tpu.dma_semaphore, #tpu.memory_space<semaphore_mem>>) src(%dma_wait3A_987 : memref<8x128xf32, #tpu.memory_space<vmem>>) dst(%dma_wait3A_984 : memref<8x128xf32, #tpu.memory_space<hbm>>)
      %dma_wait3A_988 = arith.constant 6 : i32
      %dma_wait3A_989 = arith.constant 48 : i32
      %dma_wait3A_990 = arith.constant 0 : i32
      %dma_wait3A_991 = tpu.memref_slice %arg11[%dma_wait3A_989, %dma_wait3A_990] : memref<64x129xf32, #tpu.memory_space<vmem>> -> memref<8x128xf32, #tpu.memory_space<vmem>>
      %dma_wait3A_992 = arith.constant 0 : i32
      %dma_wait3A_993 = arith.constant 0 : i32
      %dma_wait3A_994 = tpu.memref_slice %arg4[%div3A_895, %dma_wait3A_988, %rem3A_897, %dma_wait3A_992, %dma_wait3A_993] : memref<50x8x128x8x128xf32, #tpu.memory_space<hbm>> -> memref<1x1x1x8x128xf32, #tpu.memory_space<hbm>>
      %dma_wait3A_995 = tpu.memref_squeeze %dma_wait3A_994 : memref<1x1x1x8x128xf32, #tpu.memory_space<hbm>> -> memref<8x128xf32, #tpu.memory_space<hbm>>
      %dma_wait3A_996 = arith.constant 0 : i32
      %dma_wait3A_997 = arith.constant 0 : i32
      %dma_wait3A_998 = tpu.memref_slice %arg4[%div3A_895, %dma_wait3A_988, %rem3A_897, %dma_wait3A_996, %dma_wait3A_997] : memref<50x8x128x8x128xf32, #tpu.memory_space<hbm>> -> memref<1x1x1x8x128xf32, #tpu.memory_space<hbm>>
      %dma_wait3A_999 = tpu.memref_squeeze %dma_wait3A_998 : memref<1x1x1x8x128xf32, #tpu.memory_space<hbm>> -> memref<8x128xf32, #tpu.memory_space<hbm>>
      %dma_wait3A_1000 = arith.constant 48 : i32
      %dma_wait3A_1001 = arith.constant 0 : i32
      %dma_wait3A_1002 = tpu.memref_slice %arg11[%dma_wait3A_1000, %dma_wait3A_1001] : memref<64x129xf32, #tpu.memory_space<vmem>> -> memref<8x128xf32, #tpu.memory_space<vmem>>
      tpu.wait_dma2 semaphore(%arg13 : memref<!tpu.dma_semaphore, #tpu.memory_space<semaphore_mem>>) src(%dma_wait3A_1002 : memref<8x128xf32, #tpu.memory_space<vmem>>) dst(%dma_wait3A_999 : memref<8x128xf32, #tpu.memory_space<hbm>>)
      %dma_wait3A_1003 = arith.constant 7 : i32
      %dma_wait3A_1004 = arith.constant 56 : i32
      %dma_wait3A_1005 = arith.constant 0 : i32
      %dma_wait3A_1006 = tpu.memref_slice %arg11[%dma_wait3A_1004, %dma_wait3A_1005] : memref<64x129xf32, #tpu.memory_space<vmem>> -> memref<8x128xf32, #tpu.memory_space<vmem>>
      %dma_wait3A_1007 = arith.constant 0 : i32
      %dma_wait3A_1008 = arith.constant 0 : i32
      %dma_wait3A_1009 = tpu.memref_slice %arg4[%div3A_895, %dma_wait3A_1003, %rem3A_897, %dma_wait3A_1007, %dma_wait3A_1008] : memref<50x8x128x8x128xf32, #tpu.memory_space<hbm>> -> memref<1x1x1x8x128xf32, #tpu.memory_space<hbm>>
      %dma_wait3A_1010 = tpu.memref_squeeze %dma_wait3A_1009 : memref<1x1x1x8x128xf32, #tpu.memory_space<hbm>> -> memref<8x128xf32, #tpu.memory_space<hbm>>
      %dma_wait3A_1011 = arith.constant 0 : i32
      %dma_wait3A_1012 = arith.constant 0 : i32
      %dma_wait3A_1013 = tpu.memref_slice %arg4[%div3A_895, %dma_wait3A_1003, %rem3A_897, %dma_wait3A_1011, %dma_wait3A_1012] : memref<50x8x128x8x128xf32, #tpu.memory_space<hbm>> -> memref<1x1x1x8x128xf32, #tpu.memory_space<hbm>>
      %dma_wait3A_1014 = tpu.memref_squeeze %dma_wait3A_1013 : memref<1x1x1x8x128xf32, #tpu.memory_space<hbm>> -> memref<8x128xf32, #tpu.memory_space<hbm>>
      %dma_wait3A_1015 = arith.constant 56 : i32
      %dma_wait3A_1016 = arith.constant 0 : i32
      %dma_wait3A_1017 = tpu.memref_slice %arg11[%dma_wait3A_1015, %dma_wait3A_1016] : memref<64x129xf32, #tpu.memory_space<vmem>> -> memref<8x128xf32, #tpu.memory_space<vmem>>
      tpu.wait_dma2 semaphore(%arg13 : memref<!tpu.dma_semaphore, #tpu.memory_space<semaphore_mem>>) src(%dma_wait3A_1017 : memref<8x128xf32, #tpu.memory_space<vmem>>) dst(%dma_wait3A_1014 : memref<8x128xf32, #tpu.memory_space<hbm>>)
      %broadcast_in_dim3A_1018 = arith.constant 0 : i32
      %broadcast_in_dim3A_1019 = vector.broadcast %broadcast_in_dim3A_1018 : i32 to vector<16xi32>
      %scan3A_1020 = arith.constant 0 : i32
      %scan3A_1021 = arith.constant 64 : i32
      %scan3A_1022 = arith.addi %scan3A_1020, %scan3A_1021 : i32
      %scan3A_1023 = arith.constant 2 : i32
      %scan3A_1024 = scf.for %scan3A_1151 = %scan3A_1020 to %scan3A_1022 step %scan3A_1023 iter_args(%scan3A_1152 = %broadcast_in_dim3A_1019) -> (vector<16xi32>)  : i32 {
        %mul3A_1153 = arith.constant 2 : i32
        %mul3A_1154 = arith.muli %scan3A_1151, %mul3A_1153 : i32
        %add3A_1155 = arith.constant 0 : i32
        %add3A_1156 = arith.addi %add3A_1155, %mul3A_1154 : i32
        %get3A = arith.index_cast %add3A_1156 : i32 to index
        %get3A_1157 = arith.constant 0 : index
        %get3A_1158 = tpu.vector_load %arg9[%get3A, %get3A_1157] {strides = array<i32>} : memref<128x64xf32, #tpu.memory_space<vmem>>, vector<16xf32>,
        %get3A_1159 = arith.index_cast %add3A_1156 : i32 to index
        %get3A_1160 = arith.constant 16 : index
        %get3A_1161 = tpu.vector_load %arg9[%get3A_1159, %get3A_1160] {strides = array<i32>} : memref<128x64xf32, #tpu.memory_space<vmem>>, vector<16xf32>,
        %get3A_1162 = arith.index_cast %add3A_1156 : i32 to index
        %get3A_1163 = arith.constant 32 : index
        %get3A_1164 = tpu.vector_load %arg9[%get3A_1162, %get3A_1163] {strides = array<i32>} : memref<128x64xf32, #tpu.memory_space<vmem>>, vector<16xf32>,
        %get3A_1165 = arith.index_cast %add3A_1156 : i32 to index
        %get3A_1166 = arith.constant 48 : index
        %get3A_1167 = tpu.vector_load %arg9[%get3A_1165, %get3A_1166] {strides = array<i32>} : memref<128x64xf32, #tpu.memory_space<vmem>>, vector<16xf32>,
        %add3A_1168 = arith.constant 1 : i32
        %add3A_1169 = arith.addi %add3A_1156, %add3A_1168 : i32
        %get3A_1170 = arith.index_cast %add3A_1169 : i32 to index
        %get3A_1171 = arith.constant 0 : index
        %get3A_1172 = tpu.vector_load %arg9[%get3A_1170, %get3A_1171] {strides = array<i32>} : memref<128x64xf32, #tpu.memory_space<vmem>>, vector<16xf32>,
        %add3A_1173 = arith.constant 1 : i32
        %add3A_1174 = arith.addi %add3A_1156, %add3A_1173 : i32
        %get3A_1175 = arith.index_cast %add3A_1174 : i32 to index
        %get3A_1176 = arith.constant 16 : index
        %get3A_1177 = tpu.vector_load %arg9[%get3A_1175, %get3A_1176] {strides = array<i32>} : memref<128x64xf32, #tpu.memory_space<vmem>>, vector<16xf32>,
        %add3A_1178 = arith.constant 1 : i32
        %add3A_1179 = arith.addi %add3A_1156, %add3A_1178 : i32
        %get3A_1180 = arith.index_cast %add3A_1179 : i32 to index
        %get3A_1181 = arith.constant 32 : index
        %get3A_1182 = tpu.vector_load %arg9[%get3A_1180, %get3A_1181] {strides = array<i32>} : memref<128x64xf32, #tpu.memory_space<vmem>>, vector<16xf32>,
        %add3A_1183 = arith.constant 1 : i32
        %add3A_1184 = arith.addi %add3A_1156, %add3A_1183 : i32
        %get3A_1185 = arith.index_cast %add3A_1184 : i32 to index
        %get3A_1186 = arith.constant 48 : index
        %get3A_1187 = tpu.vector_load %arg9[%get3A_1185, %get3A_1186] {strides = array<i32>} : memref<128x64xf32, #tpu.memory_space<vmem>>, vector<16xf32>,
        %add3A_1188 = arith.constant 1 : i32
        %add3A_1189 = vector.broadcast %add3A_1188 : i32 to vector<16xi32>
        %add3A_1190 = arith.addi %scan3A_1152, %add3A_1189 : vector<16xi32>
        tpu.vector_store_idx %arg11[%add3A_5, %scan3A_1152], %get3A_1158 : memref<64x129xf32, #tpu.memory_space<vmem>>[vector<16xi32>, vector<16xi32>], vector<16xf32>,
        tpu.vector_store_idx %arg11[%add3A_8, %scan3A_1152], %get3A_1161 : memref<64x129xf32, #tpu.memory_space<vmem>>[vector<16xi32>, vector<16xi32>], vector<16xf32>,
        tpu.vector_store_idx %arg11[%add3A_11, %scan3A_1152], %get3A_1164 : memref<64x129xf32, #tpu.memory_space<vmem>>[vector<16xi32>, vector<16xi32>], vector<16xf32>,
        tpu.vector_store_idx %arg11[%add3A_14, %scan3A_1152], %get3A_1167 : memref<64x129xf32, #tpu.memory_space<vmem>>[vector<16xi32>, vector<16xi32>], vector<16xf32>,
        tpu.vector_store_idx %arg11[%add3A_5, %add3A_1190], %get3A_1172 : memref<64x129xf32, #tpu.memory_space<vmem>>[vector<16xi32>, vector<16xi32>], vector<16xf32>,
        tpu.vector_store_idx %arg11[%add3A_8, %add3A_1190], %get3A_1177 : memref<64x129xf32, #tpu.memory_space<vmem>>[vector<16xi32>, vector<16xi32>], vector<16xf32>,
        tpu.vector_store_idx %arg11[%add3A_11, %add3A_1190], %get3A_1182 : memref<64x129xf32, #tpu.memory_space<vmem>>[vector<16xi32>, vector<16xi32>], vector<16xf32>,
        tpu.vector_store_idx %arg11[%add3A_14, %add3A_1190], %get3A_1187 : memref<64x129xf32, #tpu.memory_space<vmem>>[vector<16xi32>, vector<16xi32>], vector<16xf32>,
        %add3A_1191 = arith.constant 2 : i32
        %add3A_1192 = vector.broadcast %add3A_1191 : i32 to vector<16xi32>
        %add3A_1193 = arith.addi %scan3A_1152, %add3A_1192 : vector<16xi32>
        %scan3A_1194 = arith.constant 1 : i32
        %scan3A_1195 = arith.addi %scan3A_1151, %scan3A_1194 : i32
        %mul3A_1196 = arith.constant 2 : i32
        %mul3A_1197 = arith.muli %scan3A_1195, %mul3A_1196 : i32
        %add3A_1198 = arith.constant 0 : i32
        %add3A_1199 = arith.addi %add3A_1198, %mul3A_1197 : i32
        %get3A_1200 = arith.index_cast %add3A_1199 : i32 to index
        %get3A_1201 = arith.constant 0 : index
        %get3A_1202 = tpu.vector_load %arg9[%get3A_1200, %get3A_1201] {strides = array<i32>} : memref<128x64xf32, #tpu.memory_space<vmem>>, vector<16xf32>,
        %get3A_1203 = arith.index_cast %add3A_1199 : i32 to index
        %get3A_1204 = arith.constant 16 : index
        %get3A_1205 = tpu.vector_load %arg9[%get3A_1203, %get3A_1204] {strides = array<i32>} : memref<128x64xf32, #tpu.memory_space<vmem>>, vector<16xf32>,
        %get3A_1206 = arith.index_cast %add3A_1199 : i32 to index
        %get3A_1207 = arith.constant 32 : index
        %get3A_1208 = tpu.vector_load %arg9[%get3A_1206, %get3A_1207] {strides = array<i32>} : memref<128x64xf32, #tpu.memory_space<vmem>>, vector<16xf32>,
        %get3A_1209 = arith.index_cast %add3A_1199 : i32 to index
        %get3A_1210 = arith.constant 48 : index
        %get3A_1211 = tpu.vector_load %arg9[%get3A_1209, %get3A_1210] {strides = array<i32>} : memref<128x64xf32, #tpu.memory_space<vmem>>, vector<16xf32>,
        %add3A_1212 = arith.constant 1 : i32
        %add3A_1213 = arith.addi %add3A_1199, %add3A_1212 : i32
        %get3A_1214 = arith.index_cast %add3A_1213 : i32 to index
        %get3A_1215 = arith.constant 0 : index
        %get3A_1216 = tpu.vector_load %arg9[%get3A_1214, %get3A_1215] {strides = array<i32>} : memref<128x64xf32, #tpu.memory_space<vmem>>, vector<16xf32>,
        %add3A_1217 = arith.constant 1 : i32
        %add3A_1218 = arith.addi %add3A_1199, %add3A_1217 : i32
        %get3A_1219 = arith.index_cast %add3A_1218 : i32 to index
        %get3A_1220 = arith.constant 16 : index
        %get3A_1221 = tpu.vector_load %arg9[%get3A_1219, %get3A_1220] {strides = array<i32>} : memref<128x64xf32, #tpu.memory_space<vmem>>, vector<16xf32>,
        %add3A_1222 = arith.constant 1 : i32
        %add3A_1223 = arith.addi %add3A_1199, %add3A_1222 : i32
        %get3A_1224 = arith.index_cast %add3A_1223 : i32 to index
        %get3A_1225 = arith.constant 32 : index
        %get3A_1226 = tpu.vector_load %arg9[%get3A_1224, %get3A_1225] {strides = array<i32>} : memref<128x64xf32, #tpu.memory_space<vmem>>, vector<16xf32>,
        %add3A_1227 = arith.constant 1 : i32
        %add3A_1228 = arith.addi %add3A_1199, %add3A_1227 : i32
        %get3A_1229 = arith.index_cast %add3A_1228 : i32 to index
        %get3A_1230 = arith.constant 48 : index
        %get3A_1231 = tpu.vector_load %arg9[%get3A_1229, %get3A_1230] {strides = array<i32>} : memref<128x64xf32, #tpu.memory_space<vmem>>, vector<16xf32>,
        %add3A_1232 = arith.constant 1 : i32
        %add3A_1233 = vector.broadcast %add3A_1232 : i32 to vector<16xi32>
        %add3A_1234 = arith.addi %add3A_1193, %add3A_1233 : vector<16xi32>
        tpu.vector_store_idx %arg11[%add3A_5, %add3A_1193], %get3A_1202 : memref<64x129xf32, #tpu.memory_space<vmem>>[vector<16xi32>, vector<16xi32>], vector<16xf32>,
        tpu.vector_store_idx %arg11[%add3A_8, %add3A_1193], %get3A_1205 : memref<64x129xf32, #tpu.memory_space<vmem>>[vector<16xi32>, vector<16xi32>], vector<16xf32>,
        tpu.vector_store_idx %arg11[%add3A_11, %add3A_1193], %get3A_1208 : memref<64x129xf32, #tpu.memory_space<vmem>>[vector<16xi32>, vector<16xi32>], vector<16xf32>,
        tpu.vector_store_idx %arg11[%add3A_14, %add3A_1193], %get3A_1211 : memref<64x129xf32, #tpu.memory_space<vmem>>[vector<16xi32>, vector<16xi32>], vector<16xf32>,
        tpu.vector_store_idx %arg11[%add3A_5, %add3A_1234], %get3A_1216 : memref<64x129xf32, #tpu.memory_space<vmem>>[vector<16xi32>, vector<16xi32>], vector<16xf32>,
        tpu.vector_store_idx %arg11[%add3A_8, %add3A_1234], %get3A_1221 : memref<64x129xf32, #tpu.memory_space<vmem>>[vector<16xi32>, vector<16xi32>], vector<16xf32>,
        tpu.vector_store_idx %arg11[%add3A_11, %add3A_1234], %get3A_1226 : memref<64x129xf32, #tpu.memory_space<vmem>>[vector<16xi32>, vector<16xi32>], vector<16xf32>,
        tpu.vector_store_idx %arg11[%add3A_14, %add3A_1234], %get3A_1231 : memref<64x129xf32, #tpu.memory_space<vmem>>[vector<16xi32>, vector<16xi32>], vector<16xf32>,
        %add3A_1235 = arith.constant 2 : i32
        %add3A_1236 = vector.broadcast %add3A_1235 : i32 to vector<16xi32>
        %add3A_1237 = arith.addi %add3A_1193, %add3A_1236 : vector<16xi32>
        scf.yield %add3A_1237 : vector<16xi32>
      }
      %scan3A_1025 = arith.constant 64 : i32
      %add3A_1026 = arith.addi %mul3A_2, %add3A_877 : i32
      %div3A_1027 = arith.constant 128 : i32
      %div3A_1028 = arith.divsi %add3A_1026, %div3A_1027 : i32
      %rem3A_1029 = arith.constant 128 : i32
      %rem3A_1030 = arith.remsi %add3A_1026, %rem3A_1029 : i32
      %dma_start3A_1031 = arith.constant 0 : i32
      %dma_start3A_1032 = arith.constant 0 : i32
      %dma_start3A_1033 = arith.constant 0 : i32
      %dma_start3A_1034 = tpu.memref_slice %arg11[%dma_start3A_1032, %dma_start3A_1033] : memref<64x129xf32, #tpu.memory_space<vmem>> -> memref<8x128xf32, #tpu.memory_space<vmem>>
      %dma_start3A_1035 = arith.constant 0 : i32
      %dma_start3A_1036 = arith.constant 0 : i32
      %dma_start3A_1037 = tpu.memref_slice %arg4[%div3A_1028, %dma_start3A_1031, %rem3A_1030, %dma_start3A_1035, %dma_start3A_1036] : memref<50x8x128x8x128xf32, #tpu.memory_space<hbm>> -> memref<1x1x1x8x128xf32, #tpu.memory_space<hbm>>
      %dma_start3A_1038 = tpu.memref_squeeze %dma_start3A_1037 : memref<1x1x1x8x128xf32, #tpu.memory_space<hbm>> -> memref<8x128xf32, #tpu.memory_space<hbm>>
      %dma_start3A_1039 = arith.constant 0 : i32
      %dma_start3A_1040 = arith.constant 0 : i32
      %dma_start3A_1041 = tpu.memref_slice %arg4[%div3A_1028, %dma_start3A_1031, %rem3A_1030, %dma_start3A_1039, %dma_start3A_1040] : memref<50x8x128x8x128xf32, #tpu.memory_space<hbm>> -> memref<1x1x1x8x128xf32, #tpu.memory_space<hbm>>
      %dma_start3A_1042 = tpu.memref_squeeze %dma_start3A_1041 : memref<1x1x1x8x128xf32, #tpu.memory_space<hbm>> -> memref<8x128xf32, #tpu.memory_space<hbm>>
      %dma_start3A_1043 = arith.constant 0 : i32
      %dma_start3A_1044 = arith.constant 0 : i32
      %dma_start3A_1045 = tpu.memref_slice %arg11[%dma_start3A_1043, %dma_start3A_1044] : memref<64x129xf32, #tpu.memory_space<vmem>> -> memref<8x128xf32, #tpu.memory_space<vmem>>
      tpu.enqueue_dma source(%dma_start3A_1045 : memref<8x128xf32, #tpu.memory_space<vmem>>) target(%dma_start3A_1042 : memref<8x128xf32, #tpu.memory_space<hbm>>) target_semaphore(%arg13 : memref<!tpu.dma_semaphore, #tpu.memory_space<semaphore_mem>>)
      %dma_start3A_1046 = arith.constant 1 : i32
      %dma_start3A_1047 = arith.constant 8 : i32
      %dma_start3A_1048 = arith.constant 0 : i32
      %dma_start3A_1049 = tpu.memref_slice %arg11[%dma_start3A_1047, %dma_start3A_1048] : memref<64x129xf32, #tpu.memory_space<vmem>> -> memref<8x128xf32, #tpu.memory_space<vmem>>
      %dma_start3A_1050 = arith.constant 0 : i32
      %dma_start3A_1051 = arith.constant 0 : i32
      %dma_start3A_1052 = tpu.memref_slice %arg4[%div3A_1028, %dma_start3A_1046, %rem3A_1030, %dma_start3A_1050, %dma_start3A_1051] : memref<50x8x128x8x128xf32, #tpu.memory_space<hbm>> -> memref<1x1x1x8x128xf32, #tpu.memory_space<hbm>>
      %dma_start3A_1053 = tpu.memref_squeeze %dma_start3A_1052 : memref<1x1x1x8x128xf32, #tpu.memory_space<hbm>> -> memref<8x128xf32, #tpu.memory_space<hbm>>
      %dma_start3A_1054 = arith.constant 0 : i32
      %dma_start3A_1055 = arith.constant 0 : i32
      %dma_start3A_1056 = tpu.memref_slice %arg4[%div3A_1028, %dma_start3A_1046, %rem3A_1030, %dma_start3A_1054, %dma_start3A_1055] : memref<50x8x128x8x128xf32, #tpu.memory_space<hbm>> -> memref<1x1x1x8x128xf32, #tpu.memory_space<hbm>>
      %dma_start3A_1057 = tpu.memref_squeeze %dma_start3A_1056 : memref<1x1x1x8x128xf32, #tpu.memory_space<hbm>> -> memref<8x128xf32, #tpu.memory_space<hbm>>
      %dma_start3A_1058 = arith.constant 8 : i32
      %dma_start3A_1059 = arith.constant 0 : i32
      %dma_start3A_1060 = tpu.memref_slice %arg11[%dma_start3A_1058, %dma_start3A_1059] : memref<64x129xf32, #tpu.memory_space<vmem>> -> memref<8x128xf32, #tpu.memory_space<vmem>>
      tpu.enqueue_dma source(%dma_start3A_1060 : memref<8x128xf32, #tpu.memory_space<vmem>>) target(%dma_start3A_1057 : memref<8x128xf32, #tpu.memory_space<hbm>>) target_semaphore(%arg13 : memref<!tpu.dma_semaphore, #tpu.memory_space<semaphore_mem>>)
      %dma_start3A_1061 = arith.constant 2 : i32
      %dma_start3A_1062 = arith.constant 16 : i32
      %dma_start3A_1063 = arith.constant 0 : i32
      %dma_start3A_1064 = tpu.memref_slice %arg11[%dma_start3A_1062, %dma_start3A_1063] : memref<64x129xf32, #tpu.memory_space<vmem>> -> memref<8x128xf32, #tpu.memory_space<vmem>>
      %dma_start3A_1065 = arith.constant 0 : i32
      %dma_start3A_1066 = arith.constant 0 : i32
      %dma_start3A_1067 = tpu.memref_slice %arg4[%div3A_1028, %dma_start3A_1061, %rem3A_1030, %dma_start3A_1065, %dma_start3A_1066] : memref<50x8x128x8x128xf32, #tpu.memory_space<hbm>> -> memref<1x1x1x8x128xf32, #tpu.memory_space<hbm>>
      %dma_start3A_1068 = tpu.memref_squeeze %dma_start3A_1067 : memref<1x1x1x8x128xf32, #tpu.memory_space<hbm>> -> memref<8x128xf32, #tpu.memory_space<hbm>>
      %dma_start3A_1069 = arith.constant 0 : i32
      %dma_start3A_1070 = arith.constant 0 : i32
      %dma_start3A_1071 = tpu.memref_slice %arg4[%div3A_1028, %dma_start3A_1061, %rem3A_1030, %dma_start3A_1069, %dma_start3A_1070] : memref<50x8x128x8x128xf32, #tpu.memory_space<hbm>> -> memref<1x1x1x8x128xf32, #tpu.memory_space<hbm>>
      %dma_start3A_1072 = tpu.memref_squeeze %dma_start3A_1071 : memref<1x1x1x8x128xf32, #tpu.memory_space<hbm>> -> memref<8x128xf32, #tpu.memory_space<hbm>>
      %dma_start3A_1073 = arith.constant 16 : i32
      %dma_start3A_1074 = arith.constant 0 : i32
      %dma_start3A_1075 = tpu.memref_slice %arg11[%dma_start3A_1073, %dma_start3A_1074] : memref<64x129xf32, #tpu.memory_space<vmem>> -> memref<8x128xf32, #tpu.memory_space<vmem>>
      tpu.enqueue_dma source(%dma_start3A_1075 : memref<8x128xf32, #tpu.memory_space<vmem>>) target(%dma_start3A_1072 : memref<8x128xf32, #tpu.memory_space<hbm>>) target_semaphore(%arg13 : memref<!tpu.dma_semaphore, #tpu.memory_space<semaphore_mem>>)
      %dma_start3A_1076 = arith.constant 3 : i32
      %dma_start3A_1077 = arith.constant 24 : i32
      %dma_start3A_1078 = arith.constant 0 : i32
      %dma_start3A_1079 = tpu.memref_slice %arg11[%dma_start3A_1077, %dma_start3A_1078] : memref<64x129xf32, #tpu.memory_space<vmem>> -> memref<8x128xf32, #tpu.memory_space<vmem>>
      %dma_start3A_1080 = arith.constant 0 : i32
      %dma_start3A_1081 = arith.constant 0 : i32
      %dma_start3A_1082 = tpu.memref_slice %arg4[%div3A_1028, %dma_start3A_1076, %rem3A_1030, %dma_start3A_1080, %dma_start3A_1081] : memref<50x8x128x8x128xf32, #tpu.memory_space<hbm>> -> memref<1x1x1x8x128xf32, #tpu.memory_space<hbm>>
      %dma_start3A_1083 = tpu.memref_squeeze %dma_start3A_1082 : memref<1x1x1x8x128xf32, #tpu.memory_space<hbm>> -> memref<8x128xf32, #tpu.memory_space<hbm>>
      %dma_start3A_1084 = arith.constant 0 : i32
      %dma_start3A_1085 = arith.constant 0 : i32
      %dma_start3A_1086 = tpu.memref_slice %arg4[%div3A_1028, %dma_start3A_1076, %rem3A_1030, %dma_start3A_1084, %dma_start3A_1085] : memref<50x8x128x8x128xf32, #tpu.memory_space<hbm>> -> memref<1x1x1x8x128xf32, #tpu.memory_space<hbm>>
      %dma_start3A_1087 = tpu.memref_squeeze %dma_start3A_1086 : memref<1x1x1x8x128xf32, #tpu.memory_space<hbm>> -> memref<8x128xf32, #tpu.memory_space<hbm>>
      %dma_start3A_1088 = arith.constant 24 : i32
      %dma_start3A_1089 = arith.constant 0 : i32
      %dma_start3A_1090 = tpu.memref_slice %arg11[%dma_start3A_1088, %dma_start3A_1089] : memref<64x129xf32, #tpu.memory_space<vmem>> -> memref<8x128xf32, #tpu.memory_space<vmem>>
      tpu.enqueue_dma source(%dma_start3A_1090 : memref<8x128xf32, #tpu.memory_space<vmem>>) target(%dma_start3A_1087 : memref<8x128xf32, #tpu.memory_space<hbm>>) target_semaphore(%arg13 : memref<!tpu.dma_semaphore, #tpu.memory_space<semaphore_mem>>)
      %dma_start3A_1091 = arith.constant 4 : i32
      %dma_start3A_1092 = arith.constant 32 : i32
      %dma_start3A_1093 = arith.constant 0 : i32
      %dma_start3A_1094 = tpu.memref_slice %arg11[%dma_start3A_1092, %dma_start3A_1093] : memref<64x129xf32, #tpu.memory_space<vmem>> -> memref<8x128xf32, #tpu.memory_space<vmem>>
      %dma_start3A_1095 = arith.constant 0 : i32
      %dma_start3A_1096 = arith.constant 0 : i32
      %dma_start3A_1097 = tpu.memref_slice %arg4[%div3A_1028, %dma_start3A_1091, %rem3A_1030, %dma_start3A_1095, %dma_start3A_1096] : memref<50x8x128x8x128xf32, #tpu.memory_space<hbm>> -> memref<1x1x1x8x128xf32, #tpu.memory_space<hbm>>
      %dma_start3A_1098 = tpu.memref_squeeze %dma_start3A_1097 : memref<1x1x1x8x128xf32, #tpu.memory_space<hbm>> -> memref<8x128xf32, #tpu.memory_space<hbm>>
      %dma_start3A_1099 = arith.constant 0 : i32
      %dma_start3A_1100 = arith.constant 0 : i32
      %dma_start3A_1101 = tpu.memref_slice %arg4[%div3A_1028, %dma_start3A_1091, %rem3A_1030, %dma_start3A_1099, %dma_start3A_1100] : memref<50x8x128x8x128xf32, #tpu.memory_space<hbm>> -> memref<1x1x1x8x128xf32, #tpu.memory_space<hbm>>
      %dma_start3A_1102 = tpu.memref_squeeze %dma_start3A_1101 : memref<1x1x1x8x128xf32, #tpu.memory_space<hbm>> -> memref<8x128xf32, #tpu.memory_space<hbm>>
      %dma_start3A_1103 = arith.constant 32 : i32
      %dma_start3A_1104 = arith.constant 0 : i32
      %dma_start3A_1105 = tpu.memref_slice %arg11[%dma_start3A_1103, %dma_start3A_1104] : memref<64x129xf32, #tpu.memory_space<vmem>> -> memref<8x128xf32, #tpu.memory_space<vmem>>
      tpu.enqueue_dma source(%dma_start3A_1105 : memref<8x128xf32, #tpu.memory_space<vmem>>) target(%dma_start3A_1102 : memref<8x128xf32, #tpu.memory_space<hbm>>) target_semaphore(%arg13 : memref<!tpu.dma_semaphore, #tpu.memory_space<semaphore_mem>>)
      %dma_start3A_1106 = arith.constant 5 : i32
      %dma_start3A_1107 = arith.constant 40 : i32
      %dma_start3A_1108 = arith.constant 0 : i32
      %dma_start3A_1109 = tpu.memref_slice %arg11[%dma_start3A_1107, %dma_start3A_1108] : memref<64x129xf32, #tpu.memory_space<vmem>> -> memref<8x128xf32, #tpu.memory_space<vmem>>
      %dma_start3A_1110 = arith.constant 0 : i32
      %dma_start3A_1111 = arith.constant 0 : i32
      %dma_start3A_1112 = tpu.memref_slice %arg4[%div3A_1028, %dma_start3A_1106, %rem3A_1030, %dma_start3A_1110, %dma_start3A_1111] : memref<50x8x128x8x128xf32, #tpu.memory_space<hbm>> -> memref<1x1x1x8x128xf32, #tpu.memory_space<hbm>>
      %dma_start3A_1113 = tpu.memref_squeeze %dma_start3A_1112 : memref<1x1x1x8x128xf32, #tpu.memory_space<hbm>> -> memref<8x128xf32, #tpu.memory_space<hbm>>
      %dma_start3A_1114 = arith.constant 0 : i32
      %dma_start3A_1115 = arith.constant 0 : i32
      %dma_start3A_1116 = tpu.memref_slice %arg4[%div3A_1028, %dma_start3A_1106, %rem3A_1030, %dma_start3A_1114, %dma_start3A_1115] : memref<50x8x128x8x128xf32, #tpu.memory_space<hbm>> -> memref<1x1x1x8x128xf32, #tpu.memory_space<hbm>>
      %dma_start3A_1117 = tpu.memref_squeeze %dma_start3A_1116 : memref<1x1x1x8x128xf32, #tpu.memory_space<hbm>> -> memref<8x128xf32, #tpu.memory_space<hbm>>
      %dma_start3A_1118 = arith.constant 40 : i32
      %dma_start3A_1119 = arith.constant 0 : i32
      %dma_start3A_1120 = tpu.memref_slice %arg11[%dma_start3A_1118, %dma_start3A_1119] : memref<64x129xf32, #tpu.memory_space<vmem>> -> memref<8x128xf32, #tpu.memory_space<vmem>>
      tpu.enqueue_dma source(%dma_start3A_1120 : memref<8x128xf32, #tpu.memory_space<vmem>>) target(%dma_start3A_1117 : memref<8x128xf32, #tpu.memory_space<hbm>>) target_semaphore(%arg13 : memref<!tpu.dma_semaphore, #tpu.memory_space<semaphore_mem>>)
      %dma_start3A_1121 = arith.constant 6 : i32
      %dma_start3A_1122 = arith.constant 48 : i32
      %dma_start3A_1123 = arith.constant 0 : i32
      %dma_start3A_1124 = tpu.memref_slice %arg11[%dma_start3A_1122, %dma_start3A_1123] : memref<64x129xf32, #tpu.memory_space<vmem>> -> memref<8x128xf32, #tpu.memory_space<vmem>>
      %dma_start3A_1125 = arith.constant 0 : i32
      %dma_start3A_1126 = arith.constant 0 : i32
      %dma_start3A_1127 = tpu.memref_slice %arg4[%div3A_1028, %dma_start3A_1121, %rem3A_1030, %dma_start3A_1125, %dma_start3A_1126] : memref<50x8x128x8x128xf32, #tpu.memory_space<hbm>> -> memref<1x1x1x8x128xf32, #tpu.memory_space<hbm>>
      %dma_start3A_1128 = tpu.memref_squeeze %dma_start3A_1127 : memref<1x1x1x8x128xf32, #tpu.memory_space<hbm>> -> memref<8x128xf32, #tpu.memory_space<hbm>>
      %dma_start3A_1129 = arith.constant 0 : i32
      %dma_start3A_1130 = arith.constant 0 : i32
      %dma_start3A_1131 = tpu.memref_slice %arg4[%div3A_1028, %dma_start3A_1121, %rem3A_1030, %dma_start3A_1129, %dma_start3A_1130] : memref<50x8x128x8x128xf32, #tpu.memory_space<hbm>> -> memref<1x1x1x8x128xf32, #tpu.memory_space<hbm>>
      %dma_start3A_1132 = tpu.memref_squeeze %dma_start3A_1131 : memref<1x1x1x8x128xf32, #tpu.memory_space<hbm>> -> memref<8x128xf32, #tpu.memory_space<hbm>>
      %dma_start3A_1133 = arith.constant 48 : i32
      %dma_start3A_1134 = arith.constant 0 : i32
      %dma_start3A_1135 = tpu.memref_slice %arg11[%dma_start3A_1133, %dma_start3A_1134] : memref<64x129xf32, #tpu.memory_space<vmem>> -> memref<8x128xf32, #tpu.memory_space<vmem>>
      tpu.enqueue_dma source(%dma_start3A_1135 : memref<8x128xf32, #tpu.memory_space<vmem>>) target(%dma_start3A_1132 : memref<8x128xf32, #tpu.memory_space<hbm>>) target_semaphore(%arg13 : memref<!tpu.dma_semaphore, #tpu.memory_space<semaphore_mem>>)
      %dma_start3A_1136 = arith.constant 7 : i32
      %dma_start3A_1137 = arith.constant 56 : i32
      %dma_start3A_1138 = arith.constant 0 : i32
      %dma_start3A_1139 = tpu.memref_slice %arg11[%dma_start3A_1137, %dma_start3A_1138] : memref<64x129xf32, #tpu.memory_space<vmem>> -> memref<8x128xf32, #tpu.memory_space<vmem>>
      %dma_start3A_1140 = arith.constant 0 : i32
      %dma_start3A_1141 = arith.constant 0 : i32
      %dma_start3A_1142 = tpu.memref_slice %arg4[%div3A_1028, %dma_start3A_1136, %rem3A_1030, %dma_start3A_1140, %dma_start3A_1141] : memref<50x8x128x8x128xf32, #tpu.memory_space<hbm>> -> memref<1x1x1x8x128xf32, #tpu.memory_space<hbm>>
      %dma_start3A_1143 = tpu.memref_squeeze %dma_start3A_1142 : memref<1x1x1x8x128xf32, #tpu.memory_space<hbm>> -> memref<8x128xf32, #tpu.memory_space<hbm>>
      %dma_start3A_1144 = arith.constant 0 : i32
      %dma_start3A_1145 = arith.constant 0 : i32
      %dma_start3A_1146 = tpu.memref_slice %arg4[%div3A_1028, %dma_start3A_1136, %rem3A_1030, %dma_start3A_1144, %dma_start3A_1145] : memref<50x8x128x8x128xf32, #tpu.memory_space<hbm>> -> memref<1x1x1x8x128xf32, #tpu.memory_space<hbm>>
      %dma_start3A_1147 = tpu.memref_squeeze %dma_start3A_1146 : memref<1x1x1x8x128xf32, #tpu.memory_space<hbm>> -> memref<8x128xf32, #tpu.memory_space<hbm>>
      %dma_start3A_1148 = arith.constant 56 : i32
      %dma_start3A_1149 = arith.constant 0 : i32
      %dma_start3A_1150 = tpu.memref_slice %arg11[%dma_start3A_1148, %dma_start3A_1149] : memref<64x129xf32, #tpu.memory_space<vmem>> -> memref<8x128xf32, #tpu.memory_space<vmem>>
      tpu.enqueue_dma source(%dma_start3A_1150 : memref<8x128xf32, #tpu.memory_space<vmem>>) target(%dma_start3A_1147 : memref<8x128xf32, #tpu.memory_space<hbm>>) target_semaphore(%arg13 : memref<!tpu.dma_semaphore, #tpu.memory_space<semaphore_mem>>)
    }
    %scan3A_38 = arith.constant 50 : i32
    %add3A_39 = arith.constant 198 : i32
    %add3A_40 = arith.addi %mul3A_2, %add3A_39 : i32
    %div3A = arith.constant 128 : i32
    %div3A_41 = arith.divsi %add3A_40, %div3A : i32
    %rem3A = arith.constant 128 : i32
    %rem3A_42 = arith.remsi %add3A_40, %rem3A : i32
    %dma_wait3A = arith.constant 0 : i32
    %dma_wait3A_43 = arith.constant 0 : i32
    %dma_wait3A_44 = arith.constant 0 : i32
    %dma_wait3A_45 = tpu.memref_slice %arg10[%dma_wait3A_43, %dma_wait3A_44] : memref<64x129xf32, #tpu.memory_space<vmem>> -> memref<8x128xf32, #tpu.memory_space<vmem>>
    %dma_wait3A_46 = arith.constant 0 : i32
    %dma_wait3A_47 = arith.constant 0 : i32
    %dma_wait3A_48 = tpu.memref_slice %arg4[%div3A_41, %dma_wait3A, %rem3A_42, %dma_wait3A_46, %dma_wait3A_47] : memref<50x8x128x8x128xf32, #tpu.memory_space<hbm>> -> memref<1x1x1x8x128xf32, #tpu.memory_space<hbm>>
    %dma_wait3A_49 = tpu.memref_squeeze %dma_wait3A_48 : memref<1x1x1x8x128xf32, #tpu.memory_space<hbm>> -> memref<8x128xf32, #tpu.memory_space<hbm>>
    %dma_wait3A_50 = arith.constant 0 : i32
    %dma_wait3A_51 = arith.constant 0 : i32
    %dma_wait3A_52 = tpu.memref_slice %arg4[%div3A_41, %dma_wait3A, %rem3A_42, %dma_wait3A_50, %dma_wait3A_51] : memref<50x8x128x8x128xf32, #tpu.memory_space<hbm>> -> memref<1x1x1x8x128xf32, #tpu.memory_space<hbm>>
    %dma_wait3A_53 = tpu.memref_squeeze %dma_wait3A_52 : memref<1x1x1x8x128xf32, #tpu.memory_space<hbm>> -> memref<8x128xf32, #tpu.memory_space<hbm>>
    %dma_wait3A_54 = arith.constant 0 : i32
    %dma_wait3A_55 = arith.constant 0 : i32
    %dma_wait3A_56 = tpu.memref_slice %arg10[%dma_wait3A_54, %dma_wait3A_55] : memref<64x129xf32, #tpu.memory_space<vmem>> -> memref<8x128xf32, #tpu.memory_space<vmem>>
    tpu.wait_dma2 semaphore(%arg13 : memref<!tpu.dma_semaphore, #tpu.memory_space<semaphore_mem>>) src(%dma_wait3A_56 : memref<8x128xf32, #tpu.memory_space<vmem>>) dst(%dma_wait3A_53 : memref<8x128xf32, #tpu.memory_space<hbm>>)
    %dma_wait3A_57 = arith.constant 1 : i32
    %dma_wait3A_58 = arith.constant 8 : i32
    %dma_wait3A_59 = arith.constant 0 : i32
    %dma_wait3A_60 = tpu.memref_slice %arg10[%dma_wait3A_58, %dma_wait3A_59] : memref<64x129xf32, #tpu.memory_space<vmem>> -> memref<8x128xf32, #tpu.memory_space<vmem>>
    %dma_wait3A_61 = arith.constant 0 : i32
    %dma_wait3A_62 = arith.constant 0 : i32
    %dma_wait3A_63 = tpu.memref_slice %arg4[%div3A_41, %dma_wait3A_57, %rem3A_42, %dma_wait3A_61, %dma_wait3A_62] : memref<50x8x128x8x128xf32, #tpu.memory_space<hbm>> -> memref<1x1x1x8x128xf32, #tpu.memory_space<hbm>>
    %dma_wait3A_64 = tpu.memref_squeeze %dma_wait3A_63 : memref<1x1x1x8x128xf32, #tpu.memory_space<hbm>> -> memref<8x128xf32, #tpu.memory_space<hbm>>
    %dma_wait3A_65 = arith.constant 0 : i32
    %dma_wait3A_66 = arith.constant 0 : i32
    %dma_wait3A_67 = tpu.memref_slice %arg4[%div3A_41, %dma_wait3A_57, %rem3A_42, %dma_wait3A_65, %dma_wait3A_66] : memref<50x8x128x8x128xf32, #tpu.memory_space<hbm>> -> memref<1x1x1x8x128xf32, #tpu.memory_space<hbm>>
    %dma_wait3A_68 = tpu.memref_squeeze %dma_wait3A_67 : memref<1x1x1x8x128xf32, #tpu.memory_space<hbm>> -> memref<8x128xf32, #tpu.memory_space<hbm>>
    %dma_wait3A_69 = arith.constant 8 : i32
    %dma_wait3A_70 = arith.constant 0 : i32
    %dma_wait3A_71 = tpu.memref_slice %arg10[%dma_wait3A_69, %dma_wait3A_70] : memref<64x129xf32, #tpu.memory_space<vmem>> -> memref<8x128xf32, #tpu.memory_space<vmem>>
    tpu.wait_dma2 semaphore(%arg13 : memref<!tpu.dma_semaphore, #tpu.memory_space<semaphore_mem>>) src(%dma_wait3A_71 : memref<8x128xf32, #tpu.memory_space<vmem>>) dst(%dma_wait3A_68 : memref<8x128xf32, #tpu.memory_space<hbm>>)
    %dma_wait3A_72 = arith.constant 2 : i32
    %dma_wait3A_73 = arith.constant 16 : i32
    %dma_wait3A_74 = arith.constant 0 : i32
    %dma_wait3A_75 = tpu.memref_slice %arg10[%dma_wait3A_73, %dma_wait3A_74] : memref<64x129xf32, #tpu.memory_space<vmem>> -> memref<8x128xf32, #tpu.memory_space<vmem>>
    %dma_wait3A_76 = arith.constant 0 : i32
    %dma_wait3A_77 = arith.constant 0 : i32
    %dma_wait3A_78 = tpu.memref_slice %arg4[%div3A_41, %dma_wait3A_72, %rem3A_42, %dma_wait3A_76, %dma_wait3A_77] : memref<50x8x128x8x128xf32, #tpu.memory_space<hbm>> -> memref<1x1x1x8x128xf32, #tpu.memory_space<hbm>>
    %dma_wait3A_79 = tpu.memref_squeeze %dma_wait3A_78 : memref<1x1x1x8x128xf32, #tpu.memory_space<hbm>> -> memref<8x128xf32, #tpu.memory_space<hbm>>
    %dma_wait3A_80 = arith.constant 0 : i32
    %dma_wait3A_81 = arith.constant 0 : i32
    %dma_wait3A_82 = tpu.memref_slice %arg4[%div3A_41, %dma_wait3A_72, %rem3A_42, %dma_wait3A_80, %dma_wait3A_81] : memref<50x8x128x8x128xf32, #tpu.memory_space<hbm>> -> memref<1x1x1x8x128xf32, #tpu.memory_space<hbm>>
    %dma_wait3A_83 = tpu.memref_squeeze %dma_wait3A_82 : memref<1x1x1x8x128xf32, #tpu.memory_space<hbm>> -> memref<8x128xf32, #tpu.memory_space<hbm>>
    %dma_wait3A_84 = arith.constant 16 : i32
    %dma_wait3A_85 = arith.constant 0 : i32
    %dma_wait3A_86 = tpu.memref_slice %arg10[%dma_wait3A_84, %dma_wait3A_85] : memref<64x129xf32, #tpu.memory_space<vmem>> -> memref<8x128xf32, #tpu.memory_space<vmem>>
    tpu.wait_dma2 semaphore(%arg13 : memref<!tpu.dma_semaphore, #tpu.memory_space<semaphore_mem>>) src(%dma_wait3A_86 : memref<8x128xf32, #tpu.memory_space<vmem>>) dst(%dma_wait3A_83 : memref<8x128xf32, #tpu.memory_space<hbm>>)
    %dma_wait3A_87 = arith.constant 3 : i32
    %dma_wait3A_88 = arith.constant 24 : i32
    %dma_wait3A_89 = arith.constant 0 : i32
    %dma_wait3A_90 = tpu.memref_slice %arg10[%dma_wait3A_88, %dma_wait3A_89] : memref<64x129xf32, #tpu.memory_space<vmem>> -> memref<8x128xf32, #tpu.memory_space<vmem>>
    %dma_wait3A_91 = arith.constant 0 : i32
    %dma_wait3A_92 = arith.constant 0 : i32
    %dma_wait3A_93 = tpu.memref_slice %arg4[%div3A_41, %dma_wait3A_87, %rem3A_42, %dma_wait3A_91, %dma_wait3A_92] : memref<50x8x128x8x128xf32, #tpu.memory_space<hbm>> -> memref<1x1x1x8x128xf32, #tpu.memory_space<hbm>>
    %dma_wait3A_94 = tpu.memref_squeeze %dma_wait3A_93 : memref<1x1x1x8x128xf32, #tpu.memory_space<hbm>> -> memref<8x128xf32, #tpu.memory_space<hbm>>
    %dma_wait3A_95 = arith.constant 0 : i32
    %dma_wait3A_96 = arith.constant 0 : i32
    %dma_wait3A_97 = tpu.memref_slice %arg4[%div3A_41, %dma_wait3A_87, %rem3A_42, %dma_wait3A_95, %dma_wait3A_96] : memref<50x8x128x8x128xf32, #tpu.memory_space<hbm>> -> memref<1x1x1x8x128xf32, #tpu.memory_space<hbm>>
    %dma_wait3A_98 = tpu.memref_squeeze %dma_wait3A_97 : memref<1x1x1x8x128xf32, #tpu.memory_space<hbm>> -> memref<8x128xf32, #tpu.memory_space<hbm>>
    %dma_wait3A_99 = arith.constant 24 : i32
    %dma_wait3A_100 = arith.constant 0 : i32
    %dma_wait3A_101 = tpu.memref_slice %arg10[%dma_wait3A_99, %dma_wait3A_100] : memref<64x129xf32, #tpu.memory_space<vmem>> -> memref<8x128xf32, #tpu.memory_space<vmem>>
    tpu.wait_dma2 semaphore(%arg13 : memref<!tpu.dma_semaphore, #tpu.memory_space<semaphore_mem>>) src(%dma_wait3A_101 : memref<8x128xf32, #tpu.memory_space<vmem>>) dst(%dma_wait3A_98 : memref<8x128xf32, #tpu.memory_space<hbm>>)
    %dma_wait3A_102 = arith.constant 4 : i32
    %dma_wait3A_103 = arith.constant 32 : i32
    %dma_wait3A_104 = arith.constant 0 : i32
    %dma_wait3A_105 = tpu.memref_slice %arg10[%dma_wait3A_103, %dma_wait3A_104] : memref<64x129xf32, #tpu.memory_space<vmem>> -> memref<8x128xf32, #tpu.memory_space<vmem>>
    %dma_wait3A_106 = arith.constant 0 : i32
    %dma_wait3A_107 = arith.constant 0 : i32
    %dma_wait3A_108 = tpu.memref_slice %arg4[%div3A_41, %dma_wait3A_102, %rem3A_42, %dma_wait3A_106, %dma_wait3A_107] : memref<50x8x128x8x128xf32, #tpu.memory_space<hbm>> -> memref<1x1x1x8x128xf32, #tpu.memory_space<hbm>>
    %dma_wait3A_109 = tpu.memref_squeeze %dma_wait3A_108 : memref<1x1x1x8x128xf32, #tpu.memory_space<hbm>> -> memref<8x128xf32, #tpu.memory_space<hbm>>
    %dma_wait3A_110 = arith.constant 0 : i32
    %dma_wait3A_111 = arith.constant 0 : i32
    %dma_wait3A_112 = tpu.memref_slice %arg4[%div3A_41, %dma_wait3A_102, %rem3A_42, %dma_wait3A_110, %dma_wait3A_111] : memref<50x8x128x8x128xf32, #tpu.memory_space<hbm>> -> memref<1x1x1x8x128xf32, #tpu.memory_space<hbm>>
    %dma_wait3A_113 = tpu.memref_squeeze %dma_wait3A_112 : memref<1x1x1x8x128xf32, #tpu.memory_space<hbm>> -> memref<8x128xf32, #tpu.memory_space<hbm>>
    %dma_wait3A_114 = arith.constant 32 : i32
    %dma_wait3A_115 = arith.constant 0 : i32
    %dma_wait3A_116 = tpu.memref_slice %arg10[%dma_wait3A_114, %dma_wait3A_115] : memref<64x129xf32, #tpu.memory_space<vmem>> -> memref<8x128xf32, #tpu.memory_space<vmem>>
    tpu.wait_dma2 semaphore(%arg13 : memref<!tpu.dma_semaphore, #tpu.memory_space<semaphore_mem>>) src(%dma_wait3A_116 : memref<8x128xf32, #tpu.memory_space<vmem>>) dst(%dma_wait3A_113 : memref<8x128xf32, #tpu.memory_space<hbm>>)
    %dma_wait3A_117 = arith.constant 5 : i32
    %dma_wait3A_118 = arith.constant 40 : i32
    %dma_wait3A_119 = arith.constant 0 : i32
    %dma_wait3A_120 = tpu.memref_slice %arg10[%dma_wait3A_118, %dma_wait3A_119] : memref<64x129xf32, #tpu.memory_space<vmem>> -> memref<8x128xf32, #tpu.memory_space<vmem>>
    %dma_wait3A_121 = arith.constant 0 : i32
    %dma_wait3A_122 = arith.constant 0 : i32
    %dma_wait3A_123 = tpu.memref_slice %arg4[%div3A_41, %dma_wait3A_117, %rem3A_42, %dma_wait3A_121, %dma_wait3A_122] : memref<50x8x128x8x128xf32, #tpu.memory_space<hbm>> -> memref<1x1x1x8x128xf32, #tpu.memory_space<hbm>>
    %dma_wait3A_124 = tpu.memref_squeeze %dma_wait3A_123 : memref<1x1x1x8x128xf32, #tpu.memory_space<hbm>> -> memref<8x128xf32, #tpu.memory_space<hbm>>
    %dma_wait3A_125 = arith.constant 0 : i32
    %dma_wait3A_126 = arith.constant 0 : i32
    %dma_wait3A_127 = tpu.memref_slice %arg4[%div3A_41, %dma_wait3A_117, %rem3A_42, %dma_wait3A_125, %dma_wait3A_126] : memref<50x8x128x8x128xf32, #tpu.memory_space<hbm>> -> memref<1x1x1x8x128xf32, #tpu.memory_space<hbm>>
    %dma_wait3A_128 = tpu.memref_squeeze %dma_wait3A_127 : memref<1x1x1x8x128xf32, #tpu.memory_space<hbm>> -> memref<8x128xf32, #tpu.memory_space<hbm>>
    %dma_wait3A_129 = arith.constant 40 : i32
    %dma_wait3A_130 = arith.constant 0 : i32
    %dma_wait3A_131 = tpu.memref_slice %arg10[%dma_wait3A_129, %dma_wait3A_130] : memref<64x129xf32, #tpu.memory_space<vmem>> -> memref<8x128xf32, #tpu.memory_space<vmem>>
    tpu.wait_dma2 semaphore(%arg13 : memref<!tpu.dma_semaphore, #tpu.memory_space<semaphore_mem>>) src(%dma_wait3A_131 : memref<8x128xf32, #tpu.memory_space<vmem>>) dst(%dma_wait3A_128 : memref<8x128xf32, #tpu.memory_space<hbm>>)
    %dma_wait3A_132 = arith.constant 6 : i32
    %dma_wait3A_133 = arith.constant 48 : i32
    %dma_wait3A_134 = arith.constant 0 : i32
    %dma_wait3A_135 = tpu.memref_slice %arg10[%dma_wait3A_133, %dma_wait3A_134] : memref<64x129xf32, #tpu.memory_space<vmem>> -> memref<8x128xf32, #tpu.memory_space<vmem>>
    %dma_wait3A_136 = arith.constant 0 : i32
    %dma_wait3A_137 = arith.constant 0 : i32
    %dma_wait3A_138 = tpu.memref_slice %arg4[%div3A_41, %dma_wait3A_132, %rem3A_42, %dma_wait3A_136, %dma_wait3A_137] : memref<50x8x128x8x128xf32, #tpu.memory_space<hbm>> -> memref<1x1x1x8x128xf32, #tpu.memory_space<hbm>>
    %dma_wait3A_139 = tpu.memref_squeeze %dma_wait3A_138 : memref<1x1x1x8x128xf32, #tpu.memory_space<hbm>> -> memref<8x128xf32, #tpu.memory_space<hbm>>
    %dma_wait3A_140 = arith.constant 0 : i32
    %dma_wait3A_141 = arith.constant 0 : i32
    %dma_wait3A_142 = tpu.memref_slice %arg4[%div3A_41, %dma_wait3A_132, %rem3A_42, %dma_wait3A_140, %dma_wait3A_141] : memref<50x8x128x8x128xf32, #tpu.memory_space<hbm>> -> memref<1x1x1x8x128xf32, #tpu.memory_space<hbm>>
    %dma_wait3A_143 = tpu.memref_squeeze %dma_wait3A_142 : memref<1x1x1x8x128xf32, #tpu.memory_space<hbm>> -> memref<8x128xf32, #tpu.memory_space<hbm>>
    %dma_wait3A_144 = arith.constant 48 : i32
    %dma_wait3A_145 = arith.constant 0 : i32
    %dma_wait3A_146 = tpu.memref_slice %arg10[%dma_wait3A_144, %dma_wait3A_145] : memref<64x129xf32, #tpu.memory_space<vmem>> -> memref<8x128xf32, #tpu.memory_space<vmem>>
    tpu.wait_dma2 semaphore(%arg13 : memref<!tpu.dma_semaphore, #tpu.memory_space<semaphore_mem>>) src(%dma_wait3A_146 : memref<8x128xf32, #tpu.memory_space<vmem>>) dst(%dma_wait3A_143 : memref<8x128xf32, #tpu.memory_space<hbm>>)
    %dma_wait3A_147 = arith.constant 7 : i32
    %dma_wait3A_148 = arith.constant 56 : i32
    %dma_wait3A_149 = arith.constant 0 : i32
    %dma_wait3A_150 = tpu.memref_slice %arg10[%dma_wait3A_148, %dma_wait3A_149] : memref<64x129xf32, #tpu.memory_space<vmem>> -> memref<8x128xf32, #tpu.memory_space<vmem>>
    %dma_wait3A_151 = arith.constant 0 : i32
    %dma_wait3A_152 = arith.constant 0 : i32
    %dma_wait3A_153 = tpu.memref_slice %arg4[%div3A_41, %dma_wait3A_147, %rem3A_42, %dma_wait3A_151, %dma_wait3A_152] : memref<50x8x128x8x128xf32, #tpu.memory_space<hbm>> -> memref<1x1x1x8x128xf32, #tpu.memory_space<hbm>>
    %dma_wait3A_154 = tpu.memref_squeeze %dma_wait3A_153 : memref<1x1x1x8x128xf32, #tpu.memory_space<hbm>> -> memref<8x128xf32, #tpu.memory_space<hbm>>
    %dma_wait3A_155 = arith.constant 0 : i32
    %dma_wait3A_156 = arith.constant 0 : i32
    %dma_wait3A_157 = tpu.memref_slice %arg4[%div3A_41, %dma_wait3A_147, %rem3A_42, %dma_wait3A_155, %dma_wait3A_156] : memref<50x8x128x8x128xf32, #tpu.memory_space<hbm>> -> memref<1x1x1x8x128xf32, #tpu.memory_space<hbm>>
    %dma_wait3A_158 = tpu.memref_squeeze %dma_wait3A_157 : memref<1x1x1x8x128xf32, #tpu.memory_space<hbm>> -> memref<8x128xf32, #tpu.memory_space<hbm>>
    %dma_wait3A_159 = arith.constant 56 : i32
    %dma_wait3A_160 = arith.constant 0 : i32
    %dma_wait3A_161 = tpu.memref_slice %arg10[%dma_wait3A_159, %dma_wait3A_160] : memref<64x129xf32, #tpu.memory_space<vmem>> -> memref<8x128xf32, #tpu.memory_space<vmem>>
    tpu.wait_dma2 semaphore(%arg13 : memref<!tpu.dma_semaphore, #tpu.memory_space<semaphore_mem>>) src(%dma_wait3A_161 : memref<8x128xf32, #tpu.memory_space<vmem>>) dst(%dma_wait3A_158 : memref<8x128xf32, #tpu.memory_space<hbm>>)
    %add3A_162 = arith.constant 199 : i32
    %add3A_163 = arith.addi %mul3A_2, %add3A_162 : i32
    %div3A_164 = arith.constant 128 : i32
    %div3A_165 = arith.divsi %add3A_163, %div3A_164 : i32
    %rem3A_166 = arith.constant 128 : i32
    %rem3A_167 = arith.remsi %add3A_163, %rem3A_166 : i32
    %dma_wait3A_168 = arith.constant 0 : i32
    %dma_wait3A_169 = arith.constant 0 : i32
    %dma_wait3A_170 = arith.constant 0 : i32
    %dma_wait3A_171 = tpu.memref_slice %arg11[%dma_wait3A_169, %dma_wait3A_170] : memref<64x129xf32, #tpu.memory_space<vmem>> -> memref<8x128xf32, #tpu.memory_space<vmem>>
    %dma_wait3A_172 = arith.constant 0 : i32
    %dma_wait3A_173 = arith.constant 0 : i32
    %dma_wait3A_174 = tpu.memref_slice %arg4[%div3A_165, %dma_wait3A_168, %rem3A_167, %dma_wait3A_172, %dma_wait3A_173] : memref<50x8x128x8x128xf32, #tpu.memory_space<hbm>> -> memref<1x1x1x8x128xf32, #tpu.memory_space<hbm>>
    %dma_wait3A_175 = tpu.memref_squeeze %dma_wait3A_174 : memref<1x1x1x8x128xf32, #tpu.memory_space<hbm>> -> memref<8x128xf32, #tpu.memory_space<hbm>>
    %dma_wait3A_176 = arith.constant 0 : i32
    %dma_wait3A_177 = arith.constant 0 : i32
    %dma_wait3A_178 = tpu.memref_slice %arg4[%div3A_165, %dma_wait3A_168, %rem3A_167, %dma_wait3A_176, %dma_wait3A_177] : memref<50x8x128x8x128xf32, #tpu.memory_space<hbm>> -> memref<1x1x1x8x128xf32, #tpu.memory_space<hbm>>
    %dma_wait3A_179 = tpu.memref_squeeze %dma_wait3A_178 : memref<1x1x1x8x128xf32, #tpu.memory_space<hbm>> -> memref<8x128xf32, #tpu.memory_space<hbm>>
    %dma_wait3A_180 = arith.constant 0 : i32
    %dma_wait3A_181 = arith.constant 0 : i32
    %dma_wait3A_182 = tpu.memref_slice %arg11[%dma_wait3A_180, %dma_wait3A_181] : memref<64x129xf32, #tpu.memory_space<vmem>> -> memref<8x128xf32, #tpu.memory_space<vmem>>
    tpu.wait_dma2 semaphore(%arg13 : memref<!tpu.dma_semaphore, #tpu.memory_space<semaphore_mem>>) src(%dma_wait3A_182 : memref<8x128xf32, #tpu.memory_space<vmem>>) dst(%dma_wait3A_179 : memref<8x128xf32, #tpu.memory_space<hbm>>)
    %dma_wait3A_183 = arith.constant 1 : i32
    %dma_wait3A_184 = arith.constant 8 : i32
    %dma_wait3A_185 = arith.constant 0 : i32
    %dma_wait3A_186 = tpu.memref_slice %arg11[%dma_wait3A_184, %dma_wait3A_185] : memref<64x129xf32, #tpu.memory_space<vmem>> -> memref<8x128xf32, #tpu.memory_space<vmem>>
    %dma_wait3A_187 = arith.constant 0 : i32
    %dma_wait3A_188 = arith.constant 0 : i32
    %dma_wait3A_189 = tpu.memref_slice %arg4[%div3A_165, %dma_wait3A_183, %rem3A_167, %dma_wait3A_187, %dma_wait3A_188] : memref<50x8x128x8x128xf32, #tpu.memory_space<hbm>> -> memref<1x1x1x8x128xf32, #tpu.memory_space<hbm>>
    %dma_wait3A_190 = tpu.memref_squeeze %dma_wait3A_189 : memref<1x1x1x8x128xf32, #tpu.memory_space<hbm>> -> memref<8x128xf32, #tpu.memory_space<hbm>>
    %dma_wait3A_191 = arith.constant 0 : i32
    %dma_wait3A_192 = arith.constant 0 : i32
    %dma_wait3A_193 = tpu.memref_slice %arg4[%div3A_165, %dma_wait3A_183, %rem3A_167, %dma_wait3A_191, %dma_wait3A_192] : memref<50x8x128x8x128xf32, #tpu.memory_space<hbm>> -> memref<1x1x1x8x128xf32, #tpu.memory_space<hbm>>
    %dma_wait3A_194 = tpu.memref_squeeze %dma_wait3A_193 : memref<1x1x1x8x128xf32, #tpu.memory_space<hbm>> -> memref<8x128xf32, #tpu.memory_space<hbm>>
    %dma_wait3A_195 = arith.constant 8 : i32
    %dma_wait3A_196 = arith.constant 0 : i32
    %dma_wait3A_197 = tpu.memref_slice %arg11[%dma_wait3A_195, %dma_wait3A_196] : memref<64x129xf32, #tpu.memory_space<vmem>> -> memref<8x128xf32, #tpu.memory_space<vmem>>
    tpu.wait_dma2 semaphore(%arg13 : memref<!tpu.dma_semaphore, #tpu.memory_space<semaphore_mem>>) src(%dma_wait3A_197 : memref<8x128xf32, #tpu.memory_space<vmem>>) dst(%dma_wait3A_194 : memref<8x128xf32, #tpu.memory_space<hbm>>)
    %dma_wait3A_198 = arith.constant 2 : i32
    %dma_wait3A_199 = arith.constant 16 : i32
    %dma_wait3A_200 = arith.constant 0 : i32
    %dma_wait3A_201 = tpu.memref_slice %arg11[%dma_wait3A_199, %dma_wait3A_200] : memref<64x129xf32, #tpu.memory_space<vmem>> -> memref<8x128xf32, #tpu.memory_space<vmem>>
    %dma_wait3A_202 = arith.constant 0 : i32
    %dma_wait3A_203 = arith.constant 0 : i32
    %dma_wait3A_204 = tpu.memref_slice %arg4[%div3A_165, %dma_wait3A_198, %rem3A_167, %dma_wait3A_202, %dma_wait3A_203] : memref<50x8x128x8x128xf32, #tpu.memory_space<hbm>> -> memref<1x1x1x8x128xf32, #tpu.memory_space<hbm>>
    %dma_wait3A_205 = tpu.memref_squeeze %dma_wait3A_204 : memref<1x1x1x8x128xf32, #tpu.memory_space<hbm>> -> memref<8x128xf32, #tpu.memory_space<hbm>>
    %dma_wait3A_206 = arith.constant 0 : i32
    %dma_wait3A_207 = arith.constant 0 : i32
    %dma_wait3A_208 = tpu.memref_slice %arg4[%div3A_165, %dma_wait3A_198, %rem3A_167, %dma_wait3A_206, %dma_wait3A_207] : memref<50x8x128x8x128xf32, #tpu.memory_space<hbm>> -> memref<1x1x1x8x128xf32, #tpu.memory_space<hbm>>
    %dma_wait3A_209 = tpu.memref_squeeze %dma_wait3A_208 : memref<1x1x1x8x128xf32, #tpu.memory_space<hbm>> -> memref<8x128xf32, #tpu.memory_space<hbm>>
    %dma_wait3A_210 = arith.constant 16 : i32
    %dma_wait3A_211 = arith.constant 0 : i32
    %dma_wait3A_212 = tpu.memref_slice %arg11[%dma_wait3A_210, %dma_wait3A_211] : memref<64x129xf32, #tpu.memory_space<vmem>> -> memref<8x128xf32, #tpu.memory_space<vmem>>
    tpu.wait_dma2 semaphore(%arg13 : memref<!tpu.dma_semaphore, #tpu.memory_space<semaphore_mem>>) src(%dma_wait3A_212 : memref<8x128xf32, #tpu.memory_space<vmem>>) dst(%dma_wait3A_209 : memref<8x128xf32, #tpu.memory_space<hbm>>)
    %dma_wait3A_213 = arith.constant 3 : i32
    %dma_wait3A_214 = arith.constant 24 : i32
    %dma_wait3A_215 = arith.constant 0 : i32
    %dma_wait3A_216 = tpu.memref_slice %arg11[%dma_wait3A_214, %dma_wait3A_215] : memref<64x129xf32, #tpu.memory_space<vmem>> -> memref<8x128xf32, #tpu.memory_space<vmem>>
    %dma_wait3A_217 = arith.constant 0 : i32
    %dma_wait3A_218 = arith.constant 0 : i32
    %dma_wait3A_219 = tpu.memref_slice %arg4[%div3A_165, %dma_wait3A_213, %rem3A_167, %dma_wait3A_217, %dma_wait3A_218] : memref<50x8x128x8x128xf32, #tpu.memory_space<hbm>> -> memref<1x1x1x8x128xf32, #tpu.memory_space<hbm>>
    %dma_wait3A_220 = tpu.memref_squeeze %dma_wait3A_219 : memref<1x1x1x8x128xf32, #tpu.memory_space<hbm>> -> memref<8x128xf32, #tpu.memory_space<hbm>>
    %dma_wait3A_221 = arith.constant 0 : i32
    %dma_wait3A_222 = arith.constant 0 : i32
    %dma_wait3A_223 = tpu.memref_slice %arg4[%div3A_165, %dma_wait3A_213, %rem3A_167, %dma_wait3A_221, %dma_wait3A_222] : memref<50x8x128x8x128xf32, #tpu.memory_space<hbm>> -> memref<1x1x1x8x128xf32, #tpu.memory_space<hbm>>
    %dma_wait3A_224 = tpu.memref_squeeze %dma_wait3A_223 : memref<1x1x1x8x128xf32, #tpu.memory_space<hbm>> -> memref<8x128xf32, #tpu.memory_space<hbm>>
    %dma_wait3A_225 = arith.constant 24 : i32
    %dma_wait3A_226 = arith.constant 0 : i32
    %dma_wait3A_227 = tpu.memref_slice %arg11[%dma_wait3A_225, %dma_wait3A_226] : memref<64x129xf32, #tpu.memory_space<vmem>> -> memref<8x128xf32, #tpu.memory_space<vmem>>
    tpu.wait_dma2 semaphore(%arg13 : memref<!tpu.dma_semaphore, #tpu.memory_space<semaphore_mem>>) src(%dma_wait3A_227 : memref<8x128xf32, #tpu.memory_space<vmem>>) dst(%dma_wait3A_224 : memref<8x128xf32, #tpu.memory_space<hbm>>)
    %dma_wait3A_228 = arith.constant 4 : i32
    %dma_wait3A_229 = arith.constant 32 : i32
    %dma_wait3A_230 = arith.constant 0 : i32
    %dma_wait3A_231 = tpu.memref_slice %arg11[%dma_wait3A_229, %dma_wait3A_230] : memref<64x129xf32, #tpu.memory_space<vmem>> -> memref<8x128xf32, #tpu.memory_space<vmem>>
    %dma_wait3A_232 = arith.constant 0 : i32
    %dma_wait3A_233 = arith.constant 0 : i32
    %dma_wait3A_234 = tpu.memref_slice %arg4[%div3A_165, %dma_wait3A_228, %rem3A_167, %dma_wait3A_232, %dma_wait3A_233] : memref<50x8x128x8x128xf32, #tpu.memory_space<hbm>> -> memref<1x1x1x8x128xf32, #tpu.memory_space<hbm>>
    %dma_wait3A_235 = tpu.memref_squeeze %dma_wait3A_234 : memref<1x1x1x8x128xf32, #tpu.memory_space<hbm>> -> memref<8x128xf32, #tpu.memory_space<hbm>>
    %dma_wait3A_236 = arith.constant 0 : i32
    %dma_wait3A_237 = arith.constant 0 : i32
    %dma_wait3A_238 = tpu.memref_slice %arg4[%div3A_165, %dma_wait3A_228, %rem3A_167, %dma_wait3A_236, %dma_wait3A_237] : memref<50x8x128x8x128xf32, #tpu.memory_space<hbm>> -> memref<1x1x1x8x128xf32, #tpu.memory_space<hbm>>
    %dma_wait3A_239 = tpu.memref_squeeze %dma_wait3A_238 : memref<1x1x1x8x128xf32, #tpu.memory_space<hbm>> -> memref<8x128xf32, #tpu.memory_space<hbm>>
    %dma_wait3A_240 = arith.constant 32 : i32
    %dma_wait3A_241 = arith.constant 0 : i32
    %dma_wait3A_242 = tpu.memref_slice %arg11[%dma_wait3A_240, %dma_wait3A_241] : memref<64x129xf32, #tpu.memory_space<vmem>> -> memref<8x128xf32, #tpu.memory_space<vmem>>
    tpu.wait_dma2 semaphore(%arg13 : memref<!tpu.dma_semaphore, #tpu.memory_space<semaphore_mem>>) src(%dma_wait3A_242 : memref<8x128xf32, #tpu.memory_space<vmem>>) dst(%dma_wait3A_239 : memref<8x128xf32, #tpu.memory_space<hbm>>)
    %dma_wait3A_243 = arith.constant 5 : i32
    %dma_wait3A_244 = arith.constant 40 : i32
    %dma_wait3A_245 = arith.constant 0 : i32
    %dma_wait3A_246 = tpu.memref_slice %arg11[%dma_wait3A_244, %dma_wait3A_245] : memref<64x129xf32, #tpu.memory_space<vmem>> -> memref<8x128xf32, #tpu.memory_space<vmem>>
    %dma_wait3A_247 = arith.constant 0 : i32
    %dma_wait3A_248 = arith.constant 0 : i32
    %dma_wait3A_249 = tpu.memref_slice %arg4[%div3A_165, %dma_wait3A_243, %rem3A_167, %dma_wait3A_247, %dma_wait3A_248] : memref<50x8x128x8x128xf32, #tpu.memory_space<hbm>> -> memref<1x1x1x8x128xf32, #tpu.memory_space<hbm>>
    %dma_wait3A_250 = tpu.memref_squeeze %dma_wait3A_249 : memref<1x1x1x8x128xf32, #tpu.memory_space<hbm>> -> memref<8x128xf32, #tpu.memory_space<hbm>>
    %dma_wait3A_251 = arith.constant 0 : i32
    %dma_wait3A_252 = arith.constant 0 : i32
    %dma_wait3A_253 = tpu.memref_slice %arg4[%div3A_165, %dma_wait3A_243, %rem3A_167, %dma_wait3A_251, %dma_wait3A_252] : memref<50x8x128x8x128xf32, #tpu.memory_space<hbm>> -> memref<1x1x1x8x128xf32, #tpu.memory_space<hbm>>
    %dma_wait3A_254 = tpu.memref_squeeze %dma_wait3A_253 : memref<1x1x1x8x128xf32, #tpu.memory_space<hbm>> -> memref<8x128xf32, #tpu.memory_space<hbm>>
    %dma_wait3A_255 = arith.constant 40 : i32
    %dma_wait3A_256 = arith.constant 0 : i32
    %dma_wait3A_257 = tpu.memref_slice %arg11[%dma_wait3A_255, %dma_wait3A_256] : memref<64x129xf32, #tpu.memory_space<vmem>> -> memref<8x128xf32, #tpu.memory_space<vmem>>
    tpu.wait_dma2 semaphore(%arg13 : memref<!tpu.dma_semaphore, #tpu.memory_space<semaphore_mem>>) src(%dma_wait3A_257 : memref<8x128xf32, #tpu.memory_space<vmem>>) dst(%dma_wait3A_254 : memref<8x128xf32, #tpu.memory_space<hbm>>)
    %dma_wait3A_258 = arith.constant 6 : i32
    %dma_wait3A_259 = arith.constant 48 : i32
    %dma_wait3A_260 = arith.constant 0 : i32
    %dma_wait3A_261 = tpu.memref_slice %arg11[%dma_wait3A_259, %dma_wait3A_260] : memref<64x129xf32, #tpu.memory_space<vmem>> -> memref<8x128xf32, #tpu.memory_space<vmem>>
    %dma_wait3A_262 = arith.constant 0 : i32
    %dma_wait3A_263 = arith.constant 0 : i32
    %dma_wait3A_264 = tpu.memref_slice %arg4[%div3A_165, %dma_wait3A_258, %rem3A_167, %dma_wait3A_262, %dma_wait3A_263] : memref<50x8x128x8x128xf32, #tpu.memory_space<hbm>> -> memref<1x1x1x8x128xf32, #tpu.memory_space<hbm>>
    %dma_wait3A_265 = tpu.memref_squeeze %dma_wait3A_264 : memref<1x1x1x8x128xf32, #tpu.memory_space<hbm>> -> memref<8x128xf32, #tpu.memory_space<hbm>>
    %dma_wait3A_266 = arith.constant 0 : i32
    %dma_wait3A_267 = arith.constant 0 : i32
    %dma_wait3A_268 = tpu.memref_slice %arg4[%div3A_165, %dma_wait3A_258, %rem3A_167, %dma_wait3A_266, %dma_wait3A_267] : memref<50x8x128x8x128xf32, #tpu.memory_space<hbm>> -> memref<1x1x1x8x128xf32, #tpu.memory_space<hbm>>
    %dma_wait3A_269 = tpu.memref_squeeze %dma_wait3A_268 : memref<1x1x1x8x128xf32, #tpu.memory_space<hbm>> -> memref<8x128xf32, #tpu.memory_space<hbm>>
    %dma_wait3A_270 = arith.constant 48 : i32
    %dma_wait3A_271 = arith.constant 0 : i32
    %dma_wait3A_272 = tpu.memref_slice %arg11[%dma_wait3A_270, %dma_wait3A_271] : memref<64x129xf32, #tpu.memory_space<vmem>> -> memref<8x128xf32, #tpu.memory_space<vmem>>
    tpu.wait_dma2 semaphore(%arg13 : memref<!tpu.dma_semaphore, #tpu.memory_space<semaphore_mem>>) src(%dma_wait3A_272 : memref<8x128xf32, #tpu.memory_space<vmem>>) dst(%dma_wait3A_269 : memref<8x128xf32, #tpu.memory_space<hbm>>)
    %dma_wait3A_273 = arith.constant 7 : i32
    %dma_wait3A_274 = arith.constant 56 : i32
    %dma_wait3A_275 = arith.constant 0 : i32
    %dma_wait3A_276 = tpu.memref_slice %arg11[%dma_wait3A_274, %dma_wait3A_275] : memref<64x129xf32, #tpu.memory_space<vmem>> -> memref<8x128xf32, #tpu.memory_space<vmem>>
    %dma_wait3A_277 = arith.constant 0 : i32
    %dma_wait3A_278 = arith.constant 0 : i32
    %dma_wait3A_279 = tpu.memref_slice %arg4[%div3A_165, %dma_wait3A_273, %rem3A_167, %dma_wait3A_277, %dma_wait3A_278] : memref<50x8x128x8x128xf32, #tpu.memory_space<hbm>> -> memref<1x1x1x8x128xf32, #tpu.memory_space<hbm>>
    %dma_wait3A_280 = tpu.memref_squeeze %dma_wait3A_279 : memref<1x1x1x8x128xf32, #tpu.memory_space<hbm>> -> memref<8x128xf32, #tpu.memory_space<hbm>>
    %dma_wait3A_281 = arith.constant 0 : i32
    %dma_wait3A_282 = arith.constant 0 : i32
    %dma_wait3A_283 = tpu.memref_slice %arg4[%div3A_165, %dma_wait3A_273, %rem3A_167, %dma_wait3A_281, %dma_wait3A_282] : memref<50x8x128x8x128xf32, #tpu.memory_space<hbm>> -> memref<1x1x1x8x128xf32, #tpu.memory_space<hbm>>
    %dma_wait3A_284 = tpu.memref_squeeze %dma_wait3A_283 : memref<1x1x1x8x128xf32, #tpu.memory_space<hbm>> -> memref<8x128xf32, #tpu.memory_space<hbm>>
    %dma_wait3A_285 = arith.constant 56 : i32
    %dma_wait3A_286 = arith.constant 0 : i32
    %dma_wait3A_287 = tpu.memref_slice %arg11[%dma_wait3A_285, %dma_wait3A_286] : memref<64x129xf32, #tpu.memory_space<vmem>> -> memref<8x128xf32, #tpu.memory_space<vmem>>
    tpu.wait_dma2 semaphore(%arg13 : memref<!tpu.dma_semaphore, #tpu.memory_space<semaphore_mem>>) src(%dma_wait3A_287 : memref<8x128xf32, #tpu.memory_space<vmem>>) dst(%dma_wait3A_284 : memref<8x128xf32, #tpu.memory_space<hbm>>)
    return
  }
}

</mosaic_0001>

<sc_bundles>
// kernel: kernel.3.cloned.1.call-start
scs
__scs_entry_jumppad:
0x0: {  	(pc) =	sbr.rel $0x88, $3  }
0x1: {  	(tag) =	ssettag $0x0;
	lr =	simm.s32 $0x1  }
0x2: {  	[smem:$0x3F9F] =	sst lr;
	_ =	strace $0xD0000000  }
0x3: {  	_ = 	snop  }
0x4: {  	_ = 	snop  }
0x5: {  	_ = 	snop  }
0x6: {  	_ = 	snop  }
0x7: {  	_ = 	snop  }
__scs_overlays_trampoline_lowered:
0x8: {  	[smem:$0x3FAE] =	sst s0  }
0x9: {  	[smem:$0x3FAF] =	sst s1  }
0xa: {  	[smem:$0x3FB0] =	sst s2  }
0xb: {  	[smem:$0x3FB1] =	sst s3  }
0xc: {  	[smem:$0x3FB2] =	sst s4  }
0xd: {  	[smem:$0x3FB3] =	sst s5  }
0xe: {  	[smem:$0x3FB4] =	sst s6  }
0xf: {  	[smem:$0x3FB5] =	sst s7  }
0x10: {  	[smem:$0x3FB6] =	sst s8  }
0x11: {  	[smem:$0x3FB7] =	sst s9;
	s0 =	simm.s32 @!p0 $0x0  }
0x12: {  	s1 =	sld [smem:$0x3F9D];
	s0 =	simm.s32 @p0 $0x1  }
0x13: {  	[smem:$0x3FB8] =	sst s0;
	s0 =	simm.s32 @!p1 $0x0  }
0x14: {  	s2 =	sld [smem:$0x3F9C];
	s0 =	simm.s32 @p1 $0x1  }
0x15: {  	[smem:$0x3FB9] =	sst s0;
	s0 =	simm.s32 @!p2 $0x0  }
0x16: {  	s3 =	sld [smem:$0x3FDB];
	s0 =	simm.s32 @p2 $0x1  }
0x17: {  	s4 =	simm.s32 $0x1BF5;
	[smem:$0x3FBB] =	sst s0  }
0x18: {  	s0 =	sld [smem:$0x3F9E];
	_ =	swait.ge [sflag:s4], $0x0  }
0x19: {  	s7 =	sld [smem:$0x3F9F]  }
0x1a: {  	s8 =	sadd.s32 $0xFFFFE003, lr  }
0x1b: {  	s9 =	sadd.s32 $0xFFFFFEF7, lr;
	s5 =	simm.s32 $0xFFFFFFFF;
	p2 =	slt.u32 s8, $0xFFFFF086  }
0x1c: {  	p1 =	slt.u32 s9, $0xF7A;
	s5 =	simm.s32 @!p2 $0x0  }
0x1d: {  	s5 =	simm.s32 @p1 $0x1;
	p0 =	seq.s32 s7, s2  }
0x1e: {  	s7 =	smul.u32 @!p0 $0xF7A, s2;
	p2 =	seq.s32 @!p0 s5, $0x0  }
0x1f: {  	s9 =	smul.u32 $0xF7A, s1;
	s8 =	simm.s32 @!p0 $0x1BF5;
	p2 =	por !p2, p0  }
0x20: {  	[sflag:s8] =	ssyncset.s32 @!p0 $0xFFFFF086;
	s6 =	sadd.s32 @!p0 s3, s7;
	s7 =	simm.s32 @!p0 $0x108  }
0x21: {  	s3 =	sadd.s32 s3, s9;
	s6 =	sadd.s32 @!p0 $0x88, s6;
	s7 =	simm.s32 @p2 $0x1082  }
0x22: {  	[simem:s7], [sflag:s8] =	dma.local @!p0 [hbm:s6], $0xF7A  }
0x23: {  	s9 =	sor.u32 $0xD0000000, s2;
	s6 =	simm.s32 $0x108;
	_ =	swait.ge @!p0 [sflag:s8], $0x0  }
0x24: {  	s3 =	sadd.s32 $0x88, s3;
	s6 =	simm.s32 @!p1 $0x1082;
	[sflag:s4] =	ssyncset.s32 $0xFFFFF086  }
0x25: {  	[simem:s6], [sflag:s4] =	dma.local [hbm:s3], $0xF7A  }
0x26: {  	[smem:$0x3F9F] =	sst s1;
	(tag) =	ssettag s2;
	_ =	strace s9  }
0x27: {  	s1 =	sld [smem:$0x3FAF]  }
0x28: {  	s2 =	sld [smem:$0x3FB0]  }
0x29: {  	s4 =	sld [smem:$0x3FB2]  }
0x2a: {  	p0 =	seq.s32 s5, $0x0;
	s5 =	sld [smem:$0x3FB3]  }
0x2b: {  	s6 =	sld [smem:$0x3FB4]  }
0x2c: {  	s7 =	sld [smem:$0x3FB5]  }
0x2d: {  	s3 =	simm.s32 $0x108;
	s8 =	sld [smem:$0x3FB6]  }
0x2e: {  	s3 =	simm.s32 @!p0 $0x1082;
	s9 =	sld [smem:$0x3FB7]  }
0x2f: {  	lr =	sadd.s32 s0, s3;
	s0 =	sld [smem:$0x3FAE]  }
0x30: {  	s3 =	sld [smem:$0x3FB1]  }
0x31: {  	[smem:$0x3FBA] =	sst s10  }
0x32: {  	s10 =	sld [smem:$0x3FB8];
	_ =	sdelay $0x3  }
0x33: {  	p0 =	seq.s32 s10, $0x1;
	s10 =	sld [smem:$0x3FBA];
	_ =	sdelay $0x3  }
0x34: {  	[smem:$0x3FBA] =	sst s10  }
0x35: {  	s10 =	sld [smem:$0x3FB9];
	_ =	sdelay $0x3  }
0x36: {  	p1 =	seq.s32 s10, $0x1;
	s10 =	sld [smem:$0x3FBA];
	_ =	sdelay $0x3  }
0x37: {  	[smem:$0x3FBA] =	sst s10  }
0x38: {  	s10 =	sld [smem:$0x3FBB]  }
0x39: {  	_ = 	snop;
	(pc) =	sbr.ind lr, $3  }
0x3a: {  	_ = 	snop  }
0x3b: {  	_ = 	snop  }
0x3c: {  	p2 =	seq.s32 s10, $0x1;
	s10 =	sld [smem:$0x3FBA]  }
0x3d: {  	_ =	shalt  }
0x3e: {  	_ =	shalt  }
0x3f: {  	_ =	shalt  }
0x40: {  	_ =	shalt  }
0x41: {  	_ =	shalt  }
0x42: {  	_ =	shalt  }
0x43: {  	_ =	shalt  }
0x44: {  	_ =	shalt  }
0x45: {  	_ =	shalt  }
0x46: {  	_ =	shalt  }
0x47: {  	_ =	shalt  }
0x48: {  	_ =	shalt  }
0x49: {  	_ =	shalt  }
0x4a: {  	_ =	shalt  }
0x4b: {  	_ =	shalt  }
0x4c: {  	_ =	shalt  }
0x4d: {  	_ =	shalt  }
0x4e: {  	_ =	shalt  }
0x4f: {  	_ =	shalt  }
0x50: {  	_ =	shalt  }
0x51: {  	_ =	shalt  }
0x52: {  	_ =	shalt  }
0x53: {  	_ =	shalt  }
0x54: {  	_ =	shalt  }
0x55: {  	_ =	shalt  }
0x56: {  	_ =	shalt  }
0x57: {  	_ =	shalt  }
0x58: {  	_ =	shalt  }
0x59: {  	_ =	shalt  }
0x5a: {  	_ =	shalt  }
0x5b: {  	_ =	shalt  }
0x5c: {  	_ =	shalt  }
0x5d: {  	_ =	shalt  }
0x5e: {  	_ =	shalt  }
0x5f: {  	_ =	shalt  }
0x60: {  	_ =	shalt  }
0x61: {  	_ =	shalt  }
0x62: {  	_ =	shalt  }
0x63: {  	_ =	shalt  }
0x64: {  	_ =	shalt  }
0x65: {  	_ =	shalt  }
0x66: {  	_ =	shalt  }
0x67: {  	_ =	shalt  }
0x68: {  	_ =	shalt  }
0x69: {  	_ =	shalt  }
0x6a: {  	_ =	shalt  }
0x6b: {  	_ =	shalt  }
0x6c: {  	_ =	shalt  }
0x6d: {  	_ =	shalt  }
0x6e: {  	_ =	shalt  }
0x6f: {  	_ =	shalt  }
0x70: {  	_ =	shalt  }
0x71: {  	_ =	shalt  }
0x72: {  	_ =	shalt  }
0x73: {  	_ =	shalt  }
0x74: {  	_ =	shalt  }
0x75: {  	_ =	shalt  }
0x76: {  	_ =	shalt  }
0x77: {  	_ =	shalt  }
0x78: {  	_ =	shalt  }
0x79: {  	_ =	shalt  }
0x7a: {  	_ =	shalt  }
0x7b: {  	_ =	shalt  }
0x7c: {  	_ =	shalt  }
0x7d: {  	_ =	shalt  }
0x7e: {  	_ =	shalt  }
0x7f: {  	_ =	shalt  }
0x80: {  	_ =	shalt  }
0x81: {  	_ =	shalt  }
0x82: {  	_ =	shalt  }
0x83: {  	_ =	shalt  }
0x84: {  	_ =	shalt  }
0x85: {  	_ =	shalt  }
0x86: {  	_ =	shalt  }
0x87: {  	_ =	shalt  }
.Lfunc_end0:
.L_simem_size_0:
called_computation_lowered:
.L_overlay_start_0:
0x88: {  	s2 =	sld [smem:$0x3FD9]  }
0x89: {  	s3 =	sld [smem:$0x3FFE];
	_ =	sdelay $0x1  }
0x8a: {  	s1 =	srdreg.scid  }
0x8b: {  	s0 =	sand.u32 $0x1, s1  }
0x8c: {  	s17 =	sshll.u32 s0, $0xA;
	s2 =	sadd.s32 s3, s2  }
0x8d: {  	s2 =	sadd.s32 s2, s17  }
0x8e: {  	[smem:$0x3FC6] =	sst s2  }
0x8f: {  	_ = 	snop  }
0x90: {  	s2 =	sld [smem:$0x3FD0];
	(tm) =	ssettm $0x1  }
0x91: {  	s18 =	sld [smem:$0x3FFB];
	_ =	sdelay $0x3  }
0x92: {  	_ =	strace s18  }
0x93: {  	s3 =	sld [smem:$0x3FFC];
	_ =	sdelay $0x3  }
0x94: {  	_ =	strace s3  }
0x95: {  	s3 =	sld [smem:$0x3FFD];
	_ =	sdelay $0x3  }
0x96: {  	_ =	strace s3  }
0x97: {  	_ =	strace $0x8FFFFFFF  }
0x98: {  	s19 =	sld [smem:$0x3FDB];
	_ =	sdelay $0x1  }
0x99: {  	s4 =	simm.s32 $_scs_section_size  }
0x9a: {  	s5 =	simm.s32 $_size__tile_overlayer_lowered;
	s6 =	simm.s32 $_tile_overlayer_lowered  }
0x9b: {  	s22 =	simm.s32 $0x1BFF;
	s21 =	sshll.u32 s6, $0x1;
	s3 =	sadd.s32 s4, s19  }
0x9c: {  	s7 =	simm.s32 $0x0;
	s20 =	sshll.u32 s5, $0x1;
	s5 =	sadd.s32 s21, s3  }
0x9d: {  	[timem:s7], [sflag:s22] =	dma.local [hbm:s5], s20  }
0x9e: {  	_ =	swait.ge [sflag:s22], s20  }
0x9f: {  	s4 =	ssub.s32 $0x0, s20;
	[sflag:s22] =	ssyncset.done $0x0  }
0xa0: {  	[sflag:s22] =	ssyncadd.s32 s4;
	_ =	sdelay $0x1  }
0xa1: {  	s23 =	simm.s32 $0x1B8B  }
0xa2: {  	_ =	swait.ge [sflag:s23], $0x1  }
0xa3: {  	[sflag:s23] =	ssyncset.done $0x0  }
0xa4: {  	s25 =	simm.s32 $0x1B8E;
	s24 =	sld [smem:$0x3FFE];
	[sflag:s23] =	ssyncadd.s32 $0xFFFFFFFF  }
0xa5: {  	s26 =	simm.s32 $execute0_lowered;
	[smem:$0x3FD2] =	sst s25  }
0xa6: {  	s5 =	sshll.u32 s26, $0x1;
	_ =	strace $0x80000046;
	[dreg:$0x1] =	wrdreg $0xFFFFFFFF  }
0xa7: {  	s28 =	simm.s32 $_size_execute0_lowered;
	s3 =	sadd.s32 s3, s5;
	[dreg:$0x0] =	wrdreg $0x0  }
0xa8: {  	s5 =	sshll.u32 s28, $0x1;
	[dreg:$0x2] =	wrdreg s3  }
0xa9: {  	[dreg:$0x3] =	wrdreg s5  }
0xaa: {  	[dreg:$0x4] =	wrdreg $0xC0  }
0xab: {  	_ =	task [dreg:s7], $0x5FFFF  }
0xac: {  	[dreg:$0x1] =	wrdreg $0xFFFFFFFF  }
0xad: {  	[dreg:$0x0] =	wrdreg $0x60  }
0xae: {  	[dreg:$0x2] =	wrdreg s24  }
0xaf: {  	[dreg:$0x3] =	wrdreg s2  }
0xb0: {  	[dreg:$0x4] =	wrdreg $0x9  }
0xb1: {  	_ =	task.clear_ibuf [dreg:s7], $0x5FFFF;
	_ =	strace $0x90000046  }
0xb2: {  	s29 =	simm.s32 $0x9;
	_ =	strace $0x80000048  }
0xb3: {  	_ =	swait.ge [sflag:s29], $0x1  }
0xb4: {  	[sflag:s29] =	ssyncadd.s32 $0xFFFFFFFF  }
0xb5: {  	_ =	strace $0x90000048  }
0xb6: {  	_ =	sfence  }
0xb7: {  	s30 =	sld [smem:$0x0];
	_ =	sdelay $0x2  }
0xb8: {  	s31 =	sshll.u32 s1, $0xD;
	s1 =	sshrl.u32 s1, $0x2  }
0xb9: {  	s3 =	sand.u32 $0x4000, s31;
	s1 =	sadd.s32 s1, s30  }
0xba: {  	s0 =	sor.u32 s3, s0;
	s1 =	sshll.u32 s1, $0x11  }
0xbb: {  	s0 =	sor.u32 s1, s0  }
0xbc: {  	s0 =	sadd.s32 $0x8F2B, s0  }
0xbd: {  	[sflag:s0] =	ssyncadd.remote.s32 $0x1  }
0xbe: {  	_ =	sfence.sel $0xFFFF  }
0xbf: {  	[dreg:$0x0] =	wrdreg $0xFFFFFFFF;
	(pc) =	sbr.abs _section_cstart, $3  }
0xc0: {  	[dreg:$0x1] =	wrdreg $0xFFFFFFFF  }
0xc1: {  	_ =	task.clear_ibuf [dreg:s7], $0x2FFFF;
	_ =	strace $0x9FFFFFFF  }
0xc2: {  	(tm) =	ssettm $0x7FFFFFFF  }
0xc3: {  	_ =	shalt  }
tec
execute0_lowered:
.L_overlay_start_1:
0x0: {  	(tag) =	ssettag $0x1  }
0x1: {  	s0 =	srdreg.scid;
	s2 =	stileid.u32  }
0x2: {  	s1 =	rddreg [dreg:$0x0];
	s22 =	simm.s32 $0x1;
	s23 =	simm.s32 $0xE400  }
0x3: {  	s21 =	simm.s32 $0xE488;
	s16 =	simm.s32 $0xE598;
	s24 =	simm.s32 $0xE6A8  }
0x4: {  	s25 =	simm.s32 $0xE7B8;
	s28 =	simm.s32 $0xEA60;
	s29 =	simm.s32 $0xEB70  }
0x5: {  	s30 =	simm.s32 $0xED90;
	s31 =	simm.s32 $0xEEA0;
	s18 =	simm.s32 $0x2  }
0x6: {  	s19 =	simm.s32 $0x10600;
	s0 =	sand.u32 $0x1, s0;
	s3 =	sshll.u32 s2, $0x1  }
0x7: {  	s2 =	rddreg [dreg:$0x1];
	s5 =	sor.u32 s0, s3;
	s3 =	simm.s32 $0x0  }
0x8: {  	s0 =	ssub.s32 $0x2, s0;
	s8 =	sadd.s32 $0x8000, s2;
	s9 =	sadd.s32 $0xC000, s2  }
0x9: {  	s10 =	sadd.s32 $0x10000, s2;
	s11 =	sadd.s32 $0x14000, s2;
	s12 =	sadd.s32 $0x18000, s2  }
0xa: {  	s13 =	sadd.s32 $0x1C000, s2;
	s4 =	smul.u32 $0xC80, s5;
	[smem:$0x7FF] =	sst s3  }
0xb: {  	s7 =	sshrl.u32 s0, $0x1;
	s5 =	smul.u32 $0xC8, s5;
	_ =	strace $0x80000047  }
0xc: {  	v0 =	vlaneseq.u32;
	s0 =	ssub.s32 s0, s7;
	s6 =	sadd.s32 s4, s1;
	s1 =	sadd.s32 $0xF42A00, s1  }
0xd: {  	v0 =	vmul.u32 $0x88, v0;
	s7 =	sadd.s32 $0x4000, s2;
	s0 =	smax.u32 s0, $0x1;
	[dreg:$0x5] =	wrdreg s1  }
0xe: {  	s4 =	simm.s32 $0x0;
	s26 =	sadd.s32 $0x600, s6;
	[dreg:$0x4] =	wrdreg s0  }
0xf: {  	v1 =	vadd.s32 $0x880, v0;
	v2 =	vadd.s32 $0x1100, v0;
	v3 =	vadd.s32 $0x1980, v0;
	s1 =	simm.s32 $0xEFB0;
	[dreg:$0x3] =	wrdreg s26;
	s26 =	simm.s32 $0xE950  }
.LBB2_1:
0x10: {  	[dreg:$0x6] =	wrdreg s4  }
0x11: {  	s0 =	rddreg [dreg:$0x3];
	s20 =	simm.s32 $0x3  }
0x12: {  	[tilespmem:s3], [sflag:$0x3] =	stream.linear.gather [hbm4b:s0+s3], $0x6400, $0x38;
	[tilespmem:$0x12800] =	vst v63  }
0x13: {  	_ =	swait.ge [sflag:s20], $0x6400  }
0x14: {  	s4 =	simm.s32 $0x80;
	[sflag:s20] =	ssyncset.done $0x0  }
0x15: {  	s6 =	simm.s32 $0x6400;
	s15 =	rddreg [dreg:$0x5];
	[sflag:s20] =	ssyncadd.s32 $0xFFFF9C00  }
0x16: {  	[tilespmem:s6], [sflag:$0x1] =	stream.indirect.gather [hbm4b:s15+s4], $0x40, s3, s4, $0xb8;
	[tilespmem:$0x12800] =	vst v63  }
0x17: {  	s17 =	simm.s32 $0x8400  }
0x18: {  	[tilespmem:s17], [sflag:$0x1] =	stream.indirect.gather [hbm4b:s15+s4], $0x40, s4, s4, $0xb8;
	[tilespmem:$0x12800] =	vst v63  }
0x19: {  	s14 =	simm.s32 $0xA400;
	s0 =	simm.s32 $0x0;
	s20 =	simm.s32 $0x100  }
0x1a: {  	[tilespmem:s14], [sflag:$0x1] =	stream.indirect.gather [hbm4b:s15+s4], $0x40, s20, s4, $0xb8;
	[tilespmem:$0x12800] =	vst v63  }
.LBB2_2:
0x1b: {  	s20 =	sshllo.u32 s0, $0x2  }
0x1c: {  	s14 =	simm.s32 $0x80;
	s6 =	sshll.u32 s20, $0x7  }
0x1d: {  	s15 =	simm.s32 $0xC400;
	s4 =	rddreg [dreg:$0x5];
	s6 =	sand.u32 $0x3FFFFF80, s6  }
0x1e: {  	[tilespmem:s15], [sflag:$0x1] =	stream.indirect.gather [hbm4b:s4+s14], $0x40, s6, s14, $0xb8;
	[tilespmem:$0x12800] =	vst v63  }
0x1f: {  	_ =	swait.ge [sflag:s22], $0x2000  }
0x20: {  	p0 =	seq.s32 s0, $0x0;
	[sflag:s22] =	ssyncset.done $0x0  }
0x21: {  	s6 =	simm.s32 @!p0 $0x2;
	[sflag:s22] =	ssyncadd.s32 $0xFFFFE000  }
0x22: {  	_ =	swait.ge @!p0 [sflag:s6], $0x400  }
0x23: {  	[sflag:s6] =	ssyncset.done @!p0 $0x0  }
0x24: {  	[sflag:s6] =	ssyncadd.s32 @!p0 $0xFFFFFC00  }
0x25: {  	_ =	swait.ge @!p0 [sflag:s6], $0x400  }
0x26: {  	[sflag:s6] =	ssyncset.done @!p0 $0x0  }
0x27: {  	[sflag:s6] =	ssyncadd.s32 @!p0 $0xFFFFFC00  }
0x28: {  	_ =	swait.ge @!p0 [sflag:s6], $0x400  }
0x29: {  	[sflag:s6] =	ssyncset.done @!p0 $0x0  }
0x2a: {  	[sflag:s6] =	ssyncadd.s32 @!p0 $0xFFFFFC00  }
0x2b: {  	_ =	swait.ge @!p0 [sflag:s6], $0x400  }
0x2c: {  	[sflag:s6] =	ssyncset.done @!p0 $0x0  }
0x2d: {  	[sflag:s6] =	ssyncadd.s32 @!p0 $0xFFFFFC00  }
0x2e: {  	_ =	swait.ge @!p0 [sflag:s6], $0x400  }
0x2f: {  	[sflag:s6] =	ssyncset.done @!p0 $0x0  }
0x30: {  	[sflag:s6] =	ssyncadd.s32 @!p0 $0xFFFFFC00  }
0x31: {  	_ =	swait.ge @!p0 [sflag:s6], $0x400  }
0x32: {  	[sflag:s6] =	ssyncset.done @!p0 $0x0  }
0x33: {  	[sflag:s6] =	ssyncadd.s32 @!p0 $0xFFFFFC00  }
0x34: {  	_ =	swait.ge @!p0 [sflag:s6], $0x400  }
0x35: {  	[sflag:s6] =	ssyncset.done @!p0 $0x0  }
0x36: {  	[sflag:s6] =	ssyncadd.s32 @!p0 $0xFFFFFC00  }
0x37: {  	_ =	swait.ge @!p0 [sflag:s6], $0x400  }
0x38: {  	[sflag:s6] =	ssyncset.done @!p0 $0x0  }
0x39: {  	v4 =	vimm.s32 $0x0;
	s14 =	simm.s32 $0x6480;
	[sflag:s6] =	ssyncadd.s32 @!p0 $0xFFFFFC00  }
0x3a: {  	v7 =	vand.u32 $0xFFFFFFF8, v4;
	v5 =	vld [tilespmem:s14+$0xFFFFFFF0]  }
0x3b: {  	v8 =	vand.u32 $0x4, v4;
	v13 =	vadd.s32 v0, v7;
	v6 =	vld [tilespmem:s14+$0xFFFFFFE0]  }
0x3c: {  	v14 =	vadd.s32 v1, v7;
	v11 =	vor.u32 v8, v13;
	v10 =	vld [tilespmem:s14+$0xFFFFFF80]  }
0x3d: {  	v15 =	vadd.s32 v2, v7;
	v16 =	vor.u32 v8, v14;
	v12 =	vld [tilespmem:s14+$0xFFFFFF90]  }
0x3e: {  	v7 =	vadd.s32 v3, v7;
	v18 =	vor.u32 v8, v15;
	v17 =	vld [tilespmem:s14+$0xFFFFFFA0]  }
0x3f: {  	v21 =	vor.u32 $0x1, v8;
	v20 =	vor.u32 v8, v7;
	v19 =	vld [tilespmem:s14+$0xFFFFFFB0]  }
0x40: {  	v23 =	vor.u32 v21, v13;
	v22 =	vld [tilespmem:s14+$0xFFFFFFC0]  }
0x41: {  	v9 =	vld [tilespmem:s14+$0xFFFFFFD0];
	[tilespmem:v11+s23+$0x0] =	vst.idx.msk $0xffff, v10;
	v10 =	vor.u32 v21, v14  }
0x42: {  	v11 =	vor.u32 v21, v15;
	[tilespmem:v16+s23+$0x0] =	vst.idx.msk $0xffff, v12  }
0x43: {  	v12 =	vor.u32 v21, v7;
	[tilespmem:v18+s23+$0x0] =	vst.idx.msk $0xffff, v17  }
0x44: {  	[tilespmem:v20+s23+$0x0] =	vst.idx.msk $0xffff, v19  }
0x45: {  	[tilespmem:v23+s23+$0x0] =	vst.idx.msk $0xffff, v22  }
0x46: {  	[tilespmem:v10+s23+$0x0] =	vst.idx.msk $0xffff, v9  }
0x47: {  	[tilespmem:v11+s23+$0x0] =	vst.idx.msk $0xffff, v6  }
0x48: {  	[tilespmem:v12+s23+$0x0] =	vst.idx.msk $0xffff, v5  }
0x49: {  	v16 =	vld [tilespmem:s14+$0x30]  }
0x4a: {  	v5 =	vor.u32 $0x2, v8;
	v6 =	vld [tilespmem:s14+$0x20]  }
0x4b: {  	v59 =	vor.u32 v5, v13;
	v19 =	vld [tilespmem:s14+$0x0]  }
0x4c: {  	v17 =	vld [tilespmem:s14+$0x10];
	v60 =	vor.u32 v5, v14  }
0x4d: {  	v12 =	vld [tilespmem:s14+$0x40];
	v61 =	vor.u32 v5, v15  }
0x4e: {  	v10 =	vld [tilespmem:s14+$0x50]  }
0x4f: {  	v63 =	vor.u32 $0x3, v8;
	v62 =	vor.u32 v5, v7;
	v9 =	vld [tilespmem:s14+$0x70]  }
0x50: {  	v8 =	vor.u32 v63, v13;
	v11 =	vld [tilespmem:s14+$0x60];
	[tilespmem:v59+s23+$0x0] =	vst.idx.msk $0xffff, v19  }
0x51: {  	v5 =	vor.u32 v63, v14;
	[tilespmem:v60+s23+$0x0] =	vst.idx.msk $0xffff, v17  }
0x52: {  	[tilespmem:v61+s23+$0x0] =	vst.idx.msk $0xffff, v6;
	v6 =	vor.u32 v63, v15  }
0x53: {  	v7 =	vor.u32 v63, v7  }
0x54: {  	s15 =	simm.s32 $0x0;
	s6 =	sshll.u32 s0, $0x2;
	[tilespmem:v62+s23+$0x0] =	vst.idx.msk $0xffff, v16  }
.LBB2_3:
0x55: {  	s15 =	sadd.s32 $0x2, s15;
	[tilespmem:v8+s23+$0x0] =	vst.idx.msk $0xffff, v12;
	v4 =	vadd.s32 $0x4, v4;
	s14 =	sadd.s32 $0x100, s14  }
0x56: {  	p1 =	slt.u32 s15, $0x3E;
	[tilespmem:v5+s23+$0x0] =	vst.idx.msk $0xffff, v10  }
0x57: {  	[tilespmem:v6+s23+$0x0] =	vst.idx.msk $0xffff, v11  }
0x58: {  	[tilespmem:v7+s23+$0x0] =	vst.idx.msk $0xffff, v9  }
0x59: {  	v9 =	vld [tilespmem:s14+$0xFFFFFFF0]  }
0x5a: {  	v5 =	vand.u32 $0xFFFFFFF8, v4;
	v6 =	vand.u32 $0x4, v4;
	v10 =	vld [tilespmem:s14+$0xFFFFFFE0]  }
0x5b: {  	v12 =	vadd.s32 v1, v5;
	v13 =	vadd.s32 v2, v5;
	v7 =	vadd.s32 v0, v5;
	v11 =	vld [tilespmem:s14+$0xFFFFFFD0]  }
0x5c: {  	v15 =	vadd.s32 v3, v5;
	v5 =	vor.u32 $0x2, v6;
	v14 =	vor.u32 v6, v7;
	v8 =	vld [tilespmem:s14+$0xFFFFFF80]  }
0x5d: {  	v17 =	vor.u32 v6, v12;
	v18 =	vor.u32 v5, v7;
	v19 =	vor.u32 v5, v12;
	v16 =	vld [tilespmem:s14+$0xFFFFFF90]  }
0x5e: {  	v21 =	vor.u32 v6, v13;
	v22 =	vor.u32 v5, v13;
	v23 =	vor.u32 v5, v15;
	v20 =	vld [tilespmem:s14+$0xFFFFFFA0]  }
0x5f: {  	v25 =	vor.u32 v6, v15;
	v26 =	vor.u32 $0x3, v6;
	v5 =	vor.u32 $0x1, v6;
	v24 =	vld [tilespmem:s14+$0xFFFFFFB0]  }
0x60: {  	v28 =	vor.u32 v5, v7;
	v29 =	vor.u32 v5, v13;
	v30 =	vor.u32 v5, v15;
	v27 =	vld [tilespmem:s14+$0xFFFFFFC0]  }
0x61: {  	[tilespmem:v14+s23+$0x0] =	vst.idx.msk $0xffff, v8;
	v14 =	vor.u32 v5, v12;
	v8 =	vor.u32 v26, v7  }
0x62: {  	v6 =	vor.u32 v26, v13;
	v5 =	vor.u32 v26, v12;
	[tilespmem:v17+s23+$0x0] =	vst.idx.msk $0xffff, v16  }
0x63: {  	v7 =	vor.u32 v26, v15;
	[tilespmem:v21+s23+$0x0] =	vst.idx.msk $0xffff, v20  }
0x64: {  	[tilespmem:v25+s23+$0x0] =	vst.idx.msk $0xffff, v24  }
0x65: {  	[tilespmem:v28+s23+$0x0] =	vst.idx.msk $0xffff, v27  }
0x66: {  	[tilespmem:v14+s23+$0x0] =	vst.idx.msk $0xffff, v11  }
0x67: {  	[tilespmem:v29+s23+$0x0] =	vst.idx.msk $0xffff, v10  }
0x68: {  	[tilespmem:v30+s23+$0x0] =	vst.idx.msk $0xffff, v9  }
0x69: {  	v13 =	vld [tilespmem:s14+$0x30]  }
0x6a: {  	v14 =	vld [tilespmem:s14+$0x20]  }
0x6b: {  	v15 =	vld [tilespmem:s14+$0x10]  }
0x6c: {  	v16 =	vld [tilespmem:s14+$0x0]  }
0x6d: {  	v12 =	vld [tilespmem:s14+$0x40]  }
0x6e: {  	v10 =	vld [tilespmem:s14+$0x50]  }
0x6f: {  	v9 =	vld [tilespmem:s14+$0x70]  }
.Ltmp0:
0x70: {  	v11 =	vld [tilespmem:s14+$0x60];
	(pc) =	sbr.rel @p1 .LBB2_3-.Ltmp0, $4  }
0x71: {  	[tilespmem:v18+s23+$0x0] =	vst.idx.msk $0xffff, v16  }
0x72: {  	[tilespmem:v19+s23+$0x0] =	vst.idx.msk $0xffff, v15  }
0x73: {  	[tilespmem:v22+s23+$0x0] =	vst.idx.msk $0xffff, v14  }
0x74: {  	[tilespmem:v23+s23+$0x0] =	vst.idx.msk $0xffff, v13  }
0x75: {  	_ =	sdelay $0x2  }
0x76: {  	s14 =	sadd.s32 s5, s6  }
0x77: {  	[tilespmem:v8+s23+$0x0] =	vst.idx.msk $0xffff, v12;
	s15 =	sshll.u32 s14, $0xA;
	s14 =	sshll.u32 s14, $0x7  }
0x78: {  	[tilespmem:v5+s23+$0x0] =	vst.idx.msk $0xffff, v10;
	s15 =	sand.u32 $0xFFE0000, s15;
	s14 =	sand.u32 $0x3E00, s14  }
0x79: {  	[tilespmem:v6+s23+$0x0] =	vst.idx.msk $0xffff, v11;
	s14 =	sor.u32 s14, s15  }
0x7a: {  	[tilespmem:v7+s23+$0x0] =	vst.idx.msk $0xffff, v9;
	s15 =	sadd.s32 s2, s14  }
0x7b: {  	[hbm4b:s15+s3] =	stream.linear.scatter [tilespmem:s23], [sflag:$0x2], $0x80, $0x38;
	[tilespmem:$0x12800] =	vst v63  }
0x7c: {  	s17 =	sadd.s32 $0x10, s15  }
0x7d: {  	[hbm4b:s17+s3] =	stream.linear.scatter [tilespmem:s21], [sflag:$0x2], $0x80, $0x38;
	[tilespmem:$0x12800] =	vst v63  }
0x7e: {  	s4 =	simm.s32 $0xE510;
	s21 =	sadd.s32 $0x20, s15  }
0x7f: {  	[hbm4b:s21+s3] =	stream.linear.scatter [tilespmem:s4], [sflag:$0x2], $0x80, $0x38;
	[tilespmem:$0x12800] =	vst v63  }
0x80: {  	s4 =	sadd.s32 $0x30, s15  }
0x81: {  	[hbm4b:s4+s3] =	stream.linear.scatter [tilespmem:s16], [sflag:$0x2], $0x80, $0x38;
	[tilespmem:$0x12800] =	vst v63  }
0x82: {  	s21 =	sadd.s32 $0x40, s15;
	s4 =	simm.s32 $0xE620  }
0x83: {  	[hbm4b:s21+s3] =	stream.linear.scatter [tilespmem:s4], [sflag:$0x2], $0x80, $0x38;
	[tilespmem:$0x12800] =	vst v63  }
0x84: {  	s21 =	sadd.s32 $0x50, s15  }
0x85: {  	[hbm4b:s21+s3] =	stream.linear.scatter [tilespmem:s24], [sflag:$0x2], $0x80, $0x38;
	[tilespmem:$0x12800] =	vst v63  }
0x86: {  	s4 =	simm.s32 $0xE730;
	s24 =	sadd.s32 $0x60, s15  }
0x87: {  	[hbm4b:s24+s3] =	stream.linear.scatter [tilespmem:s4], [sflag:$0x2], $0x80, $0x38;
	[tilespmem:$0x12800] =	vst v63  }
0x88: {  	s15 =	sadd.s32 $0x70, s15  }
0x89: {  	[hbm4b:s15+s3] =	stream.linear.scatter [tilespmem:s25], [sflag:$0x2], $0x80, $0x38;
	[tilespmem:$0x12800] =	vst v63  }
0x8a: {  	s21 =	simm.s32 $0xE840;
	s15 =	sadd.s32 s14, s7  }
0x8b: {  	[hbm4b:s15+s3] =	stream.linear.scatter [tilespmem:s21], [sflag:$0x2], $0x80, $0x38;
	[tilespmem:$0x12800] =	vst v63  }
0x8c: {  	s25 =	simm.s32 $0xE8C8;
	s24 =	sadd.s32 $0x10, s15  }
0x8d: {  	[hbm4b:s24+s3] =	stream.linear.scatter [tilespmem:s25], [sflag:$0x2], $0x80, $0x38;
	[tilespmem:$0x12800] =	vst v63  }
0x8e: {  	s4 =	sadd.s32 $0x20, s15  }
0x8f: {  	[hbm4b:s4+s3] =	stream.linear.scatter [tilespmem:s26], [sflag:$0x2], $0x80, $0x38;
	[tilespmem:$0x12800] =	vst v63  }
0x90: {  	s16 =	sadd.s32 $0x30, s15;
	s21 =	simm.s32 $0xE9D8  }
0x91: {  	[hbm4b:s16+s3] =	stream.linear.scatter [tilespmem:s21], [sflag:$0x2], $0x80, $0x38;
	[tilespmem:$0x12800] =	vst v63  }
0x92: {  	s24 =	sadd.s32 $0x40, s15  }
0x93: {  	[hbm4b:s24+s3] =	stream.linear.scatter [tilespmem:s28], [sflag:$0x2], $0x80, $0x38;
	[tilespmem:$0x12800] =	vst v63  }
0x94: {  	s25 =	sadd.s32 $0x50, s15;
	s26 =	simm.s32 $0xEAE8  }
0x95: {  	[hbm4b:s25+s3] =	stream.linear.scatter [tilespmem:s26], [sflag:$0x2], $0x80, $0x38;
	[tilespmem:$0x12800] =	vst v63  }
0x96: {  	s28 =	sadd.s32 $0x60, s15  }
0x97: {  	[hbm4b:s28+s3] =	stream.linear.scatter [tilespmem:s29], [sflag:$0x2], $0x80, $0x38;
	[tilespmem:$0x12800] =	vst v63  }
0x98: {  	s4 =	simm.s32 $0xEBF8;
	s15 =	sadd.s32 $0x70, s15  }
0x99: {  	[hbm4b:s15+s3] =	stream.linear.scatter [tilespmem:s4], [sflag:$0x2], $0x80, $0x38;
	[tilespmem:$0x12800] =	vst v63  }
0x9a: {  	s17 =	simm.s32 $0xEC80;
	s15 =	sadd.s32 s14, s8  }
0x9b: {  	[hbm4b:s15+s3] =	stream.linear.scatter [tilespmem:s17], [sflag:$0x2], $0x80, $0x38;
	[tilespmem:$0x12800] =	vst v63  }
0x9c: {  	s24 =	simm.s32 $0xED08;
	s21 =	sadd.s32 $0x10, s15  }
0x9d: {  	[hbm4b:s21+s3] =	stream.linear.scatter [tilespmem:s24], [sflag:$0x2], $0x80, $0x38;
	[tilespmem:$0x12800] =	vst v63  }
0x9e: {  	s25 =	sadd.s32 $0x20, s15  }
0x9f: {  	[hbm4b:s25+s3] =	stream.linear.scatter [tilespmem:s30], [sflag:$0x2], $0x80, $0x38;
	[tilespmem:$0x12800] =	vst v63  }
0xa0: {  	s28 =	simm.s32 $0xEE18;
	s26 =	sadd.s32 $0x30, s15  }
0xa1: {  	[hbm4b:s26+s3] =	stream.linear.scatter [tilespmem:s28], [sflag:$0x2], $0x80, $0x38;
	[tilespmem:$0x12800] =	vst v63  }
0xa2: {  	s29 =	sadd.s32 $0x40, s15  }
0xa3: {  	[hbm4b:s29+s3] =	stream.linear.scatter [tilespmem:s31], [sflag:$0x2], $0x80, $0x38;
	[tilespmem:$0x12800] =	vst v63  }
0xa4: {  	s30 =	sadd.s32 $0x50, s15;
	s31 =	simm.s32 $0xEF28  }
0xa5: {  	[hbm4b:s30+s3] =	stream.linear.scatter [tilespmem:s31], [sflag:$0x2], $0x80, $0x38;
	[tilespmem:$0x12800] =	vst v63  }
0xa6: {  	s4 =	sadd.s32 $0x60, s15  }
0xa7: {  	[hbm4b:s4+s3] =	stream.linear.scatter [tilespmem:s1], [sflag:$0x2], $0x80, $0x38;
	[tilespmem:$0x12800] =	vst v63  }
0xa8: {  	s16 =	simm.s32 $0xF038;
	s15 =	sadd.s32 $0x70, s15  }
0xa9: {  	[hbm4b:s15+s3] =	stream.linear.scatter [tilespmem:s16], [sflag:$0x2], $0x80, $0x38;
	[tilespmem:$0x12800] =	vst v63  }
0xaa: {  	s17 =	simm.s32 $0xF0C0;
	s15 =	sadd.s32 s14, s9  }
0xab: {  	[hbm4b:s15+s3] =	stream.linear.scatter [tilespmem:s17], [sflag:$0x2], $0x80, $0x38;
	[tilespmem:$0x12800] =	vst v63  }
0xac: {  	s24 =	simm.s32 $0xF148;
	s21 =	sadd.s32 $0x10, s15  }
0xad: {  	[hbm4b:s21+s3] =	stream.linear.scatter [tilespmem:s24], [sflag:$0x2], $0x80, $0x38;
	[tilespmem:$0x12800] =	vst v63  }
0xae: {  	s26 =	simm.s32 $0xF1D0;
	s25 =	sadd.s32 $0x20, s15  }
0xaf: {  	[hbm4b:s25+s3] =	stream.linear.scatter [tilespmem:s26], [sflag:$0x2], $0x80, $0x38;
	[tilespmem:$0x12800] =	vst v63  }
0xb0: {  	s29 =	simm.s32 $0xF258;
	s28 =	sadd.s32 $0x30, s15  }
0xb1: {  	[hbm4b:s28+s3] =	stream.linear.scatter [tilespmem:s29], [sflag:$0x2], $0x80, $0x38;
	[tilespmem:$0x12800] =	vst v63  }
0xb2: {  	s31 =	simm.s32 $0xF2E0;
	s30 =	sadd.s32 $0x40, s15  }
0xb3: {  	[hbm4b:s30+s3] =	stream.linear.scatter [tilespmem:s31], [sflag:$0x2], $0x80, $0x38;
	[tilespmem:$0x12800] =	vst v63  }
0xb4: {  	s16 =	simm.s32 $0xF368;
	s4 =	sadd.s32 $0x50, s15  }
0xb5: {  	[hbm4b:s4+s3] =	stream.linear.scatter [tilespmem:s16], [sflag:$0x2], $0x80, $0x38;
	[tilespmem:$0x12800] =	vst v63  }
0xb6: {  	s21 =	sadd.s32 $0x60, s15;
	s24 =	simm.s32 $0xF3F0  }
0xb7: {  	[hbm4b:s21+s3] =	stream.linear.scatter [tilespmem:s24], [sflag:$0x2], $0x80, $0x38;
	[tilespmem:$0x12800] =	vst v63  }
0xb8: {  	s15 =	sadd.s32 $0x70, s15;
	s25 =	simm.s32 $0xF478  }
0xb9: {  	[hbm4b:s15+s3] =	stream.linear.scatter [tilespmem:s25], [sflag:$0x2], $0x80, $0x38;
	[tilespmem:$0x12800] =	vst v63  }
0xba: {  	s26 =	simm.s32 $0xF500;
	s15 =	sadd.s32 s14, s10  }
0xbb: {  	[hbm4b:s15+s3] =	stream.linear.scatter [tilespmem:s26], [sflag:$0x2], $0x80, $0x38;
	[tilespmem:$0x12800] =	vst v63  }
0xbc: {  	s29 =	simm.s32 $0xF588;
	s28 =	sadd.s32 $0x10, s15  }
0xbd: {  	[hbm4b:s28+s3] =	stream.linear.scatter [tilespmem:s29], [sflag:$0x2], $0x80, $0x38;
	[tilespmem:$0x12800] =	vst v63  }
0xbe: {  	s31 =	simm.s32 $0xF610;
	s30 =	sadd.s32 $0x20, s15  }
0xbf: {  	[hbm4b:s30+s3] =	stream.linear.scatter [tilespmem:s31], [sflag:$0x2], $0x80, $0x38;
	[tilespmem:$0x12800] =	vst v63  }
0xc0: {  	s16 =	simm.s32 $0xF698;
	s4 =	sadd.s32 $0x30, s15  }
0xc1: {  	[hbm4b:s4+s3] =	stream.linear.scatter [tilespmem:s16], [sflag:$0x2], $0x80, $0x38;
	[tilespmem:$0x12800] =	vst v63  }
0xc2: {  	s24 =	simm.s32 $0xF720;
	s21 =	sadd.s32 $0x40, s15  }
0xc3: {  	[hbm4b:s21+s3] =	stream.linear.scatter [tilespmem:s24], [sflag:$0x2], $0x80, $0x38;
	[tilespmem:$0x12800] =	vst v63  }
0xc4: {  	s25 =	sadd.s32 $0x50, s15;
	s26 =	simm.s32 $0xF7A8  }
0xc5: {  	[hbm4b:s25+s3] =	stream.linear.scatter [tilespmem:s26], [sflag:$0x2], $0x80, $0x38;
	[tilespmem:$0x12800] =	vst v63  }
0xc6: {  	s28 =	sadd.s32 $0x60, s15;
	s29 =	simm.s32 $0xF830  }
0xc7: {  	[hbm4b:s28+s3] =	stream.linear.scatter [tilespmem:s29], [sflag:$0x2], $0x80, $0x38;
	[tilespmem:$0x12800] =	vst v63  }
0xc8: {  	s15 =	sadd.s32 $0x70, s15;
	s30 =	simm.s32 $0xF8B8  }
0xc9: {  	[hbm4b:s15+s3] =	stream.linear.scatter [tilespmem:s30], [sflag:$0x2], $0x80, $0x38;
	[tilespmem:$0x12800] =	vst v63  }
0xca: {  	s31 =	simm.s32 $0xF940;
	s15 =	sadd.s32 s14, s11  }
0xcb: {  	[hbm4b:s15+s3] =	stream.linear.scatter [tilespmem:s31], [sflag:$0x2], $0x80, $0x38;
	[tilespmem:$0x12800] =	vst v63  }
0xcc: {  	s16 =	simm.s32 $0xF9C8;
	s4 =	sadd.s32 $0x10, s15  }
0xcd: {  	[hbm4b:s4+s3] =	stream.linear.scatter [tilespmem:s16], [sflag:$0x2], $0x80, $0x38;
	[tilespmem:$0x12800] =	vst v63  }
0xce: {  	s24 =	simm.s32 $0xFA50;
	s21 =	sadd.s32 $0x20, s15  }
0xcf: {  	[hbm4b:s21+s3] =	stream.linear.scatter [tilespmem:s24], [sflag:$0x2], $0x80, $0x38;
	[tilespmem:$0x12800] =	vst v63  }
0xd0: {  	s26 =	simm.s32 $0xFAD8;
	s25 =	sadd.s32 $0x30, s15  }
0xd1: {  	[hbm4b:s25+s3] =	stream.linear.scatter [tilespmem:s26], [sflag:$0x2], $0x80, $0x38;
	[tilespmem:$0x12800] =	vst v63  }
0xd2: {  	s29 =	simm.s32 $0xFB60;
	s28 =	sadd.s32 $0x40, s15  }
0xd3: {  	[hbm4b:s28+s3] =	stream.linear.scatter [tilespmem:s29], [sflag:$0x2], $0x80, $0x38;
	[tilespmem:$0x12800] =	vst v63  }
0xd4: {  	s30 =	sadd.s32 $0x50, s15;
	s31 =	simm.s32 $0xFBE8  }
0xd5: {  	[hbm4b:s30+s3] =	stream.linear.scatter [tilespmem:s31], [sflag:$0x2], $0x80, $0x38;
	[tilespmem:$0x12800] =	vst v63  }
0xd6: {  	s4 =	sadd.s32 $0x60, s15;
	s16 =	simm.s32 $0xFC70  }
0xd7: {  	[hbm4b:s4+s3] =	stream.linear.scatter [tilespmem:s16], [sflag:$0x2], $0x80, $0x38;
	[tilespmem:$0x12800] =	vst v63  }
0xd8: {  	s15 =	sadd.s32 $0x70, s15;
	s21 =	simm.s32 $0xFCF8  }
0xd9: {  	[hbm4b:s15+s3] =	stream.linear.scatter [tilespmem:s21], [sflag:$0x2], $0x80, $0x38;
	[tilespmem:$0x12800] =	vst v63  }
0xda: {  	s24 =	simm.s32 $0xFD80;
	s15 =	sadd.s32 s14, s12  }
0xdb: {  	[hbm4b:s15+s3] =	stream.linear.scatter [tilespmem:s24], [sflag:$0x2], $0x80, $0x38;
	[tilespmem:$0x12800] =	vst v63  }
0xdc: {  	s26 =	simm.s32 $0xFE08;
	s25 =	sadd.s32 $0x10, s15  }
0xdd: {  	[hbm4b:s25+s3] =	stream.linear.scatter [tilespmem:s26], [sflag:$0x2], $0x80, $0x38;
	[tilespmem:$0x12800] =	vst v63  }
0xde: {  	s29 =	simm.s32 $0xFE90;
	s28 =	sadd.s32 $0x20, s15  }
0xdf: {  	[hbm4b:s28+s3] =	stream.linear.scatter [tilespmem:s29], [sflag:$0x2], $0x80, $0x38;
	[tilespmem:$0x12800] =	vst v63  }
0xe0: {  	s31 =	simm.s32 $0xFF18;
	s30 =	sadd.s32 $0x30, s15  }
0xe1: {  	[hbm4b:s30+s3] =	stream.linear.scatter [tilespmem:s31], [sflag:$0x2], $0x80, $0x38;
	[tilespmem:$0x12800] =	vst v63  }
0xe2: {  	s16 =	simm.s32 $0xFFA0;
	s4 =	sadd.s32 $0x40, s15  }
0xe3: {  	[hbm4b:s4+s3] =	stream.linear.scatter [tilespmem:s16], [sflag:$0x2], $0x80, $0x38;
	[tilespmem:$0x12800] =	vst v63  }
0xe4: {  	s21 =	sadd.s32 $0x50, s15;
	s24 =	simm.s32 $0x10028  }
0xe5: {  	[hbm4b:s21+s3] =	stream.linear.scatter [tilespmem:s24], [sflag:$0x2], $0x80, $0x38;
	[tilespmem:$0x12800] =	vst v63  }
0xe6: {  	s25 =	sadd.s32 $0x60, s15;
	s26 =	simm.s32 $0x100B0  }
0xe7: {  	[hbm4b:s25+s3] =	stream.linear.scatter [tilespmem:s26], [sflag:$0x2], $0x80, $0x38;
	[tilespmem:$0x12800] =	vst v63  }
0xe8: {  	s15 =	sadd.s32 $0x70, s15;
	s28 =	simm.s32 $0x10138  }
0xe9: {  	[hbm4b:s15+s3] =	stream.linear.scatter [tilespmem:s28], [sflag:$0x2], $0x80, $0x38;
	[tilespmem:$0x12800] =	vst v63  }
0xea: {  	s14 =	sadd.s32 s14, s13;
	s29 =	simm.s32 $0x101C0  }
0xeb: {  	[hbm4b:s14+s3] =	stream.linear.scatter [tilespmem:s29], [sflag:$0x2], $0x80, $0x38;
	[tilespmem:$0x12800] =	vst v63  }
0xec: {  	s30 =	sadd.s32 $0x10, s14;
	s31 =	simm.s32 $0x10248  }
0xed: {  	[hbm4b:s30+s3] =	stream.linear.scatter [tilespmem:s31], [sflag:$0x2], $0x80, $0x38;
	[tilespmem:$0x12800] =	vst v63  }
0xee: {  	s4 =	sadd.s32 $0x20, s14;
	s16 =	simm.s32 $0x102D0  }
0xef: {  	[hbm4b:s4+s3] =	stream.linear.scatter [tilespmem:s16], [sflag:$0x2], $0x80, $0x38;
	[tilespmem:$0x12800] =	vst v63  }
0xf0: {  	s17 =	sadd.s32 $0x30, s14;
	s21 =	simm.s32 $0x10358  }
0xf1: {  	[hbm4b:s17+s3] =	stream.linear.scatter [tilespmem:s21], [sflag:$0x2], $0x80, $0x38;
	[tilespmem:$0x12800] =	vst v63  }
0xf2: {  	s24 =	sadd.s32 $0x40, s14;
	s25 =	simm.s32 $0x103E0  }
0xf3: {  	[hbm4b:s24+s3] =	stream.linear.scatter [tilespmem:s25], [sflag:$0x2], $0x80, $0x38;
	[tilespmem:$0x12800] =	vst v63  }
0xf4: {  	p1 =	sne.s32 s0, $0x31;
	s26 =	sadd.s32 $0x50, s14;
	s28 =	simm.s32 $0x10468  }
0xf5: {  	[hbm4b:s26+s3] =	stream.linear.scatter [tilespmem:s28], [sflag:$0x2], $0x80, $0x38;
	[tilespmem:$0x12800] =	vst v63  }
.Ltmp1:
0xf6: {  	_ = 	snop;
	(pc) =	sbr.rel @p1 .LBB2_6-.Ltmp1, $4  }
0xf7: {  	s29 =	sadd.s32 $0x60, s14;
	s30 =	simm.s32 $0x104F0  }
0xf8: {  	[hbm4b:s29+s3] =	stream.linear.scatter [tilespmem:s30], [sflag:$0x2], $0x80, $0x38;
	[tilespmem:$0x12800] =	vst v63  }
0xf9: {  	s14 =	sadd.s32 $0x70, s14;
	s31 =	simm.s32 $0x10578  }
0xfa: {  	[hbm4b:s14+s3] =	stream.linear.scatter [tilespmem:s31], [sflag:$0x2], $0x80, $0x38;
	[tilespmem:$0x12800] =	vst v63  }
.Ltmp2:
0xfb: {  	(pc) =	sbr.rel .LBB2_7-.Ltmp2, $4  }
0xfc: {  	_ = 	snop  }
0xfd: {  	_ =	swait.ge [sflag:s22], $0x2000  }
0xfe: {  	[sflag:s22] =	ssyncset.done $0x0  }
0xff: {  	[sflag:s22] =	ssyncadd.s32 $0xFFFFE000  }
.LBB2_6:
0x100: {  	s14 =	sshll.u32 s0, $0x9  }
0x101: {  	s15 =	simm.s32 $0x80;
	s17 =	simm.s32 $0x6400;
	s14 =	sand.u32 $0x3FFFFE00, s14  }
.Ltmp3:
0x102: {  	s1 =	rddreg [dreg:$0x5];
	s14 =	sadd.s32 $0x200, s14;
	(pc) =	sbr.rel @p0 .LBB2_8-.Ltmp3, $4  }
0x103: {  	[tilespmem:s17], [sflag:$0x1] =	stream.indirect.gather [hbm4b:s1+s15], $0x40, s14, s15, $0xb8;
	[tilespmem:$0x12800] =	vst v63  }
0x104: {  	_ =	swait.ge [sflag:s22], $0x2000  }
0x105: {  	[sflag:s22] =	ssyncset.done $0x0  }
0x106: {  	[sflag:s22] =	ssyncadd.s32 $0xFFFFE000  }
.LBB2_7:
0x107: {  	_ =	swait.ge [sflag:s18], $0x400  }
0x108: {  	[sflag:s18] =	ssyncset.done $0x0  }
0x109: {  	[sflag:s18] =	ssyncadd.s32 $0xFFFFFC00  }
0x10a: {  	_ =	swait.ge [sflag:s18], $0x400  }
0x10b: {  	[sflag:s18] =	ssyncset.done $0x0  }
0x10c: {  	[sflag:s18] =	ssyncadd.s32 $0xFFFFFC00  }
0x10d: {  	_ =	swait.ge [sflag:s18], $0x400  }
0x10e: {  	[sflag:s18] =	ssyncset.done $0x0  }
0x10f: {  	[sflag:s18] =	ssyncadd.s32 $0xFFFFFC00  }
0x110: {  	_ =	swait.ge [sflag:s18], $0x400  }
0x111: {  	[sflag:s18] =	ssyncset.done $0x0  }
0x112: {  	[sflag:s18] =	ssyncadd.s32 $0xFFFFFC00  }
0x113: {  	_ =	swait.ge [sflag:s18], $0x400  }
0x114: {  	[sflag:s18] =	ssyncset.done $0x0  }
0x115: {  	[sflag:s18] =	ssyncadd.s32 $0xFFFFFC00  }
0x116: {  	_ =	swait.ge [sflag:s18], $0x400  }
0x117: {  	[sflag:s18] =	ssyncset.done $0x0  }
0x118: {  	[sflag:s18] =	ssyncadd.s32 $0xFFFFFC00  }
0x119: {  	_ =	swait.ge [sflag:s18], $0x400  }
0x11a: {  	[sflag:s18] =	ssyncset.done $0x0  }
0x11b: {  	[sflag:s18] =	ssyncadd.s32 $0xFFFFFC00  }
0x11c: {  	_ =	swait.ge [sflag:s18], $0x400  }
0x11d: {  	[sflag:s18] =	ssyncset.done $0x0  }
0x11e: {  	[sflag:s18] =	ssyncadd.s32 $0xFFFFFC00  }
.LBB2_8:
0x11f: {  	s14 =	simm.s32 $0x8480;
	v4 =	vimm.s32 $0x0  }
0x120: {  	v5 =	vld [tilespmem:s14+$0xFFFFFFF0];
	v7 =	vand.u32 $0xFFFFFFF8, v4  }
0x121: {  	v6 =	vld [tilespmem:s14+$0xFFFFFFE0];
	v8 =	vand.u32 $0x4, v4;
	v13 =	vadd.s32 v0, v7  }
0x122: {  	v10 =	vld [tilespmem:s14+$0xFFFFFF80];
	v14 =	vadd.s32 v1, v7;
	v11 =	vor.u32 v8, v13  }
0x123: {  	v12 =	vld [tilespmem:s14+$0xFFFFFF90];
	v15 =	vadd.s32 v2, v7;
	v16 =	vor.u32 v8, v14  }
0x124: {  	v17 =	vld [tilespmem:s14+$0xFFFFFFA0];
	v7 =	vadd.s32 v3, v7;
	v18 =	vor.u32 v8, v15  }
0x125: {  	v19 =	vld [tilespmem:s14+$0xFFFFFFB0];
	v21 =	vor.u32 $0x1, v8;
	v20 =	vor.u32 v8, v7  }
0x126: {  	v22 =	vld [tilespmem:s14+$0xFFFFFFC0];
	v23 =	vor.u32 v21, v13  }
0x127: {  	v9 =	vld [tilespmem:s14+$0xFFFFFFD0];
	[tilespmem:v11+s19+$0x0] =	vst.idx.msk $0xffff, v10;
	v10 =	vor.u32 v21, v14  }
0x128: {  	v11 =	vor.u32 v21, v15;
	[tilespmem:v16+s19+$0x0] =	vst.idx.msk $0xffff, v12  }
0x129: {  	v12 =	vor.u32 v21, v7;
	[tilespmem:v18+s19+$0x0] =	vst.idx.msk $0xffff, v17  }
0x12a: {  	[tilespmem:v20+s19+$0x0] =	vst.idx.msk $0xffff, v19  }
0x12b: {  	[tilespmem:v23+s19+$0x0] =	vst.idx.msk $0xffff, v22  }
0x12c: {  	[tilespmem:v10+s19+$0x0] =	vst.idx.msk $0xffff, v9  }
0x12d: {  	[tilespmem:v11+s19+$0x0] =	vst.idx.msk $0xffff, v6  }
0x12e: {  	[tilespmem:v12+s19+$0x0] =	vst.idx.msk $0xffff, v5  }
0x12f: {  	v16 =	vld [tilespmem:s14+$0x30]  }
0x130: {  	v5 =	vor.u32 $0x2, v8;
	v6 =	vld [tilespmem:s14+$0x20]  }
0x131: {  	v59 =	vor.u32 v5, v13;
	v19 =	vld [tilespmem:s14+$0x0]  }
0x132: {  	v17 =	vld [tilespmem:s14+$0x10];
	v60 =	vor.u32 v5, v14  }
0x133: {  	v12 =	vld [tilespmem:s14+$0x40];
	v61 =	vor.u32 v5, v15  }
0x134: {  	v10 =	vld [tilespmem:s14+$0x50]  }
0x135: {  	v63 =	vor.u32 $0x3, v8;
	v62 =	vor.u32 v5, v7;
	v9 =	vld [tilespmem:s14+$0x70]  }
0x136: {  	v8 =	vor.u32 v63, v13;
	v11 =	vld [tilespmem:s14+$0x60];
	[tilespmem:v59+s19+$0x0] =	vst.idx.msk $0xffff, v19  }
0x137: {  	v5 =	vor.u32 v63, v14;
	[tilespmem:v60+s19+$0x0] =	vst.idx.msk $0xffff, v17  }
0x138: {  	[tilespmem:v61+s19+$0x0] =	vst.idx.msk $0xffff, v6;
	v6 =	vor.u32 v63, v15  }
0x139: {  	v7 =	vor.u32 v63, v7  }
0x13a: {  	s15 =	sor.u32 $0x1, s6;
	s17 =	simm.s32 $0x0;
	[tilespmem:v62+s19+$0x0] =	vst.idx.msk $0xffff, v16  }
.LBB2_9:
0x13b: {  	s17 =	sadd.s32 $0x2, s17;
	[tilespmem:v8+s19+$0x0] =	vst.idx.msk $0xffff, v12;
	v4 =	vadd.s32 $0x4, v4;
	s14 =	sadd.s32 $0x100, s14  }
0x13c: {  	p0 =	slt.u32 s17, $0x3E;
	[tilespmem:v5+s19+$0x0] =	vst.idx.msk $0xffff, v10  }
0x13d: {  	[tilespmem:v6+s19+$0x0] =	vst.idx.msk $0xffff, v11  }
0x13e: {  	[tilespmem:v7+s19+$0x0] =	vst.idx.msk $0xffff, v9  }
0x13f: {  	v9 =	vld [tilespmem:s14+$0xFFFFFFF0]  }
0x140: {  	v5 =	vand.u32 $0xFFFFFFF8, v4;
	v6 =	vand.u32 $0x4, v4;
	v10 =	vld [tilespmem:s14+$0xFFFFFFE0]  }
0x141: {  	v12 =	vadd.s32 v1, v5;
	v13 =	vadd.s32 v2, v5;
	v7 =	vadd.s32 v0, v5;
	v11 =	vld [tilespmem:s14+$0xFFFFFFD0]  }
0x142: {  	v15 =	vadd.s32 v3, v5;
	v5 =	vor.u32 $0x2, v6;
	v14 =	vor.u32 v6, v7;
	v8 =	vld [tilespmem:s14+$0xFFFFFF80]  }
0x143: {  	v17 =	vor.u32 v6, v12;
	v18 =	vor.u32 v5, v7;
	v19 =	vor.u32 v5, v12;
	v16 =	vld [tilespmem:s14+$0xFFFFFF90]  }
0x144: {  	v21 =	vor.u32 v6, v13;
	v22 =	vor.u32 v5, v13;
	v23 =	vor.u32 v5, v15;
	v20 =	vld [tilespmem:s14+$0xFFFFFFA0]  }
0x145: {  	v25 =	vor.u32 v6, v15;
	v26 =	vor.u32 $0x3, v6;
	v5 =	vor.u32 $0x1, v6;
	v24 =	vld [tilespmem:s14+$0xFFFFFFB0]  }
0x146: {  	v28 =	vor.u32 v5, v7;
	v29 =	vor.u32 v5, v13;
	v30 =	vor.u32 v5, v15;
	v27 =	vld [tilespmem:s14+$0xFFFFFFC0]  }
0x147: {  	[tilespmem:v14+s19+$0x0] =	vst.idx.msk $0xffff, v8;
	v14 =	vor.u32 v5, v12;
	v8 =	vor.u32 v26, v7  }
0x148: {  	v6 =	vor.u32 v26, v13;
	v5 =	vor.u32 v26, v12;
	[tilespmem:v17+s19+$0x0] =	vst.idx.msk $0xffff, v16  }
0x149: {  	v7 =	vor.u32 v26, v15;
	[tilespmem:v21+s19+$0x0] =	vst.idx.msk $0xffff, v20  }
0x14a: {  	[tilespmem:v25+s19+$0x0] =	vst.idx.msk $0xffff, v24  }
0x14b: {  	[tilespmem:v28+s19+$0x0] =	vst.idx.msk $0xffff, v27  }
0x14c: {  	[tilespmem:v14+s19+$0x0] =	vst.idx.msk $0xffff, v11  }
0x14d: {  	[tilespmem:v29+s19+$0x0] =	vst.idx.msk $0xffff, v10  }
0x14e: {  	[tilespmem:v30+s19+$0x0] =	vst.idx.msk $0xffff, v9  }
0x14f: {  	v13 =	vld [tilespmem:s14+$0x30]  }
0x150: {  	v14 =	vld [tilespmem:s14+$0x20]  }
0x151: {  	v15 =	vld [tilespmem:s14+$0x10]  }
0x152: {  	v16 =	vld [tilespmem:s14+$0x0]  }
0x153: {  	v12 =	vld [tilespmem:s14+$0x40]  }
0x154: {  	v10 =	vld [tilespmem:s14+$0x50]  }
0x155: {  	v9 =	vld [tilespmem:s14+$0x70]  }
.Ltmp4:
0x156: {  	v11 =	vld [tilespmem:s14+$0x60];
	(pc) =	sbr.rel @p0 .LBB2_9-.Ltmp4, $4  }
0x157: {  	[tilespmem:v18+s19+$0x0] =	vst.idx.msk $0xffff, v16  }
0x158: {  	[tilespmem:v19+s19+$0x0] =	vst.idx.msk $0xffff, v15  }
0x159: {  	[tilespmem:v22+s19+$0x0] =	vst.idx.msk $0xffff, v14  }
0x15a: {  	[tilespmem:v23+s19+$0x0] =	vst.idx.msk $0xffff, v13  }
0x15b: {  	_ =	sdelay $0x2  }
0x15c: {  	s14 =	sadd.s32 s5, s15  }
0x15d: {  	[tilespmem:v8+s19+$0x0] =	vst.idx.msk $0xffff, v12;
	s15 =	sshll.u32 s14, $0xA;
	s14 =	sshll.u32 s14, $0x7  }
0x15e: {  	[tilespmem:v5+s19+$0x0] =	vst.idx.msk $0xffff, v10;
	s15 =	sand.u32 $0xFFE0000, s15;
	s14 =	sand.u32 $0x3E80, s14  }
0x15f: {  	[tilespmem:v6+s19+$0x0] =	vst.idx.msk $0xffff, v11;
	s14 =	sor.u32 s14, s15  }
0x160: {  	[tilespmem:v7+s19+$0x0] =	vst.idx.msk $0xffff, v9;
	s15 =	sadd.s32 s2, s14  }
0x161: {  	[hbm4b:s15+s3] =	stream.linear.scatter [tilespmem:s19], [sflag:$0x2], $0x80, $0x38;
	[tilespmem:$0x12800] =	vst v63  }
0x162: {  	s1 =	simm.s32 $0x10688;
	s17 =	sadd.s32 $0x10, s15  }
0x163: {  	[hbm4b:s17+s3] =	stream.linear.scatter [tilespmem:s1], [sflag:$0x2], $0x80, $0x38;
	[tilespmem:$0x12800] =	vst v63  }
0x164: {  	s26 =	simm.s32 $0x10710;
	s25 =	sadd.s32 $0x20, s15  }
0x165: {  	[hbm4b:s25+s3] =	stream.linear.scatter [tilespmem:s26], [sflag:$0x2], $0x80, $0x38;
	[tilespmem:$0x12800] =	vst v63  }
0x166: {  	s29 =	simm.s32 $0x10798;
	s28 =	sadd.s32 $0x30, s15  }
0x167: {  	[hbm4b:s28+s3] =	stream.linear.scatter [tilespmem:s29], [sflag:$0x2], $0x80, $0x38;
	[tilespmem:$0x12800] =	vst v63  }
0x168: {  	s31 =	simm.s32 $0x10820;
	s30 =	sadd.s32 $0x40, s15  }
0x169: {  	[hbm4b:s30+s3] =	stream.linear.scatter [tilespmem:s31], [sflag:$0x2], $0x80, $0x38;
	[tilespmem:$0x12800] =	vst v63  }
0x16a: {  	s16 =	simm.s32 $0x108A8;
	s4 =	sadd.s32 $0x50, s15  }
0x16b: {  	[hbm4b:s4+s3] =	stream.linear.scatter [tilespmem:s16], [sflag:$0x2], $0x80, $0x38;
	[tilespmem:$0x12800] =	vst v63  }
0x16c: {  	s24 =	simm.s32 $0x10930;
	s21 =	sadd.s32 $0x60, s15  }
0x16d: {  	[hbm4b:s21+s3] =	stream.linear.scatter [tilespmem:s24], [sflag:$0x2], $0x80, $0x38;
	[tilespmem:$0x12800] =	vst v63  }
0x16e: {  	s15 =	sadd.s32 $0x70, s15;
	s25 =	simm.s32 $0x109B8  }
0x16f: {  	[hbm4b:s15+s3] =	stream.linear.scatter [tilespmem:s25], [sflag:$0x2], $0x80, $0x38;
	[tilespmem:$0x12800] =	vst v63  }
0x170: {  	s26 =	simm.s32 $0x10A40;
	s15 =	sadd.s32 s14, s7  }
0x171: {  	[hbm4b:s15+s3] =	stream.linear.scatter [tilespmem:s26], [sflag:$0x2], $0x80, $0x38;
	[tilespmem:$0x12800] =	vst v63  }
0x172: {  	s29 =	simm.s32 $0x10AC8;
	s28 =	sadd.s32 $0x10, s15  }
0x173: {  	[hbm4b:s28+s3] =	stream.linear.scatter [tilespmem:s29], [sflag:$0x2], $0x80, $0x38;
	[tilespmem:$0x12800] =	vst v63  }
0x174: {  	s31 =	simm.s32 $0x10B50;
	s30 =	sadd.s32 $0x20, s15  }
0x175: {  	[hbm4b:s30+s3] =	stream.linear.scatter [tilespmem:s31], [sflag:$0x2], $0x80, $0x38;
	[tilespmem:$0x12800] =	vst v63  }
0x176: {  	s16 =	simm.s32 $0x10BD8;
	s4 =	sadd.s32 $0x30, s15  }
0x177: {  	[hbm4b:s4+s3] =	stream.linear.scatter [tilespmem:s16], [sflag:$0x2], $0x80, $0x38;
	[tilespmem:$0x12800] =	vst v63  }
0x178: {  	s24 =	simm.s32 $0x10C60;
	s21 =	sadd.s32 $0x40, s15  }
0x179: {  	[hbm4b:s21+s3] =	stream.linear.scatter [tilespmem:s24], [sflag:$0x2], $0x80, $0x38;
	[tilespmem:$0x12800] =	vst v63  }
0x17a: {  	s25 =	sadd.s32 $0x50, s15;
	s26 =	simm.s32 $0x10CE8  }
0x17b: {  	[hbm4b:s25+s3] =	stream.linear.scatter [tilespmem:s26], [sflag:$0x2], $0x80, $0x38;
	[tilespmem:$0x12800] =	vst v63  }
0x17c: {  	s28 =	sadd.s32 $0x60, s15;
	s29 =	simm.s32 $0x10D70  }
0x17d: {  	[hbm4b:s28+s3] =	stream.linear.scatter [tilespmem:s29], [sflag:$0x2], $0x80, $0x38;
	[tilespmem:$0x12800] =	vst v63  }
0x17e: {  	s15 =	sadd.s32 $0x70, s15;
	s30 =	simm.s32 $0x10DF8  }
0x17f: {  	[hbm4b:s15+s3] =	stream.linear.scatter [tilespmem:s30], [sflag:$0x2], $0x80, $0x38;
	[tilespmem:$0x12800] =	vst v63  }
0x180: {  	s31 =	simm.s32 $0x10E80;
	s15 =	sadd.s32 s14, s8  }
0x181: {  	[hbm4b:s15+s3] =	stream.linear.scatter [tilespmem:s31], [sflag:$0x2], $0x80, $0x38;
	[tilespmem:$0x12800] =	vst v63  }
0x182: {  	s16 =	simm.s32 $0x10F08;
	s4 =	sadd.s32 $0x10, s15  }
0x183: {  	[hbm4b:s4+s3] =	stream.linear.scatter [tilespmem:s16], [sflag:$0x2], $0x80, $0x38;
	[tilespmem:$0x12800] =	vst v63  }
0x184: {  	s24 =	simm.s32 $0x10F90;
	s21 =	sadd.s32 $0x20, s15  }
0x185: {  	[hbm4b:s21+s3] =	stream.linear.scatter [tilespmem:s24], [sflag:$0x2], $0x80, $0x38;
	[tilespmem:$0x12800] =	vst v63  }
0x186: {  	s26 =	simm.s32 $0x11018;
	s25 =	sadd.s32 $0x30, s15  }
0x187: {  	[hbm4b:s25+s3] =	stream.linear.scatter [tilespmem:s26], [sflag:$0x2], $0x80, $0x38;
	[tilespmem:$0x12800] =	vst v63  }
0x188: {  	s29 =	simm.s32 $0x110A0;
	s28 =	sadd.s32 $0x40, s15  }
0x189: {  	[hbm4b:s28+s3] =	stream.linear.scatter [tilespmem:s29], [sflag:$0x2], $0x80, $0x38;
	[tilespmem:$0x12800] =	vst v63  }
0x18a: {  	s30 =	sadd.s32 $0x50, s15;
	s31 =	simm.s32 $0x11128  }
0x18b: {  	[hbm4b:s30+s3] =	stream.linear.scatter [tilespmem:s31], [sflag:$0x2], $0x80, $0x38;
	[tilespmem:$0x12800] =	vst v63  }
0x18c: {  	s1 =	sadd.s32 $0x60, s15;
	s4 =	simm.s32 $0x111B0  }
0x18d: {  	[hbm4b:s1+s3] =	stream.linear.scatter [tilespmem:s4], [sflag:$0x2], $0x80, $0x38;
	[tilespmem:$0x12800] =	vst v63  }
0x18e: {  	s15 =	sadd.s32 $0x70, s15;
	s16 =	simm.s32 $0x11238  }
0x18f: {  	[hbm4b:s15+s3] =	stream.linear.scatter [tilespmem:s16], [sflag:$0x2], $0x80, $0x38;
	[tilespmem:$0x12800] =	vst v63  }
0x190: {  	s17 =	simm.s32 $0x112C0;
	s15 =	sadd.s32 s14, s9  }
0x191: {  	[hbm4b:s15+s3] =	stream.linear.scatter [tilespmem:s17], [sflag:$0x2], $0x80, $0x38;
	[tilespmem:$0x12800] =	vst v63  }
0x192: {  	s24 =	simm.s32 $0x11348;
	s21 =	sadd.s32 $0x10, s15  }
0x193: {  	[hbm4b:s21+s3] =	stream.linear.scatter [tilespmem:s24], [sflag:$0x2], $0x80, $0x38;
	[tilespmem:$0x12800] =	vst v63  }
0x194: {  	s26 =	simm.s32 $0x113D0;
	s25 =	sadd.s32 $0x20, s15  }
0x195: {  	[hbm4b:s25+s3] =	stream.linear.scatter [tilespmem:s26], [sflag:$0x2], $0x80, $0x38;
	[tilespmem:$0x12800] =	vst v63  }
0x196: {  	s29 =	simm.s32 $0x11458;
	s28 =	sadd.s32 $0x30, s15  }
0x197: {  	[hbm4b:s28+s3] =	stream.linear.scatter [tilespmem:s29], [sflag:$0x2], $0x80, $0x38;
	[tilespmem:$0x12800] =	vst v63  }
0x198: {  	s31 =	simm.s32 $0x114E0;
	s30 =	sadd.s32 $0x40, s15  }
0x199: {  	[hbm4b:s30+s3] =	stream.linear.scatter [tilespmem:s31], [sflag:$0x2], $0x80, $0x38;
	[tilespmem:$0x12800] =	vst v63  }
0x19a: {  	s16 =	simm.s32 $0x11568;
	s4 =	sadd.s32 $0x50, s15  }
0x19b: {  	[hbm4b:s4+s3] =	stream.linear.scatter [tilespmem:s16], [sflag:$0x2], $0x80, $0x38;
	[tilespmem:$0x12800] =	vst v63  }
0x19c: {  	s21 =	sadd.s32 $0x60, s15;
	s24 =	simm.s32 $0x115F0  }
0x19d: {  	[hbm4b:s21+s3] =	stream.linear.scatter [tilespmem:s24], [sflag:$0x2], $0x80, $0x38;
	[tilespmem:$0x12800] =	vst v63  }
0x19e: {  	s15 =	sadd.s32 $0x70, s15;
	s25 =	simm.s32 $0x11678  }
0x19f: {  	[hbm4b:s15+s3] =	stream.linear.scatter [tilespmem:s25], [sflag:$0x2], $0x80, $0x38;
	[tilespmem:$0x12800] =	vst v63  }
0x1a0: {  	s26 =	simm.s32 $0x11700;
	s15 =	sadd.s32 s14, s10  }
0x1a1: {  	[hbm4b:s15+s3] =	stream.linear.scatter [tilespmem:s26], [sflag:$0x2], $0x80, $0x38;
	[tilespmem:$0x12800] =	vst v63  }
0x1a2: {  	s29 =	simm.s32 $0x11788;
	s28 =	sadd.s32 $0x10, s15  }
0x1a3: {  	[hbm4b:s28+s3] =	stream.linear.scatter [tilespmem:s29], [sflag:$0x2], $0x80, $0x38;
	[tilespmem:$0x12800] =	vst v63  }
0x1a4: {  	s31 =	simm.s32 $0x11810;
	s30 =	sadd.s32 $0x20, s15  }
0x1a5: {  	[hbm4b:s30+s3] =	stream.linear.scatter [tilespmem:s31], [sflag:$0x2], $0x80, $0x38;
	[tilespmem:$0x12800] =	vst v63  }
0x1a6: {  	s16 =	simm.s32 $0x11898;
	s4 =	sadd.s32 $0x30, s15  }
0x1a7: {  	[hbm4b:s4+s3] =	stream.linear.scatter [tilespmem:s16], [sflag:$0x2], $0x80, $0x38;
	[tilespmem:$0x12800] =	vst v63  }
0x1a8: {  	s24 =	simm.s32 $0x11920;
	s21 =	sadd.s32 $0x40, s15  }
0x1a9: {  	[hbm4b:s21+s3] =	stream.linear.scatter [tilespmem:s24], [sflag:$0x2], $0x80, $0x38;
	[tilespmem:$0x12800] =	vst v63  }
0x1aa: {  	s25 =	sadd.s32 $0x50, s15;
	s26 =	simm.s32 $0x119A8  }
0x1ab: {  	[hbm4b:s25+s3] =	stream.linear.scatter [tilespmem:s26], [sflag:$0x2], $0x80, $0x38;
	[tilespmem:$0x12800] =	vst v63  }
0x1ac: {  	s28 =	sadd.s32 $0x60, s15;
	s29 =	simm.s32 $0x11A30  }
0x1ad: {  	[hbm4b:s28+s3] =	stream.linear.scatter [tilespmem:s29], [sflag:$0x2], $0x80, $0x38;
	[tilespmem:$0x12800] =	vst v63  }
0x1ae: {  	s15 =	sadd.s32 $0x70, s15;
	s30 =	simm.s32 $0x11AB8  }
0x1af: {  	[hbm4b:s15+s3] =	stream.linear.scatter [tilespmem:s30], [sflag:$0x2], $0x80, $0x38;
	[tilespmem:$0x12800] =	vst v63  }
0x1b0: {  	s31 =	simm.s32 $0x11B40;
	s15 =	sadd.s32 s14, s11  }
0x1b1: {  	[hbm4b:s15+s3] =	stream.linear.scatter [tilespmem:s31], [sflag:$0x2], $0x80, $0x38;
	[tilespmem:$0x12800] =	vst v63  }
0x1b2: {  	s16 =	simm.s32 $0x11BC8;
	s4 =	sadd.s32 $0x10, s15  }
0x1b3: {  	[hbm4b:s4+s3] =	stream.linear.scatter [tilespmem:s16], [sflag:$0x2], $0x80, $0x38;
	[tilespmem:$0x12800] =	vst v63  }
0x1b4: {  	s24 =	simm.s32 $0x11C50;
	s21 =	sadd.s32 $0x20, s15  }
0x1b5: {  	[hbm4b:s21+s3] =	stream.linear.scatter [tilespmem:s24], [sflag:$0x2], $0x80, $0x38;
	[tilespmem:$0x12800] =	vst v63  }
0x1b6: {  	s26 =	simm.s32 $0x11CD8;
	s25 =	sadd.s32 $0x30, s15  }
0x1b7: {  	[hbm4b:s25+s3] =	stream.linear.scatter [tilespmem:s26], [sflag:$0x2], $0x80, $0x38;
	[tilespmem:$0x12800] =	vst v63  }
0x1b8: {  	s29 =	simm.s32 $0x11D60;
	s28 =	sadd.s32 $0x40, s15  }
0x1b9: {  	[hbm4b:s28+s3] =	stream.linear.scatter [tilespmem:s29], [sflag:$0x2], $0x80, $0x38;
	[tilespmem:$0x12800] =	vst v63  }
0x1ba: {  	s30 =	sadd.s32 $0x50, s15;
	s31 =	simm.s32 $0x11DE8  }
0x1bb: {  	[hbm4b:s30+s3] =	stream.linear.scatter [tilespmem:s31], [sflag:$0x2], $0x80, $0x38;
	[tilespmem:$0x12800] =	vst v63  }
0x1bc: {  	s4 =	sadd.s32 $0x60, s15;
	s16 =	simm.s32 $0x11E70  }
0x1bd: {  	[hbm4b:s4+s3] =	stream.linear.scatter [tilespmem:s16], [sflag:$0x2], $0x80, $0x38;
	[tilespmem:$0x12800] =	vst v63  }
0x1be: {  	s15 =	sadd.s32 $0x70, s15;
	s21 =	simm.s32 $0x11EF8  }
0x1bf: {  	[hbm4b:s15+s3] =	stream.linear.scatter [tilespmem:s21], [sflag:$0x2], $0x80, $0x38;
	[tilespmem:$0x12800] =	vst v63  }
0x1c0: {  	s24 =	simm.s32 $0x11F80;
	s15 =	sadd.s32 s14, s12  }
0x1c1: {  	[hbm4b:s15+s3] =	stream.linear.scatter [tilespmem:s24], [sflag:$0x2], $0x80, $0x38;
	[tilespmem:$0x12800] =	vst v63  }
0x1c2: {  	s26 =	simm.s32 $0x12008;
	s25 =	sadd.s32 $0x10, s15  }
0x1c3: {  	[hbm4b:s25+s3] =	stream.linear.scatter [tilespmem:s26], [sflag:$0x2], $0x80, $0x38;
	[tilespmem:$0x12800] =	vst v63  }
0x1c4: {  	s29 =	simm.s32 $0x12090;
	s28 =	sadd.s32 $0x20, s15  }
0x1c5: {  	[hbm4b:s28+s3] =	stream.linear.scatter [tilespmem:s29], [sflag:$0x2], $0x80, $0x38;
	[tilespmem:$0x12800] =	vst v63  }
0x1c6: {  	s31 =	simm.s32 $0x12118;
	s30 =	sadd.s32 $0x30, s15  }
0x1c7: {  	[hbm4b:s30+s3] =	stream.linear.scatter [tilespmem:s31], [sflag:$0x2], $0x80, $0x38;
	[tilespmem:$0x12800] =	vst v63  }
0x1c8: {  	s16 =	simm.s32 $0x121A0;
	s4 =	sadd.s32 $0x40, s15  }
0x1c9: {  	[hbm4b:s4+s3] =	stream.linear.scatter [tilespmem:s16], [sflag:$0x2], $0x80, $0x38;
	[tilespmem:$0x12800] =	vst v63  }
0x1ca: {  	s21 =	sadd.s32 $0x50, s15;
	s24 =	simm.s32 $0x12228  }
0x1cb: {  	[hbm4b:s21+s3] =	stream.linear.scatter [tilespmem:s24], [sflag:$0x2], $0x80, $0x38;
	[tilespmem:$0x12800] =	vst v63  }
0x1cc: {  	s25 =	sadd.s32 $0x60, s15;
	s26 =	simm.s32 $0x122B0  }
0x1cd: {  	[hbm4b:s25+s3] =	stream.linear.scatter [tilespmem:s26], [sflag:$0x2], $0x80, $0x38;
	[tilespmem:$0x12800] =	vst v63  }
0x1ce: {  	s15 =	sadd.s32 $0x70, s15;
	s28 =	simm.s32 $0x12338  }
0x1cf: {  	[hbm4b:s15+s3] =	stream.linear.scatter [tilespmem:s28], [sflag:$0x2], $0x80, $0x38;
	[tilespmem:$0x12800] =	vst v63  }
0x1d0: {  	s14 =	sadd.s32 s14, s13;
	s29 =	simm.s32 $0x123C0  }
0x1d1: {  	[hbm4b:s14+s3] =	stream.linear.scatter [tilespmem:s29], [sflag:$0x2], $0x80, $0x38;
	[tilespmem:$0x12800] =	vst v63  }
0x1d2: {  	s30 =	sadd.s32 $0x10, s14;
	s31 =	simm.s32 $0x12448  }
0x1d3: {  	[hbm4b:s30+s3] =	stream.linear.scatter [tilespmem:s31], [sflag:$0x2], $0x80, $0x38;
	[tilespmem:$0x12800] =	vst v63  }
0x1d4: {  	s4 =	sadd.s32 $0x20, s14;
	s16 =	simm.s32 $0x124D0  }
0x1d5: {  	[hbm4b:s4+s3] =	stream.linear.scatter [tilespmem:s16], [sflag:$0x2], $0x80, $0x38;
	[tilespmem:$0x12800] =	vst v63  }
0x1d6: {  	s17 =	sadd.s32 $0x30, s14;
	s21 =	simm.s32 $0x12558  }
0x1d7: {  	[hbm4b:s17+s3] =	stream.linear.scatter [tilespmem:s21], [sflag:$0x2], $0x80, $0x38;
	[tilespmem:$0x12800] =	vst v63  }
0x1d8: {  	s24 =	sadd.s32 $0x40, s14;
	s25 =	simm.s32 $0x125E0  }
0x1d9: {  	[hbm4b:s24+s3] =	stream.linear.scatter [tilespmem:s25], [sflag:$0x2], $0x80, $0x38;
	[tilespmem:$0x12800] =	vst v63  }
0x1da: {  	s26 =	sadd.s32 $0x50, s14;
	s28 =	simm.s32 $0x12668  }
0x1db: {  	[hbm4b:s26+s3] =	stream.linear.scatter [tilespmem:s28], [sflag:$0x2], $0x80, $0x38;
	[tilespmem:$0x12800] =	vst v63  }
0x1dc: {  	s29 =	sadd.s32 $0x60, s14;
	s30 =	simm.s32 $0x126F0  }
0x1dd: {  	[hbm4b:s29+s3] =	stream.linear.scatter [tilespmem:s30], [sflag:$0x2], $0x80, $0x38;
	[tilespmem:$0x12800] =	vst v63  }
0x1de: {  	p0 =	seq.s32 s0, $0x31;
	s14 =	sadd.s32 $0x70, s14;
	s31 =	simm.s32 $0x12778  }
0x1df: {  	[hbm4b:s14+s3] =	stream.linear.scatter [tilespmem:s31], [sflag:$0x2], $0x80, $0x38;
	[tilespmem:$0x12800] =	vst v63  }
0x1e0: {  	s14 =	sshll.u32 @!p0 s0, $0x9  }
0x1e1: {  	s1 =	rddreg [dreg:$0x5];
	s14 =	sand.u32 @!p0 $0x3FFFFE00, s14  }
0x1e2: {  	s17 =	simm.s32 @!p0 $0x80;
	s21 =	simm.s32 @!p0 $0x8400;
	s15 =	sadd.s32 @!p0 $0x280, s14  }
0x1e3: {  	[tilespmem:s21], [sflag:$0x1] =	stream.indirect.gather @!p0 [hbm4b:s1+s17], $0x40, s15, s17, $0xb8;
	[tilespmem:$0x12800] =	vst v63  }
0x1e4: {  	_ =	swait.ge [sflag:s22], $0x2000  }
0x1e5: {  	[sflag:s22] =	ssyncset.done $0x0  }
0x1e6: {  	[sflag:s22] =	ssyncadd.s32 $0xFFFFE000  }
0x1e7: {  	_ =	swait.ge [sflag:s18], $0x400  }
0x1e8: {  	[sflag:s18] =	ssyncset.done $0x0  }
0x1e9: {  	[sflag:s18] =	ssyncadd.s32 $0xFFFFFC00  }
0x1ea: {  	_ =	swait.ge [sflag:s18], $0x400  }
0x1eb: {  	[sflag:s18] =	ssyncset.done $0x0  }
0x1ec: {  	[sflag:s18] =	ssyncadd.s32 $0xFFFFFC00  }
0x1ed: {  	_ =	swait.ge [sflag:s18], $0x400  }
0x1ee: {  	[sflag:s18] =	ssyncset.done $0x0  }
0x1ef: {  	[sflag:s18] =	ssyncadd.s32 $0xFFFFFC00  }
0x1f0: {  	_ =	swait.ge [sflag:s18], $0x400  }
0x1f1: {  	[sflag:s18] =	ssyncset.done $0x0  }
0x1f2: {  	[sflag:s18] =	ssyncadd.s32 $0xFFFFFC00  }
0x1f3: {  	_ =	swait.ge [sflag:s18], $0x400  }
0x1f4: {  	[sflag:s18] =	ssyncset.done $0x0  }
0x1f5: {  	[sflag:s18] =	ssyncadd.s32 $0xFFFFFC00  }
0x1f6: {  	_ =	swait.ge [sflag:s18], $0x400  }
0x1f7: {  	[sflag:s18] =	ssyncset.done $0x0  }
0x1f8: {  	[sflag:s18] =	ssyncadd.s32 $0xFFFFFC00  }
0x1f9: {  	_ =	swait.ge [sflag:s18], $0x400  }
0x1fa: {  	[sflag:s18] =	ssyncset.done $0x0  }
0x1fb: {  	[sflag:s18] =	ssyncadd.s32 $0xFFFFFC00  }
0x1fc: {  	_ =	swait.ge [sflag:s18], $0x400  }
0x1fd: {  	[sflag:s18] =	ssyncset.done $0x0  }
0x1fe: {  	v4 =	vimm.s32 $0x0;
	s15 =	simm.s32 $0xA480;
	[sflag:s18] =	ssyncadd.s32 $0xFFFFFC00  }
0x1ff: {  	v7 =	vand.u32 $0xFFFFFFF8, v4;
	v5 =	vld [tilespmem:s15+$0xFFFFFFF0]  }
0x200: {  	v8 =	vand.u32 $0x4, v4;
	v13 =	vadd.s32 v0, v7;
	v6 =	vld [tilespmem:s15+$0xFFFFFFE0]  }
0x201: {  	v14 =	vadd.s32 v1, v7;
	v11 =	vor.u32 v8, v13;
	v10 =	vld [tilespmem:s15+$0xFFFFFF80]  }
0x202: {  	v15 =	vadd.s32 v2, v7;
	v16 =	vor.u32 v8, v14;
	v12 =	vld [tilespmem:s15+$0xFFFFFF90]  }
0x203: {  	v7 =	vadd.s32 v3, v7;
	v18 =	vor.u32 v8, v15;
	v17 =	vld [tilespmem:s15+$0xFFFFFFA0]  }
0x204: {  	v21 =	vor.u32 $0x1, v8;
	v20 =	vor.u32 v8, v7;
	v19 =	vld [tilespmem:s15+$0xFFFFFFB0]  }
0x205: {  	v23 =	vor.u32 v21, v13;
	v22 =	vld [tilespmem:s15+$0xFFFFFFC0]  }
0x206: {  	v9 =	vld [tilespmem:s15+$0xFFFFFFD0];
	[tilespmem:v11+s23+$0x0] =	vst.idx.msk $0xffff, v10;
	v10 =	vor.u32 v21, v14  }
0x207: {  	v11 =	vor.u32 v21, v15;
	[tilespmem:v16+s23+$0x0] =	vst.idx.msk $0xffff, v12  }
0x208: {  	v12 =	vor.u32 v21, v7;
	[tilespmem:v18+s23+$0x0] =	vst.idx.msk $0xffff, v17  }
0x209: {  	[tilespmem:v20+s23+$0x0] =	vst.idx.msk $0xffff, v19  }
0x20a: {  	[tilespmem:v23+s23+$0x0] =	vst.idx.msk $0xffff, v22  }
0x20b: {  	[tilespmem:v10+s23+$0x0] =	vst.idx.msk $0xffff, v9  }
0x20c: {  	[tilespmem:v11+s23+$0x0] =	vst.idx.msk $0xffff, v6  }
0x20d: {  	[tilespmem:v12+s23+$0x0] =	vst.idx.msk $0xffff, v5  }
0x20e: {  	v16 =	vld [tilespmem:s15+$0x30]  }
0x20f: {  	v5 =	vor.u32 $0x2, v8;
	v6 =	vld [tilespmem:s15+$0x20]  }
0x210: {  	v59 =	vor.u32 v5, v13;
	v19 =	vld [tilespmem:s15+$0x0]  }
0x211: {  	v17 =	vld [tilespmem:s15+$0x10];
	v60 =	vor.u32 v5, v14  }
0x212: {  	v12 =	vld [tilespmem:s15+$0x40];
	v61 =	vor.u32 v5, v15  }
0x213: {  	v10 =	vld [tilespmem:s15+$0x50]  }
0x214: {  	v63 =	vor.u32 $0x3, v8;
	v62 =	vor.u32 v5, v7;
	v9 =	vld [tilespmem:s15+$0x70]  }
0x215: {  	v8 =	vor.u32 v63, v13;
	v11 =	vld [tilespmem:s15+$0x60];
	[tilespmem:v59+s23+$0x0] =	vst.idx.msk $0xffff, v19  }
0x216: {  	v5 =	vor.u32 v63, v14;
	[tilespmem:v60+s23+$0x0] =	vst.idx.msk $0xffff, v17  }
0x217: {  	[tilespmem:v61+s23+$0x0] =	vst.idx.msk $0xffff, v6;
	v6 =	vor.u32 v63, v15  }
0x218: {  	v7 =	vor.u32 v63, v7  }
0x219: {  	s6 =	sor.u32 $0x2, s6;
	s17 =	simm.s32 $0x0;
	[tilespmem:v62+s23+$0x0] =	vst.idx.msk $0xffff, v16  }
.LBB2_11:
0x21a: {  	s17 =	sadd.s32 $0x2, s17;
	[tilespmem:v8+s23+$0x0] =	vst.idx.msk $0xffff, v12;
	v4 =	vadd.s32 $0x4, v4;
	s15 =	sadd.s32 $0x100, s15  }
0x21b: {  	p1 =	slt.u32 s17, $0x3E;
	[tilespmem:v5+s23+$0x0] =	vst.idx.msk $0xffff, v10  }
0x21c: {  	[tilespmem:v6+s23+$0x0] =	vst.idx.msk $0xffff, v11  }
0x21d: {  	[tilespmem:v7+s23+$0x0] =	vst.idx.msk $0xffff, v9  }
0x21e: {  	v9 =	vld [tilespmem:s15+$0xFFFFFFF0]  }
0x21f: {  	v5 =	vand.u32 $0xFFFFFFF8, v4;
	v6 =	vand.u32 $0x4, v4;
	v10 =	vld [tilespmem:s15+$0xFFFFFFE0]  }
0x220: {  	v12 =	vadd.s32 v1, v5;
	v13 =	vadd.s32 v2, v5;
	v7 =	vadd.s32 v0, v5;
	v11 =	vld [tilespmem:s15+$0xFFFFFFD0]  }
0x221: {  	v15 =	vadd.s32 v3, v5;
	v5 =	vor.u32 $0x2, v6;
	v14 =	vor.u32 v6, v7;
	v8 =	vld [tilespmem:s15+$0xFFFFFF80]  }
0x222: {  	v17 =	vor.u32 v6, v12;
	v18 =	vor.u32 v5, v7;
	v19 =	vor.u32 v5, v12;
	v16 =	vld [tilespmem:s15+$0xFFFFFF90]  }
0x223: {  	v21 =	vor.u32 v6, v13;
	v22 =	vor.u32 v5, v13;
	v23 =	vor.u32 v5, v15;
	v20 =	vld [tilespmem:s15+$0xFFFFFFA0]  }
0x224: {  	v25 =	vor.u32 v6, v15;
	v26 =	vor.u32 $0x3, v6;
	v5 =	vor.u32 $0x1, v6;
	v24 =	vld [tilespmem:s15+$0xFFFFFFB0]  }
0x225: {  	v28 =	vor.u32 v5, v7;
	v29 =	vor.u32 v5, v13;
	v30 =	vor.u32 v5, v15;
	v27 =	vld [tilespmem:s15+$0xFFFFFFC0]  }
0x226: {  	[tilespmem:v14+s23+$0x0] =	vst.idx.msk $0xffff, v8;
	v14 =	vor.u32 v5, v12;
	v8 =	vor.u32 v26, v7  }
0x227: {  	v6 =	vor.u32 v26, v13;
	v5 =	vor.u32 v26, v12;
	[tilespmem:v17+s23+$0x0] =	vst.idx.msk $0xffff, v16  }
0x228: {  	v7 =	vor.u32 v26, v15;
	[tilespmem:v21+s23+$0x0] =	vst.idx.msk $0xffff, v20  }
0x229: {  	[tilespmem:v25+s23+$0x0] =	vst.idx.msk $0xffff, v24  }
0x22a: {  	[tilespmem:v28+s23+$0x0] =	vst.idx.msk $0xffff, v27  }
0x22b: {  	[tilespmem:v14+s23+$0x0] =	vst.idx.msk $0xffff, v11  }
0x22c: {  	[tilespmem:v29+s23+$0x0] =	vst.idx.msk $0xffff, v10  }
0x22d: {  	[tilespmem:v30+s23+$0x0] =	vst.idx.msk $0xffff, v9  }
0x22e: {  	v13 =	vld [tilespmem:s15+$0x30]  }
0x22f: {  	v14 =	vld [tilespmem:s15+$0x20]  }
0x230: {  	v15 =	vld [tilespmem:s15+$0x10]  }
0x231: {  	v16 =	vld [tilespmem:s15+$0x0]  }
0x232: {  	v12 =	vld [tilespmem:s15+$0x40]  }
0x233: {  	v10 =	vld [tilespmem:s15+$0x50]  }
0x234: {  	v9 =	vld [tilespmem:s15+$0x70]  }
.Ltmp5:
0x235: {  	v11 =	vld [tilespmem:s15+$0x60];
	(pc) =	sbr.rel @p1 .LBB2_11-.Ltmp5, $4  }
0x236: {  	[tilespmem:v18+s23+$0x0] =	vst.idx.msk $0xffff, v16  }
0x237: {  	[tilespmem:v19+s23+$0x0] =	vst.idx.msk $0xffff, v15  }
0x238: {  	[tilespmem:v22+s23+$0x0] =	vst.idx.msk $0xffff, v14  }
0x239: {  	[tilespmem:v23+s23+$0x0] =	vst.idx.msk $0xffff, v13  }
0x23a: {  	_ =	sdelay $0x2  }
0x23b: {  	s6 =	sadd.s32 s5, s6  }
0x23c: {  	[tilespmem:v8+s23+$0x0] =	vst.idx.msk $0xffff, v12;
	s15 =	sshll.u32 s6, $0xA;
	s6 =	sshll.u32 s6, $0x7  }
0x23d: {  	[tilespmem:v5+s23+$0x0] =	vst.idx.msk $0xffff, v10;
	s15 =	sand.u32 $0xFFE0000, s15;
	s6 =	sand.u32 $0x3F00, s6  }
0x23e: {  	[tilespmem:v6+s23+$0x0] =	vst.idx.msk $0xffff, v11;
	s6 =	sor.u32 s6, s15  }
0x23f: {  	[tilespmem:v7+s23+$0x0] =	vst.idx.msk $0xffff, v9;
	s15 =	sadd.s32 s2, s6  }
0x240: {  	[hbm4b:s15+s3] =	stream.linear.scatter [tilespmem:s23], [sflag:$0x2], $0x80, $0x38;
	[tilespmem:$0x12800] =	vst v63  }
0x241: {  	s21 =	simm.s32 $0xE488;
	s17 =	sadd.s32 $0x10, s15  }
0x242: {  	[hbm4b:s17+s3] =	stream.linear.scatter [tilespmem:s21], [sflag:$0x2], $0x80, $0x38;
	[tilespmem:$0x12800] =	vst v63  }
0x243: {  	s16 =	simm.s32 $0xE510;
	s26 =	sadd.s32 $0x20, s15  }
0x244: {  	[hbm4b:s26+s3] =	stream.linear.scatter [tilespmem:s16], [sflag:$0x2], $0x80, $0x38;
	[tilespmem:$0x12800] =	vst v63  }
0x245: {  	s1 =	sadd.s32 $0x30, s15;
	s16 =	simm.s32 $0xE598  }
0x246: {  	[hbm4b:s1+s3] =	stream.linear.scatter [tilespmem:s16], [sflag:$0x2], $0x80, $0x38;
	[tilespmem:$0x12800] =	vst v63  }
0x247: {  	s4 =	smov.u32 s2;
	s24 =	simm.s32 $0xE620;
	s2 =	sadd.s32 $0x40, s15  }
0x248: {  	[hbm4b:s2+s3] =	stream.linear.scatter [tilespmem:s24], [sflag:$0x2], $0x80, $0x38;
	[tilespmem:$0x12800] =	vst v63  }
0x249: {  	s25 =	sadd.s32 $0x50, s15;
	s24 =	simm.s32 $0xE6A8  }
0x24a: {  	[hbm4b:s25+s3] =	stream.linear.scatter [tilespmem:s24], [sflag:$0x2], $0x80, $0x38;
	[tilespmem:$0x12800] =	vst v63  }
0x24b: {  	s26 =	sadd.s32 $0x60, s15;
	s25 =	simm.s32 $0xE730  }
0x24c: {  	[hbm4b:s26+s3] =	stream.linear.scatter [tilespmem:s25], [sflag:$0x2], $0x80, $0x38;
	[tilespmem:$0x12800] =	vst v63  }
0x24d: {  	s15 =	sadd.s32 $0x70, s15;
	s25 =	simm.s32 $0xE7B8  }
0x24e: {  	[hbm4b:s15+s3] =	stream.linear.scatter [tilespmem:s25], [sflag:$0x2], $0x80, $0x38;
	[tilespmem:$0x12800] =	vst v63  }
0x24f: {  	s1 =	simm.s32 $0xE840;
	s15 =	sadd.s32 s6, s7  }
0x250: {  	[hbm4b:s15+s3] =	stream.linear.scatter [tilespmem:s1], [sflag:$0x2], $0x80, $0x38;
	[tilespmem:$0x12800] =	vst v63  }
0x251: {  	s26 =	simm.s32 $0xE8C8;
	s2 =	sadd.s32 $0x10, s15  }
0x252: {  	[hbm4b:s2+s3] =	stream.linear.scatter [tilespmem:s26], [sflag:$0x2], $0x80, $0x38;
	[tilespmem:$0x12800] =	vst v63  }
0x253: {  	s1 =	sadd.s32 $0x20, s15;
	s26 =	simm.s32 $0xE950  }
0x254: {  	[hbm4b:s1+s3] =	stream.linear.scatter [tilespmem:s26], [sflag:$0x2], $0x80, $0x38;
	[tilespmem:$0x12800] =	vst v63  }
0x255: {  	s28 =	simm.s32 $0xE9D8;
	s2 =	sadd.s32 $0x30, s15  }
0x256: {  	[hbm4b:s2+s3] =	stream.linear.scatter [tilespmem:s28], [sflag:$0x2], $0x80, $0x38;
	[tilespmem:$0x12800] =	vst v63  }
0x257: {  	s1 =	sadd.s32 $0x40, s15;
	s28 =	simm.s32 $0xEA60  }
0x258: {  	[hbm4b:s1+s3] =	stream.linear.scatter [tilespmem:s28], [sflag:$0x2], $0x80, $0x38;
	[tilespmem:$0x12800] =	vst v63  }
0x259: {  	s29 =	simm.s32 $0xEAE8;
	s2 =	sadd.s32 $0x50, s15  }
0x25a: {  	[hbm4b:s2+s3] =	stream.linear.scatter [tilespmem:s29], [sflag:$0x2], $0x80, $0x38;
	[tilespmem:$0x12800] =	vst v63  }
0x25b: {  	s1 =	sadd.s32 $0x60, s15;
	s29 =	simm.s32 $0xEB70  }
0x25c: {  	[hbm4b:s1+s3] =	stream.linear.scatter [tilespmem:s29], [sflag:$0x2], $0x80, $0x38;
	[tilespmem:$0x12800] =	vst v63  }
0x25d: {  	s15 =	sadd.s32 $0x70, s15;
	s2 =	simm.s32 $0xEBF8  }
0x25e: {  	[hbm4b:s15+s3] =	stream.linear.scatter [tilespmem:s2], [sflag:$0x2], $0x80, $0x38;
	[tilespmem:$0x12800] =	vst v63  }
0x25f: {  	s1 =	simm.s32 $0xEC80;
	s15 =	sadd.s32 s6, s8  }
0x260: {  	[hbm4b:s15+s3] =	stream.linear.scatter [tilespmem:s1], [sflag:$0x2], $0x80, $0x38;
	[tilespmem:$0x12800] =	vst v63  }
0x261: {  	s30 =	simm.s32 $0xED08;
	s2 =	sadd.s32 $0x10, s15  }
0x262: {  	[hbm4b:s2+s3] =	stream.linear.scatter [tilespmem:s30], [sflag:$0x2], $0x80, $0x38;
	[tilespmem:$0x12800] =	vst v63  }
0x263: {  	s1 =	sadd.s32 $0x20, s15;
	s30 =	simm.s32 $0xED90  }
0x264: {  	[hbm4b:s1+s3] =	stream.linear.scatter [tilespmem:s30], [sflag:$0x2], $0x80, $0x38;
	[tilespmem:$0x12800] =	vst v63  }
0x265: {  	s31 =	simm.s32 $0xEE18;
	s2 =	sadd.s32 $0x30, s15  }
0x266: {  	[hbm4b:s2+s3] =	stream.linear.scatter [tilespmem:s31], [sflag:$0x2], $0x80, $0x38;
	[tilespmem:$0x12800] =	vst v63  }
0x267: {  	s1 =	sadd.s32 $0x40, s15;
	s31 =	simm.s32 $0xEEA0  }
0x268: {  	[hbm4b:s1+s3] =	stream.linear.scatter [tilespmem:s31], [sflag:$0x2], $0x80, $0x38;
	[tilespmem:$0x12800] =	vst v63  }
0x269: {  	s2 =	sadd.s32 $0x50, s15;
	s1 =	simm.s32 $0xEF28  }
0x26a: {  	[hbm4b:s2+s3] =	stream.linear.scatter [tilespmem:s1], [sflag:$0x2], $0x80, $0x38;
	[tilespmem:$0x12800] =	vst v63  }
0x26b: {  	s2 =	sadd.s32 $0x60, s15;
	s1 =	simm.s32 $0xEFB0  }
0x26c: {  	[hbm4b:s2+s3] =	stream.linear.scatter [tilespmem:s1], [sflag:$0x2], $0x80, $0x38;
	[tilespmem:$0x12800] =	vst v63  }
0x26d: {  	s15 =	sadd.s32 $0x70, s15;
	s2 =	simm.s32 $0xF038  }
0x26e: {  	[hbm4b:s15+s3] =	stream.linear.scatter [tilespmem:s2], [sflag:$0x2], $0x80, $0x38;
	[tilespmem:$0x12800] =	vst v63  }
0x26f: {  	s15 =	sadd.s32 s6, s9;
	s2 =	simm.s32 $0xF0C0  }
0x270: {  	[hbm4b:s15+s3] =	stream.linear.scatter [tilespmem:s2], [sflag:$0x2], $0x80, $0x38;
	[tilespmem:$0x12800] =	vst v63  }
0x271: {  	s17 =	sadd.s32 $0x10, s15;
	s2 =	simm.s32 $0xF148  }
0x272: {  	[hbm4b:s17+s3] =	stream.linear.scatter [tilespmem:s2], [sflag:$0x2], $0x80, $0x38;
	[tilespmem:$0x12800] =	vst v63  }
0x273: {  	s17 =	sadd.s32 $0x20, s15;
	s2 =	simm.s32 $0xF1D0  }
0x274: {  	[hbm4b:s17+s3] =	stream.linear.scatter [tilespmem:s2], [sflag:$0x2], $0x80, $0x38;
	[tilespmem:$0x12800] =	vst v63  }
0x275: {  	s17 =	sadd.s32 $0x30, s15;
	s2 =	simm.s32 $0xF258  }
0x276: {  	[hbm4b:s17+s3] =	stream.linear.scatter [tilespmem:s2], [sflag:$0x2], $0x80, $0x38;
	[tilespmem:$0x12800] =	vst v63  }
0x277: {  	s17 =	sadd.s32 $0x40, s15;
	s2 =	simm.s32 $0xF2E0  }
0x278: {  	[hbm4b:s17+s3] =	stream.linear.scatter [tilespmem:s2], [sflag:$0x2], $0x80, $0x38;
	[tilespmem:$0x12800] =	vst v63  }
0x279: {  	s17 =	sadd.s32 $0x50, s15;
	s2 =	simm.s32 $0xF368  }
0x27a: {  	[hbm4b:s17+s3] =	stream.linear.scatter [tilespmem:s2], [sflag:$0x2], $0x80, $0x38;
	[tilespmem:$0x12800] =	vst v63  }
0x27b: {  	s17 =	sadd.s32 $0x60, s15;
	s2 =	simm.s32 $0xF3F0  }
0x27c: {  	[hbm4b:s17+s3] =	stream.linear.scatter [tilespmem:s2], [sflag:$0x2], $0x80, $0x38;
	[tilespmem:$0x12800] =	vst v63  }
0x27d: {  	s15 =	sadd.s32 $0x70, s15;
	s17 =	simm.s32 $0xF478  }
0x27e: {  	[hbm4b:s15+s3] =	stream.linear.scatter [tilespmem:s17], [sflag:$0x2], $0x80, $0x38;
	[tilespmem:$0x12800] =	vst v63  }
0x27f: {  	s15 =	sadd.s32 s6, s10;
	s17 =	simm.s32 $0xF500  }
0x280: {  	[hbm4b:s15+s3] =	stream.linear.scatter [tilespmem:s17], [sflag:$0x2], $0x80, $0x38;
	[tilespmem:$0x12800] =	vst v63  }
0x281: {  	s2 =	simm.s32 $0xF588;
	s17 =	sadd.s32 $0x10, s15  }
0x282: {  	[hbm4b:s17+s3] =	stream.linear.scatter [tilespmem:s2], [sflag:$0x2], $0x80, $0x38;
	[tilespmem:$0x12800] =	vst v63  }
0x283: {  	s17 =	sadd.s32 $0x20, s15;
	s2 =	simm.s32 $0xF610  }
0x284: {  	[hbm4b:s17+s3] =	stream.linear.scatter [tilespmem:s2], [sflag:$0x2], $0x80, $0x38;
	[tilespmem:$0x12800] =	vst v63  }
0x285: {  	s17 =	sadd.s32 $0x30, s15;
	s2 =	simm.s32 $0xF698  }
0x286: {  	[hbm4b:s17+s3] =	stream.linear.scatter [tilespmem:s2], [sflag:$0x2], $0x80, $0x38;
	[tilespmem:$0x12800] =	vst v63  }
0x287: {  	s17 =	sadd.s32 $0x40, s15;
	s2 =	simm.s32 $0xF720  }
0x288: {  	[hbm4b:s17+s3] =	stream.linear.scatter [tilespmem:s2], [sflag:$0x2], $0x80, $0x38;
	[tilespmem:$0x12800] =	vst v63  }
0x289: {  	s17 =	sadd.s32 $0x50, s15;
	s2 =	simm.s32 $0xF7A8  }
0x28a: {  	[hbm4b:s17+s3] =	stream.linear.scatter [tilespmem:s2], [sflag:$0x2], $0x80, $0x38;
	[tilespmem:$0x12800] =	vst v63  }
0x28b: {  	s17 =	sadd.s32 $0x60, s15;
	s2 =	simm.s32 $0xF830  }
0x28c: {  	[hbm4b:s17+s3] =	stream.linear.scatter [tilespmem:s2], [sflag:$0x2], $0x80, $0x38;
	[tilespmem:$0x12800] =	vst v63  }
0x28d: {  	s15 =	sadd.s32 $0x70, s15;
	s17 =	simm.s32 $0xF8B8  }
0x28e: {  	[hbm4b:s15+s3] =	stream.linear.scatter [tilespmem:s17], [sflag:$0x2], $0x80, $0x38;
	[tilespmem:$0x12800] =	vst v63  }
0x28f: {  	s15 =	sadd.s32 s6, s11;
	s17 =	simm.s32 $0xF940  }
0x290: {  	[hbm4b:s15+s3] =	stream.linear.scatter [tilespmem:s17], [sflag:$0x2], $0x80, $0x38;
	[tilespmem:$0x12800] =	vst v63  }
0x291: {  	s2 =	simm.s32 $0xF9C8;
	s17 =	sadd.s32 $0x10, s15  }
0x292: {  	[hbm4b:s17+s3] =	stream.linear.scatter [tilespmem:s2], [sflag:$0x2], $0x80, $0x38;
	[tilespmem:$0x12800] =	vst v63  }
0x293: {  	s17 =	sadd.s32 $0x20, s15;
	s2 =	simm.s32 $0xFA50  }
0x294: {  	[hbm4b:s17+s3] =	stream.linear.scatter [tilespmem:s2], [sflag:$0x2], $0x80, $0x38;
	[tilespmem:$0x12800] =	vst v63  }
0x295: {  	s17 =	sadd.s32 $0x30, s15;
	s2 =	simm.s32 $0xFAD8  }
0x296: {  	[hbm4b:s17+s3] =	stream.linear.scatter [tilespmem:s2], [sflag:$0x2], $0x80, $0x38;
	[tilespmem:$0x12800] =	vst v63  }
0x297: {  	s17 =	sadd.s32 $0x40, s15;
	s2 =	simm.s32 $0xFB60  }
0x298: {  	[hbm4b:s17+s3] =	stream.linear.scatter [tilespmem:s2], [sflag:$0x2], $0x80, $0x38;
	[tilespmem:$0x12800] =	vst v63  }
0x299: {  	s17 =	sadd.s32 $0x50, s15;
	s2 =	simm.s32 $0xFBE8  }
0x29a: {  	[hbm4b:s17+s3] =	stream.linear.scatter [tilespmem:s2], [sflag:$0x2], $0x80, $0x38;
	[tilespmem:$0x12800] =	vst v63  }
0x29b: {  	s17 =	sadd.s32 $0x60, s15;
	s2 =	simm.s32 $0xFC70  }
0x29c: {  	[hbm4b:s17+s3] =	stream.linear.scatter [tilespmem:s2], [sflag:$0x2], $0x80, $0x38;
	[tilespmem:$0x12800] =	vst v63  }
0x29d: {  	s15 =	sadd.s32 $0x70, s15;
	s17 =	simm.s32 $0xFCF8  }
0x29e: {  	[hbm4b:s15+s3] =	stream.linear.scatter [tilespmem:s17], [sflag:$0x2], $0x80, $0x38;
	[tilespmem:$0x12800] =	vst v63  }
0x29f: {  	s15 =	sadd.s32 s6, s12;
	s17 =	simm.s32 $0xFD80  }
0x2a0: {  	[hbm4b:s15+s3] =	stream.linear.scatter [tilespmem:s17], [sflag:$0x2], $0x80, $0x38;
	[tilespmem:$0x12800] =	vst v63  }
0x2a1: {  	s2 =	simm.s32 $0xFE08;
	s17 =	sadd.s32 $0x10, s15  }
0x2a2: {  	[hbm4b:s17+s3] =	stream.linear.scatter [tilespmem:s2], [sflag:$0x2], $0x80, $0x38;
	[tilespmem:$0x12800] =	vst v63  }
0x2a3: {  	s17 =	sadd.s32 $0x20, s15;
	s2 =	simm.s32 $0xFE90  }
0x2a4: {  	[hbm4b:s17+s3] =	stream.linear.scatter [tilespmem:s2], [sflag:$0x2], $0x80, $0x38;
	[tilespmem:$0x12800] =	vst v63  }
0x2a5: {  	s17 =	sadd.s32 $0x30, s15;
	s2 =	simm.s32 $0xFF18  }
0x2a6: {  	[hbm4b:s17+s3] =	stream.linear.scatter [tilespmem:s2], [sflag:$0x2], $0x80, $0x38;
	[tilespmem:$0x12800] =	vst v63  }
0x2a7: {  	s17 =	sadd.s32 $0x40, s15;
	s2 =	simm.s32 $0xFFA0  }
0x2a8: {  	[hbm4b:s17+s3] =	stream.linear.scatter [tilespmem:s2], [sflag:$0x2], $0x80, $0x38;
	[tilespmem:$0x12800] =	vst v63  }
0x2a9: {  	s17 =	sadd.s32 $0x50, s15;
	s2 =	simm.s32 $0x10028  }
0x2aa: {  	[hbm4b:s17+s3] =	stream.linear.scatter [tilespmem:s2], [sflag:$0x2], $0x80, $0x38;
	[tilespmem:$0x12800] =	vst v63  }
0x2ab: {  	s17 =	sadd.s32 $0x60, s15;
	s2 =	simm.s32 $0x100B0  }
0x2ac: {  	[hbm4b:s17+s3] =	stream.linear.scatter [tilespmem:s2], [sflag:$0x2], $0x80, $0x38;
	[tilespmem:$0x12800] =	vst v63  }
0x2ad: {  	s15 =	sadd.s32 $0x70, s15;
	s17 =	simm.s32 $0x10138  }
0x2ae: {  	[hbm4b:s15+s3] =	stream.linear.scatter [tilespmem:s17], [sflag:$0x2], $0x80, $0x38;
	[tilespmem:$0x12800] =	vst v63  }
0x2af: {  	s6 =	sadd.s32 s6, s13;
	s17 =	simm.s32 $0x101C0  }
0x2b0: {  	[hbm4b:s6+s3] =	stream.linear.scatter [tilespmem:s17], [sflag:$0x2], $0x80, $0x38;
	[tilespmem:$0x12800] =	vst v63  }
0x2b1: {  	s2 =	sadd.s32 $0x10, s6;
	s17 =	simm.s32 $0x10248  }
0x2b2: {  	[hbm4b:s2+s3] =	stream.linear.scatter [tilespmem:s17], [sflag:$0x2], $0x80, $0x38;
	[tilespmem:$0x12800] =	vst v63  }
0x2b3: {  	s2 =	sadd.s32 $0x20, s6;
	s17 =	simm.s32 $0x102D0  }
0x2b4: {  	[hbm4b:s2+s3] =	stream.linear.scatter [tilespmem:s17], [sflag:$0x2], $0x80, $0x38;
	[tilespmem:$0x12800] =	vst v63  }
0x2b5: {  	s2 =	sadd.s32 $0x30, s6;
	s17 =	simm.s32 $0x10358  }
0x2b6: {  	[hbm4b:s2+s3] =	stream.linear.scatter [tilespmem:s17], [sflag:$0x2], $0x80, $0x38;
	[tilespmem:$0x12800] =	vst v63  }
0x2b7: {  	s2 =	sadd.s32 $0x40, s6;
	s17 =	simm.s32 $0x103E0  }
0x2b8: {  	[hbm4b:s2+s3] =	stream.linear.scatter [tilespmem:s17], [sflag:$0x2], $0x80, $0x38;
	[tilespmem:$0x12800] =	vst v63  }
0x2b9: {  	s2 =	sadd.s32 $0x50, s6;
	s17 =	simm.s32 $0x10468  }
0x2ba: {  	[hbm4b:s2+s3] =	stream.linear.scatter [tilespmem:s17], [sflag:$0x2], $0x80, $0x38;
	[tilespmem:$0x12800] =	vst v63  }
0x2bb: {  	s2 =	sadd.s32 $0x60, s6;
	s17 =	simm.s32 $0x104F0  }
0x2bc: {  	[hbm4b:s2+s3] =	stream.linear.scatter [tilespmem:s17], [sflag:$0x2], $0x80, $0x38;
	[tilespmem:$0x12800] =	vst v63  }
0x2bd: {  	s15 =	simm.s32 @!p0 $0xA400;
	s6 =	sadd.s32 $0x70, s6;
	s17 =	simm.s32 $0x10578  }
0x2be: {  	[hbm4b:s6+s3] =	stream.linear.scatter [tilespmem:s17], [sflag:$0x2], $0x80, $0x38;
	[tilespmem:$0x12800] =	vst v63  }
0x2bf: {  	s2 =	rddreg [dreg:$0x5];
	s6 =	sadd.s32 @!p0 $0x300, s14;
	s14 =	simm.s32 @!p0 $0x80  }
0x2c0: {  	[tilespmem:s15], [sflag:$0x1] =	stream.indirect.gather @!p0 [hbm4b:s2+s14], $0x40, s6, s14, $0xb8;
	[tilespmem:$0x12800] =	vst v63  }
0x2c1: {  	_ =	swait.ge [sflag:s22], $0x2000  }
0x2c2: {  	[sflag:s22] =	ssyncset.done $0x0  }
0x2c3: {  	[sflag:s22] =	ssyncadd.s32 $0xFFFFE000  }
0x2c4: {  	_ =	swait.ge [sflag:s18], $0x400  }
0x2c5: {  	[sflag:s18] =	ssyncset.done $0x0  }
0x2c6: {  	[sflag:s18] =	ssyncadd.s32 $0xFFFFFC00  }
0x2c7: {  	_ =	swait.ge [sflag:s18], $0x400  }
0x2c8: {  	[sflag:s18] =	ssyncset.done $0x0  }
0x2c9: {  	[sflag:s18] =	ssyncadd.s32 $0xFFFFFC00  }
0x2ca: {  	_ =	swait.ge [sflag:s18], $0x400  }
0x2cb: {  	[sflag:s18] =	ssyncset.done $0x0  }
0x2cc: {  	[sflag:s18] =	ssyncadd.s32 $0xFFFFFC00  }
0x2cd: {  	_ =	swait.ge [sflag:s18], $0x400  }
0x2ce: {  	[sflag:s18] =	ssyncset.done $0x0  }
0x2cf: {  	[sflag:s18] =	ssyncadd.s32 $0xFFFFFC00  }
0x2d0: {  	_ =	swait.ge [sflag:s18], $0x400  }
0x2d1: {  	[sflag:s18] =	ssyncset.done $0x0  }
0x2d2: {  	[sflag:s18] =	ssyncadd.s32 $0xFFFFFC00  }
0x2d3: {  	_ =	swait.ge [sflag:s18], $0x400  }
0x2d4: {  	[sflag:s18] =	ssyncset.done $0x0  }
0x2d5: {  	[sflag:s18] =	ssyncadd.s32 $0xFFFFFC00  }
0x2d6: {  	_ =	swait.ge [sflag:s18], $0x400  }
0x2d7: {  	[sflag:s18] =	ssyncset.done $0x0  }
0x2d8: {  	[sflag:s18] =	ssyncadd.s32 $0xFFFFFC00  }
0x2d9: {  	_ =	swait.ge [sflag:s18], $0x400  }
0x2da: {  	[sflag:s18] =	ssyncset.done $0x0  }
0x2db: {  	v4 =	vimm.s32 $0x0;
	s6 =	simm.s32 $0xC480;
	[sflag:s18] =	ssyncadd.s32 $0xFFFFFC00  }
0x2dc: {  	v7 =	vand.u32 $0xFFFFFFF8, v4;
	v5 =	vld [tilespmem:s6+$0xFFFFFFF0]  }
0x2dd: {  	v8 =	vand.u32 $0x4, v4;
	v13 =	vadd.s32 v0, v7;
	v6 =	vld [tilespmem:s6+$0xFFFFFFE0]  }
0x2de: {  	v14 =	vadd.s32 v1, v7;
	v11 =	vor.u32 v8, v13;
	v10 =	vld [tilespmem:s6+$0xFFFFFF80]  }
0x2df: {  	v15 =	vadd.s32 v2, v7;
	v16 =	vor.u32 v8, v14;
	v12 =	vld [tilespmem:s6+$0xFFFFFF90]  }
0x2e0: {  	v17 =	vadd.s32 v3, v7;
	v18 =	vor.u32 v8, v15;
	v7 =	vld [tilespmem:s6+$0xFFFFFFA0]  }
0x2e1: {  	v21 =	vor.u32 $0x1, v8;
	v20 =	vor.u32 v8, v17;
	v19 =	vld [tilespmem:s6+$0xFFFFFFB0]  }
0x2e2: {  	v23 =	vor.u32 v21, v13;
	v22 =	vld [tilespmem:s6+$0xFFFFFFC0]  }
0x2e3: {  	v9 =	vld [tilespmem:s6+$0xFFFFFFD0];
	[tilespmem:v11+s19+$0x0] =	vst.idx.msk $0xffff, v10;
	v10 =	vor.u32 v21, v14  }
0x2e4: {  	v11 =	vor.u32 v21, v15;
	[tilespmem:v16+s19+$0x0] =	vst.idx.msk $0xffff, v12  }
0x2e5: {  	v12 =	vor.u32 v21, v17;
	[tilespmem:v18+s19+$0x0] =	vst.idx.msk $0xffff, v7  }
0x2e6: {  	[tilespmem:v20+s19+$0x0] =	vst.idx.msk $0xffff, v19  }
0x2e7: {  	[tilespmem:v23+s19+$0x0] =	vst.idx.msk $0xffff, v22  }
0x2e8: {  	[tilespmem:v10+s19+$0x0] =	vst.idx.msk $0xffff, v9  }
0x2e9: {  	[tilespmem:v11+s19+$0x0] =	vst.idx.msk $0xffff, v6  }
0x2ea: {  	[tilespmem:v12+s19+$0x0] =	vst.idx.msk $0xffff, v5  }
0x2eb: {  	v16 =	vld [tilespmem:s6+$0x30]  }
0x2ec: {  	v6 =	vor.u32 $0x2, v8;
	v5 =	vld [tilespmem:s6+$0x20]  }
0x2ed: {  	v60 =	vor.u32 v6, v13;
	v19 =	vld [tilespmem:s6+$0x0]  }
0x2ee: {  	v61 =	vor.u32 v6, v14;
	v7 =	vld [tilespmem:s6+$0x10]  }
0x2ef: {  	v62 =	vor.u32 v6, v15;
	v12 =	vld [tilespmem:s6+$0x40]  }
0x2f0: {  	v10 =	vld [tilespmem:s6+$0x50]  }
0x2f1: {  	v63 =	vor.u32 v6, v17;
	v6 =	vor.u32 $0x3, v8;
	v9 =	vld [tilespmem:s6+$0x70]  }
0x2f2: {  	v11 =	vld [tilespmem:s6+$0x60];
	v8 =	vor.u32 v6, v13;
	[tilespmem:v60+s19+$0x0] =	vst.idx.msk $0xffff, v19  }
0x2f3: {  	[tilespmem:v61+s19+$0x0] =	vst.idx.msk $0xffff, v7;
	v7 =	vor.u32 v6, v14  }
0x2f4: {  	[tilespmem:v62+s19+$0x0] =	vst.idx.msk $0xffff, v5;
	v5 =	vor.u32 v6, v15  }
0x2f5: {  	v6 =	vor.u32 v6, v17  }
0x2f6: {  	s14 =	simm.s32 $0x0;
	[tilespmem:v63+s19+$0x0] =	vst.idx.msk $0xffff, v16  }
.LBB2_13:
0x2f7: {  	s14 =	sadd.s32 $0x2, s14;
	[tilespmem:v8+s19+$0x0] =	vst.idx.msk $0xffff, v12;
	v4 =	vadd.s32 $0x4, v4;
	s6 =	sadd.s32 $0x100, s6  }
0x2f8: {  	p0 =	slt.u32 s14, $0x3E;
	[tilespmem:v7+s19+$0x0] =	vst.idx.msk $0xffff, v10  }
0x2f9: {  	[tilespmem:v5+s19+$0x0] =	vst.idx.msk $0xffff, v11  }
0x2fa: {  	[tilespmem:v6+s19+$0x0] =	vst.idx.msk $0xffff, v9  }
0x2fb: {  	v9 =	vld [tilespmem:s6+$0xFFFFFFF0]  }
0x2fc: {  	v5 =	vand.u32 $0xFFFFFFF8, v4;
	v6 =	vand.u32 $0x4, v4;
	v10 =	vld [tilespmem:s6+$0xFFFFFFE0]  }
0x2fd: {  	v7 =	vadd.s32 v0, v5;
	v12 =	vadd.s32 v1, v5;
	v13 =	vadd.s32 v2, v5;
	v11 =	vld [tilespmem:s6+$0xFFFFFFD0]  }
0x2fe: {  	v15 =	vadd.s32 v3, v5;
	v14 =	vor.u32 v6, v7;
	v5 =	vor.u32 $0x2, v6;
	v8 =	vld [tilespmem:s6+$0xFFFFFF80]  }
0x2ff: {  	v17 =	vor.u32 v6, v12;
	v18 =	vor.u32 v5, v7;
	v19 =	vor.u32 v5, v12;
	v16 =	vld [tilespmem:s6+$0xFFFFFF90]  }
0x300: {  	v21 =	vor.u32 v6, v13;
	v22 =	vor.u32 v5, v13;
	v23 =	vor.u32 v5, v15;
	v20 =	vld [tilespmem:s6+$0xFFFFFFA0]  }
0x301: {  	v25 =	vor.u32 v6, v15;
	v5 =	vor.u32 $0x1, v6;
	v6 =	vor.u32 $0x3, v6;
	v24 =	vld [tilespmem:s6+$0xFFFFFFB0]  }
0x302: {  	v27 =	vor.u32 v5, v7;
	v28 =	vor.u32 v5, v13;
	v29 =	vor.u32 v5, v15;
	v26 =	vld [tilespmem:s6+$0xFFFFFFC0]  }
0x303: {  	[tilespmem:v14+s19+$0x0] =	vst.idx.msk $0xffff, v8;
	v14 =	vor.u32 v5, v12;
	v8 =	vor.u32 v6, v7  }
0x304: {  	v7 =	vor.u32 v6, v12;
	v5 =	vor.u32 v6, v13;
	[tilespmem:v17+s19+$0x0] =	vst.idx.msk $0xffff, v16  }
0x305: {  	v6 =	vor.u32 v6, v15;
	[tilespmem:v21+s19+$0x0] =	vst.idx.msk $0xffff, v20  }
0x306: {  	[tilespmem:v25+s19+$0x0] =	vst.idx.msk $0xffff, v24  }
0x307: {  	[tilespmem:v27+s19+$0x0] =	vst.idx.msk $0xffff, v26  }
0x308: {  	[tilespmem:v14+s19+$0x0] =	vst.idx.msk $0xffff, v11  }
0x309: {  	[tilespmem:v28+s19+$0x0] =	vst.idx.msk $0xffff, v10  }
0x30a: {  	[tilespmem:v29+s19+$0x0] =	vst.idx.msk $0xffff, v9  }
0x30b: {  	v13 =	vld [tilespmem:s6+$0x30]  }
0x30c: {  	v14 =	vld [tilespmem:s6+$0x20]  }
0x30d: {  	v15 =	vld [tilespmem:s6+$0x10]  }
0x30e: {  	v16 =	vld [tilespmem:s6+$0x0]  }
0x30f: {  	v12 =	vld [tilespmem:s6+$0x40]  }
0x310: {  	v10 =	vld [tilespmem:s6+$0x50]  }
0x311: {  	v9 =	vld [tilespmem:s6+$0x70]  }
.Ltmp6:
0x312: {  	v11 =	vld [tilespmem:s6+$0x60];
	(pc) =	sbr.rel @p0 .LBB2_13-.Ltmp6, $4  }
0x313: {  	[tilespmem:v18+s19+$0x0] =	vst.idx.msk $0xffff, v16  }
0x314: {  	[tilespmem:v19+s19+$0x0] =	vst.idx.msk $0xffff, v15  }
0x315: {  	[tilespmem:v22+s19+$0x0] =	vst.idx.msk $0xffff, v14  }
0x316: {  	[tilespmem:v23+s19+$0x0] =	vst.idx.msk $0xffff, v13  }
0x317: {  	_ =	sdelay $0x2  }
0x318: {  	s6 =	sadd.s32 s5, s20  }
0x319: {  	[tilespmem:v8+s19+$0x0] =	vst.idx.msk $0xffff, v12;
	s14 =	sshll.u32 s6, $0xA;
	s6 =	sshll.u32 s6, $0x7  }
0x31a: {  	[tilespmem:v7+s19+$0x0] =	vst.idx.msk $0xffff, v10;
	s14 =	sand.u32 $0xFFE0000, s14;
	s6 =	sand.u32 $0x3F80, s6  }
0x31b: {  	[tilespmem:v5+s19+$0x0] =	vst.idx.msk $0xffff, v11;
	s6 =	sor.u32 s6, s14  }
0x31c: {  	[tilespmem:v6+s19+$0x0] =	vst.idx.msk $0xffff, v9;
	s14 =	sadd.s32 s4, s6  }
0x31d: {  	[hbm4b:s14+s3] =	stream.linear.scatter [tilespmem:s19], [sflag:$0x2], $0x80, $0x38;
	[tilespmem:$0x12800] =	vst v63  }
0x31e: {  	s20 =	simm.s32 $0x10688;
	s15 =	sadd.s32 $0x10, s14  }
0x31f: {  	[hbm4b:s15+s3] =	stream.linear.scatter [tilespmem:s20], [sflag:$0x2], $0x80, $0x38;
	[tilespmem:$0x12800] =	vst v63  }
0x320: {  	s17 =	sadd.s32 $0x20, s14;
	s20 =	simm.s32 $0x10710  }
0x321: {  	[hbm4b:s17+s3] =	stream.linear.scatter [tilespmem:s20], [sflag:$0x2], $0x80, $0x38;
	[tilespmem:$0x12800] =	vst v63  }
0x322: {  	s17 =	sadd.s32 $0x30, s14;
	s20 =	simm.s32 $0x10798  }
0x323: {  	[hbm4b:s17+s3] =	stream.linear.scatter [tilespmem:s20], [sflag:$0x2], $0x80, $0x38;
	[tilespmem:$0x12800] =	vst v63  }
0x324: {  	s17 =	sadd.s32 $0x40, s14;
	s20 =	simm.s32 $0x10820  }
0x325: {  	[hbm4b:s17+s3] =	stream.linear.scatter [tilespmem:s20], [sflag:$0x2], $0x80, $0x38;
	[tilespmem:$0x12800] =	vst v63  }
0x326: {  	s17 =	sadd.s32 $0x50, s14;
	s20 =	simm.s32 $0x108A8  }
0x327: {  	[hbm4b:s17+s3] =	stream.linear.scatter [tilespmem:s20], [sflag:$0x2], $0x80, $0x38;
	[tilespmem:$0x12800] =	vst v63  }
0x328: {  	s2 =	smov.u32 s4;
	s4 =	sadd.s32 $0x60, s14;
	s17 =	simm.s32 $0x10930  }
0x329: {  	[hbm4b:s4+s3] =	stream.linear.scatter [tilespmem:s17], [sflag:$0x2], $0x80, $0x38;
	[tilespmem:$0x12800] =	vst v63  }
0x32a: {  	s14 =	sadd.s32 $0x70, s14;
	s20 =	simm.s32 $0x109B8  }
0x32b: {  	[hbm4b:s14+s3] =	stream.linear.scatter [tilespmem:s20], [sflag:$0x2], $0x80, $0x38;
	[tilespmem:$0x12800] =	vst v63  }
0x32c: {  	s15 =	simm.s32 $0x10A40;
	s14 =	sadd.s32 s6, s7  }
0x32d: {  	[hbm4b:s14+s3] =	stream.linear.scatter [tilespmem:s15], [sflag:$0x2], $0x80, $0x38;
	[tilespmem:$0x12800] =	vst v63  }
0x32e: {  	s20 =	simm.s32 $0x10AC8;
	s17 =	sadd.s32 $0x10, s14  }
0x32f: {  	[hbm4b:s17+s3] =	stream.linear.scatter [tilespmem:s20], [sflag:$0x2], $0x80, $0x38;
	[tilespmem:$0x12800] =	vst v63  }
0x330: {  	s17 =	sadd.s32 $0x20, s14;
	s20 =	simm.s32 $0x10B50  }
0x331: {  	[hbm4b:s17+s3] =	stream.linear.scatter [tilespmem:s20], [sflag:$0x2], $0x80, $0x38;
	[tilespmem:$0x12800] =	vst v63  }
0x332: {  	s17 =	sadd.s32 $0x30, s14;
	s20 =	simm.s32 $0x10BD8  }
0x333: {  	[hbm4b:s17+s3] =	stream.linear.scatter [tilespmem:s20], [sflag:$0x2], $0x80, $0x38;
	[tilespmem:$0x12800] =	vst v63  }
0x334: {  	s17 =	sadd.s32 $0x40, s14;
	s20 =	simm.s32 $0x10C60  }
0x335: {  	[hbm4b:s17+s3] =	stream.linear.scatter [tilespmem:s20], [sflag:$0x2], $0x80, $0x38;
	[tilespmem:$0x12800] =	vst v63  }
0x336: {  	s17 =	sadd.s32 $0x50, s14;
	s20 =	simm.s32 $0x10CE8  }
0x337: {  	[hbm4b:s17+s3] =	stream.linear.scatter [tilespmem:s20], [sflag:$0x2], $0x80, $0x38;
	[tilespmem:$0x12800] =	vst v63  }
0x338: {  	s4 =	sadd.s32 $0x60, s14;
	s17 =	simm.s32 $0x10D70  }
0x339: {  	[hbm4b:s4+s3] =	stream.linear.scatter [tilespmem:s17], [sflag:$0x2], $0x80, $0x38;
	[tilespmem:$0x12800] =	vst v63  }
0x33a: {  	s14 =	sadd.s32 $0x70, s14;
	s20 =	simm.s32 $0x10DF8  }
0x33b: {  	[hbm4b:s14+s3] =	stream.linear.scatter [tilespmem:s20], [sflag:$0x2], $0x80, $0x38;
	[tilespmem:$0x12800] =	vst v63  }
0x33c: {  	s15 =	simm.s32 $0x10E80;
	s14 =	sadd.s32 s6, s8  }
0x33d: {  	[hbm4b:s14+s3] =	stream.linear.scatter [tilespmem:s15], [sflag:$0x2], $0x80, $0x38;
	[tilespmem:$0x12800] =	vst v63  }
0x33e: {  	s20 =	simm.s32 $0x10F08;
	s17 =	sadd.s32 $0x10, s14  }
0x33f: {  	[hbm4b:s17+s3] =	stream.linear.scatter [tilespmem:s20], [sflag:$0x2], $0x80, $0x38;
	[tilespmem:$0x12800] =	vst v63  }
0x340: {  	s17 =	sadd.s32 $0x20, s14;
	s20 =	simm.s32 $0x10F90  }
0x341: {  	[hbm4b:s17+s3] =	stream.linear.scatter [tilespmem:s20], [sflag:$0x2], $0x80, $0x38;
	[tilespmem:$0x12800] =	vst v63  }
0x342: {  	s17 =	sadd.s32 $0x30, s14;
	s20 =	simm.s32 $0x11018  }
0x343: {  	[hbm4b:s17+s3] =	stream.linear.scatter [tilespmem:s20], [sflag:$0x2], $0x80, $0x38;
	[tilespmem:$0x12800] =	vst v63  }
0x344: {  	s17 =	sadd.s32 $0x40, s14;
	s20 =	simm.s32 $0x110A0  }
0x345: {  	[hbm4b:s17+s3] =	stream.linear.scatter [tilespmem:s20], [sflag:$0x2], $0x80, $0x38;
	[tilespmem:$0x12800] =	vst v63  }
0x346: {  	s17 =	sadd.s32 $0x50, s14;
	s20 =	simm.s32 $0x11128  }
0x347: {  	[hbm4b:s17+s3] =	stream.linear.scatter [tilespmem:s20], [sflag:$0x2], $0x80, $0x38;
	[tilespmem:$0x12800] =	vst v63  }
0x348: {  	s4 =	sadd.s32 $0x60, s14;
	s17 =	simm.s32 $0x111B0  }
0x349: {  	[hbm4b:s4+s3] =	stream.linear.scatter [tilespmem:s17], [sflag:$0x2], $0x80, $0x38;
	[tilespmem:$0x12800] =	vst v63  }
0x34a: {  	s14 =	sadd.s32 $0x70, s14;
	s20 =	simm.s32 $0x11238  }
0x34b: {  	[hbm4b:s14+s3] =	stream.linear.scatter [tilespmem:s20], [sflag:$0x2], $0x80, $0x38;
	[tilespmem:$0x12800] =	vst v63  }
0x34c: {  	s15 =	simm.s32 $0x112C0;
	s14 =	sadd.s32 s6, s9  }
0x34d: {  	[hbm4b:s14+s3] =	stream.linear.scatter [tilespmem:s15], [sflag:$0x2], $0x80, $0x38;
	[tilespmem:$0x12800] =	vst v63  }
0x34e: {  	s20 =	simm.s32 $0x11348;
	s17 =	sadd.s32 $0x10, s14  }
0x34f: {  	[hbm4b:s17+s3] =	stream.linear.scatter [tilespmem:s20], [sflag:$0x2], $0x80, $0x38;
	[tilespmem:$0x12800] =	vst v63  }
0x350: {  	s17 =	sadd.s32 $0x20, s14;
	s20 =	simm.s32 $0x113D0  }
0x351: {  	[hbm4b:s17+s3] =	stream.linear.scatter [tilespmem:s20], [sflag:$0x2], $0x80, $0x38;
	[tilespmem:$0x12800] =	vst v63  }
0x352: {  	s17 =	sadd.s32 $0x30, s14;
	s20 =	simm.s32 $0x11458  }
0x353: {  	[hbm4b:s17+s3] =	stream.linear.scatter [tilespmem:s20], [sflag:$0x2], $0x80, $0x38;
	[tilespmem:$0x12800] =	vst v63  }
0x354: {  	s17 =	sadd.s32 $0x40, s14;
	s20 =	simm.s32 $0x114E0  }
0x355: {  	[hbm4b:s17+s3] =	stream.linear.scatter [tilespmem:s20], [sflag:$0x2], $0x80, $0x38;
	[tilespmem:$0x12800] =	vst v63  }
0x356: {  	s17 =	sadd.s32 $0x50, s14;
	s20 =	simm.s32 $0x11568  }
0x357: {  	[hbm4b:s17+s3] =	stream.linear.scatter [tilespmem:s20], [sflag:$0x2], $0x80, $0x38;
	[tilespmem:$0x12800] =	vst v63  }
0x358: {  	s4 =	sadd.s32 $0x60, s14;
	s17 =	simm.s32 $0x115F0  }
0x359: {  	[hbm4b:s4+s3] =	stream.linear.scatter [tilespmem:s17], [sflag:$0x2], $0x80, $0x38;
	[tilespmem:$0x12800] =	vst v63  }
0x35a: {  	s14 =	sadd.s32 $0x70, s14;
	s20 =	simm.s32 $0x11678  }
0x35b: {  	[hbm4b:s14+s3] =	stream.linear.scatter [tilespmem:s20], [sflag:$0x2], $0x80, $0x38;
	[tilespmem:$0x12800] =	vst v63  }
0x35c: {  	s15 =	simm.s32 $0x11700;
	s14 =	sadd.s32 s6, s10  }
0x35d: {  	[hbm4b:s14+s3] =	stream.linear.scatter [tilespmem:s15], [sflag:$0x2], $0x80, $0x38;
	[tilespmem:$0x12800] =	vst v63  }
0x35e: {  	s20 =	simm.s32 $0x11788;
	s17 =	sadd.s32 $0x10, s14  }
0x35f: {  	[hbm4b:s17+s3] =	stream.linear.scatter [tilespmem:s20], [sflag:$0x2], $0x80, $0x38;
	[tilespmem:$0x12800] =	vst v63  }
0x360: {  	s17 =	sadd.s32 $0x20, s14;
	s20 =	simm.s32 $0x11810  }
0x361: {  	[hbm4b:s17+s3] =	stream.linear.scatter [tilespmem:s20], [sflag:$0x2], $0x80, $0x38;
	[tilespmem:$0x12800] =	vst v63  }
0x362: {  	s17 =	sadd.s32 $0x30, s14;
	s20 =	simm.s32 $0x11898  }
0x363: {  	[hbm4b:s17+s3] =	stream.linear.scatter [tilespmem:s20], [sflag:$0x2], $0x80, $0x38;
	[tilespmem:$0x12800] =	vst v63  }
0x364: {  	s17 =	sadd.s32 $0x40, s14;
	s20 =	simm.s32 $0x11920  }
0x365: {  	[hbm4b:s17+s3] =	stream.linear.scatter [tilespmem:s20], [sflag:$0x2], $0x80, $0x38;
	[tilespmem:$0x12800] =	vst v63  }
0x366: {  	s17 =	sadd.s32 $0x50, s14;
	s20 =	simm.s32 $0x119A8  }
0x367: {  	[hbm4b:s17+s3] =	stream.linear.scatter [tilespmem:s20], [sflag:$0x2], $0x80, $0x38;
	[tilespmem:$0x12800] =	vst v63  }
0x368: {  	s4 =	sadd.s32 $0x60, s14;
	s17 =	simm.s32 $0x11A30  }
0x369: {  	[hbm4b:s4+s3] =	stream.linear.scatter [tilespmem:s17], [sflag:$0x2], $0x80, $0x38;
	[tilespmem:$0x12800] =	vst v63  }
0x36a: {  	s14 =	sadd.s32 $0x70, s14;
	s20 =	simm.s32 $0x11AB8  }
0x36b: {  	[hbm4b:s14+s3] =	stream.linear.scatter [tilespmem:s20], [sflag:$0x2], $0x80, $0x38;
	[tilespmem:$0x12800] =	vst v63  }
0x36c: {  	s15 =	simm.s32 $0x11B40;
	s14 =	sadd.s32 s6, s11  }
0x36d: {  	[hbm4b:s14+s3] =	stream.linear.scatter [tilespmem:s15], [sflag:$0x2], $0x80, $0x38;
	[tilespmem:$0x12800] =	vst v63  }
0x36e: {  	s20 =	simm.s32 $0x11BC8;
	s17 =	sadd.s32 $0x10, s14  }
0x36f: {  	[hbm4b:s17+s3] =	stream.linear.scatter [tilespmem:s20], [sflag:$0x2], $0x80, $0x38;
	[tilespmem:$0x12800] =	vst v63  }
0x370: {  	s17 =	sadd.s32 $0x20, s14;
	s20 =	simm.s32 $0x11C50  }
0x371: {  	[hbm4b:s17+s3] =	stream.linear.scatter [tilespmem:s20], [sflag:$0x2], $0x80, $0x38;
	[tilespmem:$0x12800] =	vst v63  }
0x372: {  	s17 =	sadd.s32 $0x30, s14;
	s20 =	simm.s32 $0x11CD8  }
0x373: {  	[hbm4b:s17+s3] =	stream.linear.scatter [tilespmem:s20], [sflag:$0x2], $0x80, $0x38;
	[tilespmem:$0x12800] =	vst v63  }
0x374: {  	s17 =	sadd.s32 $0x40, s14;
	s20 =	simm.s32 $0x11D60  }
0x375: {  	[hbm4b:s17+s3] =	stream.linear.scatter [tilespmem:s20], [sflag:$0x2], $0x80, $0x38;
	[tilespmem:$0x12800] =	vst v63  }
0x376: {  	s17 =	sadd.s32 $0x50, s14;
	s20 =	simm.s32 $0x11DE8  }
0x377: {  	[hbm4b:s17+s3] =	stream.linear.scatter [tilespmem:s20], [sflag:$0x2], $0x80, $0x38;
	[tilespmem:$0x12800] =	vst v63  }
0x378: {  	s4 =	sadd.s32 $0x60, s14;
	s17 =	simm.s32 $0x11E70  }
0x379: {  	[hbm4b:s4+s3] =	stream.linear.scatter [tilespmem:s17], [sflag:$0x2], $0x80, $0x38;
	[tilespmem:$0x12800] =	vst v63  }
0x37a: {  	s14 =	sadd.s32 $0x70, s14;
	s20 =	simm.s32 $0x11EF8  }
0x37b: {  	[hbm4b:s14+s3] =	stream.linear.scatter [tilespmem:s20], [sflag:$0x2], $0x80, $0x38;
	[tilespmem:$0x12800] =	vst v63  }
0x37c: {  	s15 =	simm.s32 $0x11F80;
	s14 =	sadd.s32 s6, s12  }
0x37d: {  	[hbm4b:s14+s3] =	stream.linear.scatter [tilespmem:s15], [sflag:$0x2], $0x80, $0x38;
	[tilespmem:$0x12800] =	vst v63  }
0x37e: {  	s20 =	simm.s32 $0x12008;
	s17 =	sadd.s32 $0x10, s14  }
0x37f: {  	[hbm4b:s17+s3] =	stream.linear.scatter [tilespmem:s20], [sflag:$0x2], $0x80, $0x38;
	[tilespmem:$0x12800] =	vst v63  }
0x380: {  	s17 =	sadd.s32 $0x20, s14;
	s20 =	simm.s32 $0x12090  }
0x381: {  	[hbm4b:s17+s3] =	stream.linear.scatter [tilespmem:s20], [sflag:$0x2], $0x80, $0x38;
	[tilespmem:$0x12800] =	vst v63  }
0x382: {  	s17 =	sadd.s32 $0x30, s14;
	s20 =	simm.s32 $0x12118  }
0x383: {  	[hbm4b:s17+s3] =	stream.linear.scatter [tilespmem:s20], [sflag:$0x2], $0x80, $0x38;
	[tilespmem:$0x12800] =	vst v63  }
0x384: {  	s17 =	sadd.s32 $0x40, s14;
	s20 =	simm.s32 $0x121A0  }
0x385: {  	[hbm4b:s17+s3] =	stream.linear.scatter [tilespmem:s20], [sflag:$0x2], $0x80, $0x38;
	[tilespmem:$0x12800] =	vst v63  }
0x386: {  	s17 =	sadd.s32 $0x50, s14;
	s20 =	simm.s32 $0x12228  }
0x387: {  	[hbm4b:s17+s3] =	stream.linear.scatter [tilespmem:s20], [sflag:$0x2], $0x80, $0x38;
	[tilespmem:$0x12800] =	vst v63  }
0x388: {  	s4 =	sadd.s32 $0x60, s14;
	s17 =	simm.s32 $0x122B0  }
0x389: {  	[hbm4b:s4+s3] =	stream.linear.scatter [tilespmem:s17], [sflag:$0x2], $0x80, $0x38;
	[tilespmem:$0x12800] =	vst v63  }
0x38a: {  	s14 =	sadd.s32 $0x70, s14;
	s20 =	simm.s32 $0x12338  }
0x38b: {  	[hbm4b:s14+s3] =	stream.linear.scatter [tilespmem:s20], [sflag:$0x2], $0x80, $0x38;
	[tilespmem:$0x12800] =	vst v63  }
0x38c: {  	s6 =	sadd.s32 s6, s13;
	s15 =	simm.s32 $0x123C0  }
0x38d: {  	[hbm4b:s6+s3] =	stream.linear.scatter [tilespmem:s15], [sflag:$0x2], $0x80, $0x38;
	[tilespmem:$0x12800] =	vst v63  }
0x38e: {  	s17 =	sadd.s32 $0x10, s6;
	s20 =	simm.s32 $0x12448  }
0x38f: {  	[hbm4b:s17+s3] =	stream.linear.scatter [tilespmem:s20], [sflag:$0x2], $0x80, $0x38;
	[tilespmem:$0x12800] =	vst v63  }
0x390: {  	s4 =	sadd.s32 $0x20, s6;
	s15 =	simm.s32 $0x124D0  }
0x391: {  	[hbm4b:s4+s3] =	stream.linear.scatter [tilespmem:s15], [sflag:$0x2], $0x80, $0x38;
	[tilespmem:$0x12800] =	vst v63  }
0x392: {  	s17 =	sadd.s32 $0x30, s6;
	s20 =	simm.s32 $0x12558  }
0x393: {  	[hbm4b:s17+s3] =	stream.linear.scatter [tilespmem:s20], [sflag:$0x2], $0x80, $0x38;
	[tilespmem:$0x12800] =	vst v63  }
0x394: {  	s0 =	sadd.s32 $0x1, s0;
	s4 =	sadd.s32 $0x40, s6;
	s15 =	simm.s32 $0x125E0  }
0x395: {  	[hbm4b:s4+s3] =	stream.linear.scatter [tilespmem:s15], [sflag:$0x2], $0x80, $0x38;
	[tilespmem:$0x12800] =	vst v63  }
0x396: {  	p0 =	sne.s32 s0, $0x32;
	s17 =	sadd.s32 $0x50, s6;
	s20 =	simm.s32 $0x12668  }
0x397: {  	[hbm4b:s17+s3] =	stream.linear.scatter [tilespmem:s20], [sflag:$0x2], $0x80, $0x38;
	[tilespmem:$0x12800] =	vst v63  }
.Ltmp7:
0x398: {  	_ = 	snop;
	(pc) =	sbr.rel @p0 .LBB2_2-.Ltmp7, $4  }
0x399: {  	s15 =	sadd.s32 $0x60, s6;
	s17 =	simm.s32 $0x126F0  }
0x39a: {  	[hbm4b:s15+s3] =	stream.linear.scatter [tilespmem:s17], [sflag:$0x2], $0x80, $0x38;
	[tilespmem:$0x12800] =	vst v63  }
0x39b: {  	s6 =	sadd.s32 $0x70, s6;
	s20 =	simm.s32 $0x12778  }
0x39c: {  	[hbm4b:s6+s3] =	stream.linear.scatter [tilespmem:s20], [sflag:$0x2], $0x80, $0x38;
	[tilespmem:$0x12800] =	vst v63  }
0x39d: {  	_ =	swait.ge [sflag:s18], $0x400  }
0x39e: {  	[sflag:s18] =	ssyncset.done $0x0  }
0x39f: {  	[sflag:s18] =	ssyncadd.s32 $0xFFFFFC00  }
0x3a0: {  	_ =	swait.ge [sflag:s18], $0x400  }
0x3a1: {  	[sflag:s18] =	ssyncset.done $0x0  }
0x3a2: {  	[sflag:s18] =	ssyncadd.s32 $0xFFFFFC00  }
0x3a3: {  	_ =	swait.ge [sflag:s18], $0x400  }
0x3a4: {  	[sflag:s18] =	ssyncset.done $0x0  }
0x3a5: {  	[sflag:s18] =	ssyncadd.s32 $0xFFFFFC00  }
0x3a6: {  	_ =	swait.ge [sflag:s18], $0x400  }
0x3a7: {  	[sflag:s18] =	ssyncset.done $0x0  }
0x3a8: {  	[sflag:s18] =	ssyncadd.s32 $0xFFFFFC00  }
0x3a9: {  	_ =	swait.ge [sflag:s18], $0x400  }
0x3aa: {  	[sflag:s18] =	ssyncset.done $0x0  }
0x3ab: {  	[sflag:s18] =	ssyncadd.s32 $0xFFFFFC00  }
0x3ac: {  	_ =	swait.ge [sflag:s18], $0x400  }
0x3ad: {  	[sflag:s18] =	ssyncset.done $0x0  }
0x3ae: {  	[sflag:s18] =	ssyncadd.s32 $0xFFFFFC00  }
0x3af: {  	_ =	swait.ge [sflag:s18], $0x400  }
0x3b0: {  	[sflag:s18] =	ssyncset.done $0x0  }
0x3b1: {  	[sflag:s18] =	ssyncadd.s32 $0xFFFFFC00  }
0x3b2: {  	_ =	swait.ge [sflag:s18], $0x400  }
0x3b3: {  	[sflag:s18] =	ssyncset.done $0x0  }
0x3b4: {  	[sflag:s18] =	ssyncadd.s32 $0xFFFFFC00  }
0x3b5: {  	_ =	swait.ge [sflag:s18], $0x400  }
0x3b6: {  	[sflag:s18] =	ssyncset.done $0x0  }
0x3b7: {  	[sflag:s18] =	ssyncadd.s32 $0xFFFFFC00  }
0x3b8: {  	_ =	swait.ge [sflag:s18], $0x400  }
0x3b9: {  	[sflag:s18] =	ssyncset.done $0x0  }
0x3ba: {  	[sflag:s18] =	ssyncadd.s32 $0xFFFFFC00  }
0x3bb: {  	_ =	swait.ge [sflag:s18], $0x400  }
0x3bc: {  	[sflag:s18] =	ssyncset.done $0x0  }
0x3bd: {  	[sflag:s18] =	ssyncadd.s32 $0xFFFFFC00  }
0x3be: {  	_ =	swait.ge [sflag:s18], $0x400  }
0x3bf: {  	[sflag:s18] =	ssyncset.done $0x0  }
0x3c0: {  	[sflag:s18] =	ssyncadd.s32 $0xFFFFFC00  }
0x3c1: {  	_ =	swait.ge [sflag:s18], $0x400  }
0x3c2: {  	[sflag:s18] =	ssyncset.done $0x0  }
0x3c3: {  	[sflag:s18] =	ssyncadd.s32 $0xFFFFFC00  }
0x3c4: {  	_ =	swait.ge [sflag:s18], $0x400  }
0x3c5: {  	[sflag:s18] =	ssyncset.done $0x0  }
0x3c6: {  	[sflag:s18] =	ssyncadd.s32 $0xFFFFFC00  }
0x3c7: {  	_ =	swait.ge [sflag:s18], $0x400  }
0x3c8: {  	[sflag:s18] =	ssyncset.done $0x0  }
0x3c9: {  	[sflag:s18] =	ssyncadd.s32 $0xFFFFFC00  }
0x3ca: {  	_ =	swait.ge [sflag:s18], $0x400  }
0x3cb: {  	s4 =	rddreg [dreg:$0x6]  }
0x3cc: {  	s0 =	rddreg [dreg:$0x4];
	s4 =	sadd.s32 $0x1, s4  }
0x3cd: {  	p0 =	sne.s32 s4, s0  }
.Ltmp8:
0x3ce: {  	_ = 	snop;
	(pc) =	sbr.rel @p0 .LBB2_1-.Ltmp8, $3  }
0x3cf: {  	_ =	sdelay $0x1  }
0x3d0: {  	[sflag:s18] =	ssyncset.done $0x0  }
0x3d1: {  	[sflag:s18] =	ssyncadd.s32 $0xFFFFFC00  }
0x3d2: {  	_ =	sfence.sel $0x180000  }
0x3d3: {  	[bflag:$0x0] =	sbarrier.arrive $0xFFFF  }
0x3d4: {  	_ =	strace $0x90000047  }
0x3d5: {  	s0 =	stileid.u32;
	[bflag:$0x2] =	sbarrier.arrive $0xFFFF  }
0x3d6: {  	p0 =	sne.s32 s0, $0x0;
	s0 =	rddreg [dreg:$0x2]  }
0x3d7: {  	s0 =	sadd.s32 @!p0 $0x100000, s0  }
0x3d8: {  	[sflag:s0] =	ssyncadd.tile.s32 @!p0 $0x1;
	_ =	shalt  }
.Lfunc_end2:
_tile_overlayer_lowered:
.L_overlay_start_2:
0x3d9: {  	(tag) =	ssettag $0x2  }
0x3da: {  	s0 =	rddreg [dreg:$0x0];
	s2 =	stileid.u32  }
0x3db: {  	s1 =	rddreg [dreg:$0x1];
	p0 =	sne.s32 s2, $0x0  }
0x3dc: {  	s3 =	rddreg [dreg:$0x2];
	[bflag:$0x3] =	sbarrier.arrive $0xFFFF;
	s2 =	simm.s32 @!p0 $0x1C03  }
0x3dd: {  	[timem:s3], [sflag:s2] =	dma.local @!p0 [hbm:s0], s1  }
0x3de: {  	s0 =	simm.s32 @!p0 $0x3  }
0x3df: {  	_ =	swait.ge @!p0 [sflag:s0], s1  }
0x3e0: {  	s1 =	ssub.s32 @!p0 $0x0, s1;
	[sflag:s0] =	ssyncset.done @!p0 $0x0  }
0x3e1: {  	[sflag:s0] =	ssyncadd.s32 @!p0 s1  }
0x3e2: {  	[bflag:$0x3] =	sbarrier.arrive $0xFFFF  }
0x3e3: {  	_ =	shalt  }

</sc_bundles>
